<compile_context>
chip_gen: v7x
topology: tpu7x:2x2x1
jax: 0.10.2.dev20260603
libtpu: 0.0.44.dev20260713+nightly
codegen_flags: <defaults>
</compile_context>

<pallas_src>
import jax
import jax.numpy as jnp
from jax import lax
from jax.experimental import pallas as pl
from jax.experimental.pallas import tpu as pltpu
from jax.experimental.pallas import tpu_sc as plsc

N = 32768
C = 64
NSC = 2
NSUB = 16
RPS = N // (NSC * NSUB)
SB = 256
NSB = RPS // SB
NBUF = 3
L = 16
CG = C // L
U = 8

_mesh = plsc.VectorSubcoreMesh(core_axis_name="c", subcore_axis_name="s")

_scratch_types = [
    pltpu.VMEM((SB, C), jnp.float32),
    pltpu.VMEM((SB, C), jnp.float32),
    pltpu.VMEM((SB, C), jnp.float32),
    pltpu.VMEM((C,), jnp.float32),
    pltpu.VMEM((C,), jnp.float32),
    pltpu.VMEM((3 * NSUB, C), jnp.float32),
    pltpu.SemaphoreType.DMA,
    pltpu.SemaphoreType.DMA,
    pltpu.SemaphoreType.DMA,
    pltpu.SemaphoreType.DMA,
    pltpu.SemaphoreType.DMA,
    pltpu.SemaphoreType.DMA,
]


def _cumsum_body(x_hbm, out_hbm, aux_hbm,
                 b0, b1, b2, tstage, tstage_rem, totv,
                 l0, l1, l2, s0, s1, s2):
    c = lax.axis_index("c")
    s = lax.axis_index("s")
    base = (c * NSUB + s) * RPS
    bufs = [b0, b1, b2]
    lsem = [l0, l1, l2]
    ssem = [s0, s1, s2]

    load_base = ([s * RPS + sb * SB for sb in range(NSB)]
                 + 2 * [base + sb * SB for sb in range(NSB)])

    handles = [None] * (3 * NSB)

    def start_load(i):
        b = i % NBUF
        handles[i] = pltpu.async_copy(
            x_hbm.at[pl.ds(load_base[i], SB)], bufs[b], lsem[b])

    def sum_block(buf, acc):
        def body(i, a):
            out = list(a)
            for u in range(U):
                r = i * U + u
                for g in range(CG):
                    out[g] = out[g] + buf[r, pl.ds(g * L, L)]
            return tuple(out)

        return lax.fori_loop(0, SB // U, body, acc)

    def scan_block(buf, cc):
        def body(i, cc):
            cc = list(cc)
            for u in range(U):
                r = i * U + u
                for g in range(CG):
                    cc[g] = cc[g] + buf[r, pl.ds(g * L, L)]
                    buf[r, pl.ds(g * L, L)] = cc[g]
            return tuple(cc)

        return lax.fori_loop(0, SB // U, body, cc)

    zero = tuple(jnp.zeros((L,), jnp.float32) for _ in range(CG))

    for i in range(NBUF):
        start_load(i)

    with jax.named_scope("pass1_sum_remote"):
        acc = zero
        for i in range(NSB):
            handles[i].wait()
            acc = sum_block(bufs[i % NBUF], acc)
            start_load(i + NBUF)
        for g in range(CG):
            tstage_rem[pl.ds(g * L, L)] = acc[g]
        pltpu.sync_copy(tstage_rem, aux_hbm.at[2 * NSUB + s])

    with jax.named_scope("pass2_sum_own"):
        acc = zero
        for i in range(NSB, 2 * NSB):
            handles[i].wait()
            acc = sum_block(bufs[i % NBUF], acc)
            if i + NBUF < 3 * NSB - 1:
                start_load(i + NBUF)
        for g in range(CG):
            tstage[pl.ds(g * L, L)] = acc[g]
        pltpu.sync_copy(tstage, aux_hbm.at[c * NSUB + s])

    with jax.named_scope("barrier_exchange"):
        plsc.subcore_barrier()
        pltpu.sync_copy(aux_hbm, totv)

    mb = (c == 1).astype(jnp.float32)

    def tbody(j, acc):
        ms = (j < s).astype(jnp.float32)
        return tuple(
            acc[g] + totv[c * NSUB + j, pl.ds(g * L, L)] * ms
            + totv[2 * NSUB + j, pl.ds(g * L, L)] * mb
            for g in range(CG))

    carry = lax.fori_loop(0, NSUB, tbody,
                          tuple(jnp.full((L,), -1.0, jnp.float32)
                                for _ in range(CG)))

    with jax.named_scope("pass3_scan"):
        store_handles = [None] * NSB
        for k in range(NSB):
            i = 2 * NSB + k
            b = i % NBUF
            if i == 3 * NSB - 1:
                store_handles[0].wait()
                start_load(i)
            handles[i].wait()
            carry = scan_block(bufs[b], carry)
            store_handles[k] = pltpu.async_copy(
                bufs[b], out_hbm.at[pl.ds(base + k * SB, SB)], ssem[b])
        for k in range(1, NSB):
            store_handles[k].wait()


_cumsum_sc = pl.kernel(
    _cumsum_body,
    mesh=_mesh,
    compiler_params=pltpu.CompilerParams(
        disable_bounds_checks=True,
        disable_semaphore_checks=True,
    ),
    out_type=(
        jax.ShapeDtypeStruct((N, C), jnp.float32),
        jax.ShapeDtypeStruct((3 * NSUB, C), jnp.float32),
    ),
    scratch_types=_scratch_types,
)


def kernel(mask_i):
    out, _ = _cumsum_sc(mask_i)
    return out

# --- scband reference (transcript-rebuilt; emitter-appended) ---
"""Pipeline reference for scband-op2-and3-cumsum-sub-4269197492499 (READ-ONLY COPY).

The authoritative reference and input builder live on the scoring server;
editing this copy changes nothing except your own understanding.
"""

import jax, jax.numpy as jnp
import numpy as np


def setup_inputs(seed: int = 0) -> dict:
    key = jax.random.key(seed)
    mask_i = jax.random.uniform(key, (32768, 64), dtype=jnp.float32)
    return {"mask_i": mask_i}


def reference(mask_i):
    # torch.cumsum(mask_i, 0) - 1
    return jnp.cumsum(mask_i, axis=0) - 1

if __name__ == "__main__":
    import jax
    _d = setup_inputs()
    print(jax.jit(kernel)(*tuple(_d.values())))

</pallas_src>

<mosaic_0001>
#map = affine_map<(d0, d1) -> (0, 0)>
module attributes {stable_mosaic.version = 14 : i64} {
  func.func @_cumsum_body(%arg0: i32, %arg1: i32, %arg2: memref<32768x64xf32, #tpu.memory_space<hbm>>, %arg3: memref<32768x64xf32, #tpu.memory_space<hbm>>, %arg4: memref<48x64xf32, #tpu.memory_space<hbm>>, %arg5: memref<256x64xf32, #tpu.memory_space<vmem>>, %arg6: memref<256x64xf32, #tpu.memory_space<vmem>>, %arg7: memref<256x64xf32, #tpu.memory_space<vmem>>, %arg8: memref<64xf32, #tpu.memory_space<vmem>>, %arg9: memref<64xf32, #tpu.memory_space<vmem>>, %arg10: memref<48x64xf32, #tpu.memory_space<vmem>>, %arg11: memref<!tpu.dma_semaphore, #tpu.memory_space<semaphore_mem>>, %arg12: memref<!tpu.dma_semaphore, #tpu.memory_space<semaphore_mem>>, %arg13: memref<!tpu.dma_semaphore, #tpu.memory_space<semaphore_mem>>, %arg14: memref<!tpu.dma_semaphore, #tpu.memory_space<semaphore_mem>>, %arg15: memref<!tpu.dma_semaphore, #tpu.memory_space<semaphore_mem>>, %arg16: memref<!tpu.dma_semaphore, #tpu.memory_space<semaphore_mem>>) attributes {dimension_semantics = [#tpu.dimension_semantics<core_parallel>, #tpu.dimension_semantics<subcore_parallel>], iteration_bounds = array<i64: 2, 16>, scalar_prefetch = 0 : i64, scratch_operands = 12 : i64, tpu.core_type = #tpu.core_type<sc_vector_subcore>, window_params = [{transform_indices = #map}, {transform_indices = #map}, {transform_indices = #map}]} {
    %mul3A = arith.constant 16 : i32
    %mul3A_0 = arith.muli %arg0, %mul3A : i32
    %add3A = arith.addi %mul3A_0, %arg1 : i32
    %mul3A_1 = arith.constant 1024 : i32
    %mul3A_2 = arith.muli %add3A, %mul3A_1 : i32
    %mul3A_3 = arith.constant 1024 : i32
    %mul3A_4 = arith.muli %arg1, %mul3A_3 : i32
    %add3A_5 = arith.constant 0 : i32
    %add3A_6 = arith.addi %mul3A_4, %add3A_5 : i32
    %mul3A_7 = arith.constant 1024 : i32
    %mul3A_8 = arith.muli %arg1, %mul3A_7 : i32
    %add3A_9 = arith.constant 256 : i32
    %add3A_10 = arith.addi %mul3A_8, %add3A_9 : i32
    %mul3A_11 = arith.constant 1024 : i32
    %mul3A_12 = arith.muli %arg1, %mul3A_11 : i32
    %add3A_13 = arith.constant 512 : i32
    %add3A_14 = arith.addi %mul3A_12, %add3A_13 : i32
    %mul3A_15 = arith.constant 1024 : i32
    %mul3A_16 = arith.muli %arg1, %mul3A_15 : i32
    %add3A_17 = arith.constant 768 : i32
    %add3A_18 = arith.addi %mul3A_16, %add3A_17 : i32
    %add3A_19 = arith.constant 0 : i32
    %add3A_20 = arith.addi %mul3A_2, %add3A_19 : i32
    %add3A_21 = arith.constant 256 : i32
    %add3A_22 = arith.addi %mul3A_2, %add3A_21 : i32
    %add3A_23 = arith.constant 512 : i32
    %add3A_24 = arith.addi %mul3A_2, %add3A_23 : i32
    %add3A_25 = arith.constant 768 : i32
    %add3A_26 = arith.addi %mul3A_2, %add3A_25 : i32
    %broadcast_in_dim3A = arith.constant 0.000000e+00 : f32
    %broadcast_in_dim3A_27 = vector.broadcast %broadcast_in_dim3A : f32 to vector<16xf32>
    %broadcast_in_dim3A_28 = arith.constant 0.000000e+00 : f32
    %broadcast_in_dim3A_29 = vector.broadcast %broadcast_in_dim3A_28 : f32 to vector<16xf32>
    %broadcast_in_dim3A_30 = arith.constant 0.000000e+00 : f32
    %broadcast_in_dim3A_31 = vector.broadcast %broadcast_in_dim3A_30 : f32 to vector<16xf32>
    %broadcast_in_dim3A_32 = arith.constant 0.000000e+00 : f32
    %broadcast_in_dim3A_33 = vector.broadcast %broadcast_in_dim3A_32 : f32 to vector<16xf32>
    %dma_start3A = arith.constant 0 : i32
    %dma_start3A_34 = tpu.memref_slice %arg2[%add3A_6, %dma_start3A] : memref<32768x64xf32, #tpu.memory_space<hbm>> -> memref<256x64xf32, #tpu.memory_space<hbm>>
    %dma_start3A_35 = arith.constant 0 : i32
    %dma_start3A_36 = tpu.memref_slice %arg2[%add3A_6, %dma_start3A_35] : memref<32768x64xf32, #tpu.memory_space<hbm>> -> memref<256x64xf32, #tpu.memory_space<hbm>>
    tpu.enqueue_dma source(%dma_start3A_36 : memref<256x64xf32, #tpu.memory_space<hbm>>) target(%arg5 : memref<256x64xf32, #tpu.memory_space<vmem>>) target_semaphore(%arg11 : memref<!tpu.dma_semaphore, #tpu.memory_space<semaphore_mem>>)
    %dma_start3A_37 = arith.constant 0 : i32
    %dma_start3A_38 = tpu.memref_slice %arg2[%add3A_10, %dma_start3A_37] : memref<32768x64xf32, #tpu.memory_space<hbm>> -> memref<256x64xf32, #tpu.memory_space<hbm>>
    %dma_start3A_39 = arith.constant 0 : i32
    %dma_start3A_40 = tpu.memref_slice %arg2[%add3A_10, %dma_start3A_39] : memref<32768x64xf32, #tpu.memory_space<hbm>> -> memref<256x64xf32, #tpu.memory_space<hbm>>
    tpu.enqueue_dma source(%dma_start3A_40 : memref<256x64xf32, #tpu.memory_space<hbm>>) target(%arg6 : memref<256x64xf32, #tpu.memory_space<vmem>>) target_semaphore(%arg12 : memref<!tpu.dma_semaphore, #tpu.memory_space<semaphore_mem>>)
    %dma_start3A_41 = arith.constant 0 : i32
    %dma_start3A_42 = tpu.memref_slice %arg2[%add3A_14, %dma_start3A_41] : memref<32768x64xf32, #tpu.memory_space<hbm>> -> memref<256x64xf32, #tpu.memory_space<hbm>>
    %dma_start3A_43 = arith.constant 0 : i32
    %dma_start3A_44 = tpu.memref_slice %arg2[%add3A_14, %dma_start3A_43] : memref<32768x64xf32, #tpu.memory_space<hbm>> -> memref<256x64xf32, #tpu.memory_space<hbm>>
    tpu.enqueue_dma source(%dma_start3A_44 : memref<256x64xf32, #tpu.memory_space<hbm>>) target(%arg7 : memref<256x64xf32, #tpu.memory_space<vmem>>) target_semaphore(%arg13 : memref<!tpu.dma_semaphore, #tpu.memory_space<semaphore_mem>>)
    "tpu.trace_start"() <{level = 10 : i32, message = "pass1_sum_remote"}> : () -> ()
    %dma_wait3A = arith.constant 0 : i32
    %dma_wait3A_45 = tpu.memref_slice %arg2[%add3A_6, %dma_wait3A] : memref<32768x64xf32, #tpu.memory_space<hbm>> -> memref<256x64xf32, #tpu.memory_space<hbm>>
    %dma_wait3A_46 = arith.constant 0 : i32
    %dma_wait3A_47 = tpu.memref_slice %arg2[%add3A_6, %dma_wait3A_46] : memref<32768x64xf32, #tpu.memory_space<hbm>> -> memref<256x64xf32, #tpu.memory_space<hbm>>
    tpu.wait_dma2 semaphore(%arg11 : memref<!tpu.dma_semaphore, #tpu.memory_space<semaphore_mem>>) src(%dma_wait3A_47 : memref<256x64xf32, #tpu.memory_space<hbm>>) dst(%arg5 : memref<256x64xf32, #tpu.memory_space<vmem>>)
    %scan3A = arith.constant 0 : i32
    %scan3A_48 = arith.constant 32 : i32
    %scan3A_49 = arith.addi %scan3A, %scan3A_48 : i32
    %scan3A_50 = arith.constant 1 : i32
    %scan3A_51:4 = scf.for %scan3A_291 = %scan3A to %scan3A_49 step %scan3A_50 iter_args(%scan3A_292 = %broadcast_in_dim3A_27, %scan3A_293 = %broadcast_in_dim3A_29, %scan3A_294 = %broadcast_in_dim3A_31, %scan3A_295 = %broadcast_in_dim3A_33) -> (vector<16xf32>, vector<16xf32>, vector<16xf32>, vector<16xf32>)  : i32 {
      %mul3A_296 = arith.constant 8 : i32
      %mul3A_297 = arith.muli %scan3A_291, %mul3A_296 : i32
      %add3A_298 = arith.constant 0 : i32
      %add3A_299 = arith.addi %mul3A_297, %add3A_298 : i32
      %get3A = arith.index_cast %add3A_299 : i32 to index
      %get3A_300 = arith.constant 0 : index
      %get3A_301 = tpu.vector_load %arg5[%get3A, %get3A_300] {strides = array<i32>} : memref<256x64xf32, #tpu.memory_space<vmem>>, vector<1x16xf32>,
      %get3A_302 = vector.shape_cast %get3A_301 : vector<1x16xf32> to vector<16xf32>
      %add3A_303 = arith.addf %scan3A_292, %get3A_302 : vector<16xf32>
      %get3A_304 = arith.index_cast %add3A_299 : i32 to index
      %get3A_305 = arith.constant 16 : index
      %get3A_306 = tpu.vector_load %arg5[%get3A_304, %get3A_305] {strides = array<i32>} : memref<256x64xf32, #tpu.memory_space<vmem>>, vector<1x16xf32>,
      %get3A_307 = vector.shape_cast %get3A_306 : vector<1x16xf32> to vector<16xf32>
      %add3A_308 = arith.addf %scan3A_293, %get3A_307 : vector<16xf32>
      %get3A_309 = arith.index_cast %add3A_299 : i32 to index
      %get3A_310 = arith.constant 32 : index
      %get3A_311 = tpu.vector_load %arg5[%get3A_309, %get3A_310] {strides = array<i32>} : memref<256x64xf32, #tpu.memory_space<vmem>>, vector<1x16xf32>,
      %get3A_312 = vector.shape_cast %get3A_311 : vector<1x16xf32> to vector<16xf32>
      %add3A_313 = arith.addf %scan3A_294, %get3A_312 : vector<16xf32>
      %get3A_314 = arith.index_cast %add3A_299 : i32 to index
      %get3A_315 = arith.constant 48 : index
      %get3A_316 = tpu.vector_load %arg5[%get3A_314, %get3A_315] {strides = array<i32>} : memref<256x64xf32, #tpu.memory_space<vmem>>, vector<1x16xf32>,
      %get3A_317 = vector.shape_cast %get3A_316 : vector<1x16xf32> to vector<16xf32>
      %add3A_318 = arith.addf %scan3A_295, %get3A_317 : vector<16xf32>
      %mul3A_319 = arith.constant 8 : i32
      %mul3A_320 = arith.muli %scan3A_291, %mul3A_319 : i32
      %add3A_321 = arith.constant 1 : i32
      %add3A_322 = arith.addi %mul3A_320, %add3A_321 : i32
      %get3A_323 = arith.index_cast %add3A_322 : i32 to index
      %get3A_324 = arith.constant 0 : index
      %get3A_325 = tpu.vector_load %arg5[%get3A_323, %get3A_324] {strides = array<i32>} : memref<256x64xf32, #tpu.memory_space<vmem>>, vector<1x16xf32>,
      %get3A_326 = vector.shape_cast %get3A_325 : vector<1x16xf32> to vector<16xf32>
      %add3A_327 = arith.addf %add3A_303, %get3A_326 : vector<16xf32>
      %get3A_328 = arith.index_cast %add3A_322 : i32 to index
      %get3A_329 = arith.constant 16 : index
      %get3A_330 = tpu.vector_load %arg5[%get3A_328, %get3A_329] {strides = array<i32>} : memref<256x64xf32, #tpu.memory_space<vmem>>, vector<1x16xf32>,
      %get3A_331 = vector.shape_cast %get3A_330 : vector<1x16xf32> to vector<16xf32>
      %add3A_332 = arith.addf %add3A_308, %get3A_331 : vector<16xf32>
      %get3A_333 = arith.index_cast %add3A_322 : i32 to index
      %get3A_334 = arith.constant 32 : index
      %get3A_335 = tpu.vector_load %arg5[%get3A_333, %get3A_334] {strides = array<i32>} : memref<256x64xf32, #tpu.memory_space<vmem>>, vector<1x16xf32>,
      %get3A_336 = vector.shape_cast %get3A_335 : vector<1x16xf32> to vector<16xf32>
      %add3A_337 = arith.addf %add3A_313, %get3A_336 : vector<16xf32>
      %get3A_338 = arith.index_cast %add3A_322 : i32 to index
      %get3A_339 = arith.constant 48 : index
      %get3A_340 = tpu.vector_load %arg5[%get3A_338, %get3A_339] {strides = array<i32>} : memref<256x64xf32, #tpu.memory_space<vmem>>, vector<1x16xf32>,
      %get3A_341 = vector.shape_cast %get3A_340 : vector<1x16xf32> to vector<16xf32>
      %add3A_342 = arith.addf %add3A_318, %get3A_341 : vector<16xf32>
      %mul3A_343 = arith.constant 8 : i32
      %mul3A_344 = arith.muli %scan3A_291, %mul3A_343 : i32
      %add3A_345 = arith.constant 2 : i32
      %add3A_346 = arith.addi %mul3A_344, %add3A_345 : i32
      %get3A_347 = arith.index_cast %add3A_346 : i32 to index
      %get3A_348 = arith.constant 0 : index
      %get3A_349 = tpu.vector_load %arg5[%get3A_347, %get3A_348] {strides = array<i32>} : memref<256x64xf32, #tpu.memory_space<vmem>>, vector<1x16xf32>,
      %get3A_350 = vector.shape_cast %get3A_349 : vector<1x16xf32> to vector<16xf32>
      %add3A_351 = arith.addf %add3A_327, %get3A_350 : vector<16xf32>
      %get3A_352 = arith.index_cast %add3A_346 : i32 to index
      %get3A_353 = arith.constant 16 : index
      %get3A_354 = tpu.vector_load %arg5[%get3A_352, %get3A_353] {strides = array<i32>} : memref<256x64xf32, #tpu.memory_space<vmem>>, vector<1x16xf32>,
      %get3A_355 = vector.shape_cast %get3A_354 : vector<1x16xf32> to vector<16xf32>
      %add3A_356 = arith.addf %add3A_332, %get3A_355 : vector<16xf32>
      %get3A_357 = arith.index_cast %add3A_346 : i32 to index
      %get3A_358 = arith.constant 32 : index
      %get3A_359 = tpu.vector_load %arg5[%get3A_357, %get3A_358] {strides = array<i32>} : memref<256x64xf32, #tpu.memory_space<vmem>>, vector<1x16xf32>,
      %get3A_360 = vector.shape_cast %get3A_359 : vector<1x16xf32> to vector<16xf32>
      %add3A_361 = arith.addf %add3A_337, %get3A_360 : vector<16xf32>
      %get3A_362 = arith.index_cast %add3A_346 : i32 to index
      %get3A_363 = arith.constant 48 : index
      %get3A_364 = tpu.vector_load %arg5[%get3A_362, %get3A_363] {strides = array<i32>} : memref<256x64xf32, #tpu.memory_space<vmem>>, vector<1x16xf32>,
      %get3A_365 = vector.shape_cast %get3A_364 : vector<1x16xf32> to vector<16xf32>
      %add3A_366 = arith.addf %add3A_342, %get3A_365 : vector<16xf32>
      %mul3A_367 = arith.constant 8 : i32
      %mul3A_368 = arith.muli %scan3A_291, %mul3A_367 : i32
      %add3A_369 = arith.constant 3 : i32
      %add3A_370 = arith.addi %mul3A_368, %add3A_369 : i32
      %get3A_371 = arith.index_cast %add3A_370 : i32 to index
      %get3A_372 = arith.constant 0 : index
      %get3A_373 = tpu.vector_load %arg5[%get3A_371, %get3A_372] {strides = array<i32>} : memref<256x64xf32, #tpu.memory_space<vmem>>, vector<1x16xf32>,
      %get3A_374 = vector.shape_cast %get3A_373 : vector<1x16xf32> to vector<16xf32>
      %add3A_375 = arith.addf %add3A_351, %get3A_374 : vector<16xf32>
      %get3A_376 = arith.index_cast %add3A_370 : i32 to index
      %get3A_377 = arith.constant 16 : index
      %get3A_378 = tpu.vector_load %arg5[%get3A_376, %get3A_377] {strides = array<i32>} : memref<256x64xf32, #tpu.memory_space<vmem>>, vector<1x16xf32>,
      %get3A_379 = vector.shape_cast %get3A_378 : vector<1x16xf32> to vector<16xf32>
      %add3A_380 = arith.addf %add3A_356, %get3A_379 : vector<16xf32>
      %get3A_381 = arith.index_cast %add3A_370 : i32 to index
      %get3A_382 = arith.constant 32 : index
      %get3A_383 = tpu.vector_load %arg5[%get3A_381, %get3A_382] {strides = array<i32>} : memref<256x64xf32, #tpu.memory_space<vmem>>, vector<1x16xf32>,
      %get3A_384 = vector.shape_cast %get3A_383 : vector<1x16xf32> to vector<16xf32>
      %add3A_385 = arith.addf %add3A_361, %get3A_384 : vector<16xf32>
      %get3A_386 = arith.index_cast %add3A_370 : i32 to index
      %get3A_387 = arith.constant 48 : index
      %get3A_388 = tpu.vector_load %arg5[%get3A_386, %get3A_387] {strides = array<i32>} : memref<256x64xf32, #tpu.memory_space<vmem>>, vector<1x16xf32>,
      %get3A_389 = vector.shape_cast %get3A_388 : vector<1x16xf32> to vector<16xf32>
      %add3A_390 = arith.addf %add3A_366, %get3A_389 : vector<16xf32>
      %mul3A_391 = arith.constant 8 : i32
      %mul3A_392 = arith.muli %scan3A_291, %mul3A_391 : i32
      %add3A_393 = arith.constant 4 : i32
      %add3A_394 = arith.addi %mul3A_392, %add3A_393 : i32
      %get3A_395 = arith.index_cast %add3A_394 : i32 to index
      %get3A_396 = arith.constant 0 : index
      %get3A_397 = tpu.vector_load %arg5[%get3A_395, %get3A_396] {strides = array<i32>} : memref<256x64xf32, #tpu.memory_space<vmem>>, vector<1x16xf32>,
      %get3A_398 = vector.shape_cast %get3A_397 : vector<1x16xf32> to vector<16xf32>
      %add3A_399 = arith.addf %add3A_375, %get3A_398 : vector<16xf32>
      %get3A_400 = arith.index_cast %add3A_394 : i32 to index
      %get3A_401 = arith.constant 16 : index
      %get3A_402 = tpu.vector_load %arg5[%get3A_400, %get3A_401] {strides = array<i32>} : memref<256x64xf32, #tpu.memory_space<vmem>>, vector<1x16xf32>,
      %get3A_403 = vector.shape_cast %get3A_402 : vector<1x16xf32> to vector<16xf32>
      %add3A_404 = arith.addf %add3A_380, %get3A_403 : vector<16xf32>
      %get3A_405 = arith.index_cast %add3A_394 : i32 to index
      %get3A_406 = arith.constant 32 : index
      %get3A_407 = tpu.vector_load %arg5[%get3A_405, %get3A_406] {strides = array<i32>} : memref<256x64xf32, #tpu.memory_space<vmem>>, vector<1x16xf32>,
      %get3A_408 = vector.shape_cast %get3A_407 : vector<1x16xf32> to vector<16xf32>
      %add3A_409 = arith.addf %add3A_385, %get3A_408 : vector<16xf32>
      %get3A_410 = arith.index_cast %add3A_394 : i32 to index
      %get3A_411 = arith.constant 48 : index
      %get3A_412 = tpu.vector_load %arg5[%get3A_410, %get3A_411] {strides = array<i32>} : memref<256x64xf32, #tpu.memory_space<vmem>>, vector<1x16xf32>,
      %get3A_413 = vector.shape_cast %get3A_412 : vector<1x16xf32> to vector<16xf32>
      %add3A_414 = arith.addf %add3A_390, %get3A_413 : vector<16xf32>
      %mul3A_415 = arith.constant 8 : i32
      %mul3A_416 = arith.muli %scan3A_291, %mul3A_415 : i32
      %add3A_417 = arith.constant 5 : i32
      %add3A_418 = arith.addi %mul3A_416, %add3A_417 : i32
      %get3A_419 = arith.index_cast %add3A_418 : i32 to index
      %get3A_420 = arith.constant 0 : index
      %get3A_421 = tpu.vector_load %arg5[%get3A_419, %get3A_420] {strides = array<i32>} : memref<256x64xf32, #tpu.memory_space<vmem>>, vector<1x16xf32>,
      %get3A_422 = vector.shape_cast %get3A_421 : vector<1x16xf32> to vector<16xf32>
      %add3A_423 = arith.addf %add3A_399, %get3A_422 : vector<16xf32>
      %get3A_424 = arith.index_cast %add3A_418 : i32 to index
      %get3A_425 = arith.constant 16 : index
      %get3A_426 = tpu.vector_load %arg5[%get3A_424, %get3A_425] {strides = array<i32>} : memref<256x64xf32, #tpu.memory_space<vmem>>, vector<1x16xf32>,
      %get3A_427 = vector.shape_cast %get3A_426 : vector<1x16xf32> to vector<16xf32>
      %add3A_428 = arith.addf %add3A_404, %get3A_427 : vector<16xf32>
      %get3A_429 = arith.index_cast %add3A_418 : i32 to index
      %get3A_430 = arith.constant 32 : index
      %get3A_431 = tpu.vector_load %arg5[%get3A_429, %get3A_430] {strides = array<i32>} : memref<256x64xf32, #tpu.memory_space<vmem>>, vector<1x16xf32>,
      %get3A_432 = vector.shape_cast %get3A_431 : vector<1x16xf32> to vector<16xf32>
      %add3A_433 = arith.addf %add3A_409, %get3A_432 : vector<16xf32>
      %get3A_434 = arith.index_cast %add3A_418 : i32 to index
      %get3A_435 = arith.constant 48 : index
      %get3A_436 = tpu.vector_load %arg5[%get3A_434, %get3A_435] {strides = array<i32>} : memref<256x64xf32, #tpu.memory_space<vmem>>, vector<1x16xf32>,
      %get3A_437 = vector.shape_cast %get3A_436 : vector<1x16xf32> to vector<16xf32>
      %add3A_438 = arith.addf %add3A_414, %get3A_437 : vector<16xf32>
      %mul3A_439 = arith.constant 8 : i32
      %mul3A_440 = arith.muli %scan3A_291, %mul3A_439 : i32
      %add3A_441 = arith.constant 6 : i32
      %add3A_442 = arith.addi %mul3A_440, %add3A_441 : i32
      %get3A_443 = arith.index_cast %add3A_442 : i32 to index
      %get3A_444 = arith.constant 0 : index
      %get3A_445 = tpu.vector_load %arg5[%get3A_443, %get3A_444] {strides = array<i32>} : memref<256x64xf32, #tpu.memory_space<vmem>>, vector<1x16xf32>,
      %get3A_446 = vector.shape_cast %get3A_445 : vector<1x16xf32> to vector<16xf32>
      %add3A_447 = arith.addf %add3A_423, %get3A_446 : vector<16xf32>
      %get3A_448 = arith.index_cast %add3A_442 : i32 to index
      %get3A_449 = arith.constant 16 : index
      %get3A_450 = tpu.vector_load %arg5[%get3A_448, %get3A_449] {strides = array<i32>} : memref<256x64xf32, #tpu.memory_space<vmem>>, vector<1x16xf32>,
      %get3A_451 = vector.shape_cast %get3A_450 : vector<1x16xf32> to vector<16xf32>
      %add3A_452 = arith.addf %add3A_428, %get3A_451 : vector<16xf32>
      %get3A_453 = arith.index_cast %add3A_442 : i32 to index
      %get3A_454 = arith.constant 32 : index
      %get3A_455 = tpu.vector_load %arg5[%get3A_453, %get3A_454] {strides = array<i32>} : memref<256x64xf32, #tpu.memory_space<vmem>>, vector<1x16xf32>,
      %get3A_456 = vector.shape_cast %get3A_455 : vector<1x16xf32> to vector<16xf32>
      %add3A_457 = arith.addf %add3A_433, %get3A_456 : vector<16xf32>
      %get3A_458 = arith.index_cast %add3A_442 : i32 to index
      %get3A_459 = arith.constant 48 : index
      %get3A_460 = tpu.vector_load %arg5[%get3A_458, %get3A_459] {strides = array<i32>} : memref<256x64xf32, #tpu.memory_space<vmem>>, vector<1x16xf32>,
      %get3A_461 = vector.shape_cast %get3A_460 : vector<1x16xf32> to vector<16xf32>
      %add3A_462 = arith.addf %add3A_438, %get3A_461 : vector<16xf32>
      %mul3A_463 = arith.constant 8 : i32
      %mul3A_464 = arith.muli %scan3A_291, %mul3A_463 : i32
      %add3A_465 = arith.constant 7 : i32
      %add3A_466 = arith.addi %mul3A_464, %add3A_465 : i32
      %get3A_467 = arith.index_cast %add3A_466 : i32 to index
      %get3A_468 = arith.constant 0 : index
      %get3A_469 = tpu.vector_load %arg5[%get3A_467, %get3A_468] {strides = array<i32>} : memref<256x64xf32, #tpu.memory_space<vmem>>, vector<1x16xf32>,
      %get3A_470 = vector.shape_cast %get3A_469 : vector<1x16xf32> to vector<16xf32>
      %add3A_471 = arith.addf %add3A_447, %get3A_470 : vector<16xf32>
      %get3A_472 = arith.index_cast %add3A_466 : i32 to index
      %get3A_473 = arith.constant 16 : index
      %get3A_474 = tpu.vector_load %arg5[%get3A_472, %get3A_473] {strides = array<i32>} : memref<256x64xf32, #tpu.memory_space<vmem>>, vector<1x16xf32>,
      %get3A_475 = vector.shape_cast %get3A_474 : vector<1x16xf32> to vector<16xf32>
      %add3A_476 = arith.addf %add3A_452, %get3A_475 : vector<16xf32>
      %get3A_477 = arith.index_cast %add3A_466 : i32 to index
      %get3A_478 = arith.constant 32 : index
      %get3A_479 = tpu.vector_load %arg5[%get3A_477, %get3A_478] {strides = array<i32>} : memref<256x64xf32, #tpu.memory_space<vmem>>, vector<1x16xf32>,
      %get3A_480 = vector.shape_cast %get3A_479 : vector<1x16xf32> to vector<16xf32>
      %add3A_481 = arith.addf %add3A_457, %get3A_480 : vector<16xf32>
      %get3A_482 = arith.index_cast %add3A_466 : i32 to index
      %get3A_483 = arith.constant 48 : index
      %get3A_484 = tpu.vector_load %arg5[%get3A_482, %get3A_483] {strides = array<i32>} : memref<256x64xf32, #tpu.memory_space<vmem>>, vector<1x16xf32>,
      %get3A_485 = vector.shape_cast %get3A_484 : vector<1x16xf32> to vector<16xf32>
      %add3A_486 = arith.addf %add3A_462, %get3A_485 : vector<16xf32>
      scf.yield %add3A_471, %add3A_476, %add3A_481, %add3A_486 : vector<16xf32>, vector<16xf32>, vector<16xf32>, vector<16xf32>
    }
    %scan3A_52 = arith.constant 32 : i32
    %dma_start3A_53 = arith.constant 0 : i32
    %dma_start3A_54 = tpu.memref_slice %arg2[%add3A_18, %dma_start3A_53] : memref<32768x64xf32, #tpu.memory_space<hbm>> -> memref<256x64xf32, #tpu.memory_space<hbm>>
    %dma_start3A_55 = arith.constant 0 : i32
    %dma_start3A_56 = tpu.memref_slice %arg2[%add3A_18, %dma_start3A_55] : memref<32768x64xf32, #tpu.memory_space<hbm>> -> memref<256x64xf32, #tpu.memory_space<hbm>>
    tpu.enqueue_dma source(%dma_start3A_56 : memref<256x64xf32, #tpu.memory_space<hbm>>) target(%arg5 : memref<256x64xf32, #tpu.memory_space<vmem>>) target_semaphore(%arg11 : memref<!tpu.dma_semaphore, #tpu.memory_space<semaphore_mem>>)
    %dma_wait3A_57 = arith.constant 0 : i32
    %dma_wait3A_58 = tpu.memref_slice %arg2[%add3A_10, %dma_wait3A_57] : memref<32768x64xf32, #tpu.memory_space<hbm>> -> memref<256x64xf32, #tpu.memory_space<hbm>>
    %dma_wait3A_59 = arith.constant 0 : i32
    %dma_wait3A_60 = tpu.memref_slice %arg2[%add3A_10, %dma_wait3A_59] : memref<32768x64xf32, #tpu.memory_space<hbm>> -> memref<256x64xf32, #tpu.memory_space<hbm>>
    tpu.wait_dma2 semaphore(%arg12 : memref<!tpu.dma_semaphore, #tpu.memory_space<semaphore_mem>>) src(%dma_wait3A_60 : memref<256x64xf32, #tpu.memory_space<hbm>>) dst(%arg6 : memref<256x64xf32, #tpu.memory_space<vmem>>)
    %scan3A_61 = arith.constant 0 : i32
    %scan3A_62 = arith.constant 32 : i32
    %scan3A_63 = arith.addi %scan3A_61, %scan3A_62 : i32
    %scan3A_64 = arith.constant 1 : i32
    %scan3A_65:4 = scf.for %scan3A_291 = %scan3A_61 to %scan3A_63 step %scan3A_64 iter_args(%scan3A_292 = %scan3A_51#0, %scan3A_293 = %scan3A_51#1, %scan3A_294 = %scan3A_51#2, %scan3A_295 = %scan3A_51#3) -> (vector<16xf32>, vector<16xf32>, vector<16xf32>, vector<16xf32>)  : i32 {
      %mul3A_296 = arith.constant 8 : i32
      %mul3A_297 = arith.muli %scan3A_291, %mul3A_296 : i32
      %add3A_298 = arith.constant 0 : i32
      %add3A_299 = arith.addi %mul3A_297, %add3A_298 : i32
      %get3A = arith.index_cast %add3A_299 : i32 to index
      %get3A_300 = arith.constant 0 : index
      %get3A_301 = tpu.vector_load %arg6[%get3A, %get3A_300] {strides = array<i32>} : memref<256x64xf32, #tpu.memory_space<vmem>>, vector<1x16xf32>,
      %get3A_302 = vector.shape_cast %get3A_301 : vector<1x16xf32> to vector<16xf32>
      %add3A_303 = arith.addf %scan3A_292, %get3A_302 : vector<16xf32>
      %get3A_304 = arith.index_cast %add3A_299 : i32 to index
      %get3A_305 = arith.constant 16 : index
      %get3A_306 = tpu.vector_load %arg6[%get3A_304, %get3A_305] {strides = array<i32>} : memref<256x64xf32, #tpu.memory_space<vmem>>, vector<1x16xf32>,
      %get3A_307 = vector.shape_cast %get3A_306 : vector<1x16xf32> to vector<16xf32>
      %add3A_308 = arith.addf %scan3A_293, %get3A_307 : vector<16xf32>
      %get3A_309 = arith.index_cast %add3A_299 : i32 to index
      %get3A_310 = arith.constant 32 : index
      %get3A_311 = tpu.vector_load %arg6[%get3A_309, %get3A_310] {strides = array<i32>} : memref<256x64xf32, #tpu.memory_space<vmem>>, vector<1x16xf32>,
      %get3A_312 = vector.shape_cast %get3A_311 : vector<1x16xf32> to vector<16xf32>
      %add3A_313 = arith.addf %scan3A_294, %get3A_312 : vector<16xf32>
      %get3A_314 = arith.index_cast %add3A_299 : i32 to index
      %get3A_315 = arith.constant 48 : index
      %get3A_316 = tpu.vector_load %arg6[%get3A_314, %get3A_315] {strides = array<i32>} : memref<256x64xf32, #tpu.memory_space<vmem>>, vector<1x16xf32>,
      %get3A_317 = vector.shape_cast %get3A_316 : vector<1x16xf32> to vector<16xf32>
      %add3A_318 = arith.addf %scan3A_295, %get3A_317 : vector<16xf32>
      %mul3A_319 = arith.constant 8 : i32
      %mul3A_320 = arith.muli %scan3A_291, %mul3A_319 : i32
      %add3A_321 = arith.constant 1 : i32
      %add3A_322 = arith.addi %mul3A_320, %add3A_321 : i32
      %get3A_323 = arith.index_cast %add3A_322 : i32 to index
      %get3A_324 = arith.constant 0 : index
      %get3A_325 = tpu.vector_load %arg6[%get3A_323, %get3A_324] {strides = array<i32>} : memref<256x64xf32, #tpu.memory_space<vmem>>, vector<1x16xf32>,
      %get3A_326 = vector.shape_cast %get3A_325 : vector<1x16xf32> to vector<16xf32>
      %add3A_327 = arith.addf %add3A_303, %get3A_326 : vector<16xf32>
      %get3A_328 = arith.index_cast %add3A_322 : i32 to index
      %get3A_329 = arith.constant 16 : index
      %get3A_330 = tpu.vector_load %arg6[%get3A_328, %get3A_329] {strides = array<i32>} : memref<256x64xf32, #tpu.memory_space<vmem>>, vector<1x16xf32>,
      %get3A_331 = vector.shape_cast %get3A_330 : vector<1x16xf32> to vector<16xf32>
      %add3A_332 = arith.addf %add3A_308, %get3A_331 : vector<16xf32>
      %get3A_333 = arith.index_cast %add3A_322 : i32 to index
      %get3A_334 = arith.constant 32 : index
      %get3A_335 = tpu.vector_load %arg6[%get3A_333, %get3A_334] {strides = array<i32>} : memref<256x64xf32, #tpu.memory_space<vmem>>, vector<1x16xf32>,
      %get3A_336 = vector.shape_cast %get3A_335 : vector<1x16xf32> to vector<16xf32>
      %add3A_337 = arith.addf %add3A_313, %get3A_336 : vector<16xf32>
      %get3A_338 = arith.index_cast %add3A_322 : i32 to index
      %get3A_339 = arith.constant 48 : index
      %get3A_340 = tpu.vector_load %arg6[%get3A_338, %get3A_339] {strides = array<i32>} : memref<256x64xf32, #tpu.memory_space<vmem>>, vector<1x16xf32>,
      %get3A_341 = vector.shape_cast %get3A_340 : vector<1x16xf32> to vector<16xf32>
      %add3A_342 = arith.addf %add3A_318, %get3A_341 : vector<16xf32>
      %mul3A_343 = arith.constant 8 : i32
      %mul3A_344 = arith.muli %scan3A_291, %mul3A_343 : i32
      %add3A_345 = arith.constant 2 : i32
      %add3A_346 = arith.addi %mul3A_344, %add3A_345 : i32
      %get3A_347 = arith.index_cast %add3A_346 : i32 to index
      %get3A_348 = arith.constant 0 : index
      %get3A_349 = tpu.vector_load %arg6[%get3A_347, %get3A_348] {strides = array<i32>} : memref<256x64xf32, #tpu.memory_space<vmem>>, vector<1x16xf32>,
      %get3A_350 = vector.shape_cast %get3A_349 : vector<1x16xf32> to vector<16xf32>
      %add3A_351 = arith.addf %add3A_327, %get3A_350 : vector<16xf32>
      %get3A_352 = arith.index_cast %add3A_346 : i32 to index
      %get3A_353 = arith.constant 16 : index
      %get3A_354 = tpu.vector_load %arg6[%get3A_352, %get3A_353] {strides = array<i32>} : memref<256x64xf32, #tpu.memory_space<vmem>>, vector<1x16xf32>,
      %get3A_355 = vector.shape_cast %get3A_354 : vector<1x16xf32> to vector<16xf32>
      %add3A_356 = arith.addf %add3A_332, %get3A_355 : vector<16xf32>
      %get3A_357 = arith.index_cast %add3A_346 : i32 to index
      %get3A_358 = arith.constant 32 : index
      %get3A_359 = tpu.vector_load %arg6[%get3A_357, %get3A_358] {strides = array<i32>} : memref<256x64xf32, #tpu.memory_space<vmem>>, vector<1x16xf32>,
      %get3A_360 = vector.shape_cast %get3A_359 : vector<1x16xf32> to vector<16xf32>
      %add3A_361 = arith.addf %add3A_337, %get3A_360 : vector<16xf32>
      %get3A_362 = arith.index_cast %add3A_346 : i32 to index
      %get3A_363 = arith.constant 48 : index
      %get3A_364 = tpu.vector_load %arg6[%get3A_362, %get3A_363] {strides = array<i32>} : memref<256x64xf32, #tpu.memory_space<vmem>>, vector<1x16xf32>,
      %get3A_365 = vector.shape_cast %get3A_364 : vector<1x16xf32> to vector<16xf32>
      %add3A_366 = arith.addf %add3A_342, %get3A_365 : vector<16xf32>
      %mul3A_367 = arith.constant 8 : i32
      %mul3A_368 = arith.muli %scan3A_291, %mul3A_367 : i32
      %add3A_369 = arith.constant 3 : i32
      %add3A_370 = arith.addi %mul3A_368, %add3A_369 : i32
      %get3A_371 = arith.index_cast %add3A_370 : i32 to index
      %get3A_372 = arith.constant 0 : index
      %get3A_373 = tpu.vector_load %arg6[%get3A_371, %get3A_372] {strides = array<i32>} : memref<256x64xf32, #tpu.memory_space<vmem>>, vector<1x16xf32>,
      %get3A_374 = vector.shape_cast %get3A_373 : vector<1x16xf32> to vector<16xf32>
      %add3A_375 = arith.addf %add3A_351, %get3A_374 : vector<16xf32>
      %get3A_376 = arith.index_cast %add3A_370 : i32 to index
      %get3A_377 = arith.constant 16 : index
      %get3A_378 = tpu.vector_load %arg6[%get3A_376, %get3A_377] {strides = array<i32>} : memref<256x64xf32, #tpu.memory_space<vmem>>, vector<1x16xf32>,
      %get3A_379 = vector.shape_cast %get3A_378 : vector<1x16xf32> to vector<16xf32>
      %add3A_380 = arith.addf %add3A_356, %get3A_379 : vector<16xf32>
      %get3A_381 = arith.index_cast %add3A_370 : i32 to index
      %get3A_382 = arith.constant 32 : index
      %get3A_383 = tpu.vector_load %arg6[%get3A_381, %get3A_382] {strides = array<i32>} : memref<256x64xf32, #tpu.memory_space<vmem>>, vector<1x16xf32>,
      %get3A_384 = vector.shape_cast %get3A_383 : vector<1x16xf32> to vector<16xf32>
      %add3A_385 = arith.addf %add3A_361, %get3A_384 : vector<16xf32>
      %get3A_386 = arith.index_cast %add3A_370 : i32 to index
      %get3A_387 = arith.constant 48 : index
      %get3A_388 = tpu.vector_load %arg6[%get3A_386, %get3A_387] {strides = array<i32>} : memref<256x64xf32, #tpu.memory_space<vmem>>, vector<1x16xf32>,
      %get3A_389 = vector.shape_cast %get3A_388 : vector<1x16xf32> to vector<16xf32>
      %add3A_390 = arith.addf %add3A_366, %get3A_389 : vector<16xf32>
      %mul3A_391 = arith.constant 8 : i32
      %mul3A_392 = arith.muli %scan3A_291, %mul3A_391 : i32
      %add3A_393 = arith.constant 4 : i32
      %add3A_394 = arith.addi %mul3A_392, %add3A_393 : i32
      %get3A_395 = arith.index_cast %add3A_394 : i32 to index
      %get3A_396 = arith.constant 0 : index
      %get3A_397 = tpu.vector_load %arg6[%get3A_395, %get3A_396] {strides = array<i32>} : memref<256x64xf32, #tpu.memory_space<vmem>>, vector<1x16xf32>,
      %get3A_398 = vector.shape_cast %get3A_397 : vector<1x16xf32> to vector<16xf32>
      %add3A_399 = arith.addf %add3A_375, %get3A_398 : vector<16xf32>
      %get3A_400 = arith.index_cast %add3A_394 : i32 to index
      %get3A_401 = arith.constant 16 : index
      %get3A_402 = tpu.vector_load %arg6[%get3A_400, %get3A_401] {strides = array<i32>} : memref<256x64xf32, #tpu.memory_space<vmem>>, vector<1x16xf32>,
      %get3A_403 = vector.shape_cast %get3A_402 : vector<1x16xf32> to vector<16xf32>
      %add3A_404 = arith.addf %add3A_380, %get3A_403 : vector<16xf32>
      %get3A_405 = arith.index_cast %add3A_394 : i32 to index
      %get3A_406 = arith.constant 32 : index
      %get3A_407 = tpu.vector_load %arg6[%get3A_405, %get3A_406] {strides = array<i32>} : memref<256x64xf32, #tpu.memory_space<vmem>>, vector<1x16xf32>,
      %get3A_408 = vector.shape_cast %get3A_407 : vector<1x16xf32> to vector<16xf32>
      %add3A_409 = arith.addf %add3A_385, %get3A_408 : vector<16xf32>
      %get3A_410 = arith.index_cast %add3A_394 : i32 to index
      %get3A_411 = arith.constant 48 : index
      %get3A_412 = tpu.vector_load %arg6[%get3A_410, %get3A_411] {strides = array<i32>} : memref<256x64xf32, #tpu.memory_space<vmem>>, vector<1x16xf32>,
      %get3A_413 = vector.shape_cast %get3A_412 : vector<1x16xf32> to vector<16xf32>
      %add3A_414 = arith.addf %add3A_390, %get3A_413 : vector<16xf32>
      %mul3A_415 = arith.constant 8 : i32
      %mul3A_416 = arith.muli %scan3A_291, %mul3A_415 : i32
      %add3A_417 = arith.constant 5 : i32
      %add3A_418 = arith.addi %mul3A_416, %add3A_417 : i32
      %get3A_419 = arith.index_cast %add3A_418 : i32 to index
      %get3A_420 = arith.constant 0 : index
      %get3A_421 = tpu.vector_load %arg6[%get3A_419, %get3A_420] {strides = array<i32>} : memref<256x64xf32, #tpu.memory_space<vmem>>, vector<1x16xf32>,
      %get3A_422 = vector.shape_cast %get3A_421 : vector<1x16xf32> to vector<16xf32>
      %add3A_423 = arith.addf %add3A_399, %get3A_422 : vector<16xf32>
      %get3A_424 = arith.index_cast %add3A_418 : i32 to index
      %get3A_425 = arith.constant 16 : index
      %get3A_426 = tpu.vector_load %arg6[%get3A_424, %get3A_425] {strides = array<i32>} : memref<256x64xf32, #tpu.memory_space<vmem>>, vector<1x16xf32>,
      %get3A_427 = vector.shape_cast %get3A_426 : vector<1x16xf32> to vector<16xf32>
      %add3A_428 = arith.addf %add3A_404, %get3A_427 : vector<16xf32>
      %get3A_429 = arith.index_cast %add3A_418 : i32 to index
      %get3A_430 = arith.constant 32 : index
      %get3A_431 = tpu.vector_load %arg6[%get3A_429, %get3A_430] {strides = array<i32>} : memref<256x64xf32, #tpu.memory_space<vmem>>, vector<1x16xf32>,
      %get3A_432 = vector.shape_cast %get3A_431 : vector<1x16xf32> to vector<16xf32>
      %add3A_433 = arith.addf %add3A_409, %get3A_432 : vector<16xf32>
      %get3A_434 = arith.index_cast %add3A_418 : i32 to index
      %get3A_435 = arith.constant 48 : index
      %get3A_436 = tpu.vector_load %arg6[%get3A_434, %get3A_435] {strides = array<i32>} : memref<256x64xf32, #tpu.memory_space<vmem>>, vector<1x16xf32>,
      %get3A_437 = vector.shape_cast %get3A_436 : vector<1x16xf32> to vector<16xf32>
      %add3A_438 = arith.addf %add3A_414, %get3A_437 : vector<16xf32>
      %mul3A_439 = arith.constant 8 : i32
      %mul3A_440 = arith.muli %scan3A_291, %mul3A_439 : i32
      %add3A_441 = arith.constant 6 : i32
      %add3A_442 = arith.addi %mul3A_440, %add3A_441 : i32
      %get3A_443 = arith.index_cast %add3A_442 : i32 to index
      %get3A_444 = arith.constant 0 : index
      %get3A_445 = tpu.vector_load %arg6[%get3A_443, %get3A_444] {strides = array<i32>} : memref<256x64xf32, #tpu.memory_space<vmem>>, vector<1x16xf32>,
      %get3A_446 = vector.shape_cast %get3A_445 : vector<1x16xf32> to vector<16xf32>
      %add3A_447 = arith.addf %add3A_423, %get3A_446 : vector<16xf32>
      %get3A_448 = arith.index_cast %add3A_442 : i32 to index
      %get3A_449 = arith.constant 16 : index
      %get3A_450 = tpu.vector_load %arg6[%get3A_448, %get3A_449] {strides = array<i32>} : memref<256x64xf32, #tpu.memory_space<vmem>>, vector<1x16xf32>,
      %get3A_451 = vector.shape_cast %get3A_450 : vector<1x16xf32> to vector<16xf32>
      %add3A_452 = arith.addf %add3A_428, %get3A_451 : vector<16xf32>
      %get3A_453 = arith.index_cast %add3A_442 : i32 to index
      %get3A_454 = arith.constant 32 : index
      %get3A_455 = tpu.vector_load %arg6[%get3A_453, %get3A_454] {strides = array<i32>} : memref<256x64xf32, #tpu.memory_space<vmem>>, vector<1x16xf32>,
      %get3A_456 = vector.shape_cast %get3A_455 : vector<1x16xf32> to vector<16xf32>
      %add3A_457 = arith.addf %add3A_433, %get3A_456 : vector<16xf32>
      %get3A_458 = arith.index_cast %add3A_442 : i32 to index
      %get3A_459 = arith.constant 48 : index
      %get3A_460 = tpu.vector_load %arg6[%get3A_458, %get3A_459] {strides = array<i32>} : memref<256x64xf32, #tpu.memory_space<vmem>>, vector<1x16xf32>,
      %get3A_461 = vector.shape_cast %get3A_460 : vector<1x16xf32> to vector<16xf32>
      %add3A_462 = arith.addf %add3A_438, %get3A_461 : vector<16xf32>
      %mul3A_463 = arith.constant 8 : i32
      %mul3A_464 = arith.muli %scan3A_291, %mul3A_463 : i32
      %add3A_465 = arith.constant 7 : i32
      %add3A_466 = arith.addi %mul3A_464, %add3A_465 : i32
      %get3A_467 = arith.index_cast %add3A_466 : i32 to index
      %get3A_468 = arith.constant 0 : index
      %get3A_469 = tpu.vector_load %arg6[%get3A_467, %get3A_468] {strides = array<i32>} : memref<256x64xf32, #tpu.memory_space<vmem>>, vector<1x16xf32>,
      %get3A_470 = vector.shape_cast %get3A_469 : vector<1x16xf32> to vector<16xf32>
      %add3A_471 = arith.addf %add3A_447, %get3A_470 : vector<16xf32>
      %get3A_472 = arith.index_cast %add3A_466 : i32 to index
      %get3A_473 = arith.constant 16 : index
      %get3A_474 = tpu.vector_load %arg6[%get3A_472, %get3A_473] {strides = array<i32>} : memref<256x64xf32, #tpu.memory_space<vmem>>, vector<1x16xf32>,
      %get3A_475 = vector.shape_cast %get3A_474 : vector<1x16xf32> to vector<16xf32>
      %add3A_476 = arith.addf %add3A_452, %get3A_475 : vector<16xf32>
      %get3A_477 = arith.index_cast %add3A_466 : i32 to index
      %get3A_478 = arith.constant 32 : index
      %get3A_479 = tpu.vector_load %arg6[%get3A_477, %get3A_478] {strides = array<i32>} : memref<256x64xf32, #tpu.memory_space<vmem>>, vector<1x16xf32>,
      %get3A_480 = vector.shape_cast %get3A_479 : vector<1x16xf32> to vector<16xf32>
      %add3A_481 = arith.addf %add3A_457, %get3A_480 : vector<16xf32>
      %get3A_482 = arith.index_cast %add3A_466 : i32 to index
      %get3A_483 = arith.constant 48 : index
      %get3A_484 = tpu.vector_load %arg6[%get3A_482, %get3A_483] {strides = array<i32>} : memref<256x64xf32, #tpu.memory_space<vmem>>, vector<1x16xf32>,
      %get3A_485 = vector.shape_cast %get3A_484 : vector<1x16xf32> to vector<16xf32>
      %add3A_486 = arith.addf %add3A_462, %get3A_485 : vector<16xf32>
      scf.yield %add3A_471, %add3A_476, %add3A_481, %add3A_486 : vector<16xf32>, vector<16xf32>, vector<16xf32>, vector<16xf32>
    }
    %scan3A_66 = arith.constant 32 : i32
    %dma_start3A_67 = arith.constant 0 : i32
    %dma_start3A_68 = tpu.memref_slice %arg2[%add3A_20, %dma_start3A_67] : memref<32768x64xf32, #tpu.memory_space<hbm>> -> memref<256x64xf32, #tpu.memory_space<hbm>>
    %dma_start3A_69 = arith.constant 0 : i32
    %dma_start3A_70 = tpu.memref_slice %arg2[%add3A_20, %dma_start3A_69] : memref<32768x64xf32, #tpu.memory_space<hbm>> -> memref<256x64xf32, #tpu.memory_space<hbm>>
    tpu.enqueue_dma source(%dma_start3A_70 : memref<256x64xf32, #tpu.memory_space<hbm>>) target(%arg6 : memref<256x64xf32, #tpu.memory_space<vmem>>) target_semaphore(%arg12 : memref<!tpu.dma_semaphore, #tpu.memory_space<semaphore_mem>>)
    %dma_wait3A_71 = arith.constant 0 : i32
    %dma_wait3A_72 = tpu.memref_slice %arg2[%add3A_14, %dma_wait3A_71] : memref<32768x64xf32, #tpu.memory_space<hbm>> -> memref<256x64xf32, #tpu.memory_space<hbm>>
    %dma_wait3A_73 = arith.constant 0 : i32
    %dma_wait3A_74 = tpu.memref_slice %arg2[%add3A_14, %dma_wait3A_73] : memref<32768x64xf32, #tpu.memory_space<hbm>> -> memref<256x64xf32, #tpu.memory_space<hbm>>
    tpu.wait_dma2 semaphore(%arg13 : memref<!tpu.dma_semaphore, #tpu.memory_space<semaphore_mem>>) src(%dma_wait3A_74 : memref<256x64xf32, #tpu.memory_space<hbm>>) dst(%arg7 : memref<256x64xf32, #tpu.memory_space<vmem>>)
    %scan3A_75 = arith.constant 0 : i32
    %scan3A_76 = arith.constant 32 : i32
    %scan3A_77 = arith.addi %scan3A_75, %scan3A_76 : i32
    %scan3A_78 = arith.constant 1 : i32
    %scan3A_79:4 = scf.for %scan3A_291 = %scan3A_75 to %scan3A_77 step %scan3A_78 iter_args(%scan3A_292 = %scan3A_65#0, %scan3A_293 = %scan3A_65#1, %scan3A_294 = %scan3A_65#2, %scan3A_295 = %scan3A_65#3) -> (vector<16xf32>, vector<16xf32>, vector<16xf32>, vector<16xf32>)  : i32 {
      %mul3A_296 = arith.constant 8 : i32
      %mul3A_297 = arith.muli %scan3A_291, %mul3A_296 : i32
      %add3A_298 = arith.constant 0 : i32
      %add3A_299 = arith.addi %mul3A_297, %add3A_298 : i32
      %get3A = arith.index_cast %add3A_299 : i32 to index
      %get3A_300 = arith.constant 0 : index
      %get3A_301 = tpu.vector_load %arg7[%get3A, %get3A_300] {strides = array<i32>} : memref<256x64xf32, #tpu.memory_space<vmem>>, vector<1x16xf32>,
      %get3A_302 = vector.shape_cast %get3A_301 : vector<1x16xf32> to vector<16xf32>
      %add3A_303 = arith.addf %scan3A_292, %get3A_302 : vector<16xf32>
      %get3A_304 = arith.index_cast %add3A_299 : i32 to index
      %get3A_305 = arith.constant 16 : index
      %get3A_306 = tpu.vector_load %arg7[%get3A_304, %get3A_305] {strides = array<i32>} : memref<256x64xf32, #tpu.memory_space<vmem>>, vector<1x16xf32>,
      %get3A_307 = vector.shape_cast %get3A_306 : vector<1x16xf32> to vector<16xf32>
      %add3A_308 = arith.addf %scan3A_293, %get3A_307 : vector<16xf32>
      %get3A_309 = arith.index_cast %add3A_299 : i32 to index
      %get3A_310 = arith.constant 32 : index
      %get3A_311 = tpu.vector_load %arg7[%get3A_309, %get3A_310] {strides = array<i32>} : memref<256x64xf32, #tpu.memory_space<vmem>>, vector<1x16xf32>,
      %get3A_312 = vector.shape_cast %get3A_311 : vector<1x16xf32> to vector<16xf32>
      %add3A_313 = arith.addf %scan3A_294, %get3A_312 : vector<16xf32>
      %get3A_314 = arith.index_cast %add3A_299 : i32 to index
      %get3A_315 = arith.constant 48 : index
      %get3A_316 = tpu.vector_load %arg7[%get3A_314, %get3A_315] {strides = array<i32>} : memref<256x64xf32, #tpu.memory_space<vmem>>, vector<1x16xf32>,
      %get3A_317 = vector.shape_cast %get3A_316 : vector<1x16xf32> to vector<16xf32>
      %add3A_318 = arith.addf %scan3A_295, %get3A_317 : vector<16xf32>
      %mul3A_319 = arith.constant 8 : i32
      %mul3A_320 = arith.muli %scan3A_291, %mul3A_319 : i32
      %add3A_321 = arith.constant 1 : i32
      %add3A_322 = arith.addi %mul3A_320, %add3A_321 : i32
      %get3A_323 = arith.index_cast %add3A_322 : i32 to index
      %get3A_324 = arith.constant 0 : index
      %get3A_325 = tpu.vector_load %arg7[%get3A_323, %get3A_324] {strides = array<i32>} : memref<256x64xf32, #tpu.memory_space<vmem>>, vector<1x16xf32>,
      %get3A_326 = vector.shape_cast %get3A_325 : vector<1x16xf32> to vector<16xf32>
      %add3A_327 = arith.addf %add3A_303, %get3A_326 : vector<16xf32>
      %get3A_328 = arith.index_cast %add3A_322 : i32 to index
      %get3A_329 = arith.constant 16 : index
      %get3A_330 = tpu.vector_load %arg7[%get3A_328, %get3A_329] {strides = array<i32>} : memref<256x64xf32, #tpu.memory_space<vmem>>, vector<1x16xf32>,
      %get3A_331 = vector.shape_cast %get3A_330 : vector<1x16xf32> to vector<16xf32>
      %add3A_332 = arith.addf %add3A_308, %get3A_331 : vector<16xf32>
      %get3A_333 = arith.index_cast %add3A_322 : i32 to index
      %get3A_334 = arith.constant 32 : index
      %get3A_335 = tpu.vector_load %arg7[%get3A_333, %get3A_334] {strides = array<i32>} : memref<256x64xf32, #tpu.memory_space<vmem>>, vector<1x16xf32>,
      %get3A_336 = vector.shape_cast %get3A_335 : vector<1x16xf32> to vector<16xf32>
      %add3A_337 = arith.addf %add3A_313, %get3A_336 : vector<16xf32>
      %get3A_338 = arith.index_cast %add3A_322 : i32 to index
      %get3A_339 = arith.constant 48 : index
      %get3A_340 = tpu.vector_load %arg7[%get3A_338, %get3A_339] {strides = array<i32>} : memref<256x64xf32, #tpu.memory_space<vmem>>, vector<1x16xf32>,
      %get3A_341 = vector.shape_cast %get3A_340 : vector<1x16xf32> to vector<16xf32>
      %add3A_342 = arith.addf %add3A_318, %get3A_341 : vector<16xf32>
      %mul3A_343 = arith.constant 8 : i32
      %mul3A_344 = arith.muli %scan3A_291, %mul3A_343 : i32
      %add3A_345 = arith.constant 2 : i32
      %add3A_346 = arith.addi %mul3A_344, %add3A_345 : i32
      %get3A_347 = arith.index_cast %add3A_346 : i32 to index
      %get3A_348 = arith.constant 0 : index
      %get3A_349 = tpu.vector_load %arg7[%get3A_347, %get3A_348] {strides = array<i32>} : memref<256x64xf32, #tpu.memory_space<vmem>>, vector<1x16xf32>,
      %get3A_350 = vector.shape_cast %get3A_349 : vector<1x16xf32> to vector<16xf32>
      %add3A_351 = arith.addf %add3A_327, %get3A_350 : vector<16xf32>
      %get3A_352 = arith.index_cast %add3A_346 : i32 to index
      %get3A_353 = arith.constant 16 : index
      %get3A_354 = tpu.vector_load %arg7[%get3A_352, %get3A_353] {strides = array<i32>} : memref<256x64xf32, #tpu.memory_space<vmem>>, vector<1x16xf32>,
      %get3A_355 = vector.shape_cast %get3A_354 : vector<1x16xf32> to vector<16xf32>
      %add3A_356 = arith.addf %add3A_332, %get3A_355 : vector<16xf32>
      %get3A_357 = arith.index_cast %add3A_346 : i32 to index
      %get3A_358 = arith.constant 32 : index
      %get3A_359 = tpu.vector_load %arg7[%get3A_357, %get3A_358] {strides = array<i32>} : memref<256x64xf32, #tpu.memory_space<vmem>>, vector<1x16xf32>,
      %get3A_360 = vector.shape_cast %get3A_359 : vector<1x16xf32> to vector<16xf32>
      %add3A_361 = arith.addf %add3A_337, %get3A_360 : vector<16xf32>
      %get3A_362 = arith.index_cast %add3A_346 : i32 to index
      %get3A_363 = arith.constant 48 : index
      %get3A_364 = tpu.vector_load %arg7[%get3A_362, %get3A_363] {strides = array<i32>} : memref<256x64xf32, #tpu.memory_space<vmem>>, vector<1x16xf32>,
      %get3A_365 = vector.shape_cast %get3A_364 : vector<1x16xf32> to vector<16xf32>
      %add3A_366 = arith.addf %add3A_342, %get3A_365 : vector<16xf32>
      %mul3A_367 = arith.constant 8 : i32
      %mul3A_368 = arith.muli %scan3A_291, %mul3A_367 : i32
      %add3A_369 = arith.constant 3 : i32
      %add3A_370 = arith.addi %mul3A_368, %add3A_369 : i32
      %get3A_371 = arith.index_cast %add3A_370 : i32 to index
      %get3A_372 = arith.constant 0 : index
      %get3A_373 = tpu.vector_load %arg7[%get3A_371, %get3A_372] {strides = array<i32>} : memref<256x64xf32, #tpu.memory_space<vmem>>, vector<1x16xf32>,
      %get3A_374 = vector.shape_cast %get3A_373 : vector<1x16xf32> to vector<16xf32>
      %add3A_375 = arith.addf %add3A_351, %get3A_374 : vector<16xf32>
      %get3A_376 = arith.index_cast %add3A_370 : i32 to index
      %get3A_377 = arith.constant 16 : index
      %get3A_378 = tpu.vector_load %arg7[%get3A_376, %get3A_377] {strides = array<i32>} : memref<256x64xf32, #tpu.memory_space<vmem>>, vector<1x16xf32>,
      %get3A_379 = vector.shape_cast %get3A_378 : vector<1x16xf32> to vector<16xf32>
      %add3A_380 = arith.addf %add3A_356, %get3A_379 : vector<16xf32>
      %get3A_381 = arith.index_cast %add3A_370 : i32 to index
      %get3A_382 = arith.constant 32 : index
      %get3A_383 = tpu.vector_load %arg7[%get3A_381, %get3A_382] {strides = array<i32>} : memref<256x64xf32, #tpu.memory_space<vmem>>, vector<1x16xf32>,
      %get3A_384 = vector.shape_cast %get3A_383 : vector<1x16xf32> to vector<16xf32>
      %add3A_385 = arith.addf %add3A_361, %get3A_384 : vector<16xf32>
      %get3A_386 = arith.index_cast %add3A_370 : i32 to index
      %get3A_387 = arith.constant 48 : index
      %get3A_388 = tpu.vector_load %arg7[%get3A_386, %get3A_387] {strides = array<i32>} : memref<256x64xf32, #tpu.memory_space<vmem>>, vector<1x16xf32>,
      %get3A_389 = vector.shape_cast %get3A_388 : vector<1x16xf32> to vector<16xf32>
      %add3A_390 = arith.addf %add3A_366, %get3A_389 : vector<16xf32>
      %mul3A_391 = arith.constant 8 : i32
      %mul3A_392 = arith.muli %scan3A_291, %mul3A_391 : i32
      %add3A_393 = arith.constant 4 : i32
      %add3A_394 = arith.addi %mul3A_392, %add3A_393 : i32
      %get3A_395 = arith.index_cast %add3A_394 : i32 to index
      %get3A_396 = arith.constant 0 : index
      %get3A_397 = tpu.vector_load %arg7[%get3A_395, %get3A_396] {strides = array<i32>} : memref<256x64xf32, #tpu.memory_space<vmem>>, vector<1x16xf32>,
      %get3A_398 = vector.shape_cast %get3A_397 : vector<1x16xf32> to vector<16xf32>
      %add3A_399 = arith.addf %add3A_375, %get3A_398 : vector<16xf32>
      %get3A_400 = arith.index_cast %add3A_394 : i32 to index
      %get3A_401 = arith.constant 16 : index
      %get3A_402 = tpu.vector_load %arg7[%get3A_400, %get3A_401] {strides = array<i32>} : memref<256x64xf32, #tpu.memory_space<vmem>>, vector<1x16xf32>,
      %get3A_403 = vector.shape_cast %get3A_402 : vector<1x16xf32> to vector<16xf32>
      %add3A_404 = arith.addf %add3A_380, %get3A_403 : vector<16xf32>
      %get3A_405 = arith.index_cast %add3A_394 : i32 to index
      %get3A_406 = arith.constant 32 : index
      %get3A_407 = tpu.vector_load %arg7[%get3A_405, %get3A_406] {strides = array<i32>} : memref<256x64xf32, #tpu.memory_space<vmem>>, vector<1x16xf32>,
      %get3A_408 = vector.shape_cast %get3A_407 : vector<1x16xf32> to vector<16xf32>
      %add3A_409 = arith.addf %add3A_385, %get3A_408 : vector<16xf32>
      %get3A_410 = arith.index_cast %add3A_394 : i32 to index
      %get3A_411 = arith.constant 48 : index
      %get3A_412 = tpu.vector_load %arg7[%get3A_410, %get3A_411] {strides = array<i32>} : memref<256x64xf32, #tpu.memory_space<vmem>>, vector<1x16xf32>,
      %get3A_413 = vector.shape_cast %get3A_412 : vector<1x16xf32> to vector<16xf32>
      %add3A_414 = arith.addf %add3A_390, %get3A_413 : vector<16xf32>
      %mul3A_415 = arith.constant 8 : i32
      %mul3A_416 = arith.muli %scan3A_291, %mul3A_415 : i32
      %add3A_417 = arith.constant 5 : i32
      %add3A_418 = arith.addi %mul3A_416, %add3A_417 : i32
      %get3A_419 = arith.index_cast %add3A_418 : i32 to index
      %get3A_420 = arith.constant 0 : index
      %get3A_421 = tpu.vector_load %arg7[%get3A_419, %get3A_420] {strides = array<i32>} : memref<256x64xf32, #tpu.memory_space<vmem>>, vector<1x16xf32>,
      %get3A_422 = vector.shape_cast %get3A_421 : vector<1x16xf32> to vector<16xf32>
      %add3A_423 = arith.addf %add3A_399, %get3A_422 : vector<16xf32>
      %get3A_424 = arith.index_cast %add3A_418 : i32 to index
      %get3A_425 = arith.constant 16 : index
      %get3A_426 = tpu.vector_load %arg7[%get3A_424, %get3A_425] {strides = array<i32>} : memref<256x64xf32, #tpu.memory_space<vmem>>, vector<1x16xf32>,
      %get3A_427 = vector.shape_cast %get3A_426 : vector<1x16xf32> to vector<16xf32>
      %add3A_428 = arith.addf %add3A_404, %get3A_427 : vector<16xf32>
      %get3A_429 = arith.index_cast %add3A_418 : i32 to index
      %get3A_430 = arith.constant 32 : index
      %get3A_431 = tpu.vector_load %arg7[%get3A_429, %get3A_430] {strides = array<i32>} : memref<256x64xf32, #tpu.memory_space<vmem>>, vector<1x16xf32>,
      %get3A_432 = vector.shape_cast %get3A_431 : vector<1x16xf32> to vector<16xf32>
      %add3A_433 = arith.addf %add3A_409, %get3A_432 : vector<16xf32>
      %get3A_434 = arith.index_cast %add3A_418 : i32 to index
      %get3A_435 = arith.constant 48 : index
      %get3A_436 = tpu.vector_load %arg7[%get3A_434, %get3A_435] {strides = array<i32>} : memref<256x64xf32, #tpu.memory_space<vmem>>, vector<1x16xf32>,
      %get3A_437 = vector.shape_cast %get3A_436 : vector<1x16xf32> to vector<16xf32>
      %add3A_438 = arith.addf %add3A_414, %get3A_437 : vector<16xf32>
      %mul3A_439 = arith.constant 8 : i32
      %mul3A_440 = arith.muli %scan3A_291, %mul3A_439 : i32
      %add3A_441 = arith.constant 6 : i32
      %add3A_442 = arith.addi %mul3A_440, %add3A_441 : i32
      %get3A_443 = arith.index_cast %add3A_442 : i32 to index
      %get3A_444 = arith.constant 0 : index
      %get3A_445 = tpu.vector_load %arg7[%get3A_443, %get3A_444] {strides = array<i32>} : memref<256x64xf32, #tpu.memory_space<vmem>>, vector<1x16xf32>,
      %get3A_446 = vector.shape_cast %get3A_445 : vector<1x16xf32> to vector<16xf32>
      %add3A_447 = arith.addf %add3A_423, %get3A_446 : vector<16xf32>
      %get3A_448 = arith.index_cast %add3A_442 : i32 to index
      %get3A_449 = arith.constant 16 : index
      %get3A_450 = tpu.vector_load %arg7[%get3A_448, %get3A_449] {strides = array<i32>} : memref<256x64xf32, #tpu.memory_space<vmem>>, vector<1x16xf32>,
      %get3A_451 = vector.shape_cast %get3A_450 : vector<1x16xf32> to vector<16xf32>
      %add3A_452 = arith.addf %add3A_428, %get3A_451 : vector<16xf32>
      %get3A_453 = arith.index_cast %add3A_442 : i32 to index
      %get3A_454 = arith.constant 32 : index
      %get3A_455 = tpu.vector_load %arg7[%get3A_453, %get3A_454] {strides = array<i32>} : memref<256x64xf32, #tpu.memory_space<vmem>>, vector<1x16xf32>,
      %get3A_456 = vector.shape_cast %get3A_455 : vector<1x16xf32> to vector<16xf32>
      %add3A_457 = arith.addf %add3A_433, %get3A_456 : vector<16xf32>
      %get3A_458 = arith.index_cast %add3A_442 : i32 to index
      %get3A_459 = arith.constant 48 : index
      %get3A_460 = tpu.vector_load %arg7[%get3A_458, %get3A_459] {strides = array<i32>} : memref<256x64xf32, #tpu.memory_space<vmem>>, vector<1x16xf32>,
      %get3A_461 = vector.shape_cast %get3A_460 : vector<1x16xf32> to vector<16xf32>
      %add3A_462 = arith.addf %add3A_438, %get3A_461 : vector<16xf32>
      %mul3A_463 = arith.constant 8 : i32
      %mul3A_464 = arith.muli %scan3A_291, %mul3A_463 : i32
      %add3A_465 = arith.constant 7 : i32
      %add3A_466 = arith.addi %mul3A_464, %add3A_465 : i32
      %get3A_467 = arith.index_cast %add3A_466 : i32 to index
      %get3A_468 = arith.constant 0 : index
      %get3A_469 = tpu.vector_load %arg7[%get3A_467, %get3A_468] {strides = array<i32>} : memref<256x64xf32, #tpu.memory_space<vmem>>, vector<1x16xf32>,
      %get3A_470 = vector.shape_cast %get3A_469 : vector<1x16xf32> to vector<16xf32>
      %add3A_471 = arith.addf %add3A_447, %get3A_470 : vector<16xf32>
      %get3A_472 = arith.index_cast %add3A_466 : i32 to index
      %get3A_473 = arith.constant 16 : index
      %get3A_474 = tpu.vector_load %arg7[%get3A_472, %get3A_473] {strides = array<i32>} : memref<256x64xf32, #tpu.memory_space<vmem>>, vector<1x16xf32>,
      %get3A_475 = vector.shape_cast %get3A_474 : vector<1x16xf32> to vector<16xf32>
      %add3A_476 = arith.addf %add3A_452, %get3A_475 : vector<16xf32>
      %get3A_477 = arith.index_cast %add3A_466 : i32 to index
      %get3A_478 = arith.constant 32 : index
      %get3A_479 = tpu.vector_load %arg7[%get3A_477, %get3A_478] {strides = array<i32>} : memref<256x64xf32, #tpu.memory_space<vmem>>, vector<1x16xf32>,
      %get3A_480 = vector.shape_cast %get3A_479 : vector<1x16xf32> to vector<16xf32>
      %add3A_481 = arith.addf %add3A_457, %get3A_480 : vector<16xf32>
      %get3A_482 = arith.index_cast %add3A_466 : i32 to index
      %get3A_483 = arith.constant 48 : index
      %get3A_484 = tpu.vector_load %arg7[%get3A_482, %get3A_483] {strides = array<i32>} : memref<256x64xf32, #tpu.memory_space<vmem>>, vector<1x16xf32>,
      %get3A_485 = vector.shape_cast %get3A_484 : vector<1x16xf32> to vector<16xf32>
      %add3A_486 = arith.addf %add3A_462, %get3A_485 : vector<16xf32>
      scf.yield %add3A_471, %add3A_476, %add3A_481, %add3A_486 : vector<16xf32>, vector<16xf32>, vector<16xf32>, vector<16xf32>
    }
    %scan3A_80 = arith.constant 32 : i32
    %dma_start3A_81 = arith.constant 0 : i32
    %dma_start3A_82 = tpu.memref_slice %arg2[%add3A_22, %dma_start3A_81] : memref<32768x64xf32, #tpu.memory_space<hbm>> -> memref<256x64xf32, #tpu.memory_space<hbm>>
    %dma_start3A_83 = arith.constant 0 : i32
    %dma_start3A_84 = tpu.memref_slice %arg2[%add3A_22, %dma_start3A_83] : memref<32768x64xf32, #tpu.memory_space<hbm>> -> memref<256x64xf32, #tpu.memory_space<hbm>>
    tpu.enqueue_dma source(%dma_start3A_84 : memref<256x64xf32, #tpu.memory_space<hbm>>) target(%arg7 : memref<256x64xf32, #tpu.memory_space<vmem>>) target_semaphore(%arg13 : memref<!tpu.dma_semaphore, #tpu.memory_space<semaphore_mem>>)
    %dma_wait3A_85 = arith.constant 0 : i32
    %dma_wait3A_86 = tpu.memref_slice %arg2[%add3A_18, %dma_wait3A_85] : memref<32768x64xf32, #tpu.memory_space<hbm>> -> memref<256x64xf32, #tpu.memory_space<hbm>>
    %dma_wait3A_87 = arith.constant 0 : i32
    %dma_wait3A_88 = tpu.memref_slice %arg2[%add3A_18, %dma_wait3A_87] : memref<32768x64xf32, #tpu.memory_space<hbm>> -> memref<256x64xf32, #tpu.memory_space<hbm>>
    tpu.wait_dma2 semaphore(%arg11 : memref<!tpu.dma_semaphore, #tpu.memory_space<semaphore_mem>>) src(%dma_wait3A_88 : memref<256x64xf32, #tpu.memory_space<hbm>>) dst(%arg5 : memref<256x64xf32, #tpu.memory_space<vmem>>)
    %scan3A_89 = arith.constant 0 : i32
    %scan3A_90 = arith.constant 32 : i32
    %scan3A_91 = arith.addi %scan3A_89, %scan3A_90 : i32
    %scan3A_92 = arith.constant 1 : i32
    %scan3A_93:4 = scf.for %scan3A_291 = %scan3A_89 to %scan3A_91 step %scan3A_92 iter_args(%scan3A_292 = %scan3A_79#0, %scan3A_293 = %scan3A_79#1, %scan3A_294 = %scan3A_79#2, %scan3A_295 = %scan3A_79#3) -> (vector<16xf32>, vector<16xf32>, vector<16xf32>, vector<16xf32>)  : i32 {
      %mul3A_296 = arith.constant 8 : i32
      %mul3A_297 = arith.muli %scan3A_291, %mul3A_296 : i32
      %add3A_298 = arith.constant 0 : i32
      %add3A_299 = arith.addi %mul3A_297, %add3A_298 : i32
      %get3A = arith.index_cast %add3A_299 : i32 to index
      %get3A_300 = arith.constant 0 : index
      %get3A_301 = tpu.vector_load %arg5[%get3A, %get3A_300] {strides = array<i32>} : memref<256x64xf32, #tpu.memory_space<vmem>>, vector<1x16xf32>,
      %get3A_302 = vector.shape_cast %get3A_301 : vector<1x16xf32> to vector<16xf32>
      %add3A_303 = arith.addf %scan3A_292, %get3A_302 : vector<16xf32>
      %get3A_304 = arith.index_cast %add3A_299 : i32 to index
      %get3A_305 = arith.constant 16 : index
      %get3A_306 = tpu.vector_load %arg5[%get3A_304, %get3A_305] {strides = array<i32>} : memref<256x64xf32, #tpu.memory_space<vmem>>, vector<1x16xf32>,
      %get3A_307 = vector.shape_cast %get3A_306 : vector<1x16xf32> to vector<16xf32>
      %add3A_308 = arith.addf %scan3A_293, %get3A_307 : vector<16xf32>
      %get3A_309 = arith.index_cast %add3A_299 : i32 to index
      %get3A_310 = arith.constant 32 : index
      %get3A_311 = tpu.vector_load %arg5[%get3A_309, %get3A_310] {strides = array<i32>} : memref<256x64xf32, #tpu.memory_space<vmem>>, vector<1x16xf32>,
      %get3A_312 = vector.shape_cast %get3A_311 : vector<1x16xf32> to vector<16xf32>
      %add3A_313 = arith.addf %scan3A_294, %get3A_312 : vector<16xf32>
      %get3A_314 = arith.index_cast %add3A_299 : i32 to index
      %get3A_315 = arith.constant 48 : index
      %get3A_316 = tpu.vector_load %arg5[%get3A_314, %get3A_315] {strides = array<i32>} : memref<256x64xf32, #tpu.memory_space<vmem>>, vector<1x16xf32>,
      %get3A_317 = vector.shape_cast %get3A_316 : vector<1x16xf32> to vector<16xf32>
      %add3A_318 = arith.addf %scan3A_295, %get3A_317 : vector<16xf32>
      %mul3A_319 = arith.constant 8 : i32
      %mul3A_320 = arith.muli %scan3A_291, %mul3A_319 : i32
      %add3A_321 = arith.constant 1 : i32
      %add3A_322 = arith.addi %mul3A_320, %add3A_321 : i32
      %get3A_323 = arith.index_cast %add3A_322 : i32 to index
      %get3A_324 = arith.constant 0 : index
      %get3A_325 = tpu.vector_load %arg5[%get3A_323, %get3A_324] {strides = array<i32>} : memref<256x64xf32, #tpu.memory_space<vmem>>, vector<1x16xf32>,
      %get3A_326 = vector.shape_cast %get3A_325 : vector<1x16xf32> to vector<16xf32>
      %add3A_327 = arith.addf %add3A_303, %get3A_326 : vector<16xf32>
      %get3A_328 = arith.index_cast %add3A_322 : i32 to index
      %get3A_329 = arith.constant 16 : index
      %get3A_330 = tpu.vector_load %arg5[%get3A_328, %get3A_329] {strides = array<i32>} : memref<256x64xf32, #tpu.memory_space<vmem>>, vector<1x16xf32>,
      %get3A_331 = vector.shape_cast %get3A_330 : vector<1x16xf32> to vector<16xf32>
      %add3A_332 = arith.addf %add3A_308, %get3A_331 : vector<16xf32>
      %get3A_333 = arith.index_cast %add3A_322 : i32 to index
      %get3A_334 = arith.constant 32 : index
      %get3A_335 = tpu.vector_load %arg5[%get3A_333, %get3A_334] {strides = array<i32>} : memref<256x64xf32, #tpu.memory_space<vmem>>, vector<1x16xf32>,
      %get3A_336 = vector.shape_cast %get3A_335 : vector<1x16xf32> to vector<16xf32>
      %add3A_337 = arith.addf %add3A_313, %get3A_336 : vector<16xf32>
      %get3A_338 = arith.index_cast %add3A_322 : i32 to index
      %get3A_339 = arith.constant 48 : index
      %get3A_340 = tpu.vector_load %arg5[%get3A_338, %get3A_339] {strides = array<i32>} : memref<256x64xf32, #tpu.memory_space<vmem>>, vector<1x16xf32>,
      %get3A_341 = vector.shape_cast %get3A_340 : vector<1x16xf32> to vector<16xf32>
      %add3A_342 = arith.addf %add3A_318, %get3A_341 : vector<16xf32>
      %mul3A_343 = arith.constant 8 : i32
      %mul3A_344 = arith.muli %scan3A_291, %mul3A_343 : i32
      %add3A_345 = arith.constant 2 : i32
      %add3A_346 = arith.addi %mul3A_344, %add3A_345 : i32
      %get3A_347 = arith.index_cast %add3A_346 : i32 to index
      %get3A_348 = arith.constant 0 : index
      %get3A_349 = tpu.vector_load %arg5[%get3A_347, %get3A_348] {strides = array<i32>} : memref<256x64xf32, #tpu.memory_space<vmem>>, vector<1x16xf32>,
      %get3A_350 = vector.shape_cast %get3A_349 : vector<1x16xf32> to vector<16xf32>
      %add3A_351 = arith.addf %add3A_327, %get3A_350 : vector<16xf32>
      %get3A_352 = arith.index_cast %add3A_346 : i32 to index
      %get3A_353 = arith.constant 16 : index
      %get3A_354 = tpu.vector_load %arg5[%get3A_352, %get3A_353] {strides = array<i32>} : memref<256x64xf32, #tpu.memory_space<vmem>>, vector<1x16xf32>,
      %get3A_355 = vector.shape_cast %get3A_354 : vector<1x16xf32> to vector<16xf32>
      %add3A_356 = arith.addf %add3A_332, %get3A_355 : vector<16xf32>
      %get3A_357 = arith.index_cast %add3A_346 : i32 to index
      %get3A_358 = arith.constant 32 : index
      %get3A_359 = tpu.vector_load %arg5[%get3A_357, %get3A_358] {strides = array<i32>} : memref<256x64xf32, #tpu.memory_space<vmem>>, vector<1x16xf32>,
      %get3A_360 = vector.shape_cast %get3A_359 : vector<1x16xf32> to vector<16xf32>
      %add3A_361 = arith.addf %add3A_337, %get3A_360 : vector<16xf32>
      %get3A_362 = arith.index_cast %add3A_346 : i32 to index
      %get3A_363 = arith.constant 48 : index
      %get3A_364 = tpu.vector_load %arg5[%get3A_362, %get3A_363] {strides = array<i32>} : memref<256x64xf32, #tpu.memory_space<vmem>>, vector<1x16xf32>,
      %get3A_365 = vector.shape_cast %get3A_364 : vector<1x16xf32> to vector<16xf32>
      %add3A_366 = arith.addf %add3A_342, %get3A_365 : vector<16xf32>
      %mul3A_367 = arith.constant 8 : i32
      %mul3A_368 = arith.muli %scan3A_291, %mul3A_367 : i32
      %add3A_369 = arith.constant 3 : i32
      %add3A_370 = arith.addi %mul3A_368, %add3A_369 : i32
      %get3A_371 = arith.index_cast %add3A_370 : i32 to index
      %get3A_372 = arith.constant 0 : index
      %get3A_373 = tpu.vector_load %arg5[%get3A_371, %get3A_372] {strides = array<i32>} : memref<256x64xf32, #tpu.memory_space<vmem>>, vector<1x16xf32>,
      %get3A_374 = vector.shape_cast %get3A_373 : vector<1x16xf32> to vector<16xf32>
      %add3A_375 = arith.addf %add3A_351, %get3A_374 : vector<16xf32>
      %get3A_376 = arith.index_cast %add3A_370 : i32 to index
      %get3A_377 = arith.constant 16 : index
      %get3A_378 = tpu.vector_load %arg5[%get3A_376, %get3A_377] {strides = array<i32>} : memref<256x64xf32, #tpu.memory_space<vmem>>, vector<1x16xf32>,
      %get3A_379 = vector.shape_cast %get3A_378 : vector<1x16xf32> to vector<16xf32>
      %add3A_380 = arith.addf %add3A_356, %get3A_379 : vector<16xf32>
      %get3A_381 = arith.index_cast %add3A_370 : i32 to index
      %get3A_382 = arith.constant 32 : index
      %get3A_383 = tpu.vector_load %arg5[%get3A_381, %get3A_382] {strides = array<i32>} : memref<256x64xf32, #tpu.memory_space<vmem>>, vector<1x16xf32>,
      %get3A_384 = vector.shape_cast %get3A_383 : vector<1x16xf32> to vector<16xf32>
      %add3A_385 = arith.addf %add3A_361, %get3A_384 : vector<16xf32>
      %get3A_386 = arith.index_cast %add3A_370 : i32 to index
      %get3A_387 = arith.constant 48 : index
      %get3A_388 = tpu.vector_load %arg5[%get3A_386, %get3A_387] {strides = array<i32>} : memref<256x64xf32, #tpu.memory_space<vmem>>, vector<1x16xf32>,
      %get3A_389 = vector.shape_cast %get3A_388 : vector<1x16xf32> to vector<16xf32>
      %add3A_390 = arith.addf %add3A_366, %get3A_389 : vector<16xf32>
      %mul3A_391 = arith.constant 8 : i32
      %mul3A_392 = arith.muli %scan3A_291, %mul3A_391 : i32
      %add3A_393 = arith.constant 4 : i32
      %add3A_394 = arith.addi %mul3A_392, %add3A_393 : i32
      %get3A_395 = arith.index_cast %add3A_394 : i32 to index
      %get3A_396 = arith.constant 0 : index
      %get3A_397 = tpu.vector_load %arg5[%get3A_395, %get3A_396] {strides = array<i32>} : memref<256x64xf32, #tpu.memory_space<vmem>>, vector<1x16xf32>,
      %get3A_398 = vector.shape_cast %get3A_397 : vector<1x16xf32> to vector<16xf32>
      %add3A_399 = arith.addf %add3A_375, %get3A_398 : vector<16xf32>
      %get3A_400 = arith.index_cast %add3A_394 : i32 to index
      %get3A_401 = arith.constant 16 : index
      %get3A_402 = tpu.vector_load %arg5[%get3A_400, %get3A_401] {strides = array<i32>} : memref<256x64xf32, #tpu.memory_space<vmem>>, vector<1x16xf32>,
      %get3A_403 = vector.shape_cast %get3A_402 : vector<1x16xf32> to vector<16xf32>
      %add3A_404 = arith.addf %add3A_380, %get3A_403 : vector<16xf32>
      %get3A_405 = arith.index_cast %add3A_394 : i32 to index
      %get3A_406 = arith.constant 32 : index
      %get3A_407 = tpu.vector_load %arg5[%get3A_405, %get3A_406] {strides = array<i32>} : memref<256x64xf32, #tpu.memory_space<vmem>>, vector<1x16xf32>,
      %get3A_408 = vector.shape_cast %get3A_407 : vector<1x16xf32> to vector<16xf32>
      %add3A_409 = arith.addf %add3A_385, %get3A_408 : vector<16xf32>
      %get3A_410 = arith.index_cast %add3A_394 : i32 to index
      %get3A_411 = arith.constant 48 : index
      %get3A_412 = tpu.vector_load %arg5[%get3A_410, %get3A_411] {strides = array<i32>} : memref<256x64xf32, #tpu.memory_space<vmem>>, vector<1x16xf32>,
      %get3A_413 = vector.shape_cast %get3A_412 : vector<1x16xf32> to vector<16xf32>
      %add3A_414 = arith.addf %add3A_390, %get3A_413 : vector<16xf32>
      %mul3A_415 = arith.constant 8 : i32
      %mul3A_416 = arith.muli %scan3A_291, %mul3A_415 : i32
      %add3A_417 = arith.constant 5 : i32
      %add3A_418 = arith.addi %mul3A_416, %add3A_417 : i32
      %get3A_419 = arith.index_cast %add3A_418 : i32 to index
      %get3A_420 = arith.constant 0 : index
      %get3A_421 = tpu.vector_load %arg5[%get3A_419, %get3A_420] {strides = array<i32>} : memref<256x64xf32, #tpu.memory_space<vmem>>, vector<1x16xf32>,
      %get3A_422 = vector.shape_cast %get3A_421 : vector<1x16xf32> to vector<16xf32>
      %add3A_423 = arith.addf %add3A_399, %get3A_422 : vector<16xf32>
      %get3A_424 = arith.index_cast %add3A_418 : i32 to index
      %get3A_425 = arith.constant 16 : index
      %get3A_426 = tpu.vector_load %arg5[%get3A_424, %get3A_425] {strides = array<i32>} : memref<256x64xf32, #tpu.memory_space<vmem>>, vector<1x16xf32>,
      %get3A_427 = vector.shape_cast %get3A_426 : vector<1x16xf32> to vector<16xf32>
      %add3A_428 = arith.addf %add3A_404, %get3A_427 : vector<16xf32>
      %get3A_429 = arith.index_cast %add3A_418 : i32 to index
      %get3A_430 = arith.constant 32 : index
      %get3A_431 = tpu.vector_load %arg5[%get3A_429, %get3A_430] {strides = array<i32>} : memref<256x64xf32, #tpu.memory_space<vmem>>, vector<1x16xf32>,
      %get3A_432 = vector.shape_cast %get3A_431 : vector<1x16xf32> to vector<16xf32>
      %add3A_433 = arith.addf %add3A_409, %get3A_432 : vector<16xf32>
      %get3A_434 = arith.index_cast %add3A_418 : i32 to index
      %get3A_435 = arith.constant 48 : index
      %get3A_436 = tpu.vector_load %arg5[%get3A_434, %get3A_435] {strides = array<i32>} : memref<256x64xf32, #tpu.memory_space<vmem>>, vector<1x16xf32>,
      %get3A_437 = vector.shape_cast %get3A_436 : vector<1x16xf32> to vector<16xf32>
      %add3A_438 = arith.addf %add3A_414, %get3A_437 : vector<16xf32>
      %mul3A_439 = arith.constant 8 : i32
      %mul3A_440 = arith.muli %scan3A_291, %mul3A_439 : i32
      %add3A_441 = arith.constant 6 : i32
      %add3A_442 = arith.addi %mul3A_440, %add3A_441 : i32
      %get3A_443 = arith.index_cast %add3A_442 : i32 to index
      %get3A_444 = arith.constant 0 : index
      %get3A_445 = tpu.vector_load %arg5[%get3A_443, %get3A_444] {strides = array<i32>} : memref<256x64xf32, #tpu.memory_space<vmem>>, vector<1x16xf32>,
      %get3A_446 = vector.shape_cast %get3A_445 : vector<1x16xf32> to vector<16xf32>
      %add3A_447 = arith.addf %add3A_423, %get3A_446 : vector<16xf32>
      %get3A_448 = arith.index_cast %add3A_442 : i32 to index
      %get3A_449 = arith.constant 16 : index
      %get3A_450 = tpu.vector_load %arg5[%get3A_448, %get3A_449] {strides = array<i32>} : memref<256x64xf32, #tpu.memory_space<vmem>>, vector<1x16xf32>,
      %get3A_451 = vector.shape_cast %get3A_450 : vector<1x16xf32> to vector<16xf32>
      %add3A_452 = arith.addf %add3A_428, %get3A_451 : vector<16xf32>
      %get3A_453 = arith.index_cast %add3A_442 : i32 to index
      %get3A_454 = arith.constant 32 : index
      %get3A_455 = tpu.vector_load %arg5[%get3A_453, %get3A_454] {strides = array<i32>} : memref<256x64xf32, #tpu.memory_space<vmem>>, vector<1x16xf32>,
      %get3A_456 = vector.shape_cast %get3A_455 : vector<1x16xf32> to vector<16xf32>
      %add3A_457 = arith.addf %add3A_433, %get3A_456 : vector<16xf32>
      %get3A_458 = arith.index_cast %add3A_442 : i32 to index
      %get3A_459 = arith.constant 48 : index
      %get3A_460 = tpu.vector_load %arg5[%get3A_458, %get3A_459] {strides = array<i32>} : memref<256x64xf32, #tpu.memory_space<vmem>>, vector<1x16xf32>,
      %get3A_461 = vector.shape_cast %get3A_460 : vector<1x16xf32> to vector<16xf32>
      %add3A_462 = arith.addf %add3A_438, %get3A_461 : vector<16xf32>
      %mul3A_463 = arith.constant 8 : i32
      %mul3A_464 = arith.muli %scan3A_291, %mul3A_463 : i32
      %add3A_465 = arith.constant 7 : i32
      %add3A_466 = arith.addi %mul3A_464, %add3A_465 : i32
      %get3A_467 = arith.index_cast %add3A_466 : i32 to index
      %get3A_468 = arith.constant 0 : index
      %get3A_469 = tpu.vector_load %arg5[%get3A_467, %get3A_468] {strides = array<i32>} : memref<256x64xf32, #tpu.memory_space<vmem>>, vector<1x16xf32>,
      %get3A_470 = vector.shape_cast %get3A_469 : vector<1x16xf32> to vector<16xf32>
      %add3A_471 = arith.addf %add3A_447, %get3A_470 : vector<16xf32>
      %get3A_472 = arith.index_cast %add3A_466 : i32 to index
      %get3A_473 = arith.constant 16 : index
      %get3A_474 = tpu.vector_load %arg5[%get3A_472, %get3A_473] {strides = array<i32>} : memref<256x64xf32, #tpu.memory_space<vmem>>, vector<1x16xf32>,
      %get3A_475 = vector.shape_cast %get3A_474 : vector<1x16xf32> to vector<16xf32>
      %add3A_476 = arith.addf %add3A_452, %get3A_475 : vector<16xf32>
      %get3A_477 = arith.index_cast %add3A_466 : i32 to index
      %get3A_478 = arith.constant 32 : index
      %get3A_479 = tpu.vector_load %arg5[%get3A_477, %get3A_478] {strides = array<i32>} : memref<256x64xf32, #tpu.memory_space<vmem>>, vector<1x16xf32>,
      %get3A_480 = vector.shape_cast %get3A_479 : vector<1x16xf32> to vector<16xf32>
      %add3A_481 = arith.addf %add3A_457, %get3A_480 : vector<16xf32>
      %get3A_482 = arith.index_cast %add3A_466 : i32 to index
      %get3A_483 = arith.constant 48 : index
      %get3A_484 = tpu.vector_load %arg5[%get3A_482, %get3A_483] {strides = array<i32>} : memref<256x64xf32, #tpu.memory_space<vmem>>, vector<1x16xf32>,
      %get3A_485 = vector.shape_cast %get3A_484 : vector<1x16xf32> to vector<16xf32>
      %add3A_486 = arith.addf %add3A_462, %get3A_485 : vector<16xf32>
      scf.yield %add3A_471, %add3A_476, %add3A_481, %add3A_486 : vector<16xf32>, vector<16xf32>, vector<16xf32>, vector<16xf32>
    }
    %scan3A_94 = arith.constant 32 : i32
    %dma_start3A_95 = arith.constant 0 : i32
    %dma_start3A_96 = tpu.memref_slice %arg2[%add3A_24, %dma_start3A_95] : memref<32768x64xf32, #tpu.memory_space<hbm>> -> memref<256x64xf32, #tpu.memory_space<hbm>>
    %dma_start3A_97 = arith.constant 0 : i32
    %dma_start3A_98 = tpu.memref_slice %arg2[%add3A_24, %dma_start3A_97] : memref<32768x64xf32, #tpu.memory_space<hbm>> -> memref<256x64xf32, #tpu.memory_space<hbm>>
    tpu.enqueue_dma source(%dma_start3A_98 : memref<256x64xf32, #tpu.memory_space<hbm>>) target(%arg5 : memref<256x64xf32, #tpu.memory_space<vmem>>) target_semaphore(%arg11 : memref<!tpu.dma_semaphore, #tpu.memory_space<semaphore_mem>>)
    %swap3A = arith.constant 0 : index
    %swap3A_99 = tpu.vector_load %arg9[%swap3A] {strides = array<i32>} : memref<64xf32, #tpu.memory_space<vmem>>, vector<16xf32>,
    %swap3A_100 = vector.shape_cast %swap3A_99 : vector<16xf32> to vector<16xf32>
    %swap3A_101 = vector.shape_cast %scan3A_93#0 : vector<16xf32> to vector<16xf32>
    tpu.vector_store %arg9[%swap3A], %swap3A_101 {strides = array<i32>} : memref<64xf32, #tpu.memory_space<vmem>>, vector<16xf32>,
    %swap3A_102 = arith.constant 16 : index
    %swap3A_103 = tpu.vector_load %arg9[%swap3A_102] {strides = array<i32>} : memref<64xf32, #tpu.memory_space<vmem>>, vector<16xf32>,
    %swap3A_104 = vector.shape_cast %swap3A_103 : vector<16xf32> to vector<16xf32>
    %swap3A_105 = vector.shape_cast %scan3A_93#1 : vector<16xf32> to vector<16xf32>
    tpu.vector_store %arg9[%swap3A_102], %swap3A_105 {strides = array<i32>} : memref<64xf32, #tpu.memory_space<vmem>>, vector<16xf32>,
    %swap3A_106 = arith.constant 32 : index
    %swap3A_107 = tpu.vector_load %arg9[%swap3A_106] {strides = array<i32>} : memref<64xf32, #tpu.memory_space<vmem>>, vector<16xf32>,
    %swap3A_108 = vector.shape_cast %swap3A_107 : vector<16xf32> to vector<16xf32>
    %swap3A_109 = vector.shape_cast %scan3A_93#2 : vector<16xf32> to vector<16xf32>
    tpu.vector_store %arg9[%swap3A_106], %swap3A_109 {strides = array<i32>} : memref<64xf32, #tpu.memory_space<vmem>>, vector<16xf32>,
    %swap3A_110 = arith.constant 48 : index
    %swap3A_111 = tpu.vector_load %arg9[%swap3A_110] {strides = array<i32>} : memref<64xf32, #tpu.memory_space<vmem>>, vector<16xf32>,
    %swap3A_112 = vector.shape_cast %swap3A_111 : vector<16xf32> to vector<16xf32>
    %swap3A_113 = vector.shape_cast %scan3A_93#3 : vector<16xf32> to vector<16xf32>
    tpu.vector_store %arg9[%swap3A_110], %swap3A_113 {strides = array<i32>} : memref<64xf32, #tpu.memory_space<vmem>>, vector<16xf32>,
    %add3A_114 = arith.constant 32 : i32
    %add3A_115 = arith.addi %add3A_114, %arg1 : i32
    "tpu.region"() ({
      %run_scoped3A = tpu.sem_alloc : memref<!tpu.dma_semaphore, #tpu.memory_space<semaphore_mem>>
      %dma_start3A_291 = arith.constant 0 : i32
      %dma_start3A_292 = tpu.memref_slice %arg4[%add3A_115, %dma_start3A_291] : memref<48x64xf32, #tpu.memory_space<hbm>> -> memref<1x64xf32, #tpu.memory_space<hbm>>
      %dma_start3A_293 = tpu.memref_squeeze %dma_start3A_292 : memref<1x64xf32, #tpu.memory_space<hbm>> -> memref<64xf32, #tpu.memory_space<hbm>>
      %dma_start3A_294 = arith.constant 0 : i32
      %dma_start3A_295 = tpu.memref_slice %arg4[%add3A_115, %dma_start3A_294] : memref<48x64xf32, #tpu.memory_space<hbm>> -> memref<1x64xf32, #tpu.memory_space<hbm>>
      %dma_start3A_296 = tpu.memref_squeeze %dma_start3A_295 : memref<1x64xf32, #tpu.memory_space<hbm>> -> memref<64xf32, #tpu.memory_space<hbm>>
      tpu.enqueue_dma source(%arg9 : memref<64xf32, #tpu.memory_space<vmem>>) target(%dma_start3A_296 : memref<64xf32, #tpu.memory_space<hbm>>) target_semaphore(%run_scoped3A : memref<!tpu.dma_semaphore, #tpu.memory_space<semaphore_mem>>)
      %dma_wait3A_297 = arith.constant 0 : i32
      %dma_wait3A_298 = tpu.memref_slice %arg4[%add3A_115, %dma_wait3A_297] : memref<48x64xf32, #tpu.memory_space<hbm>> -> memref<1x64xf32, #tpu.memory_space<hbm>>
      %dma_wait3A_299 = tpu.memref_squeeze %dma_wait3A_298 : memref<1x64xf32, #tpu.memory_space<hbm>> -> memref<64xf32, #tpu.memory_space<hbm>>
      %dma_wait3A_300 = arith.constant 0 : i32
      %dma_wait3A_301 = tpu.memref_slice %arg4[%add3A_115, %dma_wait3A_300] : memref<48x64xf32, #tpu.memory_space<hbm>> -> memref<1x64xf32, #tpu.memory_space<hbm>>
      %dma_wait3A_302 = tpu.memref_squeeze %dma_wait3A_301 : memref<1x64xf32, #tpu.memory_space<hbm>> -> memref<64xf32, #tpu.memory_space<hbm>>
      tpu.wait_dma2 semaphore(%run_scoped3A : memref<!tpu.dma_semaphore, #tpu.memory_space<semaphore_mem>>) src(%arg9 : memref<64xf32, #tpu.memory_space<vmem>>) dst(%dma_wait3A_302 : memref<64xf32, #tpu.memory_space<hbm>>)
      tpu.yield
    }) : () -> ()
    "tpu.trace_stop"() : () -> ()
    "tpu.trace_start"() <{level = 10 : i32, message = "pass2_sum_own"}> : () -> ()
    %dma_wait3A_116 = arith.constant 0 : i32
    %dma_wait3A_117 = tpu.memref_slice %arg2[%add3A_20, %dma_wait3A_116] : memref<32768x64xf32, #tpu.memory_space<hbm>> -> memref<256x64xf32, #tpu.memory_space<hbm>>
    %dma_wait3A_118 = arith.constant 0 : i32
    %dma_wait3A_119 = tpu.memref_slice %arg2[%add3A_20, %dma_wait3A_118] : memref<32768x64xf32, #tpu.memory_space<hbm>> -> memref<256x64xf32, #tpu.memory_space<hbm>>
    tpu.wait_dma2 semaphore(%arg12 : memref<!tpu.dma_semaphore, #tpu.memory_space<semaphore_mem>>) src(%dma_wait3A_119 : memref<256x64xf32, #tpu.memory_space<hbm>>) dst(%arg6 : memref<256x64xf32, #tpu.memory_space<vmem>>)
    %scan3A_120 = arith.constant 0 : i32
    %scan3A_121 = arith.constant 32 : i32
    %scan3A_122 = arith.addi %scan3A_120, %scan3A_121 : i32
    %scan3A_123 = arith.constant 1 : i32
    %scan3A_124:4 = scf.for %scan3A_291 = %scan3A_120 to %scan3A_122 step %scan3A_123 iter_args(%scan3A_292 = %broadcast_in_dim3A_27, %scan3A_293 = %broadcast_in_dim3A_29, %scan3A_294 = %broadcast_in_dim3A_31, %scan3A_295 = %broadcast_in_dim3A_33) -> (vector<16xf32>, vector<16xf32>, vector<16xf32>, vector<16xf32>)  : i32 {
      %mul3A_296 = arith.constant 8 : i32
      %mul3A_297 = arith.muli %scan3A_291, %mul3A_296 : i32
      %add3A_298 = arith.constant 0 : i32
      %add3A_299 = arith.addi %mul3A_297, %add3A_298 : i32
      %get3A = arith.index_cast %add3A_299 : i32 to index
      %get3A_300 = arith.constant 0 : index
      %get3A_301 = tpu.vector_load %arg6[%get3A, %get3A_300] {strides = array<i32>} : memref<256x64xf32, #tpu.memory_space<vmem>>, vector<1x16xf32>,
      %get3A_302 = vector.shape_cast %get3A_301 : vector<1x16xf32> to vector<16xf32>
      %add3A_303 = arith.addf %scan3A_292, %get3A_302 : vector<16xf32>
      %get3A_304 = arith.index_cast %add3A_299 : i32 to index
      %get3A_305 = arith.constant 16 : index
      %get3A_306 = tpu.vector_load %arg6[%get3A_304, %get3A_305] {strides = array<i32>} : memref<256x64xf32, #tpu.memory_space<vmem>>, vector<1x16xf32>,
      %get3A_307 = vector.shape_cast %get3A_306 : vector<1x16xf32> to vector<16xf32>
      %add3A_308 = arith.addf %scan3A_293, %get3A_307 : vector<16xf32>
      %get3A_309 = arith.index_cast %add3A_299 : i32 to index
      %get3A_310 = arith.constant 32 : index
      %get3A_311 = tpu.vector_load %arg6[%get3A_309, %get3A_310] {strides = array<i32>} : memref<256x64xf32, #tpu.memory_space<vmem>>, vector<1x16xf32>,
      %get3A_312 = vector.shape_cast %get3A_311 : vector<1x16xf32> to vector<16xf32>
      %add3A_313 = arith.addf %scan3A_294, %get3A_312 : vector<16xf32>
      %get3A_314 = arith.index_cast %add3A_299 : i32 to index
      %get3A_315 = arith.constant 48 : index
      %get3A_316 = tpu.vector_load %arg6[%get3A_314, %get3A_315] {strides = array<i32>} : memref<256x64xf32, #tpu.memory_space<vmem>>, vector<1x16xf32>,
      %get3A_317 = vector.shape_cast %get3A_316 : vector<1x16xf32> to vector<16xf32>
      %add3A_318 = arith.addf %scan3A_295, %get3A_317 : vector<16xf32>
      %mul3A_319 = arith.constant 8 : i32
      %mul3A_320 = arith.muli %scan3A_291, %mul3A_319 : i32
      %add3A_321 = arith.constant 1 : i32
      %add3A_322 = arith.addi %mul3A_320, %add3A_321 : i32
      %get3A_323 = arith.index_cast %add3A_322 : i32 to index
      %get3A_324 = arith.constant 0 : index
      %get3A_325 = tpu.vector_load %arg6[%get3A_323, %get3A_324] {strides = array<i32>} : memref<256x64xf32, #tpu.memory_space<vmem>>, vector<1x16xf32>,
      %get3A_326 = vector.shape_cast %get3A_325 : vector<1x16xf32> to vector<16xf32>
      %add3A_327 = arith.addf %add3A_303, %get3A_326 : vector<16xf32>
      %get3A_328 = arith.index_cast %add3A_322 : i32 to index
      %get3A_329 = arith.constant 16 : index
      %get3A_330 = tpu.vector_load %arg6[%get3A_328, %get3A_329] {strides = array<i32>} : memref<256x64xf32, #tpu.memory_space<vmem>>, vector<1x16xf32>,
      %get3A_331 = vector.shape_cast %get3A_330 : vector<1x16xf32> to vector<16xf32>
      %add3A_332 = arith.addf %add3A_308, %get3A_331 : vector<16xf32>
      %get3A_333 = arith.index_cast %add3A_322 : i32 to index
      %get3A_334 = arith.constant 32 : index
      %get3A_335 = tpu.vector_load %arg6[%get3A_333, %get3A_334] {strides = array<i32>} : memref<256x64xf32, #tpu.memory_space<vmem>>, vector<1x16xf32>,
      %get3A_336 = vector.shape_cast %get3A_335 : vector<1x16xf32> to vector<16xf32>
      %add3A_337 = arith.addf %add3A_313, %get3A_336 : vector<16xf32>
      %get3A_338 = arith.index_cast %add3A_322 : i32 to index
      %get3A_339 = arith.constant 48 : index
      %get3A_340 = tpu.vector_load %arg6[%get3A_338, %get3A_339] {strides = array<i32>} : memref<256x64xf32, #tpu.memory_space<vmem>>, vector<1x16xf32>,
      %get3A_341 = vector.shape_cast %get3A_340 : vector<1x16xf32> to vector<16xf32>
      %add3A_342 = arith.addf %add3A_318, %get3A_341 : vector<16xf32>
      %mul3A_343 = arith.constant 8 : i32
      %mul3A_344 = arith.muli %scan3A_291, %mul3A_343 : i32
      %add3A_345 = arith.constant 2 : i32
      %add3A_346 = arith.addi %mul3A_344, %add3A_345 : i32
      %get3A_347 = arith.index_cast %add3A_346 : i32 to index
      %get3A_348 = arith.constant 0 : index
      %get3A_349 = tpu.vector_load %arg6[%get3A_347, %get3A_348] {strides = array<i32>} : memref<256x64xf32, #tpu.memory_space<vmem>>, vector<1x16xf32>,
      %get3A_350 = vector.shape_cast %get3A_349 : vector<1x16xf32> to vector<16xf32>
      %add3A_351 = arith.addf %add3A_327, %get3A_350 : vector<16xf32>
      %get3A_352 = arith.index_cast %add3A_346 : i32 to index
      %get3A_353 = arith.constant 16 : index
      %get3A_354 = tpu.vector_load %arg6[%get3A_352, %get3A_353] {strides = array<i32>} : memref<256x64xf32, #tpu.memory_space<vmem>>, vector<1x16xf32>,
      %get3A_355 = vector.shape_cast %get3A_354 : vector<1x16xf32> to vector<16xf32>
      %add3A_356 = arith.addf %add3A_332, %get3A_355 : vector<16xf32>
      %get3A_357 = arith.index_cast %add3A_346 : i32 to index
      %get3A_358 = arith.constant 32 : index
      %get3A_359 = tpu.vector_load %arg6[%get3A_357, %get3A_358] {strides = array<i32>} : memref<256x64xf32, #tpu.memory_space<vmem>>, vector<1x16xf32>,
      %get3A_360 = vector.shape_cast %get3A_359 : vector<1x16xf32> to vector<16xf32>
      %add3A_361 = arith.addf %add3A_337, %get3A_360 : vector<16xf32>
      %get3A_362 = arith.index_cast %add3A_346 : i32 to index
      %get3A_363 = arith.constant 48 : index
      %get3A_364 = tpu.vector_load %arg6[%get3A_362, %get3A_363] {strides = array<i32>} : memref<256x64xf32, #tpu.memory_space<vmem>>, vector<1x16xf32>,
      %get3A_365 = vector.shape_cast %get3A_364 : vector<1x16xf32> to vector<16xf32>
      %add3A_366 = arith.addf %add3A_342, %get3A_365 : vector<16xf32>
      %mul3A_367 = arith.constant 8 : i32
      %mul3A_368 = arith.muli %scan3A_291, %mul3A_367 : i32
      %add3A_369 = arith.constant 3 : i32
      %add3A_370 = arith.addi %mul3A_368, %add3A_369 : i32
      %get3A_371 = arith.index_cast %add3A_370 : i32 to index
      %get3A_372 = arith.constant 0 : index
      %get3A_373 = tpu.vector_load %arg6[%get3A_371, %get3A_372] {strides = array<i32>} : memref<256x64xf32, #tpu.memory_space<vmem>>, vector<1x16xf32>,
      %get3A_374 = vector.shape_cast %get3A_373 : vector<1x16xf32> to vector<16xf32>
      %add3A_375 = arith.addf %add3A_351, %get3A_374 : vector<16xf32>
      %get3A_376 = arith.index_cast %add3A_370 : i32 to index
      %get3A_377 = arith.constant 16 : index
      %get3A_378 = tpu.vector_load %arg6[%get3A_376, %get3A_377] {strides = array<i32>} : memref<256x64xf32, #tpu.memory_space<vmem>>, vector<1x16xf32>,
      %get3A_379 = vector.shape_cast %get3A_378 : vector<1x16xf32> to vector<16xf32>
      %add3A_380 = arith.addf %add3A_356, %get3A_379 : vector<16xf32>
      %get3A_381 = arith.index_cast %add3A_370 : i32 to index
      %get3A_382 = arith.constant 32 : index
      %get3A_383 = tpu.vector_load %arg6[%get3A_381, %get3A_382] {strides = array<i32>} : memref<256x64xf32, #tpu.memory_space<vmem>>, vector<1x16xf32>,
      %get3A_384 = vector.shape_cast %get3A_383 : vector<1x16xf32> to vector<16xf32>
      %add3A_385 = arith.addf %add3A_361, %get3A_384 : vector<16xf32>
      %get3A_386 = arith.index_cast %add3A_370 : i32 to index
      %get3A_387 = arith.constant 48 : index
      %get3A_388 = tpu.vector_load %arg6[%get3A_386, %get3A_387] {strides = array<i32>} : memref<256x64xf32, #tpu.memory_space<vmem>>, vector<1x16xf32>,
      %get3A_389 = vector.shape_cast %get3A_388 : vector<1x16xf32> to vector<16xf32>
      %add3A_390 = arith.addf %add3A_366, %get3A_389 : vector<16xf32>
      %mul3A_391 = arith.constant 8 : i32
      %mul3A_392 = arith.muli %scan3A_291, %mul3A_391 : i32
      %add3A_393 = arith.constant 4 : i32
      %add3A_394 = arith.addi %mul3A_392, %add3A_393 : i32
      %get3A_395 = arith.index_cast %add3A_394 : i32 to index
      %get3A_396 = arith.constant 0 : index
      %get3A_397 = tpu.vector_load %arg6[%get3A_395, %get3A_396] {strides = array<i32>} : memref<256x64xf32, #tpu.memory_space<vmem>>, vector<1x16xf32>,
      %get3A_398 = vector.shape_cast %get3A_397 : vector<1x16xf32> to vector<16xf32>
      %add3A_399 = arith.addf %add3A_375, %get3A_398 : vector<16xf32>
      %get3A_400 = arith.index_cast %add3A_394 : i32 to index
      %get3A_401 = arith.constant 16 : index
      %get3A_402 = tpu.vector_load %arg6[%get3A_400, %get3A_401] {strides = array<i32>} : memref<256x64xf32, #tpu.memory_space<vmem>>, vector<1x16xf32>,
      %get3A_403 = vector.shape_cast %get3A_402 : vector<1x16xf32> to vector<16xf32>
      %add3A_404 = arith.addf %add3A_380, %get3A_403 : vector<16xf32>
      %get3A_405 = arith.index_cast %add3A_394 : i32 to index
      %get3A_406 = arith.constant 32 : index
      %get3A_407 = tpu.vector_load %arg6[%get3A_405, %get3A_406] {strides = array<i32>} : memref<256x64xf32, #tpu.memory_space<vmem>>, vector<1x16xf32>,
      %get3A_408 = vector.shape_cast %get3A_407 : vector<1x16xf32> to vector<16xf32>
      %add3A_409 = arith.addf %add3A_385, %get3A_408 : vector<16xf32>
      %get3A_410 = arith.index_cast %add3A_394 : i32 to index
      %get3A_411 = arith.constant 48 : index
      %get3A_412 = tpu.vector_load %arg6[%get3A_410, %get3A_411] {strides = array<i32>} : memref<256x64xf32, #tpu.memory_space<vmem>>, vector<1x16xf32>,
      %get3A_413 = vector.shape_cast %get3A_412 : vector<1x16xf32> to vector<16xf32>
      %add3A_414 = arith.addf %add3A_390, %get3A_413 : vector<16xf32>
      %mul3A_415 = arith.constant 8 : i32
      %mul3A_416 = arith.muli %scan3A_291, %mul3A_415 : i32
      %add3A_417 = arith.constant 5 : i32
      %add3A_418 = arith.addi %mul3A_416, %add3A_417 : i32
      %get3A_419 = arith.index_cast %add3A_418 : i32 to index
      %get3A_420 = arith.constant 0 : index
      %get3A_421 = tpu.vector_load %arg6[%get3A_419, %get3A_420] {strides = array<i32>} : memref<256x64xf32, #tpu.memory_space<vmem>>, vector<1x16xf32>,
      %get3A_422 = vector.shape_cast %get3A_421 : vector<1x16xf32> to vector<16xf32>
      %add3A_423 = arith.addf %add3A_399, %get3A_422 : vector<16xf32>
      %get3A_424 = arith.index_cast %add3A_418 : i32 to index
      %get3A_425 = arith.constant 16 : index
      %get3A_426 = tpu.vector_load %arg6[%get3A_424, %get3A_425] {strides = array<i32>} : memref<256x64xf32, #tpu.memory_space<vmem>>, vector<1x16xf32>,
      %get3A_427 = vector.shape_cast %get3A_426 : vector<1x16xf32> to vector<16xf32>
      %add3A_428 = arith.addf %add3A_404, %get3A_427 : vector<16xf32>
      %get3A_429 = arith.index_cast %add3A_418 : i32 to index
      %get3A_430 = arith.constant 32 : index
      %get3A_431 = tpu.vector_load %arg6[%get3A_429, %get3A_430] {strides = array<i32>} : memref<256x64xf32, #tpu.memory_space<vmem>>, vector<1x16xf32>,
      %get3A_432 = vector.shape_cast %get3A_431 : vector<1x16xf32> to vector<16xf32>
      %add3A_433 = arith.addf %add3A_409, %get3A_432 : vector<16xf32>
      %get3A_434 = arith.index_cast %add3A_418 : i32 to index
      %get3A_435 = arith.constant 48 : index
      %get3A_436 = tpu.vector_load %arg6[%get3A_434, %get3A_435] {strides = array<i32>} : memref<256x64xf32, #tpu.memory_space<vmem>>, vector<1x16xf32>,
      %get3A_437 = vector.shape_cast %get3A_436 : vector<1x16xf32> to vector<16xf32>
      %add3A_438 = arith.addf %add3A_414, %get3A_437 : vector<16xf32>
      %mul3A_439 = arith.constant 8 : i32
      %mul3A_440 = arith.muli %scan3A_291, %mul3A_439 : i32
      %add3A_441 = arith.constant 6 : i32
      %add3A_442 = arith.addi %mul3A_440, %add3A_441 : i32
      %get3A_443 = arith.index_cast %add3A_442 : i32 to index
      %get3A_444 = arith.constant 0 : index
      %get3A_445 = tpu.vector_load %arg6[%get3A_443, %get3A_444] {strides = array<i32>} : memref<256x64xf32, #tpu.memory_space<vmem>>, vector<1x16xf32>,
      %get3A_446 = vector.shape_cast %get3A_445 : vector<1x16xf32> to vector<16xf32>
      %add3A_447 = arith.addf %add3A_423, %get3A_446 : vector<16xf32>
      %get3A_448 = arith.index_cast %add3A_442 : i32 to index
      %get3A_449 = arith.constant 16 : index
      %get3A_450 = tpu.vector_load %arg6[%get3A_448, %get3A_449] {strides = array<i32>} : memref<256x64xf32, #tpu.memory_space<vmem>>, vector<1x16xf32>,
      %get3A_451 = vector.shape_cast %get3A_450 : vector<1x16xf32> to vector<16xf32>
      %add3A_452 = arith.addf %add3A_428, %get3A_451 : vector<16xf32>
      %get3A_453 = arith.index_cast %add3A_442 : i32 to index
      %get3A_454 = arith.constant 32 : index
      %get3A_455 = tpu.vector_load %arg6[%get3A_453, %get3A_454] {strides = array<i32>} : memref<256x64xf32, #tpu.memory_space<vmem>>, vector<1x16xf32>,
      %get3A_456 = vector.shape_cast %get3A_455 : vector<1x16xf32> to vector<16xf32>
      %add3A_457 = arith.addf %add3A_433, %get3A_456 : vector<16xf32>
      %get3A_458 = arith.index_cast %add3A_442 : i32 to index
      %get3A_459 = arith.constant 48 : index
      %get3A_460 = tpu.vector_load %arg6[%get3A_458, %get3A_459] {strides = array<i32>} : memref<256x64xf32, #tpu.memory_space<vmem>>, vector<1x16xf32>,
      %get3A_461 = vector.shape_cast %get3A_460 : vector<1x16xf32> to vector<16xf32>
      %add3A_462 = arith.addf %add3A_438, %get3A_461 : vector<16xf32>
      %mul3A_463 = arith.constant 8 : i32
      %mul3A_464 = arith.muli %scan3A_291, %mul3A_463 : i32
      %add3A_465 = arith.constant 7 : i32
      %add3A_466 = arith.addi %mul3A_464, %add3A_465 : i32
      %get3A_467 = arith.index_cast %add3A_466 : i32 to index
      %get3A_468 = arith.constant 0 : index
      %get3A_469 = tpu.vector_load %arg6[%get3A_467, %get3A_468] {strides = array<i32>} : memref<256x64xf32, #tpu.memory_space<vmem>>, vector<1x16xf32>,
      %get3A_470 = vector.shape_cast %get3A_469 : vector<1x16xf32> to vector<16xf32>
      %add3A_471 = arith.addf %add3A_447, %get3A_470 : vector<16xf32>
      %get3A_472 = arith.index_cast %add3A_466 : i32 to index
      %get3A_473 = arith.constant 16 : index
      %get3A_474 = tpu.vector_load %arg6[%get3A_472, %get3A_473] {strides = array<i32>} : memref<256x64xf32, #tpu.memory_space<vmem>>, vector<1x16xf32>,
      %get3A_475 = vector.shape_cast %get3A_474 : vector<1x16xf32> to vector<16xf32>
      %add3A_476 = arith.addf %add3A_452, %get3A_475 : vector<16xf32>
      %get3A_477 = arith.index_cast %add3A_466 : i32 to index
      %get3A_478 = arith.constant 32 : index
      %get3A_479 = tpu.vector_load %arg6[%get3A_477, %get3A_478] {strides = array<i32>} : memref<256x64xf32, #tpu.memory_space<vmem>>, vector<1x16xf32>,
      %get3A_480 = vector.shape_cast %get3A_479 : vector<1x16xf32> to vector<16xf32>
      %add3A_481 = arith.addf %add3A_457, %get3A_480 : vector<16xf32>
      %get3A_482 = arith.index_cast %add3A_466 : i32 to index
      %get3A_483 = arith.constant 48 : index
      %get3A_484 = tpu.vector_load %arg6[%get3A_482, %get3A_483] {strides = array<i32>} : memref<256x64xf32, #tpu.memory_space<vmem>>, vector<1x16xf32>,
      %get3A_485 = vector.shape_cast %get3A_484 : vector<1x16xf32> to vector<16xf32>
      %add3A_486 = arith.addf %add3A_462, %get3A_485 : vector<16xf32>
      scf.yield %add3A_471, %add3A_476, %add3A_481, %add3A_486 : vector<16xf32>, vector<16xf32>, vector<16xf32>, vector<16xf32>
    }
    %scan3A_125 = arith.constant 32 : i32
    %dma_start3A_126 = arith.constant 0 : i32
    %dma_start3A_127 = tpu.memref_slice %arg2[%add3A_26, %dma_start3A_126] : memref<32768x64xf32, #tpu.memory_space<hbm>> -> memref<256x64xf32, #tpu.memory_space<hbm>>
    %dma_start3A_128 = arith.constant 0 : i32
    %dma_start3A_129 = tpu.memref_slice %arg2[%add3A_26, %dma_start3A_128] : memref<32768x64xf32, #tpu.memory_space<hbm>> -> memref<256x64xf32, #tpu.memory_space<hbm>>
    tpu.enqueue_dma source(%dma_start3A_129 : memref<256x64xf32, #tpu.memory_space<hbm>>) target(%arg6 : memref<256x64xf32, #tpu.memory_space<vmem>>) target_semaphore(%arg12 : memref<!tpu.dma_semaphore, #tpu.memory_space<semaphore_mem>>)
    %dma_wait3A_130 = arith.constant 0 : i32
    %dma_wait3A_131 = tpu.memref_slice %arg2[%add3A_22, %dma_wait3A_130] : memref<32768x64xf32, #tpu.memory_space<hbm>> -> memref<256x64xf32, #tpu.memory_space<hbm>>
    %dma_wait3A_132 = arith.constant 0 : i32
    %dma_wait3A_133 = tpu.memref_slice %arg2[%add3A_22, %dma_wait3A_132] : memref<32768x64xf32, #tpu.memory_space<hbm>> -> memref<256x64xf32, #tpu.memory_space<hbm>>
    tpu.wait_dma2 semaphore(%arg13 : memref<!tpu.dma_semaphore, #tpu.memory_space<semaphore_mem>>) src(%dma_wait3A_133 : memref<256x64xf32, #tpu.memory_space<hbm>>) dst(%arg7 : memref<256x64xf32, #tpu.memory_space<vmem>>)
    %scan3A_134 = arith.constant 0 : i32
    %scan3A_135 = arith.constant 32 : i32
    %scan3A_136 = arith.addi %scan3A_134, %scan3A_135 : i32
    %scan3A_137 = arith.constant 1 : i32
    %scan3A_138:4 = scf.for %scan3A_291 = %scan3A_134 to %scan3A_136 step %scan3A_137 iter_args(%scan3A_292 = %scan3A_124#0, %scan3A_293 = %scan3A_124#1, %scan3A_294 = %scan3A_124#2, %scan3A_295 = %scan3A_124#3) -> (vector<16xf32>, vector<16xf32>, vector<16xf32>, vector<16xf32>)  : i32 {
      %mul3A_296 = arith.constant 8 : i32
      %mul3A_297 = arith.muli %scan3A_291, %mul3A_296 : i32
      %add3A_298 = arith.constant 0 : i32
      %add3A_299 = arith.addi %mul3A_297, %add3A_298 : i32
      %get3A = arith.index_cast %add3A_299 : i32 to index
      %get3A_300 = arith.constant 0 : index
      %get3A_301 = tpu.vector_load %arg7[%get3A, %get3A_300] {strides = array<i32>} : memref<256x64xf32, #tpu.memory_space<vmem>>, vector<1x16xf32>,
      %get3A_302 = vector.shape_cast %get3A_301 : vector<1x16xf32> to vector<16xf32>
      %add3A_303 = arith.addf %scan3A_292, %get3A_302 : vector<16xf32>
      %get3A_304 = arith.index_cast %add3A_299 : i32 to index
      %get3A_305 = arith.constant 16 : index
      %get3A_306 = tpu.vector_load %arg7[%get3A_304, %get3A_305] {strides = array<i32>} : memref<256x64xf32, #tpu.memory_space<vmem>>, vector<1x16xf32>,
      %get3A_307 = vector.shape_cast %get3A_306 : vector<1x16xf32> to vector<16xf32>
      %add3A_308 = arith.addf %scan3A_293, %get3A_307 : vector<16xf32>
      %get3A_309 = arith.index_cast %add3A_299 : i32 to index
      %get3A_310 = arith.constant 32 : index
      %get3A_311 = tpu.vector_load %arg7[%get3A_309, %get3A_310] {strides = array<i32>} : memref<256x64xf32, #tpu.memory_space<vmem>>, vector<1x16xf32>,
      %get3A_312 = vector.shape_cast %get3A_311 : vector<1x16xf32> to vector<16xf32>
      %add3A_313 = arith.addf %scan3A_294, %get3A_312 : vector<16xf32>
      %get3A_314 = arith.index_cast %add3A_299 : i32 to index
      %get3A_315 = arith.constant 48 : index
      %get3A_316 = tpu.vector_load %arg7[%get3A_314, %get3A_315] {strides = array<i32>} : memref<256x64xf32, #tpu.memory_space<vmem>>, vector<1x16xf32>,
      %get3A_317 = vector.shape_cast %get3A_316 : vector<1x16xf32> to vector<16xf32>
      %add3A_318 = arith.addf %scan3A_295, %get3A_317 : vector<16xf32>
      %mul3A_319 = arith.constant 8 : i32
      %mul3A_320 = arith.muli %scan3A_291, %mul3A_319 : i32
      %add3A_321 = arith.constant 1 : i32
      %add3A_322 = arith.addi %mul3A_320, %add3A_321 : i32
      %get3A_323 = arith.index_cast %add3A_322 : i32 to index
      %get3A_324 = arith.constant 0 : index
      %get3A_325 = tpu.vector_load %arg7[%get3A_323, %get3A_324] {strides = array<i32>} : memref<256x64xf32, #tpu.memory_space<vmem>>, vector<1x16xf32>,
      %get3A_326 = vector.shape_cast %get3A_325 : vector<1x16xf32> to vector<16xf32>
      %add3A_327 = arith.addf %add3A_303, %get3A_326 : vector<16xf32>
      %get3A_328 = arith.index_cast %add3A_322 : i32 to index
      %get3A_329 = arith.constant 16 : index
      %get3A_330 = tpu.vector_load %arg7[%get3A_328, %get3A_329] {strides = array<i32>} : memref<256x64xf32, #tpu.memory_space<vmem>>, vector<1x16xf32>,
      %get3A_331 = vector.shape_cast %get3A_330 : vector<1x16xf32> to vector<16xf32>
      %add3A_332 = arith.addf %add3A_308, %get3A_331 : vector<16xf32>
      %get3A_333 = arith.index_cast %add3A_322 : i32 to index
      %get3A_334 = arith.constant 32 : index
      %get3A_335 = tpu.vector_load %arg7[%get3A_333, %get3A_334] {strides = array<i32>} : memref<256x64xf32, #tpu.memory_space<vmem>>, vector<1x16xf32>,
      %get3A_336 = vector.shape_cast %get3A_335 : vector<1x16xf32> to vector<16xf32>
      %add3A_337 = arith.addf %add3A_313, %get3A_336 : vector<16xf32>
      %get3A_338 = arith.index_cast %add3A_322 : i32 to index
      %get3A_339 = arith.constant 48 : index
      %get3A_340 = tpu.vector_load %arg7[%get3A_338, %get3A_339] {strides = array<i32>} : memref<256x64xf32, #tpu.memory_space<vmem>>, vector<1x16xf32>,
      %get3A_341 = vector.shape_cast %get3A_340 : vector<1x16xf32> to vector<16xf32>
      %add3A_342 = arith.addf %add3A_318, %get3A_341 : vector<16xf32>
      %mul3A_343 = arith.constant 8 : i32
      %mul3A_344 = arith.muli %scan3A_291, %mul3A_343 : i32
      %add3A_345 = arith.constant 2 : i32
      %add3A_346 = arith.addi %mul3A_344, %add3A_345 : i32
      %get3A_347 = arith.index_cast %add3A_346 : i32 to index
      %get3A_348 = arith.constant 0 : index
      %get3A_349 = tpu.vector_load %arg7[%get3A_347, %get3A_348] {strides = array<i32>} : memref<256x64xf32, #tpu.memory_space<vmem>>, vector<1x16xf32>,
      %get3A_350 = vector.shape_cast %get3A_349 : vector<1x16xf32> to vector<16xf32>
      %add3A_351 = arith.addf %add3A_327, %get3A_350 : vector<16xf32>
      %get3A_352 = arith.index_cast %add3A_346 : i32 to index
      %get3A_353 = arith.constant 16 : index
      %get3A_354 = tpu.vector_load %arg7[%get3A_352, %get3A_353] {strides = array<i32>} : memref<256x64xf32, #tpu.memory_space<vmem>>, vector<1x16xf32>,
      %get3A_355 = vector.shape_cast %get3A_354 : vector<1x16xf32> to vector<16xf32>
      %add3A_356 = arith.addf %add3A_332, %get3A_355 : vector<16xf32>
      %get3A_357 = arith.index_cast %add3A_346 : i32 to index
      %get3A_358 = arith.constant 32 : index
      %get3A_359 = tpu.vector_load %arg7[%get3A_357, %get3A_358] {strides = array<i32>} : memref<256x64xf32, #tpu.memory_space<vmem>>, vector<1x16xf32>,
      %get3A_360 = vector.shape_cast %get3A_359 : vector<1x16xf32> to vector<16xf32>
      %add3A_361 = arith.addf %add3A_337, %get3A_360 : vector<16xf32>
      %get3A_362 = arith.index_cast %add3A_346 : i32 to index
      %get3A_363 = arith.constant 48 : index
      %get3A_364 = tpu.vector_load %arg7[%get3A_362, %get3A_363] {strides = array<i32>} : memref<256x64xf32, #tpu.memory_space<vmem>>, vector<1x16xf32>,
      %get3A_365 = vector.shape_cast %get3A_364 : vector<1x16xf32> to vector<16xf32>
      %add3A_366 = arith.addf %add3A_342, %get3A_365 : vector<16xf32>
      %mul3A_367 = arith.constant 8 : i32
      %mul3A_368 = arith.muli %scan3A_291, %mul3A_367 : i32
      %add3A_369 = arith.constant 3 : i32
      %add3A_370 = arith.addi %mul3A_368, %add3A_369 : i32
      %get3A_371 = arith.index_cast %add3A_370 : i32 to index
      %get3A_372 = arith.constant 0 : index
      %get3A_373 = tpu.vector_load %arg7[%get3A_371, %get3A_372] {strides = array<i32>} : memref<256x64xf32, #tpu.memory_space<vmem>>, vector<1x16xf32>,
      %get3A_374 = vector.shape_cast %get3A_373 : vector<1x16xf32> to vector<16xf32>
      %add3A_375 = arith.addf %add3A_351, %get3A_374 : vector<16xf32>
      %get3A_376 = arith.index_cast %add3A_370 : i32 to index
      %get3A_377 = arith.constant 16 : index
      %get3A_378 = tpu.vector_load %arg7[%get3A_376, %get3A_377] {strides = array<i32>} : memref<256x64xf32, #tpu.memory_space<vmem>>, vector<1x16xf32>,
      %get3A_379 = vector.shape_cast %get3A_378 : vector<1x16xf32> to vector<16xf32>
      %add3A_380 = arith.addf %add3A_356, %get3A_379 : vector<16xf32>
      %get3A_381 = arith.index_cast %add3A_370 : i32 to index
      %get3A_382 = arith.constant 32 : index
      %get3A_383 = tpu.vector_load %arg7[%get3A_381, %get3A_382] {strides = array<i32>} : memref<256x64xf32, #tpu.memory_space<vmem>>, vector<1x16xf32>,
      %get3A_384 = vector.shape_cast %get3A_383 : vector<1x16xf32> to vector<16xf32>
      %add3A_385 = arith.addf %add3A_361, %get3A_384 : vector<16xf32>
      %get3A_386 = arith.index_cast %add3A_370 : i32 to index
      %get3A_387 = arith.constant 48 : index
      %get3A_388 = tpu.vector_load %arg7[%get3A_386, %get3A_387] {strides = array<i32>} : memref<256x64xf32, #tpu.memory_space<vmem>>, vector<1x16xf32>,
      %get3A_389 = vector.shape_cast %get3A_388 : vector<1x16xf32> to vector<16xf32>
      %add3A_390 = arith.addf %add3A_366, %get3A_389 : vector<16xf32>
      %mul3A_391 = arith.constant 8 : i32
      %mul3A_392 = arith.muli %scan3A_291, %mul3A_391 : i32
      %add3A_393 = arith.constant 4 : i32
      %add3A_394 = arith.addi %mul3A_392, %add3A_393 : i32
      %get3A_395 = arith.index_cast %add3A_394 : i32 to index
      %get3A_396 = arith.constant 0 : index
      %get3A_397 = tpu.vector_load %arg7[%get3A_395, %get3A_396] {strides = array<i32>} : memref<256x64xf32, #tpu.memory_space<vmem>>, vector<1x16xf32>,
      %get3A_398 = vector.shape_cast %get3A_397 : vector<1x16xf32> to vector<16xf32>
      %add3A_399 = arith.addf %add3A_375, %get3A_398 : vector<16xf32>
      %get3A_400 = arith.index_cast %add3A_394 : i32 to index
      %get3A_401 = arith.constant 16 : index
      %get3A_402 = tpu.vector_load %arg7[%get3A_400, %get3A_401] {strides = array<i32>} : memref<256x64xf32, #tpu.memory_space<vmem>>, vector<1x16xf32>,
      %get3A_403 = vector.shape_cast %get3A_402 : vector<1x16xf32> to vector<16xf32>
      %add3A_404 = arith.addf %add3A_380, %get3A_403 : vector<16xf32>
      %get3A_405 = arith.index_cast %add3A_394 : i32 to index
      %get3A_406 = arith.constant 32 : index
      %get3A_407 = tpu.vector_load %arg7[%get3A_405, %get3A_406] {strides = array<i32>} : memref<256x64xf32, #tpu.memory_space<vmem>>, vector<1x16xf32>,
      %get3A_408 = vector.shape_cast %get3A_407 : vector<1x16xf32> to vector<16xf32>
      %add3A_409 = arith.addf %add3A_385, %get3A_408 : vector<16xf32>
      %get3A_410 = arith.index_cast %add3A_394 : i32 to index
      %get3A_411 = arith.constant 48 : index
      %get3A_412 = tpu.vector_load %arg7[%get3A_410, %get3A_411] {strides = array<i32>} : memref<256x64xf32, #tpu.memory_space<vmem>>, vector<1x16xf32>,
      %get3A_413 = vector.shape_cast %get3A_412 : vector<1x16xf32> to vector<16xf32>
      %add3A_414 = arith.addf %add3A_390, %get3A_413 : vector<16xf32>
      %mul3A_415 = arith.constant 8 : i32
      %mul3A_416 = arith.muli %scan3A_291, %mul3A_415 : i32
      %add3A_417 = arith.constant 5 : i32
      %add3A_418 = arith.addi %mul3A_416, %add3A_417 : i32
      %get3A_419 = arith.index_cast %add3A_418 : i32 to index
      %get3A_420 = arith.constant 0 : index
      %get3A_421 = tpu.vector_load %arg7[%get3A_419, %get3A_420] {strides = array<i32>} : memref<256x64xf32, #tpu.memory_space<vmem>>, vector<1x16xf32>,
      %get3A_422 = vector.shape_cast %get3A_421 : vector<1x16xf32> to vector<16xf32>
      %add3A_423 = arith.addf %add3A_399, %get3A_422 : vector<16xf32>
      %get3A_424 = arith.index_cast %add3A_418 : i32 to index
      %get3A_425 = arith.constant 16 : index
      %get3A_426 = tpu.vector_load %arg7[%get3A_424, %get3A_425] {strides = array<i32>} : memref<256x64xf32, #tpu.memory_space<vmem>>, vector<1x16xf32>,
      %get3A_427 = vector.shape_cast %get3A_426 : vector<1x16xf32> to vector<16xf32>
      %add3A_428 = arith.addf %add3A_404, %get3A_427 : vector<16xf32>
      %get3A_429 = arith.index_cast %add3A_418 : i32 to index
      %get3A_430 = arith.constant 32 : index
      %get3A_431 = tpu.vector_load %arg7[%get3A_429, %get3A_430] {strides = array<i32>} : memref<256x64xf32, #tpu.memory_space<vmem>>, vector<1x16xf32>,
      %get3A_432 = vector.shape_cast %get3A_431 : vector<1x16xf32> to vector<16xf32>
      %add3A_433 = arith.addf %add3A_409, %get3A_432 : vector<16xf32>
      %get3A_434 = arith.index_cast %add3A_418 : i32 to index
      %get3A_435 = arith.constant 48 : index
      %get3A_436 = tpu.vector_load %arg7[%get3A_434, %get3A_435] {strides = array<i32>} : memref<256x64xf32, #tpu.memory_space<vmem>>, vector<1x16xf32>,
      %get3A_437 = vector.shape_cast %get3A_436 : vector<1x16xf32> to vector<16xf32>
      %add3A_438 = arith.addf %add3A_414, %get3A_437 : vector<16xf32>
      %mul3A_439 = arith.constant 8 : i32
      %mul3A_440 = arith.muli %scan3A_291, %mul3A_439 : i32
      %add3A_441 = arith.constant 6 : i32
      %add3A_442 = arith.addi %mul3A_440, %add3A_441 : i32
      %get3A_443 = arith.index_cast %add3A_442 : i32 to index
      %get3A_444 = arith.constant 0 : index
      %get3A_445 = tpu.vector_load %arg7[%get3A_443, %get3A_444] {strides = array<i32>} : memref<256x64xf32, #tpu.memory_space<vmem>>, vector<1x16xf32>,
      %get3A_446 = vector.shape_cast %get3A_445 : vector<1x16xf32> to vector<16xf32>
      %add3A_447 = arith.addf %add3A_423, %get3A_446 : vector<16xf32>
      %get3A_448 = arith.index_cast %add3A_442 : i32 to index
      %get3A_449 = arith.constant 16 : index
      %get3A_450 = tpu.vector_load %arg7[%get3A_448, %get3A_449] {strides = array<i32>} : memref<256x64xf32, #tpu.memory_space<vmem>>, vector<1x16xf32>,
      %get3A_451 = vector.shape_cast %get3A_450 : vector<1x16xf32> to vector<16xf32>
      %add3A_452 = arith.addf %add3A_428, %get3A_451 : vector<16xf32>
      %get3A_453 = arith.index_cast %add3A_442 : i32 to index
      %get3A_454 = arith.constant 32 : index
      %get3A_455 = tpu.vector_load %arg7[%get3A_453, %get3A_454] {strides = array<i32>} : memref<256x64xf32, #tpu.memory_space<vmem>>, vector<1x16xf32>,
      %get3A_456 = vector.shape_cast %get3A_455 : vector<1x16xf32> to vector<16xf32>
      %add3A_457 = arith.addf %add3A_433, %get3A_456 : vector<16xf32>
      %get3A_458 = arith.index_cast %add3A_442 : i32 to index
      %get3A_459 = arith.constant 48 : index
      %get3A_460 = tpu.vector_load %arg7[%get3A_458, %get3A_459] {strides = array<i32>} : memref<256x64xf32, #tpu.memory_space<vmem>>, vector<1x16xf32>,
      %get3A_461 = vector.shape_cast %get3A_460 : vector<1x16xf32> to vector<16xf32>
      %add3A_462 = arith.addf %add3A_438, %get3A_461 : vector<16xf32>
      %mul3A_463 = arith.constant 8 : i32
      %mul3A_464 = arith.muli %scan3A_291, %mul3A_463 : i32
      %add3A_465 = arith.constant 7 : i32
      %add3A_466 = arith.addi %mul3A_464, %add3A_465 : i32
      %get3A_467 = arith.index_cast %add3A_466 : i32 to index
      %get3A_468 = arith.constant 0 : index
      %get3A_469 = tpu.vector_load %arg7[%get3A_467, %get3A_468] {strides = array<i32>} : memref<256x64xf32, #tpu.memory_space<vmem>>, vector<1x16xf32>,
      %get3A_470 = vector.shape_cast %get3A_469 : vector<1x16xf32> to vector<16xf32>
      %add3A_471 = arith.addf %add3A_447, %get3A_470 : vector<16xf32>
      %get3A_472 = arith.index_cast %add3A_466 : i32 to index
      %get3A_473 = arith.constant 16 : index
      %get3A_474 = tpu.vector_load %arg7[%get3A_472, %get3A_473] {strides = array<i32>} : memref<256x64xf32, #tpu.memory_space<vmem>>, vector<1x16xf32>,
      %get3A_475 = vector.shape_cast %get3A_474 : vector<1x16xf32> to vector<16xf32>
      %add3A_476 = arith.addf %add3A_452, %get3A_475 : vector<16xf32>
      %get3A_477 = arith.index_cast %add3A_466 : i32 to index
      %get3A_478 = arith.constant 32 : index
      %get3A_479 = tpu.vector_load %arg7[%get3A_477, %get3A_478] {strides = array<i32>} : memref<256x64xf32, #tpu.memory_space<vmem>>, vector<1x16xf32>,
      %get3A_480 = vector.shape_cast %get3A_479 : vector<1x16xf32> to vector<16xf32>
      %add3A_481 = arith.addf %add3A_457, %get3A_480 : vector<16xf32>
      %get3A_482 = arith.index_cast %add3A_466 : i32 to index
      %get3A_483 = arith.constant 48 : index
      %get3A_484 = tpu.vector_load %arg7[%get3A_482, %get3A_483] {strides = array<i32>} : memref<256x64xf32, #tpu.memory_space<vmem>>, vector<1x16xf32>,
      %get3A_485 = vector.shape_cast %get3A_484 : vector<1x16xf32> to vector<16xf32>
      %add3A_486 = arith.addf %add3A_462, %get3A_485 : vector<16xf32>
      scf.yield %add3A_471, %add3A_476, %add3A_481, %add3A_486 : vector<16xf32>, vector<16xf32>, vector<16xf32>, vector<16xf32>
    }
    %scan3A_139 = arith.constant 32 : i32
    %dma_start3A_140 = arith.constant 0 : i32
    %dma_start3A_141 = tpu.memref_slice %arg2[%add3A_20, %dma_start3A_140] : memref<32768x64xf32, #tpu.memory_space<hbm>> -> memref<256x64xf32, #tpu.memory_space<hbm>>
    %dma_start3A_142 = arith.constant 0 : i32
    %dma_start3A_143 = tpu.memref_slice %arg2[%add3A_20, %dma_start3A_142] : memref<32768x64xf32, #tpu.memory_space<hbm>> -> memref<256x64xf32, #tpu.memory_space<hbm>>
    tpu.enqueue_dma source(%dma_start3A_143 : memref<256x64xf32, #tpu.memory_space<hbm>>) target(%arg7 : memref<256x64xf32, #tpu.memory_space<vmem>>) target_semaphore(%arg13 : memref<!tpu.dma_semaphore, #tpu.memory_space<semaphore_mem>>)
    %dma_wait3A_144 = arith.constant 0 : i32
    %dma_wait3A_145 = tpu.memref_slice %arg2[%add3A_24, %dma_wait3A_144] : memref<32768x64xf32, #tpu.memory_space<hbm>> -> memref<256x64xf32, #tpu.memory_space<hbm>>
    %dma_wait3A_146 = arith.constant 0 : i32
    %dma_wait3A_147 = tpu.memref_slice %arg2[%add3A_24, %dma_wait3A_146] : memref<32768x64xf32, #tpu.memory_space<hbm>> -> memref<256x64xf32, #tpu.memory_space<hbm>>
    tpu.wait_dma2 semaphore(%arg11 : memref<!tpu.dma_semaphore, #tpu.memory_space<semaphore_mem>>) src(%dma_wait3A_147 : memref<256x64xf32, #tpu.memory_space<hbm>>) dst(%arg5 : memref<256x64xf32, #tpu.memory_space<vmem>>)
    %scan3A_148 = arith.constant 0 : i32
    %scan3A_149 = arith.constant 32 : i32
    %scan3A_150 = arith.addi %scan3A_148, %scan3A_149 : i32
    %scan3A_151 = arith.constant 1 : i32
    %scan3A_152:4 = scf.for %scan3A_291 = %scan3A_148 to %scan3A_150 step %scan3A_151 iter_args(%scan3A_292 = %scan3A_138#0, %scan3A_293 = %scan3A_138#1, %scan3A_294 = %scan3A_138#2, %scan3A_295 = %scan3A_138#3) -> (vector<16xf32>, vector<16xf32>, vector<16xf32>, vector<16xf32>)  : i32 {
      %mul3A_296 = arith.constant 8 : i32
      %mul3A_297 = arith.muli %scan3A_291, %mul3A_296 : i32
      %add3A_298 = arith.constant 0 : i32
      %add3A_299 = arith.addi %mul3A_297, %add3A_298 : i32
      %get3A = arith.index_cast %add3A_299 : i32 to index
      %get3A_300 = arith.constant 0 : index
      %get3A_301 = tpu.vector_load %arg5[%get3A, %get3A_300] {strides = array<i32>} : memref<256x64xf32, #tpu.memory_space<vmem>>, vector<1x16xf32>,
      %get3A_302 = vector.shape_cast %get3A_301 : vector<1x16xf32> to vector<16xf32>
      %add3A_303 = arith.addf %scan3A_292, %get3A_302 : vector<16xf32>
      %get3A_304 = arith.index_cast %add3A_299 : i32 to index
      %get3A_305 = arith.constant 16 : index
      %get3A_306 = tpu.vector_load %arg5[%get3A_304, %get3A_305] {strides = array<i32>} : memref<256x64xf32, #tpu.memory_space<vmem>>, vector<1x16xf32>,
      %get3A_307 = vector.shape_cast %get3A_306 : vector<1x16xf32> to vector<16xf32>
      %add3A_308 = arith.addf %scan3A_293, %get3A_307 : vector<16xf32>
      %get3A_309 = arith.index_cast %add3A_299 : i32 to index
      %get3A_310 = arith.constant 32 : index
      %get3A_311 = tpu.vector_load %arg5[%get3A_309, %get3A_310] {strides = array<i32>} : memref<256x64xf32, #tpu.memory_space<vmem>>, vector<1x16xf32>,
      %get3A_312 = vector.shape_cast %get3A_311 : vector<1x16xf32> to vector<16xf32>
      %add3A_313 = arith.addf %scan3A_294, %get3A_312 : vector<16xf32>
      %get3A_314 = arith.index_cast %add3A_299 : i32 to index
      %get3A_315 = arith.constant 48 : index
      %get3A_316 = tpu.vector_load %arg5[%get3A_314, %get3A_315] {strides = array<i32>} : memref<256x64xf32, #tpu.memory_space<vmem>>, vector<1x16xf32>,
      %get3A_317 = vector.shape_cast %get3A_316 : vector<1x16xf32> to vector<16xf32>
      %add3A_318 = arith.addf %scan3A_295, %get3A_317 : vector<16xf32>
      %mul3A_319 = arith.constant 8 : i32
      %mul3A_320 = arith.muli %scan3A_291, %mul3A_319 : i32
      %add3A_321 = arith.constant 1 : i32
      %add3A_322 = arith.addi %mul3A_320, %add3A_321 : i32
      %get3A_323 = arith.index_cast %add3A_322 : i32 to index
      %get3A_324 = arith.constant 0 : index
      %get3A_325 = tpu.vector_load %arg5[%get3A_323, %get3A_324] {strides = array<i32>} : memref<256x64xf32, #tpu.memory_space<vmem>>, vector<1x16xf32>,
      %get3A_326 = vector.shape_cast %get3A_325 : vector<1x16xf32> to vector<16xf32>
      %add3A_327 = arith.addf %add3A_303, %get3A_326 : vector<16xf32>
      %get3A_328 = arith.index_cast %add3A_322 : i32 to index
      %get3A_329 = arith.constant 16 : index
      %get3A_330 = tpu.vector_load %arg5[%get3A_328, %get3A_329] {strides = array<i32>} : memref<256x64xf32, #tpu.memory_space<vmem>>, vector<1x16xf32>,
      %get3A_331 = vector.shape_cast %get3A_330 : vector<1x16xf32> to vector<16xf32>
      %add3A_332 = arith.addf %add3A_308, %get3A_331 : vector<16xf32>
      %get3A_333 = arith.index_cast %add3A_322 : i32 to index
      %get3A_334 = arith.constant 32 : index
      %get3A_335 = tpu.vector_load %arg5[%get3A_333, %get3A_334] {strides = array<i32>} : memref<256x64xf32, #tpu.memory_space<vmem>>, vector<1x16xf32>,
      %get3A_336 = vector.shape_cast %get3A_335 : vector<1x16xf32> to vector<16xf32>
      %add3A_337 = arith.addf %add3A_313, %get3A_336 : vector<16xf32>
      %get3A_338 = arith.index_cast %add3A_322 : i32 to index
      %get3A_339 = arith.constant 48 : index
      %get3A_340 = tpu.vector_load %arg5[%get3A_338, %get3A_339] {strides = array<i32>} : memref<256x64xf32, #tpu.memory_space<vmem>>, vector<1x16xf32>,
      %get3A_341 = vector.shape_cast %get3A_340 : vector<1x16xf32> to vector<16xf32>
      %add3A_342 = arith.addf %add3A_318, %get3A_341 : vector<16xf32>
      %mul3A_343 = arith.constant 8 : i32
      %mul3A_344 = arith.muli %scan3A_291, %mul3A_343 : i32
      %add3A_345 = arith.constant 2 : i32
      %add3A_346 = arith.addi %mul3A_344, %add3A_345 : i32
      %get3A_347 = arith.index_cast %add3A_346 : i32 to index
      %get3A_348 = arith.constant 0 : index
      %get3A_349 = tpu.vector_load %arg5[%get3A_347, %get3A_348] {strides = array<i32>} : memref<256x64xf32, #tpu.memory_space<vmem>>, vector<1x16xf32>,
      %get3A_350 = vector.shape_cast %get3A_349 : vector<1x16xf32> to vector<16xf32>
      %add3A_351 = arith.addf %add3A_327, %get3A_350 : vector<16xf32>
      %get3A_352 = arith.index_cast %add3A_346 : i32 to index
      %get3A_353 = arith.constant 16 : index
      %get3A_354 = tpu.vector_load %arg5[%get3A_352, %get3A_353] {strides = array<i32>} : memref<256x64xf32, #tpu.memory_space<vmem>>, vector<1x16xf32>,
      %get3A_355 = vector.shape_cast %get3A_354 : vector<1x16xf32> to vector<16xf32>
      %add3A_356 = arith.addf %add3A_332, %get3A_355 : vector<16xf32>
      %get3A_357 = arith.index_cast %add3A_346 : i32 to index
      %get3A_358 = arith.constant 32 : index
      %get3A_359 = tpu.vector_load %arg5[%get3A_357, %get3A_358] {strides = array<i32>} : memref<256x64xf32, #tpu.memory_space<vmem>>, vector<1x16xf32>,
      %get3A_360 = vector.shape_cast %get3A_359 : vector<1x16xf32> to vector<16xf32>
      %add3A_361 = arith.addf %add3A_337, %get3A_360 : vector<16xf32>
      %get3A_362 = arith.index_cast %add3A_346 : i32 to index
      %get3A_363 = arith.constant 48 : index
      %get3A_364 = tpu.vector_load %arg5[%get3A_362, %get3A_363] {strides = array<i32>} : memref<256x64xf32, #tpu.memory_space<vmem>>, vector<1x16xf32>,
      %get3A_365 = vector.shape_cast %get3A_364 : vector<1x16xf32> to vector<16xf32>
      %add3A_366 = arith.addf %add3A_342, %get3A_365 : vector<16xf32>
      %mul3A_367 = arith.constant 8 : i32
      %mul3A_368 = arith.muli %scan3A_291, %mul3A_367 : i32
      %add3A_369 = arith.constant 3 : i32
      %add3A_370 = arith.addi %mul3A_368, %add3A_369 : i32
      %get3A_371 = arith.index_cast %add3A_370 : i32 to index
      %get3A_372 = arith.constant 0 : index
      %get3A_373 = tpu.vector_load %arg5[%get3A_371, %get3A_372] {strides = array<i32>} : memref<256x64xf32, #tpu.memory_space<vmem>>, vector<1x16xf32>,
      %get3A_374 = vector.shape_cast %get3A_373 : vector<1x16xf32> to vector<16xf32>
      %add3A_375 = arith.addf %add3A_351, %get3A_374 : vector<16xf32>
      %get3A_376 = arith.index_cast %add3A_370 : i32 to index
      %get3A_377 = arith.constant 16 : index
      %get3A_378 = tpu.vector_load %arg5[%get3A_376, %get3A_377] {strides = array<i32>} : memref<256x64xf32, #tpu.memory_space<vmem>>, vector<1x16xf32>,
      %get3A_379 = vector.shape_cast %get3A_378 : vector<1x16xf32> to vector<16xf32>
      %add3A_380 = arith.addf %add3A_356, %get3A_379 : vector<16xf32>
      %get3A_381 = arith.index_cast %add3A_370 : i32 to index
      %get3A_382 = arith.constant 32 : index
      %get3A_383 = tpu.vector_load %arg5[%get3A_381, %get3A_382] {strides = array<i32>} : memref<256x64xf32, #tpu.memory_space<vmem>>, vector<1x16xf32>,
      %get3A_384 = vector.shape_cast %get3A_383 : vector<1x16xf32> to vector<16xf32>
      %add3A_385 = arith.addf %add3A_361, %get3A_384 : vector<16xf32>
      %get3A_386 = arith.index_cast %add3A_370 : i32 to index
      %get3A_387 = arith.constant 48 : index
      %get3A_388 = tpu.vector_load %arg5[%get3A_386, %get3A_387] {strides = array<i32>} : memref<256x64xf32, #tpu.memory_space<vmem>>, vector<1x16xf32>,
      %get3A_389 = vector.shape_cast %get3A_388 : vector<1x16xf32> to vector<16xf32>
      %add3A_390 = arith.addf %add3A_366, %get3A_389 : vector<16xf32>
      %mul3A_391 = arith.constant 8 : i32
      %mul3A_392 = arith.muli %scan3A_291, %mul3A_391 : i32
      %add3A_393 = arith.constant 4 : i32
      %add3A_394 = arith.addi %mul3A_392, %add3A_393 : i32
      %get3A_395 = arith.index_cast %add3A_394 : i32 to index
      %get3A_396 = arith.constant 0 : index
      %get3A_397 = tpu.vector_load %arg5[%get3A_395, %get3A_396] {strides = array<i32>} : memref<256x64xf32, #tpu.memory_space<vmem>>, vector<1x16xf32>,
      %get3A_398 = vector.shape_cast %get3A_397 : vector<1x16xf32> to vector<16xf32>
      %add3A_399 = arith.addf %add3A_375, %get3A_398 : vector<16xf32>
      %get3A_400 = arith.index_cast %add3A_394 : i32 to index
      %get3A_401 = arith.constant 16 : index
      %get3A_402 = tpu.vector_load %arg5[%get3A_400, %get3A_401] {strides = array<i32>} : memref<256x64xf32, #tpu.memory_space<vmem>>, vector<1x16xf32>,
      %get3A_403 = vector.shape_cast %get3A_402 : vector<1x16xf32> to vector<16xf32>
      %add3A_404 = arith.addf %add3A_380, %get3A_403 : vector<16xf32>
      %get3A_405 = arith.index_cast %add3A_394 : i32 to index
      %get3A_406 = arith.constant 32 : index
      %get3A_407 = tpu.vector_load %arg5[%get3A_405, %get3A_406] {strides = array<i32>} : memref<256x64xf32, #tpu.memory_space<vmem>>, vector<1x16xf32>,
      %get3A_408 = vector.shape_cast %get3A_407 : vector<1x16xf32> to vector<16xf32>
      %add3A_409 = arith.addf %add3A_385, %get3A_408 : vector<16xf32>
      %get3A_410 = arith.index_cast %add3A_394 : i32 to index
      %get3A_411 = arith.constant 48 : index
      %get3A_412 = tpu.vector_load %arg5[%get3A_410, %get3A_411] {strides = array<i32>} : memref<256x64xf32, #tpu.memory_space<vmem>>, vector<1x16xf32>,
      %get3A_413 = vector.shape_cast %get3A_412 : vector<1x16xf32> to vector<16xf32>
      %add3A_414 = arith.addf %add3A_390, %get3A_413 : vector<16xf32>
      %mul3A_415 = arith.constant 8 : i32
      %mul3A_416 = arith.muli %scan3A_291, %mul3A_415 : i32
      %add3A_417 = arith.constant 5 : i32
      %add3A_418 = arith.addi %mul3A_416, %add3A_417 : i32
      %get3A_419 = arith.index_cast %add3A_418 : i32 to index
      %get3A_420 = arith.constant 0 : index
      %get3A_421 = tpu.vector_load %arg5[%get3A_419, %get3A_420] {strides = array<i32>} : memref<256x64xf32, #tpu.memory_space<vmem>>, vector<1x16xf32>,
      %get3A_422 = vector.shape_cast %get3A_421 : vector<1x16xf32> to vector<16xf32>
      %add3A_423 = arith.addf %add3A_399, %get3A_422 : vector<16xf32>
      %get3A_424 = arith.index_cast %add3A_418 : i32 to index
      %get3A_425 = arith.constant 16 : index
      %get3A_426 = tpu.vector_load %arg5[%get3A_424, %get3A_425] {strides = array<i32>} : memref<256x64xf32, #tpu.memory_space<vmem>>, vector<1x16xf32>,
      %get3A_427 = vector.shape_cast %get3A_426 : vector<1x16xf32> to vector<16xf32>
      %add3A_428 = arith.addf %add3A_404, %get3A_427 : vector<16xf32>
      %get3A_429 = arith.index_cast %add3A_418 : i32 to index
      %get3A_430 = arith.constant 32 : index
      %get3A_431 = tpu.vector_load %arg5[%get3A_429, %get3A_430] {strides = array<i32>} : memref<256x64xf32, #tpu.memory_space<vmem>>, vector<1x16xf32>,
      %get3A_432 = vector.shape_cast %get3A_431 : vector<1x16xf32> to vector<16xf32>
      %add3A_433 = arith.addf %add3A_409, %get3A_432 : vector<16xf32>
      %get3A_434 = arith.index_cast %add3A_418 : i32 to index
      %get3A_435 = arith.constant 48 : index
      %get3A_436 = tpu.vector_load %arg5[%get3A_434, %get3A_435] {strides = array<i32>} : memref<256x64xf32, #tpu.memory_space<vmem>>, vector<1x16xf32>,
      %get3A_437 = vector.shape_cast %get3A_436 : vector<1x16xf32> to vector<16xf32>
      %add3A_438 = arith.addf %add3A_414, %get3A_437 : vector<16xf32>
      %mul3A_439 = arith.constant 8 : i32
      %mul3A_440 = arith.muli %scan3A_291, %mul3A_439 : i32
      %add3A_441 = arith.constant 6 : i32
      %add3A_442 = arith.addi %mul3A_440, %add3A_441 : i32
      %get3A_443 = arith.index_cast %add3A_442 : i32 to index
      %get3A_444 = arith.constant 0 : index
      %get3A_445 = tpu.vector_load %arg5[%get3A_443, %get3A_444] {strides = array<i32>} : memref<256x64xf32, #tpu.memory_space<vmem>>, vector<1x16xf32>,
      %get3A_446 = vector.shape_cast %get3A_445 : vector<1x16xf32> to vector<16xf32>
      %add3A_447 = arith.addf %add3A_423, %get3A_446 : vector<16xf32>
      %get3A_448 = arith.index_cast %add3A_442 : i32 to index
      %get3A_449 = arith.constant 16 : index
      %get3A_450 = tpu.vector_load %arg5[%get3A_448, %get3A_449] {strides = array<i32>} : memref<256x64xf32, #tpu.memory_space<vmem>>, vector<1x16xf32>,
      %get3A_451 = vector.shape_cast %get3A_450 : vector<1x16xf32> to vector<16xf32>
      %add3A_452 = arith.addf %add3A_428, %get3A_451 : vector<16xf32>
      %get3A_453 = arith.index_cast %add3A_442 : i32 to index
      %get3A_454 = arith.constant 32 : index
      %get3A_455 = tpu.vector_load %arg5[%get3A_453, %get3A_454] {strides = array<i32>} : memref<256x64xf32, #tpu.memory_space<vmem>>, vector<1x16xf32>,
      %get3A_456 = vector.shape_cast %get3A_455 : vector<1x16xf32> to vector<16xf32>
      %add3A_457 = arith.addf %add3A_433, %get3A_456 : vector<16xf32>
      %get3A_458 = arith.index_cast %add3A_442 : i32 to index
      %get3A_459 = arith.constant 48 : index
      %get3A_460 = tpu.vector_load %arg5[%get3A_458, %get3A_459] {strides = array<i32>} : memref<256x64xf32, #tpu.memory_space<vmem>>, vector<1x16xf32>,
      %get3A_461 = vector.shape_cast %get3A_460 : vector<1x16xf32> to vector<16xf32>
      %add3A_462 = arith.addf %add3A_438, %get3A_461 : vector<16xf32>
      %mul3A_463 = arith.constant 8 : i32
      %mul3A_464 = arith.muli %scan3A_291, %mul3A_463 : i32
      %add3A_465 = arith.constant 7 : i32
      %add3A_466 = arith.addi %mul3A_464, %add3A_465 : i32
      %get3A_467 = arith.index_cast %add3A_466 : i32 to index
      %get3A_468 = arith.constant 0 : index
      %get3A_469 = tpu.vector_load %arg5[%get3A_467, %get3A_468] {strides = array<i32>} : memref<256x64xf32, #tpu.memory_space<vmem>>, vector<1x16xf32>,
      %get3A_470 = vector.shape_cast %get3A_469 : vector<1x16xf32> to vector<16xf32>
      %add3A_471 = arith.addf %add3A_447, %get3A_470 : vector<16xf32>
      %get3A_472 = arith.index_cast %add3A_466 : i32 to index
      %get3A_473 = arith.constant 16 : index
      %get3A_474 = tpu.vector_load %arg5[%get3A_472, %get3A_473] {strides = array<i32>} : memref<256x64xf32, #tpu.memory_space<vmem>>, vector<1x16xf32>,
      %get3A_475 = vector.shape_cast %get3A_474 : vector<1x16xf32> to vector<16xf32>
      %add3A_476 = arith.addf %add3A_452, %get3A_475 : vector<16xf32>
      %get3A_477 = arith.index_cast %add3A_466 : i32 to index
      %get3A_478 = arith.constant 32 : index
      %get3A_479 = tpu.vector_load %arg5[%get3A_477, %get3A_478] {strides = array<i32>} : memref<256x64xf32, #tpu.memory_space<vmem>>, vector<1x16xf32>,
      %get3A_480 = vector.shape_cast %get3A_479 : vector<1x16xf32> to vector<16xf32>
      %add3A_481 = arith.addf %add3A_457, %get3A_480 : vector<16xf32>
      %get3A_482 = arith.index_cast %add3A_466 : i32 to index
      %get3A_483 = arith.constant 48 : index
      %get3A_484 = tpu.vector_load %arg5[%get3A_482, %get3A_483] {strides = array<i32>} : memref<256x64xf32, #tpu.memory_space<vmem>>, vector<1x16xf32>,
      %get3A_485 = vector.shape_cast %get3A_484 : vector<1x16xf32> to vector<16xf32>
      %add3A_486 = arith.addf %add3A_462, %get3A_485 : vector<16xf32>
      scf.yield %add3A_471, %add3A_476, %add3A_481, %add3A_486 : vector<16xf32>, vector<16xf32>, vector<16xf32>, vector<16xf32>
    }
    %scan3A_153 = arith.constant 32 : i32
    %dma_start3A_154 = arith.constant 0 : i32
    %dma_start3A_155 = tpu.memref_slice %arg2[%add3A_22, %dma_start3A_154] : memref<32768x64xf32, #tpu.memory_space<hbm>> -> memref<256x64xf32, #tpu.memory_space<hbm>>
    %dma_start3A_156 = arith.constant 0 : i32
    %dma_start3A_157 = tpu.memref_slice %arg2[%add3A_22, %dma_start3A_156] : memref<32768x64xf32, #tpu.memory_space<hbm>> -> memref<256x64xf32, #tpu.memory_space<hbm>>
    tpu.enqueue_dma source(%dma_start3A_157 : memref<256x64xf32, #tpu.memory_space<hbm>>) target(%arg5 : memref<256x64xf32, #tpu.memory_space<vmem>>) target_semaphore(%arg11 : memref<!tpu.dma_semaphore, #tpu.memory_space<semaphore_mem>>)
    %dma_wait3A_158 = arith.constant 0 : i32
    %dma_wait3A_159 = tpu.memref_slice %arg2[%add3A_26, %dma_wait3A_158] : memref<32768x64xf32, #tpu.memory_space<hbm>> -> memref<256x64xf32, #tpu.memory_space<hbm>>
    %dma_wait3A_160 = arith.constant 0 : i32
    %dma_wait3A_161 = tpu.memref_slice %arg2[%add3A_26, %dma_wait3A_160] : memref<32768x64xf32, #tpu.memory_space<hbm>> -> memref<256x64xf32, #tpu.memory_space<hbm>>
    tpu.wait_dma2 semaphore(%arg12 : memref<!tpu.dma_semaphore, #tpu.memory_space<semaphore_mem>>) src(%dma_wait3A_161 : memref<256x64xf32, #tpu.memory_space<hbm>>) dst(%arg6 : memref<256x64xf32, #tpu.memory_space<vmem>>)
    %scan3A_162 = arith.constant 0 : i32
    %scan3A_163 = arith.constant 32 : i32
    %scan3A_164 = arith.addi %scan3A_162, %scan3A_163 : i32
    %scan3A_165 = arith.constant 1 : i32
    %scan3A_166:4 = scf.for %scan3A_291 = %scan3A_162 to %scan3A_164 step %scan3A_165 iter_args(%scan3A_292 = %scan3A_152#0, %scan3A_293 = %scan3A_152#1, %scan3A_294 = %scan3A_152#2, %scan3A_295 = %scan3A_152#3) -> (vector<16xf32>, vector<16xf32>, vector<16xf32>, vector<16xf32>)  : i32 {
      %mul3A_296 = arith.constant 8 : i32
      %mul3A_297 = arith.muli %scan3A_291, %mul3A_296 : i32
      %add3A_298 = arith.constant 0 : i32
      %add3A_299 = arith.addi %mul3A_297, %add3A_298 : i32
      %get3A = arith.index_cast %add3A_299 : i32 to index
      %get3A_300 = arith.constant 0 : index
      %get3A_301 = tpu.vector_load %arg6[%get3A, %get3A_300] {strides = array<i32>} : memref<256x64xf32, #tpu.memory_space<vmem>>, vector<1x16xf32>,
      %get3A_302 = vector.shape_cast %get3A_301 : vector<1x16xf32> to vector<16xf32>
      %add3A_303 = arith.addf %scan3A_292, %get3A_302 : vector<16xf32>
      %get3A_304 = arith.index_cast %add3A_299 : i32 to index
      %get3A_305 = arith.constant 16 : index
      %get3A_306 = tpu.vector_load %arg6[%get3A_304, %get3A_305] {strides = array<i32>} : memref<256x64xf32, #tpu.memory_space<vmem>>, vector<1x16xf32>,
      %get3A_307 = vector.shape_cast %get3A_306 : vector<1x16xf32> to vector<16xf32>
      %add3A_308 = arith.addf %scan3A_293, %get3A_307 : vector<16xf32>
      %get3A_309 = arith.index_cast %add3A_299 : i32 to index
      %get3A_310 = arith.constant 32 : index
      %get3A_311 = tpu.vector_load %arg6[%get3A_309, %get3A_310] {strides = array<i32>} : memref<256x64xf32, #tpu.memory_space<vmem>>, vector<1x16xf32>,
      %get3A_312 = vector.shape_cast %get3A_311 : vector<1x16xf32> to vector<16xf32>
      %add3A_313 = arith.addf %scan3A_294, %get3A_312 : vector<16xf32>
      %get3A_314 = arith.index_cast %add3A_299 : i32 to index
      %get3A_315 = arith.constant 48 : index
      %get3A_316 = tpu.vector_load %arg6[%get3A_314, %get3A_315] {strides = array<i32>} : memref<256x64xf32, #tpu.memory_space<vmem>>, vector<1x16xf32>,
      %get3A_317 = vector.shape_cast %get3A_316 : vector<1x16xf32> to vector<16xf32>
      %add3A_318 = arith.addf %scan3A_295, %get3A_317 : vector<16xf32>
      %mul3A_319 = arith.constant 8 : i32
      %mul3A_320 = arith.muli %scan3A_291, %mul3A_319 : i32
      %add3A_321 = arith.constant 1 : i32
      %add3A_322 = arith.addi %mul3A_320, %add3A_321 : i32
      %get3A_323 = arith.index_cast %add3A_322 : i32 to index
      %get3A_324 = arith.constant 0 : index
      %get3A_325 = tpu.vector_load %arg6[%get3A_323, %get3A_324] {strides = array<i32>} : memref<256x64xf32, #tpu.memory_space<vmem>>, vector<1x16xf32>,
      %get3A_326 = vector.shape_cast %get3A_325 : vector<1x16xf32> to vector<16xf32>
      %add3A_327 = arith.addf %add3A_303, %get3A_326 : vector<16xf32>
      %get3A_328 = arith.index_cast %add3A_322 : i32 to index
      %get3A_329 = arith.constant 16 : index
      %get3A_330 = tpu.vector_load %arg6[%get3A_328, %get3A_329] {strides = array<i32>} : memref<256x64xf32, #tpu.memory_space<vmem>>, vector<1x16xf32>,
      %get3A_331 = vector.shape_cast %get3A_330 : vector<1x16xf32> to vector<16xf32>
      %add3A_332 = arith.addf %add3A_308, %get3A_331 : vector<16xf32>
      %get3A_333 = arith.index_cast %add3A_322 : i32 to index
      %get3A_334 = arith.constant 32 : index
      %get3A_335 = tpu.vector_load %arg6[%get3A_333, %get3A_334] {strides = array<i32>} : memref<256x64xf32, #tpu.memory_space<vmem>>, vector<1x16xf32>,
      %get3A_336 = vector.shape_cast %get3A_335 : vector<1x16xf32> to vector<16xf32>
      %add3A_337 = arith.addf %add3A_313, %get3A_336 : vector<16xf32>
      %get3A_338 = arith.index_cast %add3A_322 : i32 to index
      %get3A_339 = arith.constant 48 : index
      %get3A_340 = tpu.vector_load %arg6[%get3A_338, %get3A_339] {strides = array<i32>} : memref<256x64xf32, #tpu.memory_space<vmem>>, vector<1x16xf32>,
      %get3A_341 = vector.shape_cast %get3A_340 : vector<1x16xf32> to vector<16xf32>
      %add3A_342 = arith.addf %add3A_318, %get3A_341 : vector<16xf32>
      %mul3A_343 = arith.constant 8 : i32
      %mul3A_344 = arith.muli %scan3A_291, %mul3A_343 : i32
      %add3A_345 = arith.constant 2 : i32
      %add3A_346 = arith.addi %mul3A_344, %add3A_345 : i32
      %get3A_347 = arith.index_cast %add3A_346 : i32 to index
      %get3A_348 = arith.constant 0 : index
      %get3A_349 = tpu.vector_load %arg6[%get3A_347, %get3A_348] {strides = array<i32>} : memref<256x64xf32, #tpu.memory_space<vmem>>, vector<1x16xf32>,
      %get3A_350 = vector.shape_cast %get3A_349 : vector<1x16xf32> to vector<16xf32>
      %add3A_351 = arith.addf %add3A_327, %get3A_350 : vector<16xf32>
      %get3A_352 = arith.index_cast %add3A_346 : i32 to index
      %get3A_353 = arith.constant 16 : index
      %get3A_354 = tpu.vector_load %arg6[%get3A_352, %get3A_353] {strides = array<i32>} : memref<256x64xf32, #tpu.memory_space<vmem>>, vector<1x16xf32>,
      %get3A_355 = vector.shape_cast %get3A_354 : vector<1x16xf32> to vector<16xf32>
      %add3A_356 = arith.addf %add3A_332, %get3A_355 : vector<16xf32>
      %get3A_357 = arith.index_cast %add3A_346 : i32 to index
      %get3A_358 = arith.constant 32 : index
      %get3A_359 = tpu.vector_load %arg6[%get3A_357, %get3A_358] {strides = array<i32>} : memref<256x64xf32, #tpu.memory_space<vmem>>, vector<1x16xf32>,
      %get3A_360 = vector.shape_cast %get3A_359 : vector<1x16xf32> to vector<16xf32>
      %add3A_361 = arith.addf %add3A_337, %get3A_360 : vector<16xf32>
      %get3A_362 = arith.index_cast %add3A_346 : i32 to index
      %get3A_363 = arith.constant 48 : index
      %get3A_364 = tpu.vector_load %arg6[%get3A_362, %get3A_363] {strides = array<i32>} : memref<256x64xf32, #tpu.memory_space<vmem>>, vector<1x16xf32>,
      %get3A_365 = vector.shape_cast %get3A_364 : vector<1x16xf32> to vector<16xf32>
      %add3A_366 = arith.addf %add3A_342, %get3A_365 : vector<16xf32>
      %mul3A_367 = arith.constant 8 : i32
      %mul3A_368 = arith.muli %scan3A_291, %mul3A_367 : i32
      %add3A_369 = arith.constant 3 : i32
      %add3A_370 = arith.addi %mul3A_368, %add3A_369 : i32
      %get3A_371 = arith.index_cast %add3A_370 : i32 to index
      %get3A_372 = arith.constant 0 : index
      %get3A_373 = tpu.vector_load %arg6[%get3A_371, %get3A_372] {strides = array<i32>} : memref<256x64xf32, #tpu.memory_space<vmem>>, vector<1x16xf32>,
      %get3A_374 = vector.shape_cast %get3A_373 : vector<1x16xf32> to vector<16xf32>
      %add3A_375 = arith.addf %add3A_351, %get3A_374 : vector<16xf32>
      %get3A_376 = arith.index_cast %add3A_370 : i32 to index
      %get3A_377 = arith.constant 16 : index
      %get3A_378 = tpu.vector_load %arg6[%get3A_376, %get3A_377] {strides = array<i32>} : memref<256x64xf32, #tpu.memory_space<vmem>>, vector<1x16xf32>,
      %get3A_379 = vector.shape_cast %get3A_378 : vector<1x16xf32> to vector<16xf32>
      %add3A_380 = arith.addf %add3A_356, %get3A_379 : vector<16xf32>
      %get3A_381 = arith.index_cast %add3A_370 : i32 to index
      %get3A_382 = arith.constant 32 : index
      %get3A_383 = tpu.vector_load %arg6[%get3A_381, %get3A_382] {strides = array<i32>} : memref<256x64xf32, #tpu.memory_space<vmem>>, vector<1x16xf32>,
      %get3A_384 = vector.shape_cast %get3A_383 : vector<1x16xf32> to vector<16xf32>
      %add3A_385 = arith.addf %add3A_361, %get3A_384 : vector<16xf32>
      %get3A_386 = arith.index_cast %add3A_370 : i32 to index
      %get3A_387 = arith.constant 48 : index
      %get3A_388 = tpu.vector_load %arg6[%get3A_386, %get3A_387] {strides = array<i32>} : memref<256x64xf32, #tpu.memory_space<vmem>>, vector<1x16xf32>,
      %get3A_389 = vector.shape_cast %get3A_388 : vector<1x16xf32> to vector<16xf32>
      %add3A_390 = arith.addf %add3A_366, %get3A_389 : vector<16xf32>
      %mul3A_391 = arith.constant 8 : i32
      %mul3A_392 = arith.muli %scan3A_291, %mul3A_391 : i32
      %add3A_393 = arith.constant 4 : i32
      %add3A_394 = arith.addi %mul3A_392, %add3A_393 : i32
      %get3A_395 = arith.index_cast %add3A_394 : i32 to index
      %get3A_396 = arith.constant 0 : index
      %get3A_397 = tpu.vector_load %arg6[%get3A_395, %get3A_396] {strides = array<i32>} : memref<256x64xf32, #tpu.memory_space<vmem>>, vector<1x16xf32>,
      %get3A_398 = vector.shape_cast %get3A_397 : vector<1x16xf32> to vector<16xf32>
      %add3A_399 = arith.addf %add3A_375, %get3A_398 : vector<16xf32>
      %get3A_400 = arith.index_cast %add3A_394 : i32 to index
      %get3A_401 = arith.constant 16 : index
      %get3A_402 = tpu.vector_load %arg6[%get3A_400, %get3A_401] {strides = array<i32>} : memref<256x64xf32, #tpu.memory_space<vmem>>, vector<1x16xf32>,
      %get3A_403 = vector.shape_cast %get3A_402 : vector<1x16xf32> to vector<16xf32>
      %add3A_404 = arith.addf %add3A_380, %get3A_403 : vector<16xf32>
      %get3A_405 = arith.index_cast %add3A_394 : i32 to index
      %get3A_406 = arith.constant 32 : index
      %get3A_407 = tpu.vector_load %arg6[%get3A_405, %get3A_406] {strides = array<i32>} : memref<256x64xf32, #tpu.memory_space<vmem>>, vector<1x16xf32>,
      %get3A_408 = vector.shape_cast %get3A_407 : vector<1x16xf32> to vector<16xf32>
      %add3A_409 = arith.addf %add3A_385, %get3A_408 : vector<16xf32>
      %get3A_410 = arith.index_cast %add3A_394 : i32 to index
      %get3A_411 = arith.constant 48 : index
      %get3A_412 = tpu.vector_load %arg6[%get3A_410, %get3A_411] {strides = array<i32>} : memref<256x64xf32, #tpu.memory_space<vmem>>, vector<1x16xf32>,
      %get3A_413 = vector.shape_cast %get3A_412 : vector<1x16xf32> to vector<16xf32>
      %add3A_414 = arith.addf %add3A_390, %get3A_413 : vector<16xf32>
      %mul3A_415 = arith.constant 8 : i32
      %mul3A_416 = arith.muli %scan3A_291, %mul3A_415 : i32
      %add3A_417 = arith.constant 5 : i32
      %add3A_418 = arith.addi %mul3A_416, %add3A_417 : i32
      %get3A_419 = arith.index_cast %add3A_418 : i32 to index
      %get3A_420 = arith.constant 0 : index
      %get3A_421 = tpu.vector_load %arg6[%get3A_419, %get3A_420] {strides = array<i32>} : memref<256x64xf32, #tpu.memory_space<vmem>>, vector<1x16xf32>,
      %get3A_422 = vector.shape_cast %get3A_421 : vector<1x16xf32> to vector<16xf32>
      %add3A_423 = arith.addf %add3A_399, %get3A_422 : vector<16xf32>
      %get3A_424 = arith.index_cast %add3A_418 : i32 to index
      %get3A_425 = arith.constant 16 : index
      %get3A_426 = tpu.vector_load %arg6[%get3A_424, %get3A_425] {strides = array<i32>} : memref<256x64xf32, #tpu.memory_space<vmem>>, vector<1x16xf32>,
      %get3A_427 = vector.shape_cast %get3A_426 : vector<1x16xf32> to vector<16xf32>
      %add3A_428 = arith.addf %add3A_404, %get3A_427 : vector<16xf32>
      %get3A_429 = arith.index_cast %add3A_418 : i32 to index
      %get3A_430 = arith.constant 32 : index
      %get3A_431 = tpu.vector_load %arg6[%get3A_429, %get3A_430] {strides = array<i32>} : memref<256x64xf32, #tpu.memory_space<vmem>>, vector<1x16xf32>,
      %get3A_432 = vector.shape_cast %get3A_431 : vector<1x16xf32> to vector<16xf32>
      %add3A_433 = arith.addf %add3A_409, %get3A_432 : vector<16xf32>
      %get3A_434 = arith.index_cast %add3A_418 : i32 to index
      %get3A_435 = arith.constant 48 : index
      %get3A_436 = tpu.vector_load %arg6[%get3A_434, %get3A_435] {strides = array<i32>} : memref<256x64xf32, #tpu.memory_space<vmem>>, vector<1x16xf32>,
      %get3A_437 = vector.shape_cast %get3A_436 : vector<1x16xf32> to vector<16xf32>
      %add3A_438 = arith.addf %add3A_414, %get3A_437 : vector<16xf32>
      %mul3A_439 = arith.constant 8 : i32
      %mul3A_440 = arith.muli %scan3A_291, %mul3A_439 : i32
      %add3A_441 = arith.constant 6 : i32
      %add3A_442 = arith.addi %mul3A_440, %add3A_441 : i32
      %get3A_443 = arith.index_cast %add3A_442 : i32 to index
      %get3A_444 = arith.constant 0 : index
      %get3A_445 = tpu.vector_load %arg6[%get3A_443, %get3A_444] {strides = array<i32>} : memref<256x64xf32, #tpu.memory_space<vmem>>, vector<1x16xf32>,
      %get3A_446 = vector.shape_cast %get3A_445 : vector<1x16xf32> to vector<16xf32>
      %add3A_447 = arith.addf %add3A_423, %get3A_446 : vector<16xf32>
      %get3A_448 = arith.index_cast %add3A_442 : i32 to index
      %get3A_449 = arith.constant 16 : index
      %get3A_450 = tpu.vector_load %arg6[%get3A_448, %get3A_449] {strides = array<i32>} : memref<256x64xf32, #tpu.memory_space<vmem>>, vector<1x16xf32>,
      %get3A_451 = vector.shape_cast %get3A_450 : vector<1x16xf32> to vector<16xf32>
      %add3A_452 = arith.addf %add3A_428, %get3A_451 : vector<16xf32>
      %get3A_453 = arith.index_cast %add3A_442 : i32 to index
      %get3A_454 = arith.constant 32 : index
      %get3A_455 = tpu.vector_load %arg6[%get3A_453, %get3A_454] {strides = array<i32>} : memref<256x64xf32, #tpu.memory_space<vmem>>, vector<1x16xf32>,
      %get3A_456 = vector.shape_cast %get3A_455 : vector<1x16xf32> to vector<16xf32>
      %add3A_457 = arith.addf %add3A_433, %get3A_456 : vector<16xf32>
      %get3A_458 = arith.index_cast %add3A_442 : i32 to index
      %get3A_459 = arith.constant 48 : index
      %get3A_460 = tpu.vector_load %arg6[%get3A_458, %get3A_459] {strides = array<i32>} : memref<256x64xf32, #tpu.memory_space<vmem>>, vector<1x16xf32>,
      %get3A_461 = vector.shape_cast %get3A_460 : vector<1x16xf32> to vector<16xf32>
      %add3A_462 = arith.addf %add3A_438, %get3A_461 : vector<16xf32>
      %mul3A_463 = arith.constant 8 : i32
      %mul3A_464 = arith.muli %scan3A_291, %mul3A_463 : i32
      %add3A_465 = arith.constant 7 : i32
      %add3A_466 = arith.addi %mul3A_464, %add3A_465 : i32
      %get3A_467 = arith.index_cast %add3A_466 : i32 to index
      %get3A_468 = arith.constant 0 : index
      %get3A_469 = tpu.vector_load %arg6[%get3A_467, %get3A_468] {strides = array<i32>} : memref<256x64xf32, #tpu.memory_space<vmem>>, vector<1x16xf32>,
      %get3A_470 = vector.shape_cast %get3A_469 : vector<1x16xf32> to vector<16xf32>
      %add3A_471 = arith.addf %add3A_447, %get3A_470 : vector<16xf32>
      %get3A_472 = arith.index_cast %add3A_466 : i32 to index
      %get3A_473 = arith.constant 16 : index
      %get3A_474 = tpu.vector_load %arg6[%get3A_472, %get3A_473] {strides = array<i32>} : memref<256x64xf32, #tpu.memory_space<vmem>>, vector<1x16xf32>,
      %get3A_475 = vector.shape_cast %get3A_474 : vector<1x16xf32> to vector<16xf32>
      %add3A_476 = arith.addf %add3A_452, %get3A_475 : vector<16xf32>
      %get3A_477 = arith.index_cast %add3A_466 : i32 to index
      %get3A_478 = arith.constant 32 : index
      %get3A_479 = tpu.vector_load %arg6[%get3A_477, %get3A_478] {strides = array<i32>} : memref<256x64xf32, #tpu.memory_space<vmem>>, vector<1x16xf32>,
      %get3A_480 = vector.shape_cast %get3A_479 : vector<1x16xf32> to vector<16xf32>
      %add3A_481 = arith.addf %add3A_457, %get3A_480 : vector<16xf32>
      %get3A_482 = arith.index_cast %add3A_466 : i32 to index
      %get3A_483 = arith.constant 48 : index
      %get3A_484 = tpu.vector_load %arg6[%get3A_482, %get3A_483] {strides = array<i32>} : memref<256x64xf32, #tpu.memory_space<vmem>>, vector<1x16xf32>,
      %get3A_485 = vector.shape_cast %get3A_484 : vector<1x16xf32> to vector<16xf32>
      %add3A_486 = arith.addf %add3A_462, %get3A_485 : vector<16xf32>
      scf.yield %add3A_471, %add3A_476, %add3A_481, %add3A_486 : vector<16xf32>, vector<16xf32>, vector<16xf32>, vector<16xf32>
    }
    %scan3A_167 = arith.constant 32 : i32
    %dma_start3A_168 = arith.constant 0 : i32
    %dma_start3A_169 = tpu.memref_slice %arg2[%add3A_24, %dma_start3A_168] : memref<32768x64xf32, #tpu.memory_space<hbm>> -> memref<256x64xf32, #tpu.memory_space<hbm>>
    %dma_start3A_170 = arith.constant 0 : i32
    %dma_start3A_171 = tpu.memref_slice %arg2[%add3A_24, %dma_start3A_170] : memref<32768x64xf32, #tpu.memory_space<hbm>> -> memref<256x64xf32, #tpu.memory_space<hbm>>
    tpu.enqueue_dma source(%dma_start3A_171 : memref<256x64xf32, #tpu.memory_space<hbm>>) target(%arg6 : memref<256x64xf32, #tpu.memory_space<vmem>>) target_semaphore(%arg12 : memref<!tpu.dma_semaphore, #tpu.memory_space<semaphore_mem>>)
    %swap3A_172 = arith.constant 0 : index
    %swap3A_173 = tpu.vector_load %arg8[%swap3A_172] {strides = array<i32>} : memref<64xf32, #tpu.memory_space<vmem>>, vector<16xf32>,
    %swap3A_174 = vector.shape_cast %swap3A_173 : vector<16xf32> to vector<16xf32>
    %swap3A_175 = vector.shape_cast %scan3A_166#0 : vector<16xf32> to vector<16xf32>
    tpu.vector_store %arg8[%swap3A_172], %swap3A_175 {strides = array<i32>} : memref<64xf32, #tpu.memory_space<vmem>>, vector<16xf32>,
    %swap3A_176 = arith.constant 16 : index
    %swap3A_177 = tpu.vector_load %arg8[%swap3A_176] {strides = array<i32>} : memref<64xf32, #tpu.memory_space<vmem>>, vector<16xf32>,
    %swap3A_178 = vector.shape_cast %swap3A_177 : vector<16xf32> to vector<16xf32>
    %swap3A_179 = vector.shape_cast %scan3A_166#1 : vector<16xf32> to vector<16xf32>
    tpu.vector_store %arg8[%swap3A_176], %swap3A_179 {strides = array<i32>} : memref<64xf32, #tpu.memory_space<vmem>>, vector<16xf32>,
    %swap3A_180 = arith.constant 32 : index
    %swap3A_181 = tpu.vector_load %arg8[%swap3A_180] {strides = array<i32>} : memref<64xf32, #tpu.memory_space<vmem>>, vector<16xf32>,
    %swap3A_182 = vector.shape_cast %swap3A_181 : vector<16xf32> to vector<16xf32>
    %swap3A_183 = vector.shape_cast %scan3A_166#2 : vector<16xf32> to vector<16xf32>
    tpu.vector_store %arg8[%swap3A_180], %swap3A_183 {strides = array<i32>} : memref<64xf32, #tpu.memory_space<vmem>>, vector<16xf32>,
    %swap3A_184 = arith.constant 48 : index
    %swap3A_185 = tpu.vector_load %arg8[%swap3A_184] {strides = array<i32>} : memref<64xf32, #tpu.memory_space<vmem>>, vector<16xf32>,
    %swap3A_186 = vector.shape_cast %swap3A_185 : vector<16xf32> to vector<16xf32>
    %swap3A_187 = vector.shape_cast %scan3A_166#3 : vector<16xf32> to vector<16xf32>
    tpu.vector_store %arg8[%swap3A_184], %swap3A_187 {strides = array<i32>} : memref<64xf32, #tpu.memory_space<vmem>>, vector<16xf32>,
    %mul3A_188 = arith.constant 16 : i32
    %mul3A_189 = arith.muli %arg0, %mul3A_188 : i32
    %add3A_190 = arith.addi %mul3A_189, %arg1 : i32
    "tpu.region"() ({
      %run_scoped3A = tpu.sem_alloc : memref<!tpu.dma_semaphore, #tpu.memory_space<semaphore_mem>>
      %dma_start3A_291 = arith.constant 0 : i32
      %dma_start3A_292 = tpu.memref_slice %arg4[%add3A_190, %dma_start3A_291] : memref<48x64xf32, #tpu.memory_space<hbm>> -> memref<1x64xf32, #tpu.memory_space<hbm>>
      %dma_start3A_293 = tpu.memref_squeeze %dma_start3A_292 : memref<1x64xf32, #tpu.memory_space<hbm>> -> memref<64xf32, #tpu.memory_space<hbm>>
      %dma_start3A_294 = arith.constant 0 : i32
      %dma_start3A_295 = tpu.memref_slice %arg4[%add3A_190, %dma_start3A_294] : memref<48x64xf32, #tpu.memory_space<hbm>> -> memref<1x64xf32, #tpu.memory_space<hbm>>
      %dma_start3A_296 = tpu.memref_squeeze %dma_start3A_295 : memref<1x64xf32, #tpu.memory_space<hbm>> -> memref<64xf32, #tpu.memory_space<hbm>>
      tpu.enqueue_dma source(%arg8 : memref<64xf32, #tpu.memory_space<vmem>>) target(%dma_start3A_296 : memref<64xf32, #tpu.memory_space<hbm>>) target_semaphore(%run_scoped3A : memref<!tpu.dma_semaphore, #tpu.memory_space<semaphore_mem>>)
      %dma_wait3A_297 = arith.constant 0 : i32
      %dma_wait3A_298 = tpu.memref_slice %arg4[%add3A_190, %dma_wait3A_297] : memref<48x64xf32, #tpu.memory_space<hbm>> -> memref<1x64xf32, #tpu.memory_space<hbm>>
      %dma_wait3A_299 = tpu.memref_squeeze %dma_wait3A_298 : memref<1x64xf32, #tpu.memory_space<hbm>> -> memref<64xf32, #tpu.memory_space<hbm>>
      %dma_wait3A_300 = arith.constant 0 : i32
      %dma_wait3A_301 = tpu.memref_slice %arg4[%add3A_190, %dma_wait3A_300] : memref<48x64xf32, #tpu.memory_space<hbm>> -> memref<1x64xf32, #tpu.memory_space<hbm>>
      %dma_wait3A_302 = tpu.memref_squeeze %dma_wait3A_301 : memref<1x64xf32, #tpu.memory_space<hbm>> -> memref<64xf32, #tpu.memory_space<hbm>>
      tpu.wait_dma2 semaphore(%run_scoped3A : memref<!tpu.dma_semaphore, #tpu.memory_space<semaphore_mem>>) src(%arg8 : memref<64xf32, #tpu.memory_space<vmem>>) dst(%dma_wait3A_302 : memref<64xf32, #tpu.memory_space<hbm>>)
      tpu.yield
    }) : () -> ()
    "tpu.trace_stop"() : () -> ()
    "tpu.trace_start"() <{level = 10 : i32, message = "barrier_exchange"}> : () -> ()
    %barrier3A = arith.constant 0 : index
    tpu.barrier barrier_id(%barrier3A)
    "tpu.region"() ({
      %run_scoped3A = tpu.sem_alloc : memref<!tpu.dma_semaphore, #tpu.memory_space<semaphore_mem>>
      tpu.enqueue_dma source(%arg4 : memref<48x64xf32, #tpu.memory_space<hbm>>) target(%arg10 : memref<48x64xf32, #tpu.memory_space<vmem>>) target_semaphore(%run_scoped3A : memref<!tpu.dma_semaphore, #tpu.memory_space<semaphore_mem>>)
      tpu.wait_dma2 semaphore(%run_scoped3A : memref<!tpu.dma_semaphore, #tpu.memory_space<semaphore_mem>>) src(%arg4 : memref<48x64xf32, #tpu.memory_space<hbm>>) dst(%arg10 : memref<48x64xf32, #tpu.memory_space<vmem>>)
      tpu.yield
    }) : () -> ()
    %eq3A = arith.constant 1 : i32
    "tpu.trace_stop"() : () -> ()
    %eq3A_191 = arith.cmpi eq, %arg0, %eq3A : i32
    %convert_element_type3A = arith.extui %eq3A_191 : i1 to i32
    %convert_element_type3A_192 = arith.sitofp %convert_element_type3A : i32 to f32
    %broadcast_in_dim3A_193 = arith.constant -1.000000e+00 : f32
    %broadcast_in_dim3A_194 = vector.broadcast %broadcast_in_dim3A_193 : f32 to vector<16xf32>
    %broadcast_in_dim3A_195 = arith.constant -1.000000e+00 : f32
    %broadcast_in_dim3A_196 = vector.broadcast %broadcast_in_dim3A_195 : f32 to vector<16xf32>
    %broadcast_in_dim3A_197 = arith.constant -1.000000e+00 : f32
    %broadcast_in_dim3A_198 = vector.broadcast %broadcast_in_dim3A_197 : f32 to vector<16xf32>
    %broadcast_in_dim3A_199 = arith.constant -1.000000e+00 : f32
    %broadcast_in_dim3A_200 = vector.broadcast %broadcast_in_dim3A_199 : f32 to vector<16xf32>
    %scan3A_201 = arith.constant 0 : i32
    %scan3A_202 = arith.constant 16 : i32
    %scan3A_203 = arith.addi %scan3A_201, %scan3A_202 : i32
    %scan3A_204 = arith.constant 1 : i32
    %scan3A_205:4 = scf.for %scan3A_291 = %scan3A_201 to %scan3A_203 step %scan3A_204 iter_args(%scan3A_292 = %broadcast_in_dim3A_194, %scan3A_293 = %broadcast_in_dim3A_196, %scan3A_294 = %broadcast_in_dim3A_198, %scan3A_295 = %broadcast_in_dim3A_200) -> (vector<16xf32>, vector<16xf32>, vector<16xf32>, vector<16xf32>)  : i32 {
      %lt3A = arith.cmpi slt, %scan3A_291, %arg1 : i32
      %convert_element_type3A_296 = arith.extui %lt3A : i1 to i32
      %convert_element_type3A_297 = arith.sitofp %convert_element_type3A_296 : i32 to f32
      %mul3A_298 = arith.constant 16 : i32
      %mul3A_299 = arith.muli %arg0, %mul3A_298 : i32
      %add3A_300 = arith.addi %mul3A_299, %scan3A_291 : i32
      %get3A = arith.index_cast %add3A_300 : i32 to index
      %get3A_301 = arith.constant 0 : index
      %get3A_302 = tpu.vector_load %arg10[%get3A, %get3A_301] {strides = array<i32>} : memref<48x64xf32, #tpu.memory_space<vmem>>, vector<1x16xf32>,
      %get3A_303 = vector.shape_cast %get3A_302 : vector<1x16xf32> to vector<16xf32>
      %mul3A_304 = vector.broadcast %convert_element_type3A_297 : f32 to vector<16xf32>
      %mul3A_305 = arith.mulf %get3A_303, %mul3A_304 : vector<16xf32>
      %add3A_306 = arith.addf %scan3A_292, %mul3A_305 : vector<16xf32>
      %add3A_307 = arith.constant 32 : i32
      %add3A_308 = arith.addi %add3A_307, %scan3A_291 : i32
      %get3A_309 = arith.index_cast %add3A_308 : i32 to index
      %get3A_310 = arith.constant 0 : index
      %get3A_311 = tpu.vector_load %arg10[%get3A_309, %get3A_310] {strides = array<i32>} : memref<48x64xf32, #tpu.memory_space<vmem>>, vector<1x16xf32>,
      %get3A_312 = vector.shape_cast %get3A_311 : vector<1x16xf32> to vector<16xf32>
      %mul3A_313 = vector.broadcast %convert_element_type3A_192 : f32 to vector<16xf32>
      %mul3A_314 = arith.mulf %get3A_312, %mul3A_313 : vector<16xf32>
      %add3A_315 = arith.addf %add3A_306, %mul3A_314 : vector<16xf32>
      %mul3A_316 = arith.constant 16 : i32
      %mul3A_317 = arith.muli %arg0, %mul3A_316 : i32
      %add3A_318 = arith.addi %mul3A_317, %scan3A_291 : i32
      %get3A_319 = arith.index_cast %add3A_318 : i32 to index
      %get3A_320 = arith.constant 16 : index
      %get3A_321 = tpu.vector_load %arg10[%get3A_319, %get3A_320] {strides = array<i32>} : memref<48x64xf32, #tpu.memory_space<vmem>>, vector<1x16xf32>,
      %get3A_322 = vector.shape_cast %get3A_321 : vector<1x16xf32> to vector<16xf32>
      %mul3A_323 = vector.broadcast %convert_element_type3A_297 : f32 to vector<16xf32>
      %mul3A_324 = arith.mulf %get3A_322, %mul3A_323 : vector<16xf32>
      %add3A_325 = arith.addf %scan3A_293, %mul3A_324 : vector<16xf32>
      %add3A_326 = arith.constant 32 : i32
      %add3A_327 = arith.addi %add3A_326, %scan3A_291 : i32
      %get3A_328 = arith.index_cast %add3A_327 : i32 to index
      %get3A_329 = arith.constant 16 : index
      %get3A_330 = tpu.vector_load %arg10[%get3A_328, %get3A_329] {strides = array<i32>} : memref<48x64xf32, #tpu.memory_space<vmem>>, vector<1x16xf32>,
      %get3A_331 = vector.shape_cast %get3A_330 : vector<1x16xf32> to vector<16xf32>
      %mul3A_332 = vector.broadcast %convert_element_type3A_192 : f32 to vector<16xf32>
      %mul3A_333 = arith.mulf %get3A_331, %mul3A_332 : vector<16xf32>
      %add3A_334 = arith.addf %add3A_325, %mul3A_333 : vector<16xf32>
      %mul3A_335 = arith.constant 16 : i32
      %mul3A_336 = arith.muli %arg0, %mul3A_335 : i32
      %add3A_337 = arith.addi %mul3A_336, %scan3A_291 : i32
      %get3A_338 = arith.index_cast %add3A_337 : i32 to index
      %get3A_339 = arith.constant 32 : index
      %get3A_340 = tpu.vector_load %arg10[%get3A_338, %get3A_339] {strides = array<i32>} : memref<48x64xf32, #tpu.memory_space<vmem>>, vector<1x16xf32>,
      %get3A_341 = vector.shape_cast %get3A_340 : vector<1x16xf32> to vector<16xf32>
      %mul3A_342 = vector.broadcast %convert_element_type3A_297 : f32 to vector<16xf32>
      %mul3A_343 = arith.mulf %get3A_341, %mul3A_342 : vector<16xf32>
      %add3A_344 = arith.addf %scan3A_294, %mul3A_343 : vector<16xf32>
      %add3A_345 = arith.constant 32 : i32
      %add3A_346 = arith.addi %add3A_345, %scan3A_291 : i32
      %get3A_347 = arith.index_cast %add3A_346 : i32 to index
      %get3A_348 = arith.constant 32 : index
      %get3A_349 = tpu.vector_load %arg10[%get3A_347, %get3A_348] {strides = array<i32>} : memref<48x64xf32, #tpu.memory_space<vmem>>, vector<1x16xf32>,
      %get3A_350 = vector.shape_cast %get3A_349 : vector<1x16xf32> to vector<16xf32>
      %mul3A_351 = vector.broadcast %convert_element_type3A_192 : f32 to vector<16xf32>
      %mul3A_352 = arith.mulf %get3A_350, %mul3A_351 : vector<16xf32>
      %add3A_353 = arith.addf %add3A_344, %mul3A_352 : vector<16xf32>
      %mul3A_354 = arith.constant 16 : i32
      %mul3A_355 = arith.muli %arg0, %mul3A_354 : i32
      %add3A_356 = arith.addi %mul3A_355, %scan3A_291 : i32
      %get3A_357 = arith.index_cast %add3A_356 : i32 to index
      %get3A_358 = arith.constant 48 : index
      %get3A_359 = tpu.vector_load %arg10[%get3A_357, %get3A_358] {strides = array<i32>} : memref<48x64xf32, #tpu.memory_space<vmem>>, vector<1x16xf32>,
      %get3A_360 = vector.shape_cast %get3A_359 : vector<1x16xf32> to vector<16xf32>
      %mul3A_361 = vector.broadcast %convert_element_type3A_297 : f32 to vector<16xf32>
      %mul3A_362 = arith.mulf %get3A_360, %mul3A_361 : vector<16xf32>
      %add3A_363 = arith.addf %scan3A_295, %mul3A_362 : vector<16xf32>
      %add3A_364 = arith.constant 32 : i32
      %add3A_365 = arith.addi %add3A_364, %scan3A_291 : i32
      %get3A_366 = arith.index_cast %add3A_365 : i32 to index
      %get3A_367 = arith.constant 48 : index
      %get3A_368 = tpu.vector_load %arg10[%get3A_366, %get3A_367] {strides = array<i32>} : memref<48x64xf32, #tpu.memory_space<vmem>>, vector<1x16xf32>,
      %get3A_369 = vector.shape_cast %get3A_368 : vector<1x16xf32> to vector<16xf32>
      %mul3A_370 = vector.broadcast %convert_element_type3A_192 : f32 to vector<16xf32>
      %mul3A_371 = arith.mulf %get3A_369, %mul3A_370 : vector<16xf32>
      %add3A_372 = arith.addf %add3A_363, %mul3A_371 : vector<16xf32>
      scf.yield %add3A_315, %add3A_334, %add3A_353, %add3A_372 : vector<16xf32>, vector<16xf32>, vector<16xf32>, vector<16xf32>
    }
    %scan3A_206 = arith.constant 16 : i32
    "tpu.trace_start"() <{level = 10 : i32, message = "pass3_scan"}> : () -> ()
    %dma_wait3A_207 = arith.constant 0 : i32
    %dma_wait3A_208 = tpu.memref_slice %arg2[%add3A_20, %dma_wait3A_207] : memref<32768x64xf32, #tpu.memory_space<hbm>> -> memref<256x64xf32, #tpu.memory_space<hbm>>
    %dma_wait3A_209 = arith.constant 0 : i32
    %dma_wait3A_210 = tpu.memref_slice %arg2[%add3A_20, %dma_wait3A_209] : memref<32768x64xf32, #tpu.memory_space<hbm>> -> memref<256x64xf32, #tpu.memory_space<hbm>>
    tpu.wait_dma2 semaphore(%arg13 : memref<!tpu.dma_semaphore, #tpu.memory_space<semaphore_mem>>) src(%dma_wait3A_210 : memref<256x64xf32, #tpu.memory_space<hbm>>) dst(%arg7 : memref<256x64xf32, #tpu.memory_space<vmem>>)
    %scan3A_211 = arith.constant 0 : i32
    %scan3A_212 = arith.constant 32 : i32
    %scan3A_213 = arith.addi %scan3A_211, %scan3A_212 : i32
    %scan3A_214 = arith.constant 1 : i32
    %scan3A_215:4 = scf.for %scan3A_291 = %scan3A_211 to %scan3A_213 step %scan3A_214 iter_args(%scan3A_292 = %scan3A_205#0, %scan3A_293 = %scan3A_205#1, %scan3A_294 = %scan3A_205#2, %scan3A_295 = %scan3A_205#3) -> (vector<16xf32>, vector<16xf32>, vector<16xf32>, vector<16xf32>)  : i32 {
      %mul3A_296 = arith.constant 8 : i32
      %mul3A_297 = arith.muli %scan3A_291, %mul3A_296 : i32
      %add3A_298 = arith.constant 0 : i32
      %add3A_299 = arith.addi %mul3A_297, %add3A_298 : i32
      %get3A = arith.index_cast %add3A_299 : i32 to index
      %get3A_300 = arith.constant 0 : index
      %get3A_301 = tpu.vector_load %arg7[%get3A, %get3A_300] {strides = array<i32>} : memref<256x64xf32, #tpu.memory_space<vmem>>, vector<1x16xf32>,
      %get3A_302 = vector.shape_cast %get3A_301 : vector<1x16xf32> to vector<16xf32>
      %add3A_303 = arith.addf %scan3A_292, %get3A_302 : vector<16xf32>
      %swap3A_304 = arith.index_cast %add3A_299 : i32 to index
      %swap3A_305 = arith.constant 0 : index
      %swap3A_306 = tpu.vector_load %arg7[%swap3A_304, %swap3A_305] {strides = array<i32>} : memref<256x64xf32, #tpu.memory_space<vmem>>, vector<1x16xf32>,
      %swap3A_307 = vector.shape_cast %swap3A_306 : vector<1x16xf32> to vector<16xf32>
      %swap3A_308 = vector.shape_cast %add3A_303 : vector<16xf32> to vector<1x16xf32>
      tpu.vector_store %arg7[%swap3A_304, %swap3A_305], %swap3A_308 {strides = array<i32>} : memref<256x64xf32, #tpu.memory_space<vmem>>, vector<1x16xf32>,
      %get3A_309 = arith.index_cast %add3A_299 : i32 to index
      %get3A_310 = arith.constant 16 : index
      %get3A_311 = tpu.vector_load %arg7[%get3A_309, %get3A_310] {strides = array<i32>} : memref<256x64xf32, #tpu.memory_space<vmem>>, vector<1x16xf32>,
      %get3A_312 = vector.shape_cast %get3A_311 : vector<1x16xf32> to vector<16xf32>
      %add3A_313 = arith.addf %scan3A_293, %get3A_312 : vector<16xf32>
      %swap3A_314 = arith.index_cast %add3A_299 : i32 to index
      %swap3A_315 = arith.constant 16 : index
      %swap3A_316 = tpu.vector_load %arg7[%swap3A_314, %swap3A_315] {strides = array<i32>} : memref<256x64xf32, #tpu.memory_space<vmem>>, vector<1x16xf32>,
      %swap3A_317 = vector.shape_cast %swap3A_316 : vector<1x16xf32> to vector<16xf32>
      %swap3A_318 = vector.shape_cast %add3A_313 : vector<16xf32> to vector<1x16xf32>
      tpu.vector_store %arg7[%swap3A_314, %swap3A_315], %swap3A_318 {strides = array<i32>} : memref<256x64xf32, #tpu.memory_space<vmem>>, vector<1x16xf32>,
      %get3A_319 = arith.index_cast %add3A_299 : i32 to index
      %get3A_320 = arith.constant 32 : index
      %get3A_321 = tpu.vector_load %arg7[%get3A_319, %get3A_320] {strides = array<i32>} : memref<256x64xf32, #tpu.memory_space<vmem>>, vector<1x16xf32>,
      %get3A_322 = vector.shape_cast %get3A_321 : vector<1x16xf32> to vector<16xf32>
      %add3A_323 = arith.addf %scan3A_294, %get3A_322 : vector<16xf32>
      %swap3A_324 = arith.index_cast %add3A_299 : i32 to index
      %swap3A_325 = arith.constant 32 : index
      %swap3A_326 = tpu.vector_load %arg7[%swap3A_324, %swap3A_325] {strides = array<i32>} : memref<256x64xf32, #tpu.memory_space<vmem>>, vector<1x16xf32>,
      %swap3A_327 = vector.shape_cast %swap3A_326 : vector<1x16xf32> to vector<16xf32>
      %swap3A_328 = vector.shape_cast %add3A_323 : vector<16xf32> to vector<1x16xf32>
      tpu.vector_store %arg7[%swap3A_324, %swap3A_325], %swap3A_328 {strides = array<i32>} : memref<256x64xf32, #tpu.memory_space<vmem>>, vector<1x16xf32>,
      %get3A_329 = arith.index_cast %add3A_299 : i32 to index
      %get3A_330 = arith.constant 48 : index
      %get3A_331 = tpu.vector_load %arg7[%get3A_329, %get3A_330] {strides = array<i32>} : memref<256x64xf32, #tpu.memory_space<vmem>>, vector<1x16xf32>,
      %get3A_332 = vector.shape_cast %get3A_331 : vector<1x16xf32> to vector<16xf32>
      %add3A_333 = arith.addf %scan3A_295, %get3A_332 : vector<16xf32>
      %swap3A_334 = arith.index_cast %add3A_299 : i32 to index
      %swap3A_335 = arith.constant 48 : index
      %swap3A_336 = tpu.vector_load %arg7[%swap3A_334, %swap3A_335] {strides = array<i32>} : memref<256x64xf32, #tpu.memory_space<vmem>>, vector<1x16xf32>,
      %swap3A_337 = vector.shape_cast %swap3A_336 : vector<1x16xf32> to vector<16xf32>
      %swap3A_338 = vector.shape_cast %add3A_333 : vector<16xf32> to vector<1x16xf32>
      tpu.vector_store %arg7[%swap3A_334, %swap3A_335], %swap3A_338 {strides = array<i32>} : memref<256x64xf32, #tpu.memory_space<vmem>>, vector<1x16xf32>,
      %mul3A_339 = arith.constant 8 : i32
      %mul3A_340 = arith.muli %scan3A_291, %mul3A_339 : i32
      %add3A_341 = arith.constant 1 : i32
      %add3A_342 = arith.addi %mul3A_340, %add3A_341 : i32
      %get3A_343 = arith.index_cast %add3A_342 : i32 to index
      %get3A_344 = arith.constant 0 : index
      %get3A_345 = tpu.vector_load %arg7[%get3A_343, %get3A_344] {strides = array<i32>} : memref<256x64xf32, #tpu.memory_space<vmem>>, vector<1x16xf32>,
      %get3A_346 = vector.shape_cast %get3A_345 : vector<1x16xf32> to vector<16xf32>
      %add3A_347 = arith.addf %add3A_303, %get3A_346 : vector<16xf32>
      %swap3A_348 = arith.index_cast %add3A_342 : i32 to index
      %swap3A_349 = arith.constant 0 : index
      %swap3A_350 = tpu.vector_load %arg7[%swap3A_348, %swap3A_349] {strides = array<i32>} : memref<256x64xf32, #tpu.memory_space<vmem>>, vector<1x16xf32>,
      %swap3A_351 = vector.shape_cast %swap3A_350 : vector<1x16xf32> to vector<16xf32>
      %swap3A_352 = vector.shape_cast %add3A_347 : vector<16xf32> to vector<1x16xf32>
      tpu.vector_store %arg7[%swap3A_348, %swap3A_349], %swap3A_352 {strides = array<i32>} : memref<256x64xf32, #tpu.memory_space<vmem>>, vector<1x16xf32>,
      %get3A_353 = arith.index_cast %add3A_342 : i32 to index
      %get3A_354 = arith.constant 16 : index
      %get3A_355 = tpu.vector_load %arg7[%get3A_353, %get3A_354] {strides = array<i32>} : memref<256x64xf32, #tpu.memory_space<vmem>>, vector<1x16xf32>,
      %get3A_356 = vector.shape_cast %get3A_355 : vector<1x16xf32> to vector<16xf32>
      %add3A_357 = arith.addf %add3A_313, %get3A_356 : vector<16xf32>
      %swap3A_358 = arith.index_cast %add3A_342 : i32 to index
      %swap3A_359 = arith.constant 16 : index
      %swap3A_360 = tpu.vector_load %arg7[%swap3A_358, %swap3A_359] {strides = array<i32>} : memref<256x64xf32, #tpu.memory_space<vmem>>, vector<1x16xf32>,
      %swap3A_361 = vector.shape_cast %swap3A_360 : vector<1x16xf32> to vector<16xf32>
      %swap3A_362 = vector.shape_cast %add3A_357 : vector<16xf32> to vector<1x16xf32>
      tpu.vector_store %arg7[%swap3A_358, %swap3A_359], %swap3A_362 {strides = array<i32>} : memref<256x64xf32, #tpu.memory_space<vmem>>, vector<1x16xf32>,
      %get3A_363 = arith.index_cast %add3A_342 : i32 to index
      %get3A_364 = arith.constant 32 : index
      %get3A_365 = tpu.vector_load %arg7[%get3A_363, %get3A_364] {strides = array<i32>} : memref<256x64xf32, #tpu.memory_space<vmem>>, vector<1x16xf32>,
      %get3A_366 = vector.shape_cast %get3A_365 : vector<1x16xf32> to vector<16xf32>
      %add3A_367 = arith.addf %add3A_323, %get3A_366 : vector<16xf32>
      %swap3A_368 = arith.index_cast %add3A_342 : i32 to index
      %swap3A_369 = arith.constant 32 : index
      %swap3A_370 = tpu.vector_load %arg7[%swap3A_368, %swap3A_369] {strides = array<i32>} : memref<256x64xf32, #tpu.memory_space<vmem>>, vector<1x16xf32>,
      %swap3A_371 = vector.shape_cast %swap3A_370 : vector<1x16xf32> to vector<16xf32>
      %swap3A_372 = vector.shape_cast %add3A_367 : vector<16xf32> to vector<1x16xf32>
      tpu.vector_store %arg7[%swap3A_368, %swap3A_369], %swap3A_372 {strides = array<i32>} : memref<256x64xf32, #tpu.memory_space<vmem>>, vector<1x16xf32>,
      %get3A_373 = arith.index_cast %add3A_342 : i32 to index
      %get3A_374 = arith.constant 48 : index
      %get3A_375 = tpu.vector_load %arg7[%get3A_373, %get3A_374] {strides = array<i32>} : memref<256x64xf32, #tpu.memory_space<vmem>>, vector<1x16xf32>,
      %get3A_376 = vector.shape_cast %get3A_375 : vector<1x16xf32> to vector<16xf32>
      %add3A_377 = arith.addf %add3A_333, %get3A_376 : vector<16xf32>
      %swap3A_378 = arith.index_cast %add3A_342 : i32 to index
      %swap3A_379 = arith.constant 48 : index
      %swap3A_380 = tpu.vector_load %arg7[%swap3A_378, %swap3A_379] {strides = array<i32>} : memref<256x64xf32, #tpu.memory_space<vmem>>, vector<1x16xf32>,
      %swap3A_381 = vector.shape_cast %swap3A_380 : vector<1x16xf32> to vector<16xf32>
      %swap3A_382 = vector.shape_cast %add3A_377 : vector<16xf32> to vector<1x16xf32>
      tpu.vector_store %arg7[%swap3A_378, %swap3A_379], %swap3A_382 {strides = array<i32>} : memref<256x64xf32, #tpu.memory_space<vmem>>, vector<1x16xf32>,
      %mul3A_383 = arith.constant 8 : i32
      %mul3A_384 = arith.muli %scan3A_291, %mul3A_383 : i32
      %add3A_385 = arith.constant 2 : i32
      %add3A_386 = arith.addi %mul3A_384, %add3A_385 : i32
      %get3A_387 = arith.index_cast %add3A_386 : i32 to index
      %get3A_388 = arith.constant 0 : index
      %get3A_389 = tpu.vector_load %arg7[%get3A_387, %get3A_388] {strides = array<i32>} : memref<256x64xf32, #tpu.memory_space<vmem>>, vector<1x16xf32>,
      %get3A_390 = vector.shape_cast %get3A_389 : vector<1x16xf32> to vector<16xf32>
      %add3A_391 = arith.addf %add3A_347, %get3A_390 : vector<16xf32>
      %swap3A_392 = arith.index_cast %add3A_386 : i32 to index
      %swap3A_393 = arith.constant 0 : index
      %swap3A_394 = tpu.vector_load %arg7[%swap3A_392, %swap3A_393] {strides = array<i32>} : memref<256x64xf32, #tpu.memory_space<vmem>>, vector<1x16xf32>,
      %swap3A_395 = vector.shape_cast %swap3A_394 : vector<1x16xf32> to vector<16xf32>
      %swap3A_396 = vector.shape_cast %add3A_391 : vector<16xf32> to vector<1x16xf32>
      tpu.vector_store %arg7[%swap3A_392, %swap3A_393], %swap3A_396 {strides = array<i32>} : memref<256x64xf32, #tpu.memory_space<vmem>>, vector<1x16xf32>,
      %get3A_397 = arith.index_cast %add3A_386 : i32 to index
      %get3A_398 = arith.constant 16 : index
      %get3A_399 = tpu.vector_load %arg7[%get3A_397, %get3A_398] {strides = array<i32>} : memref<256x64xf32, #tpu.memory_space<vmem>>, vector<1x16xf32>,
      %get3A_400 = vector.shape_cast %get3A_399 : vector<1x16xf32> to vector<16xf32>
      %add3A_401 = arith.addf %add3A_357, %get3A_400 : vector<16xf32>
      %swap3A_402 = arith.index_cast %add3A_386 : i32 to index
      %swap3A_403 = arith.constant 16 : index
      %swap3A_404 = tpu.vector_load %arg7[%swap3A_402, %swap3A_403] {strides = array<i32>} : memref<256x64xf32, #tpu.memory_space<vmem>>, vector<1x16xf32>,
      %swap3A_405 = vector.shape_cast %swap3A_404 : vector<1x16xf32> to vector<16xf32>
      %swap3A_406 = vector.shape_cast %add3A_401 : vector<16xf32> to vector<1x16xf32>
      tpu.vector_store %arg7[%swap3A_402, %swap3A_403], %swap3A_406 {strides = array<i32>} : memref<256x64xf32, #tpu.memory_space<vmem>>, vector<1x16xf32>,
      %get3A_407 = arith.index_cast %add3A_386 : i32 to index
      %get3A_408 = arith.constant 32 : index
      %get3A_409 = tpu.vector_load %arg7[%get3A_407, %get3A_408] {strides = array<i32>} : memref<256x64xf32, #tpu.memory_space<vmem>>, vector<1x16xf32>,
      %get3A_410 = vector.shape_cast %get3A_409 : vector<1x16xf32> to vector<16xf32>
      %add3A_411 = arith.addf %add3A_367, %get3A_410 : vector<16xf32>
      %swap3A_412 = arith.index_cast %add3A_386 : i32 to index
      %swap3A_413 = arith.constant 32 : index
      %swap3A_414 = tpu.vector_load %arg7[%swap3A_412, %swap3A_413] {strides = array<i32>} : memref<256x64xf32, #tpu.memory_space<vmem>>, vector<1x16xf32>,
      %swap3A_415 = vector.shape_cast %swap3A_414 : vector<1x16xf32> to vector<16xf32>
      %swap3A_416 = vector.shape_cast %add3A_411 : vector<16xf32> to vector<1x16xf32>
      tpu.vector_store %arg7[%swap3A_412, %swap3A_413], %swap3A_416 {strides = array<i32>} : memref<256x64xf32, #tpu.memory_space<vmem>>, vector<1x16xf32>,
      %get3A_417 = arith.index_cast %add3A_386 : i32 to index
      %get3A_418 = arith.constant 48 : index
      %get3A_419 = tpu.vector_load %arg7[%get3A_417, %get3A_418] {strides = array<i32>} : memref<256x64xf32, #tpu.memory_space<vmem>>, vector<1x16xf32>,
      %get3A_420 = vector.shape_cast %get3A_419 : vector<1x16xf32> to vector<16xf32>
      %add3A_421 = arith.addf %add3A_377, %get3A_420 : vector<16xf32>
      %swap3A_422 = arith.index_cast %add3A_386 : i32 to index
      %swap3A_423 = arith.constant 48 : index
      %swap3A_424 = tpu.vector_load %arg7[%swap3A_422, %swap3A_423] {strides = array<i32>} : memref<256x64xf32, #tpu.memory_space<vmem>>, vector<1x16xf32>,
      %swap3A_425 = vector.shape_cast %swap3A_424 : vector<1x16xf32> to vector<16xf32>
      %swap3A_426 = vector.shape_cast %add3A_421 : vector<16xf32> to vector<1x16xf32>
      tpu.vector_store %arg7[%swap3A_422, %swap3A_423], %swap3A_426 {strides = array<i32>} : memref<256x64xf32, #tpu.memory_space<vmem>>, vector<1x16xf32>,
      %mul3A_427 = arith.constant 8 : i32
      %mul3A_428 = arith.muli %scan3A_291, %mul3A_427 : i32
      %add3A_429 = arith.constant 3 : i32
      %add3A_430 = arith.addi %mul3A_428, %add3A_429 : i32
      %get3A_431 = arith.index_cast %add3A_430 : i32 to index
      %get3A_432 = arith.constant 0 : index
      %get3A_433 = tpu.vector_load %arg7[%get3A_431, %get3A_432] {strides = array<i32>} : memref<256x64xf32, #tpu.memory_space<vmem>>, vector<1x16xf32>,
      %get3A_434 = vector.shape_cast %get3A_433 : vector<1x16xf32> to vector<16xf32>
      %add3A_435 = arith.addf %add3A_391, %get3A_434 : vector<16xf32>
      %swap3A_436 = arith.index_cast %add3A_430 : i32 to index
      %swap3A_437 = arith.constant 0 : index
      %swap3A_438 = tpu.vector_load %arg7[%swap3A_436, %swap3A_437] {strides = array<i32>} : memref<256x64xf32, #tpu.memory_space<vmem>>, vector<1x16xf32>,
      %swap3A_439 = vector.shape_cast %swap3A_438 : vector<1x16xf32> to vector<16xf32>
      %swap3A_440 = vector.shape_cast %add3A_435 : vector<16xf32> to vector<1x16xf32>
      tpu.vector_store %arg7[%swap3A_436, %swap3A_437], %swap3A_440 {strides = array<i32>} : memref<256x64xf32, #tpu.memory_space<vmem>>, vector<1x16xf32>,
      %get3A_441 = arith.index_cast %add3A_430 : i32 to index
      %get3A_442 = arith.constant 16 : index
      %get3A_443 = tpu.vector_load %arg7[%get3A_441, %get3A_442] {strides = array<i32>} : memref<256x64xf32, #tpu.memory_space<vmem>>, vector<1x16xf32>,
      %get3A_444 = vector.shape_cast %get3A_443 : vector<1x16xf32> to vector<16xf32>
      %add3A_445 = arith.addf %add3A_401, %get3A_444 : vector<16xf32>
      %swap3A_446 = arith.index_cast %add3A_430 : i32 to index
      %swap3A_447 = arith.constant 16 : index
      %swap3A_448 = tpu.vector_load %arg7[%swap3A_446, %swap3A_447] {strides = array<i32>} : memref<256x64xf32, #tpu.memory_space<vmem>>, vector<1x16xf32>,
      %swap3A_449 = vector.shape_cast %swap3A_448 : vector<1x16xf32> to vector<16xf32>
      %swap3A_450 = vector.shape_cast %add3A_445 : vector<16xf32> to vector<1x16xf32>
      tpu.vector_store %arg7[%swap3A_446, %swap3A_447], %swap3A_450 {strides = array<i32>} : memref<256x64xf32, #tpu.memory_space<vmem>>, vector<1x16xf32>,
      %get3A_451 = arith.index_cast %add3A_430 : i32 to index
      %get3A_452 = arith.constant 32 : index
      %get3A_453 = tpu.vector_load %arg7[%get3A_451, %get3A_452] {strides = array<i32>} : memref<256x64xf32, #tpu.memory_space<vmem>>, vector<1x16xf32>,
      %get3A_454 = vector.shape_cast %get3A_453 : vector<1x16xf32> to vector<16xf32>
      %add3A_455 = arith.addf %add3A_411, %get3A_454 : vector<16xf32>
      %swap3A_456 = arith.index_cast %add3A_430 : i32 to index
      %swap3A_457 = arith.constant 32 : index
      %swap3A_458 = tpu.vector_load %arg7[%swap3A_456, %swap3A_457] {strides = array<i32>} : memref<256x64xf32, #tpu.memory_space<vmem>>, vector<1x16xf32>,
      %swap3A_459 = vector.shape_cast %swap3A_458 : vector<1x16xf32> to vector<16xf32>
      %swap3A_460 = vector.shape_cast %add3A_455 : vector<16xf32> to vector<1x16xf32>
      tpu.vector_store %arg7[%swap3A_456, %swap3A_457], %swap3A_460 {strides = array<i32>} : memref<256x64xf32, #tpu.memory_space<vmem>>, vector<1x16xf32>,
      %get3A_461 = arith.index_cast %add3A_430 : i32 to index
      %get3A_462 = arith.constant 48 : index
      %get3A_463 = tpu.vector_load %arg7[%get3A_461, %get3A_462] {strides = array<i32>} : memref<256x64xf32, #tpu.memory_space<vmem>>, vector<1x16xf32>,
      %get3A_464 = vector.shape_cast %get3A_463 : vector<1x16xf32> to vector<16xf32>
      %add3A_465 = arith.addf %add3A_421, %get3A_464 : vector<16xf32>
      %swap3A_466 = arith.index_cast %add3A_430 : i32 to index
      %swap3A_467 = arith.constant 48 : index
      %swap3A_468 = tpu.vector_load %arg7[%swap3A_466, %swap3A_467] {strides = array<i32>} : memref<256x64xf32, #tpu.memory_space<vmem>>, vector<1x16xf32>,
      %swap3A_469 = vector.shape_cast %swap3A_468 : vector<1x16xf32> to vector<16xf32>
      %swap3A_470 = vector.shape_cast %add3A_465 : vector<16xf32> to vector<1x16xf32>
      tpu.vector_store %arg7[%swap3A_466, %swap3A_467], %swap3A_470 {strides = array<i32>} : memref<256x64xf32, #tpu.memory_space<vmem>>, vector<1x16xf32>,
      %mul3A_471 = arith.constant 8 : i32
      %mul3A_472 = arith.muli %scan3A_291, %mul3A_471 : i32
      %add3A_473 = arith.constant 4 : i32
      %add3A_474 = arith.addi %mul3A_472, %add3A_473 : i32
      %get3A_475 = arith.index_cast %add3A_474 : i32 to index
      %get3A_476 = arith.constant 0 : index
      %get3A_477 = tpu.vector_load %arg7[%get3A_475, %get3A_476] {strides = array<i32>} : memref<256x64xf32, #tpu.memory_space<vmem>>, vector<1x16xf32>,
      %get3A_478 = vector.shape_cast %get3A_477 : vector<1x16xf32> to vector<16xf32>
      %add3A_479 = arith.addf %add3A_435, %get3A_478 : vector<16xf32>
      %swap3A_480 = arith.index_cast %add3A_474 : i32 to index
      %swap3A_481 = arith.constant 0 : index
      %swap3A_482 = tpu.vector_load %arg7[%swap3A_480, %swap3A_481] {strides = array<i32>} : memref<256x64xf32, #tpu.memory_space<vmem>>, vector<1x16xf32>,
      %swap3A_483 = vector.shape_cast %swap3A_482 : vector<1x16xf32> to vector<16xf32>
      %swap3A_484 = vector.shape_cast %add3A_479 : vector<16xf32> to vector<1x16xf32>
      tpu.vector_store %arg7[%swap3A_480, %swap3A_481], %swap3A_484 {strides = array<i32>} : memref<256x64xf32, #tpu.memory_space<vmem>>, vector<1x16xf32>,
      %get3A_485 = arith.index_cast %add3A_474 : i32 to index
      %get3A_486 = arith.constant 16 : index
      %get3A_487 = tpu.vector_load %arg7[%get3A_485, %get3A_486] {strides = array<i32>} : memref<256x64xf32, #tpu.memory_space<vmem>>, vector<1x16xf32>,
      %get3A_488 = vector.shape_cast %get3A_487 : vector<1x16xf32> to vector<16xf32>
      %add3A_489 = arith.addf %add3A_445, %get3A_488 : vector<16xf32>
      %swap3A_490 = arith.index_cast %add3A_474 : i32 to index
      %swap3A_491 = arith.constant 16 : index
      %swap3A_492 = tpu.vector_load %arg7[%swap3A_490, %swap3A_491] {strides = array<i32>} : memref<256x64xf32, #tpu.memory_space<vmem>>, vector<1x16xf32>,
      %swap3A_493 = vector.shape_cast %swap3A_492 : vector<1x16xf32> to vector<16xf32>
      %swap3A_494 = vector.shape_cast %add3A_489 : vector<16xf32> to vector<1x16xf32>
      tpu.vector_store %arg7[%swap3A_490, %swap3A_491], %swap3A_494 {strides = array<i32>} : memref<256x64xf32, #tpu.memory_space<vmem>>, vector<1x16xf32>,
      %get3A_495 = arith.index_cast %add3A_474 : i32 to index
      %get3A_496 = arith.constant 32 : index
      %get3A_497 = tpu.vector_load %arg7[%get3A_495, %get3A_496] {strides = array<i32>} : memref<256x64xf32, #tpu.memory_space<vmem>>, vector<1x16xf32>,
      %get3A_498 = vector.shape_cast %get3A_497 : vector<1x16xf32> to vector<16xf32>
      %add3A_499 = arith.addf %add3A_455, %get3A_498 : vector<16xf32>
      %swap3A_500 = arith.index_cast %add3A_474 : i32 to index
      %swap3A_501 = arith.constant 32 : index
      %swap3A_502 = tpu.vector_load %arg7[%swap3A_500, %swap3A_501] {strides = array<i32>} : memref<256x64xf32, #tpu.memory_space<vmem>>, vector<1x16xf32>,
      %swap3A_503 = vector.shape_cast %swap3A_502 : vector<1x16xf32> to vector<16xf32>
      %swap3A_504 = vector.shape_cast %add3A_499 : vector<16xf32> to vector<1x16xf32>
      tpu.vector_store %arg7[%swap3A_500, %swap3A_501], %swap3A_504 {strides = array<i32>} : memref<256x64xf32, #tpu.memory_space<vmem>>, vector<1x16xf32>,
      %get3A_505 = arith.index_cast %add3A_474 : i32 to index
      %get3A_506 = arith.constant 48 : index
      %get3A_507 = tpu.vector_load %arg7[%get3A_505, %get3A_506] {strides = array<i32>} : memref<256x64xf32, #tpu.memory_space<vmem>>, vector<1x16xf32>,
      %get3A_508 = vector.shape_cast %get3A_507 : vector<1x16xf32> to vector<16xf32>
      %add3A_509 = arith.addf %add3A_465, %get3A_508 : vector<16xf32>
      %swap3A_510 = arith.index_cast %add3A_474 : i32 to index
      %swap3A_511 = arith.constant 48 : index
      %swap3A_512 = tpu.vector_load %arg7[%swap3A_510, %swap3A_511] {strides = array<i32>} : memref<256x64xf32, #tpu.memory_space<vmem>>, vector<1x16xf32>,
      %swap3A_513 = vector.shape_cast %swap3A_512 : vector<1x16xf32> to vector<16xf32>
      %swap3A_514 = vector.shape_cast %add3A_509 : vector<16xf32> to vector<1x16xf32>
      tpu.vector_store %arg7[%swap3A_510, %swap3A_511], %swap3A_514 {strides = array<i32>} : memref<256x64xf32, #tpu.memory_space<vmem>>, vector<1x16xf32>,
      %mul3A_515 = arith.constant 8 : i32
      %mul3A_516 = arith.muli %scan3A_291, %mul3A_515 : i32
      %add3A_517 = arith.constant 5 : i32
      %add3A_518 = arith.addi %mul3A_516, %add3A_517 : i32
      %get3A_519 = arith.index_cast %add3A_518 : i32 to index
      %get3A_520 = arith.constant 0 : index
      %get3A_521 = tpu.vector_load %arg7[%get3A_519, %get3A_520] {strides = array<i32>} : memref<256x64xf32, #tpu.memory_space<vmem>>, vector<1x16xf32>,
      %get3A_522 = vector.shape_cast %get3A_521 : vector<1x16xf32> to vector<16xf32>
      %add3A_523 = arith.addf %add3A_479, %get3A_522 : vector<16xf32>
      %swap3A_524 = arith.index_cast %add3A_518 : i32 to index
      %swap3A_525 = arith.constant 0 : index
      %swap3A_526 = tpu.vector_load %arg7[%swap3A_524, %swap3A_525] {strides = array<i32>} : memref<256x64xf32, #tpu.memory_space<vmem>>, vector<1x16xf32>,
      %swap3A_527 = vector.shape_cast %swap3A_526 : vector<1x16xf32> to vector<16xf32>
      %swap3A_528 = vector.shape_cast %add3A_523 : vector<16xf32> to vector<1x16xf32>
      tpu.vector_store %arg7[%swap3A_524, %swap3A_525], %swap3A_528 {strides = array<i32>} : memref<256x64xf32, #tpu.memory_space<vmem>>, vector<1x16xf32>,
      %get3A_529 = arith.index_cast %add3A_518 : i32 to index
      %get3A_530 = arith.constant 16 : index
      %get3A_531 = tpu.vector_load %arg7[%get3A_529, %get3A_530] {strides = array<i32>} : memref<256x64xf32, #tpu.memory_space<vmem>>, vector<1x16xf32>,
      %get3A_532 = vector.shape_cast %get3A_531 : vector<1x16xf32> to vector<16xf32>
      %add3A_533 = arith.addf %add3A_489, %get3A_532 : vector<16xf32>
      %swap3A_534 = arith.index_cast %add3A_518 : i32 to index
      %swap3A_535 = arith.constant 16 : index
      %swap3A_536 = tpu.vector_load %arg7[%swap3A_534, %swap3A_535] {strides = array<i32>} : memref<256x64xf32, #tpu.memory_space<vmem>>, vector<1x16xf32>,
      %swap3A_537 = vector.shape_cast %swap3A_536 : vector<1x16xf32> to vector<16xf32>
      %swap3A_538 = vector.shape_cast %add3A_533 : vector<16xf32> to vector<1x16xf32>
      tpu.vector_store %arg7[%swap3A_534, %swap3A_535], %swap3A_538 {strides = array<i32>} : memref<256x64xf32, #tpu.memory_space<vmem>>, vector<1x16xf32>,
      %get3A_539 = arith.index_cast %add3A_518 : i32 to index
      %get3A_540 = arith.constant 32 : index
      %get3A_541 = tpu.vector_load %arg7[%get3A_539, %get3A_540] {strides = array<i32>} : memref<256x64xf32, #tpu.memory_space<vmem>>, vector<1x16xf32>,
      %get3A_542 = vector.shape_cast %get3A_541 : vector<1x16xf32> to vector<16xf32>
      %add3A_543 = arith.addf %add3A_499, %get3A_542 : vector<16xf32>
      %swap3A_544 = arith.index_cast %add3A_518 : i32 to index
      %swap3A_545 = arith.constant 32 : index
      %swap3A_546 = tpu.vector_load %arg7[%swap3A_544, %swap3A_545] {strides = array<i32>} : memref<256x64xf32, #tpu.memory_space<vmem>>, vector<1x16xf32>,
      %swap3A_547 = vector.shape_cast %swap3A_546 : vector<1x16xf32> to vector<16xf32>
      %swap3A_548 = vector.shape_cast %add3A_543 : vector<16xf32> to vector<1x16xf32>
      tpu.vector_store %arg7[%swap3A_544, %swap3A_545], %swap3A_548 {strides = array<i32>} : memref<256x64xf32, #tpu.memory_space<vmem>>, vector<1x16xf32>,
      %get3A_549 = arith.index_cast %add3A_518 : i32 to index
      %get3A_550 = arith.constant 48 : index
      %get3A_551 = tpu.vector_load %arg7[%get3A_549, %get3A_550] {strides = array<i32>} : memref<256x64xf32, #tpu.memory_space<vmem>>, vector<1x16xf32>,
      %get3A_552 = vector.shape_cast %get3A_551 : vector<1x16xf32> to vector<16xf32>
      %add3A_553 = arith.addf %add3A_509, %get3A_552 : vector<16xf32>
      %swap3A_554 = arith.index_cast %add3A_518 : i32 to index
      %swap3A_555 = arith.constant 48 : index
      %swap3A_556 = tpu.vector_load %arg7[%swap3A_554, %swap3A_555] {strides = array<i32>} : memref<256x64xf32, #tpu.memory_space<vmem>>, vector<1x16xf32>,
      %swap3A_557 = vector.shape_cast %swap3A_556 : vector<1x16xf32> to vector<16xf32>
      %swap3A_558 = vector.shape_cast %add3A_553 : vector<16xf32> to vector<1x16xf32>
      tpu.vector_store %arg7[%swap3A_554, %swap3A_555], %swap3A_558 {strides = array<i32>} : memref<256x64xf32, #tpu.memory_space<vmem>>, vector<1x16xf32>,
      %mul3A_559 = arith.constant 8 : i32
      %mul3A_560 = arith.muli %scan3A_291, %mul3A_559 : i32
      %add3A_561 = arith.constant 6 : i32
      %add3A_562 = arith.addi %mul3A_560, %add3A_561 : i32
      %get3A_563 = arith.index_cast %add3A_562 : i32 to index
      %get3A_564 = arith.constant 0 : index
      %get3A_565 = tpu.vector_load %arg7[%get3A_563, %get3A_564] {strides = array<i32>} : memref<256x64xf32, #tpu.memory_space<vmem>>, vector<1x16xf32>,
      %get3A_566 = vector.shape_cast %get3A_565 : vector<1x16xf32> to vector<16xf32>
      %add3A_567 = arith.addf %add3A_523, %get3A_566 : vector<16xf32>
      %swap3A_568 = arith.index_cast %add3A_562 : i32 to index
      %swap3A_569 = arith.constant 0 : index
      %swap3A_570 = tpu.vector_load %arg7[%swap3A_568, %swap3A_569] {strides = array<i32>} : memref<256x64xf32, #tpu.memory_space<vmem>>, vector<1x16xf32>,
      %swap3A_571 = vector.shape_cast %swap3A_570 : vector<1x16xf32> to vector<16xf32>
      %swap3A_572 = vector.shape_cast %add3A_567 : vector<16xf32> to vector<1x16xf32>
      tpu.vector_store %arg7[%swap3A_568, %swap3A_569], %swap3A_572 {strides = array<i32>} : memref<256x64xf32, #tpu.memory_space<vmem>>, vector<1x16xf32>,
      %get3A_573 = arith.index_cast %add3A_562 : i32 to index
      %get3A_574 = arith.constant 16 : index
      %get3A_575 = tpu.vector_load %arg7[%get3A_573, %get3A_574] {strides = array<i32>} : memref<256x64xf32, #tpu.memory_space<vmem>>, vector<1x16xf32>,
      %get3A_576 = vector.shape_cast %get3A_575 : vector<1x16xf32> to vector<16xf32>
      %add3A_577 = arith.addf %add3A_533, %get3A_576 : vector<16xf32>
      %swap3A_578 = arith.index_cast %add3A_562 : i32 to index
      %swap3A_579 = arith.constant 16 : index
      %swap3A_580 = tpu.vector_load %arg7[%swap3A_578, %swap3A_579] {strides = array<i32>} : memref<256x64xf32, #tpu.memory_space<vmem>>, vector<1x16xf32>,
      %swap3A_581 = vector.shape_cast %swap3A_580 : vector<1x16xf32> to vector<16xf32>
      %swap3A_582 = vector.shape_cast %add3A_577 : vector<16xf32> to vector<1x16xf32>
      tpu.vector_store %arg7[%swap3A_578, %swap3A_579], %swap3A_582 {strides = array<i32>} : memref<256x64xf32, #tpu.memory_space<vmem>>, vector<1x16xf32>,
      %get3A_583 = arith.index_cast %add3A_562 : i32 to index
      %get3A_584 = arith.constant 32 : index
      %get3A_585 = tpu.vector_load %arg7[%get3A_583, %get3A_584] {strides = array<i32>} : memref<256x64xf32, #tpu.memory_space<vmem>>, vector<1x16xf32>,
      %get3A_586 = vector.shape_cast %get3A_585 : vector<1x16xf32> to vector<16xf32>
      %add3A_587 = arith.addf %add3A_543, %get3A_586 : vector<16xf32>
      %swap3A_588 = arith.index_cast %add3A_562 : i32 to index
      %swap3A_589 = arith.constant 32 : index
      %swap3A_590 = tpu.vector_load %arg7[%swap3A_588, %swap3A_589] {strides = array<i32>} : memref<256x64xf32, #tpu.memory_space<vmem>>, vector<1x16xf32>,
      %swap3A_591 = vector.shape_cast %swap3A_590 : vector<1x16xf32> to vector<16xf32>
      %swap3A_592 = vector.shape_cast %add3A_587 : vector<16xf32> to vector<1x16xf32>
      tpu.vector_store %arg7[%swap3A_588, %swap3A_589], %swap3A_592 {strides = array<i32>} : memref<256x64xf32, #tpu.memory_space<vmem>>, vector<1x16xf32>,
      %get3A_593 = arith.index_cast %add3A_562 : i32 to index
      %get3A_594 = arith.constant 48 : index
      %get3A_595 = tpu.vector_load %arg7[%get3A_593, %get3A_594] {strides = array<i32>} : memref<256x64xf32, #tpu.memory_space<vmem>>, vector<1x16xf32>,
      %get3A_596 = vector.shape_cast %get3A_595 : vector<1x16xf32> to vector<16xf32>
      %add3A_597 = arith.addf %add3A_553, %get3A_596 : vector<16xf32>
      %swap3A_598 = arith.index_cast %add3A_562 : i32 to index
      %swap3A_599 = arith.constant 48 : index
      %swap3A_600 = tpu.vector_load %arg7[%swap3A_598, %swap3A_599] {strides = array<i32>} : memref<256x64xf32, #tpu.memory_space<vmem>>, vector<1x16xf32>,
      %swap3A_601 = vector.shape_cast %swap3A_600 : vector<1x16xf32> to vector<16xf32>
      %swap3A_602 = vector.shape_cast %add3A_597 : vector<16xf32> to vector<1x16xf32>
      tpu.vector_store %arg7[%swap3A_598, %swap3A_599], %swap3A_602 {strides = array<i32>} : memref<256x64xf32, #tpu.memory_space<vmem>>, vector<1x16xf32>,
      %mul3A_603 = arith.constant 8 : i32
      %mul3A_604 = arith.muli %scan3A_291, %mul3A_603 : i32
      %add3A_605 = arith.constant 7 : i32
      %add3A_606 = arith.addi %mul3A_604, %add3A_605 : i32
      %get3A_607 = arith.index_cast %add3A_606 : i32 to index
      %get3A_608 = arith.constant 0 : index
      %get3A_609 = tpu.vector_load %arg7[%get3A_607, %get3A_608] {strides = array<i32>} : memref<256x64xf32, #tpu.memory_space<vmem>>, vector<1x16xf32>,
      %get3A_610 = vector.shape_cast %get3A_609 : vector<1x16xf32> to vector<16xf32>
      %add3A_611 = arith.addf %add3A_567, %get3A_610 : vector<16xf32>
      %swap3A_612 = arith.index_cast %add3A_606 : i32 to index
      %swap3A_613 = arith.constant 0 : index
      %swap3A_614 = tpu.vector_load %arg7[%swap3A_612, %swap3A_613] {strides = array<i32>} : memref<256x64xf32, #tpu.memory_space<vmem>>, vector<1x16xf32>,
      %swap3A_615 = vector.shape_cast %swap3A_614 : vector<1x16xf32> to vector<16xf32>
      %swap3A_616 = vector.shape_cast %add3A_611 : vector<16xf32> to vector<1x16xf32>
      tpu.vector_store %arg7[%swap3A_612, %swap3A_613], %swap3A_616 {strides = array<i32>} : memref<256x64xf32, #tpu.memory_space<vmem>>, vector<1x16xf32>,
      %get3A_617 = arith.index_cast %add3A_606 : i32 to index
      %get3A_618 = arith.constant 16 : index
      %get3A_619 = tpu.vector_load %arg7[%get3A_617, %get3A_618] {strides = array<i32>} : memref<256x64xf32, #tpu.memory_space<vmem>>, vector<1x16xf32>,
      %get3A_620 = vector.shape_cast %get3A_619 : vector<1x16xf32> to vector<16xf32>
      %add3A_621 = arith.addf %add3A_577, %get3A_620 : vector<16xf32>
      %swap3A_622 = arith.index_cast %add3A_606 : i32 to index
      %swap3A_623 = arith.constant 16 : index
      %swap3A_624 = tpu.vector_load %arg7[%swap3A_622, %swap3A_623] {strides = array<i32>} : memref<256x64xf32, #tpu.memory_space<vmem>>, vector<1x16xf32>,
      %swap3A_625 = vector.shape_cast %swap3A_624 : vector<1x16xf32> to vector<16xf32>
      %swap3A_626 = vector.shape_cast %add3A_621 : vector<16xf32> to vector<1x16xf32>
      tpu.vector_store %arg7[%swap3A_622, %swap3A_623], %swap3A_626 {strides = array<i32>} : memref<256x64xf32, #tpu.memory_space<vmem>>, vector<1x16xf32>,
      %get3A_627 = arith.index_cast %add3A_606 : i32 to index
      %get3A_628 = arith.constant 32 : index
      %get3A_629 = tpu.vector_load %arg7[%get3A_627, %get3A_628] {strides = array<i32>} : memref<256x64xf32, #tpu.memory_space<vmem>>, vector<1x16xf32>,
      %get3A_630 = vector.shape_cast %get3A_629 : vector<1x16xf32> to vector<16xf32>
      %add3A_631 = arith.addf %add3A_587, %get3A_630 : vector<16xf32>
      %swap3A_632 = arith.index_cast %add3A_606 : i32 to index
      %swap3A_633 = arith.constant 32 : index
      %swap3A_634 = tpu.vector_load %arg7[%swap3A_632, %swap3A_633] {strides = array<i32>} : memref<256x64xf32, #tpu.memory_space<vmem>>, vector<1x16xf32>,
      %swap3A_635 = vector.shape_cast %swap3A_634 : vector<1x16xf32> to vector<16xf32>
      %swap3A_636 = vector.shape_cast %add3A_631 : vector<16xf32> to vector<1x16xf32>
      tpu.vector_store %arg7[%swap3A_632, %swap3A_633], %swap3A_636 {strides = array<i32>} : memref<256x64xf32, #tpu.memory_space<vmem>>, vector<1x16xf32>,
      %get3A_637 = arith.index_cast %add3A_606 : i32 to index
      %get3A_638 = arith.constant 48 : index
      %get3A_639 = tpu.vector_load %arg7[%get3A_637, %get3A_638] {strides = array<i32>} : memref<256x64xf32, #tpu.memory_space<vmem>>, vector<1x16xf32>,
      %get3A_640 = vector.shape_cast %get3A_639 : vector<1x16xf32> to vector<16xf32>
      %add3A_641 = arith.addf %add3A_597, %get3A_640 : vector<16xf32>
      %swap3A_642 = arith.index_cast %add3A_606 : i32 to index
      %swap3A_643 = arith.constant 48 : index
      %swap3A_644 = tpu.vector_load %arg7[%swap3A_642, %swap3A_643] {strides = array<i32>} : memref<256x64xf32, #tpu.memory_space<vmem>>, vector<1x16xf32>,
      %swap3A_645 = vector.shape_cast %swap3A_644 : vector<1x16xf32> to vector<16xf32>
      %swap3A_646 = vector.shape_cast %add3A_641 : vector<16xf32> to vector<1x16xf32>
      tpu.vector_store %arg7[%swap3A_642, %swap3A_643], %swap3A_646 {strides = array<i32>} : memref<256x64xf32, #tpu.memory_space<vmem>>, vector<1x16xf32>,
      scf.yield %add3A_611, %add3A_621, %add3A_631, %add3A_641 : vector<16xf32>, vector<16xf32>, vector<16xf32>, vector<16xf32>
    }
    %scan3A_216 = arith.constant 32 : i32
    %add3A_217 = arith.constant 0 : i32
    %add3A_218 = arith.addi %mul3A_2, %add3A_217 : i32
    %dma_start3A_219 = arith.constant 0 : i32
    %dma_start3A_220 = tpu.memref_slice %arg3[%add3A_218, %dma_start3A_219] : memref<32768x64xf32, #tpu.memory_space<hbm>> -> memref<256x64xf32, #tpu.memory_space<hbm>>
    %dma_start3A_221 = arith.constant 0 : i32
    %dma_start3A_222 = tpu.memref_slice %arg3[%add3A_218, %dma_start3A_221] : memref<32768x64xf32, #tpu.memory_space<hbm>> -> memref<256x64xf32, #tpu.memory_space<hbm>>
    tpu.enqueue_dma source(%arg7 : memref<256x64xf32, #tpu.memory_space<vmem>>) target(%dma_start3A_222 : memref<256x64xf32, #tpu.memory_space<hbm>>) target_semaphore(%arg16 : memref<!tpu.dma_semaphore, #tpu.memory_space<semaphore_mem>>)
    %dma_wait3A_223 = arith.constant 0 : i32
    %dma_wait3A_224 = tpu.memref_slice %arg2[%add3A_22, %dma_wait3A_223] : memref<32768x64xf32, #tpu.memory_space<hbm>> -> memref<256x64xf32, #tpu.memory_space<hbm>>
    %dma_wait3A_225 = arith.constant 0 : i32
    %dma_wait3A_226 = tpu.memref_slice %arg2[%add3A_22, %dma_wait3A_225] : memref<32768x64xf32, #tpu.memory_space<hbm>> -> memref<256x64xf32, #tpu.memory_space<hbm>>
    tpu.wait_dma2 semaphore(%arg11 : memref<!tpu.dma_semaphore, #tpu.memory_space<semaphore_mem>>) src(%dma_wait3A_226 : memref<256x64xf32, #tpu.memory_space<hbm>>) dst(%arg5 : memref<256x64xf32, #tpu.memory_space<vmem>>)
    %scan3A_227 = arith.constant 0 : i32
    %scan3A_228 = arith.constant 32 : i32
    %scan3A_229 = arith.addi %scan3A_227, %scan3A_228 : i32
    %scan3A_230 = arith.constant 1 : i32
    %scan3A_231:4 = scf.for %scan3A_291 = %scan3A_227 to %scan3A_229 step %scan3A_230 iter_args(%scan3A_292 = %scan3A_215#0, %scan3A_293 = %scan3A_215#1, %scan3A_294 = %scan3A_215#2, %scan3A_295 = %scan3A_215#3) -> (vector<16xf32>, vector<16xf32>, vector<16xf32>, vector<16xf32>)  : i32 {
      %mul3A_296 = arith.constant 8 : i32
      %mul3A_297 = arith.muli %scan3A_291, %mul3A_296 : i32
      %add3A_298 = arith.constant 0 : i32
      %add3A_299 = arith.addi %mul3A_297, %add3A_298 : i32
      %get3A = arith.index_cast %add3A_299 : i32 to index
      %get3A_300 = arith.constant 0 : index
      %get3A_301 = tpu.vector_load %arg5[%get3A, %get3A_300] {strides = array<i32>} : memref<256x64xf32, #tpu.memory_space<vmem>>, vector<1x16xf32>,
      %get3A_302 = vector.shape_cast %get3A_301 : vector<1x16xf32> to vector<16xf32>
      %add3A_303 = arith.addf %scan3A_292, %get3A_302 : vector<16xf32>
      %swap3A_304 = arith.index_cast %add3A_299 : i32 to index
      %swap3A_305 = arith.constant 0 : index
      %swap3A_306 = tpu.vector_load %arg5[%swap3A_304, %swap3A_305] {strides = array<i32>} : memref<256x64xf32, #tpu.memory_space<vmem>>, vector<1x16xf32>,
      %swap3A_307 = vector.shape_cast %swap3A_306 : vector<1x16xf32> to vector<16xf32>
      %swap3A_308 = vector.shape_cast %add3A_303 : vector<16xf32> to vector<1x16xf32>
      tpu.vector_store %arg5[%swap3A_304, %swap3A_305], %swap3A_308 {strides = array<i32>} : memref<256x64xf32, #tpu.memory_space<vmem>>, vector<1x16xf32>,
      %get3A_309 = arith.index_cast %add3A_299 : i32 to index
      %get3A_310 = arith.constant 16 : index
      %get3A_311 = tpu.vector_load %arg5[%get3A_309, %get3A_310] {strides = array<i32>} : memref<256x64xf32, #tpu.memory_space<vmem>>, vector<1x16xf32>,
      %get3A_312 = vector.shape_cast %get3A_311 : vector<1x16xf32> to vector<16xf32>
      %add3A_313 = arith.addf %scan3A_293, %get3A_312 : vector<16xf32>
      %swap3A_314 = arith.index_cast %add3A_299 : i32 to index
      %swap3A_315 = arith.constant 16 : index
      %swap3A_316 = tpu.vector_load %arg5[%swap3A_314, %swap3A_315] {strides = array<i32>} : memref<256x64xf32, #tpu.memory_space<vmem>>, vector<1x16xf32>,
      %swap3A_317 = vector.shape_cast %swap3A_316 : vector<1x16xf32> to vector<16xf32>
      %swap3A_318 = vector.shape_cast %add3A_313 : vector<16xf32> to vector<1x16xf32>
      tpu.vector_store %arg5[%swap3A_314, %swap3A_315], %swap3A_318 {strides = array<i32>} : memref<256x64xf32, #tpu.memory_space<vmem>>, vector<1x16xf32>,
      %get3A_319 = arith.index_cast %add3A_299 : i32 to index
      %get3A_320 = arith.constant 32 : index
      %get3A_321 = tpu.vector_load %arg5[%get3A_319, %get3A_320] {strides = array<i32>} : memref<256x64xf32, #tpu.memory_space<vmem>>, vector<1x16xf32>,
      %get3A_322 = vector.shape_cast %get3A_321 : vector<1x16xf32> to vector<16xf32>
      %add3A_323 = arith.addf %scan3A_294, %get3A_322 : vector<16xf32>
      %swap3A_324 = arith.index_cast %add3A_299 : i32 to index
      %swap3A_325 = arith.constant 32 : index
      %swap3A_326 = tpu.vector_load %arg5[%swap3A_324, %swap3A_325] {strides = array<i32>} : memref<256x64xf32, #tpu.memory_space<vmem>>, vector<1x16xf32>,
      %swap3A_327 = vector.shape_cast %swap3A_326 : vector<1x16xf32> to vector<16xf32>
      %swap3A_328 = vector.shape_cast %add3A_323 : vector<16xf32> to vector<1x16xf32>
      tpu.vector_store %arg5[%swap3A_324, %swap3A_325], %swap3A_328 {strides = array<i32>} : memref<256x64xf32, #tpu.memory_space<vmem>>, vector<1x16xf32>,
      %get3A_329 = arith.index_cast %add3A_299 : i32 to index
      %get3A_330 = arith.constant 48 : index
      %get3A_331 = tpu.vector_load %arg5[%get3A_329, %get3A_330] {strides = array<i32>} : memref<256x64xf32, #tpu.memory_space<vmem>>, vector<1x16xf32>,
      %get3A_332 = vector.shape_cast %get3A_331 : vector<1x16xf32> to vector<16xf32>
      %add3A_333 = arith.addf %scan3A_295, %get3A_332 : vector<16xf32>
      %swap3A_334 = arith.index_cast %add3A_299 : i32 to index
      %swap3A_335 = arith.constant 48 : index
      %swap3A_336 = tpu.vector_load %arg5[%swap3A_334, %swap3A_335] {strides = array<i32>} : memref<256x64xf32, #tpu.memory_space<vmem>>, vector<1x16xf32>,
      %swap3A_337 = vector.shape_cast %swap3A_336 : vector<1x16xf32> to vector<16xf32>
      %swap3A_338 = vector.shape_cast %add3A_333 : vector<16xf32> to vector<1x16xf32>
      tpu.vector_store %arg5[%swap3A_334, %swap3A_335], %swap3A_338 {strides = array<i32>} : memref<256x64xf32, #tpu.memory_space<vmem>>, vector<1x16xf32>,
      %mul3A_339 = arith.constant 8 : i32
      %mul3A_340 = arith.muli %scan3A_291, %mul3A_339 : i32
      %add3A_341 = arith.constant 1 : i32
      %add3A_342 = arith.addi %mul3A_340, %add3A_341 : i32
      %get3A_343 = arith.index_cast %add3A_342 : i32 to index
      %get3A_344 = arith.constant 0 : index
      %get3A_345 = tpu.vector_load %arg5[%get3A_343, %get3A_344] {strides = array<i32>} : memref<256x64xf32, #tpu.memory_space<vmem>>, vector<1x16xf32>,
      %get3A_346 = vector.shape_cast %get3A_345 : vector<1x16xf32> to vector<16xf32>
      %add3A_347 = arith.addf %add3A_303, %get3A_346 : vector<16xf32>
      %swap3A_348 = arith.index_cast %add3A_342 : i32 to index
      %swap3A_349 = arith.constant 0 : index
      %swap3A_350 = tpu.vector_load %arg5[%swap3A_348, %swap3A_349] {strides = array<i32>} : memref<256x64xf32, #tpu.memory_space<vmem>>, vector<1x16xf32>,
      %swap3A_351 = vector.shape_cast %swap3A_350 : vector<1x16xf32> to vector<16xf32>
      %swap3A_352 = vector.shape_cast %add3A_347 : vector<16xf32> to vector<1x16xf32>
      tpu.vector_store %arg5[%swap3A_348, %swap3A_349], %swap3A_352 {strides = array<i32>} : memref<256x64xf32, #tpu.memory_space<vmem>>, vector<1x16xf32>,
      %get3A_353 = arith.index_cast %add3A_342 : i32 to index
      %get3A_354 = arith.constant 16 : index
      %get3A_355 = tpu.vector_load %arg5[%get3A_353, %get3A_354] {strides = array<i32>} : memref<256x64xf32, #tpu.memory_space<vmem>>, vector<1x16xf32>,
      %get3A_356 = vector.shape_cast %get3A_355 : vector<1x16xf32> to vector<16xf32>
      %add3A_357 = arith.addf %add3A_313, %get3A_356 : vector<16xf32>
      %swap3A_358 = arith.index_cast %add3A_342 : i32 to index
      %swap3A_359 = arith.constant 16 : index
      %swap3A_360 = tpu.vector_load %arg5[%swap3A_358, %swap3A_359] {strides = array<i32>} : memref<256x64xf32, #tpu.memory_space<vmem>>, vector<1x16xf32>,
      %swap3A_361 = vector.shape_cast %swap3A_360 : vector<1x16xf32> to vector<16xf32>
      %swap3A_362 = vector.shape_cast %add3A_357 : vector<16xf32> to vector<1x16xf32>
      tpu.vector_store %arg5[%swap3A_358, %swap3A_359], %swap3A_362 {strides = array<i32>} : memref<256x64xf32, #tpu.memory_space<vmem>>, vector<1x16xf32>,
      %get3A_363 = arith.index_cast %add3A_342 : i32 to index
      %get3A_364 = arith.constant 32 : index
      %get3A_365 = tpu.vector_load %arg5[%get3A_363, %get3A_364] {strides = array<i32>} : memref<256x64xf32, #tpu.memory_space<vmem>>, vector<1x16xf32>,
      %get3A_366 = vector.shape_cast %get3A_365 : vector<1x16xf32> to vector<16xf32>
      %add3A_367 = arith.addf %add3A_323, %get3A_366 : vector<16xf32>
      %swap3A_368 = arith.index_cast %add3A_342 : i32 to index
      %swap3A_369 = arith.constant 32 : index
      %swap3A_370 = tpu.vector_load %arg5[%swap3A_368, %swap3A_369] {strides = array<i32>} : memref<256x64xf32, #tpu.memory_space<vmem>>, vector<1x16xf32>,
      %swap3A_371 = vector.shape_cast %swap3A_370 : vector<1x16xf32> to vector<16xf32>
      %swap3A_372 = vector.shape_cast %add3A_367 : vector<16xf32> to vector<1x16xf32>
      tpu.vector_store %arg5[%swap3A_368, %swap3A_369], %swap3A_372 {strides = array<i32>} : memref<256x64xf32, #tpu.memory_space<vmem>>, vector<1x16xf32>,
      %get3A_373 = arith.index_cast %add3A_342 : i32 to index
      %get3A_374 = arith.constant 48 : index
      %get3A_375 = tpu.vector_load %arg5[%get3A_373, %get3A_374] {strides = array<i32>} : memref<256x64xf32, #tpu.memory_space<vmem>>, vector<1x16xf32>,
      %get3A_376 = vector.shape_cast %get3A_375 : vector<1x16xf32> to vector<16xf32>
      %add3A_377 = arith.addf %add3A_333, %get3A_376 : vector<16xf32>
      %swap3A_378 = arith.index_cast %add3A_342 : i32 to index
      %swap3A_379 = arith.constant 48 : index
      %swap3A_380 = tpu.vector_load %arg5[%swap3A_378, %swap3A_379] {strides = array<i32>} : memref<256x64xf32, #tpu.memory_space<vmem>>, vector<1x16xf32>,
      %swap3A_381 = vector.shape_cast %swap3A_380 : vector<1x16xf32> to vector<16xf32>
      %swap3A_382 = vector.shape_cast %add3A_377 : vector<16xf32> to vector<1x16xf32>
      tpu.vector_store %arg5[%swap3A_378, %swap3A_379], %swap3A_382 {strides = array<i32>} : memref<256x64xf32, #tpu.memory_space<vmem>>, vector<1x16xf32>,
      %mul3A_383 = arith.constant 8 : i32
      %mul3A_384 = arith.muli %scan3A_291, %mul3A_383 : i32
      %add3A_385 = arith.constant 2 : i32
      %add3A_386 = arith.addi %mul3A_384, %add3A_385 : i32
      %get3A_387 = arith.index_cast %add3A_386 : i32 to index
      %get3A_388 = arith.constant 0 : index
      %get3A_389 = tpu.vector_load %arg5[%get3A_387, %get3A_388] {strides = array<i32>} : memref<256x64xf32, #tpu.memory_space<vmem>>, vector<1x16xf32>,
      %get3A_390 = vector.shape_cast %get3A_389 : vector<1x16xf32> to vector<16xf32>
      %add3A_391 = arith.addf %add3A_347, %get3A_390 : vector<16xf32>
      %swap3A_392 = arith.index_cast %add3A_386 : i32 to index
      %swap3A_393 = arith.constant 0 : index
      %swap3A_394 = tpu.vector_load %arg5[%swap3A_392, %swap3A_393] {strides = array<i32>} : memref<256x64xf32, #tpu.memory_space<vmem>>, vector<1x16xf32>,
      %swap3A_395 = vector.shape_cast %swap3A_394 : vector<1x16xf32> to vector<16xf32>
      %swap3A_396 = vector.shape_cast %add3A_391 : vector<16xf32> to vector<1x16xf32>
      tpu.vector_store %arg5[%swap3A_392, %swap3A_393], %swap3A_396 {strides = array<i32>} : memref<256x64xf32, #tpu.memory_space<vmem>>, vector<1x16xf32>,
      %get3A_397 = arith.index_cast %add3A_386 : i32 to index
      %get3A_398 = arith.constant 16 : index
      %get3A_399 = tpu.vector_load %arg5[%get3A_397, %get3A_398] {strides = array<i32>} : memref<256x64xf32, #tpu.memory_space<vmem>>, vector<1x16xf32>,
      %get3A_400 = vector.shape_cast %get3A_399 : vector<1x16xf32> to vector<16xf32>
      %add3A_401 = arith.addf %add3A_357, %get3A_400 : vector<16xf32>
      %swap3A_402 = arith.index_cast %add3A_386 : i32 to index
      %swap3A_403 = arith.constant 16 : index
      %swap3A_404 = tpu.vector_load %arg5[%swap3A_402, %swap3A_403] {strides = array<i32>} : memref<256x64xf32, #tpu.memory_space<vmem>>, vector<1x16xf32>,
      %swap3A_405 = vector.shape_cast %swap3A_404 : vector<1x16xf32> to vector<16xf32>
      %swap3A_406 = vector.shape_cast %add3A_401 : vector<16xf32> to vector<1x16xf32>
      tpu.vector_store %arg5[%swap3A_402, %swap3A_403], %swap3A_406 {strides = array<i32>} : memref<256x64xf32, #tpu.memory_space<vmem>>, vector<1x16xf32>,
      %get3A_407 = arith.index_cast %add3A_386 : i32 to index
      %get3A_408 = arith.constant 32 : index
      %get3A_409 = tpu.vector_load %arg5[%get3A_407, %get3A_408] {strides = array<i32>} : memref<256x64xf32, #tpu.memory_space<vmem>>, vector<1x16xf32>,
      %get3A_410 = vector.shape_cast %get3A_409 : vector<1x16xf32> to vector<16xf32>
      %add3A_411 = arith.addf %add3A_367, %get3A_410 : vector<16xf32>
      %swap3A_412 = arith.index_cast %add3A_386 : i32 to index
      %swap3A_413 = arith.constant 32 : index
      %swap3A_414 = tpu.vector_load %arg5[%swap3A_412, %swap3A_413] {strides = array<i32>} : memref<256x64xf32, #tpu.memory_space<vmem>>, vector<1x16xf32>,
      %swap3A_415 = vector.shape_cast %swap3A_414 : vector<1x16xf32> to vector<16xf32>
      %swap3A_416 = vector.shape_cast %add3A_411 : vector<16xf32> to vector<1x16xf32>
      tpu.vector_store %arg5[%swap3A_412, %swap3A_413], %swap3A_416 {strides = array<i32>} : memref<256x64xf32, #tpu.memory_space<vmem>>, vector<1x16xf32>,
      %get3A_417 = arith.index_cast %add3A_386 : i32 to index
      %get3A_418 = arith.constant 48 : index
      %get3A_419 = tpu.vector_load %arg5[%get3A_417, %get3A_418] {strides = array<i32>} : memref<256x64xf32, #tpu.memory_space<vmem>>, vector<1x16xf32>,
      %get3A_420 = vector.shape_cast %get3A_419 : vector<1x16xf32> to vector<16xf32>
      %add3A_421 = arith.addf %add3A_377, %get3A_420 : vector<16xf32>
      %swap3A_422 = arith.index_cast %add3A_386 : i32 to index
      %swap3A_423 = arith.constant 48 : index
      %swap3A_424 = tpu.vector_load %arg5[%swap3A_422, %swap3A_423] {strides = array<i32>} : memref<256x64xf32, #tpu.memory_space<vmem>>, vector<1x16xf32>,
      %swap3A_425 = vector.shape_cast %swap3A_424 : vector<1x16xf32> to vector<16xf32>
      %swap3A_426 = vector.shape_cast %add3A_421 : vector<16xf32> to vector<1x16xf32>
      tpu.vector_store %arg5[%swap3A_422, %swap3A_423], %swap3A_426 {strides = array<i32>} : memref<256x64xf32, #tpu.memory_space<vmem>>, vector<1x16xf32>,
      %mul3A_427 = arith.constant 8 : i32
      %mul3A_428 = arith.muli %scan3A_291, %mul3A_427 : i32
      %add3A_429 = arith.constant 3 : i32
      %add3A_430 = arith.addi %mul3A_428, %add3A_429 : i32
      %get3A_431 = arith.index_cast %add3A_430 : i32 to index
      %get3A_432 = arith.constant 0 : index
      %get3A_433 = tpu.vector_load %arg5[%get3A_431, %get3A_432] {strides = array<i32>} : memref<256x64xf32, #tpu.memory_space<vmem>>, vector<1x16xf32>,
      %get3A_434 = vector.shape_cast %get3A_433 : vector<1x16xf32> to vector<16xf32>
      %add3A_435 = arith.addf %add3A_391, %get3A_434 : vector<16xf32>
      %swap3A_436 = arith.index_cast %add3A_430 : i32 to index
      %swap3A_437 = arith.constant 0 : index
      %swap3A_438 = tpu.vector_load %arg5[%swap3A_436, %swap3A_437] {strides = array<i32>} : memref<256x64xf32, #tpu.memory_space<vmem>>, vector<1x16xf32>,
      %swap3A_439 = vector.shape_cast %swap3A_438 : vector<1x16xf32> to vector<16xf32>
      %swap3A_440 = vector.shape_cast %add3A_435 : vector<16xf32> to vector<1x16xf32>
      tpu.vector_store %arg5[%swap3A_436, %swap3A_437], %swap3A_440 {strides = array<i32>} : memref<256x64xf32, #tpu.memory_space<vmem>>, vector<1x16xf32>,
      %get3A_441 = arith.index_cast %add3A_430 : i32 to index
      %get3A_442 = arith.constant 16 : index
      %get3A_443 = tpu.vector_load %arg5[%get3A_441, %get3A_442] {strides = array<i32>} : memref<256x64xf32, #tpu.memory_space<vmem>>, vector<1x16xf32>,
      %get3A_444 = vector.shape_cast %get3A_443 : vector<1x16xf32> to vector<16xf32>
      %add3A_445 = arith.addf %add3A_401, %get3A_444 : vector<16xf32>
      %swap3A_446 = arith.index_cast %add3A_430 : i32 to index
      %swap3A_447 = arith.constant 16 : index
      %swap3A_448 = tpu.vector_load %arg5[%swap3A_446, %swap3A_447] {strides = array<i32>} : memref<256x64xf32, #tpu.memory_space<vmem>>, vector<1x16xf32>,
      %swap3A_449 = vector.shape_cast %swap3A_448 : vector<1x16xf32> to vector<16xf32>
      %swap3A_450 = vector.shape_cast %add3A_445 : vector<16xf32> to vector<1x16xf32>
      tpu.vector_store %arg5[%swap3A_446, %swap3A_447], %swap3A_450 {strides = array<i32>} : memref<256x64xf32, #tpu.memory_space<vmem>>, vector<1x16xf32>,
      %get3A_451 = arith.index_cast %add3A_430 : i32 to index
      %get3A_452 = arith.constant 32 : index
      %get3A_453 = tpu.vector_load %arg5[%get3A_451, %get3A_452] {strides = array<i32>} : memref<256x64xf32, #tpu.memory_space<vmem>>, vector<1x16xf32>,
      %get3A_454 = vector.shape_cast %get3A_453 : vector<1x16xf32> to vector<16xf32>
      %add3A_455 = arith.addf %add3A_411, %get3A_454 : vector<16xf32>
      %swap3A_456 = arith.index_cast %add3A_430 : i32 to index
      %swap3A_457 = arith.constant 32 : index
      %swap3A_458 = tpu.vector_load %arg5[%swap3A_456, %swap3A_457] {strides = array<i32>} : memref<256x64xf32, #tpu.memory_space<vmem>>, vector<1x16xf32>,
      %swap3A_459 = vector.shape_cast %swap3A_458 : vector<1x16xf32> to vector<16xf32>
      %swap3A_460 = vector.shape_cast %add3A_455 : vector<16xf32> to vector<1x16xf32>
      tpu.vector_store %arg5[%swap3A_456, %swap3A_457], %swap3A_460 {strides = array<i32>} : memref<256x64xf32, #tpu.memory_space<vmem>>, vector<1x16xf32>,
      %get3A_461 = arith.index_cast %add3A_430 : i32 to index
      %get3A_462 = arith.constant 48 : index
      %get3A_463 = tpu.vector_load %arg5[%get3A_461, %get3A_462] {strides = array<i32>} : memref<256x64xf32, #tpu.memory_space<vmem>>, vector<1x16xf32>,
      %get3A_464 = vector.shape_cast %get3A_463 : vector<1x16xf32> to vector<16xf32>
      %add3A_465 = arith.addf %add3A_421, %get3A_464 : vector<16xf32>
      %swap3A_466 = arith.index_cast %add3A_430 : i32 to index
      %swap3A_467 = arith.constant 48 : index
      %swap3A_468 = tpu.vector_load %arg5[%swap3A_466, %swap3A_467] {strides = array<i32>} : memref<256x64xf32, #tpu.memory_space<vmem>>, vector<1x16xf32>,
      %swap3A_469 = vector.shape_cast %swap3A_468 : vector<1x16xf32> to vector<16xf32>
      %swap3A_470 = vector.shape_cast %add3A_465 : vector<16xf32> to vector<1x16xf32>
      tpu.vector_store %arg5[%swap3A_466, %swap3A_467], %swap3A_470 {strides = array<i32>} : memref<256x64xf32, #tpu.memory_space<vmem>>, vector<1x16xf32>,
      %mul3A_471 = arith.constant 8 : i32
      %mul3A_472 = arith.muli %scan3A_291, %mul3A_471 : i32
      %add3A_473 = arith.constant 4 : i32
      %add3A_474 = arith.addi %mul3A_472, %add3A_473 : i32
      %get3A_475 = arith.index_cast %add3A_474 : i32 to index
      %get3A_476 = arith.constant 0 : index
      %get3A_477 = tpu.vector_load %arg5[%get3A_475, %get3A_476] {strides = array<i32>} : memref<256x64xf32, #tpu.memory_space<vmem>>, vector<1x16xf32>,
      %get3A_478 = vector.shape_cast %get3A_477 : vector<1x16xf32> to vector<16xf32>
      %add3A_479 = arith.addf %add3A_435, %get3A_478 : vector<16xf32>
      %swap3A_480 = arith.index_cast %add3A_474 : i32 to index
      %swap3A_481 = arith.constant 0 : index
      %swap3A_482 = tpu.vector_load %arg5[%swap3A_480, %swap3A_481] {strides = array<i32>} : memref<256x64xf32, #tpu.memory_space<vmem>>, vector<1x16xf32>,
      %swap3A_483 = vector.shape_cast %swap3A_482 : vector<1x16xf32> to vector<16xf32>
      %swap3A_484 = vector.shape_cast %add3A_479 : vector<16xf32> to vector<1x16xf32>
      tpu.vector_store %arg5[%swap3A_480, %swap3A_481], %swap3A_484 {strides = array<i32>} : memref<256x64xf32, #tpu.memory_space<vmem>>, vector<1x16xf32>,
      %get3A_485 = arith.index_cast %add3A_474 : i32 to index
      %get3A_486 = arith.constant 16 : index
      %get3A_487 = tpu.vector_load %arg5[%get3A_485, %get3A_486] {strides = array<i32>} : memref<256x64xf32, #tpu.memory_space<vmem>>, vector<1x16xf32>,
      %get3A_488 = vector.shape_cast %get3A_487 : vector<1x16xf32> to vector<16xf32>
      %add3A_489 = arith.addf %add3A_445, %get3A_488 : vector<16xf32>
      %swap3A_490 = arith.index_cast %add3A_474 : i32 to index
      %swap3A_491 = arith.constant 16 : index
      %swap3A_492 = tpu.vector_load %arg5[%swap3A_490, %swap3A_491] {strides = array<i32>} : memref<256x64xf32, #tpu.memory_space<vmem>>, vector<1x16xf32>,
      %swap3A_493 = vector.shape_cast %swap3A_492 : vector<1x16xf32> to vector<16xf32>
      %swap3A_494 = vector.shape_cast %add3A_489 : vector<16xf32> to vector<1x16xf32>
      tpu.vector_store %arg5[%swap3A_490, %swap3A_491], %swap3A_494 {strides = array<i32>} : memref<256x64xf32, #tpu.memory_space<vmem>>, vector<1x16xf32>,
      %get3A_495 = arith.index_cast %add3A_474 : i32 to index
      %get3A_496 = arith.constant 32 : index
      %get3A_497 = tpu.vector_load %arg5[%get3A_495, %get3A_496] {strides = array<i32>} : memref<256x64xf32, #tpu.memory_space<vmem>>, vector<1x16xf32>,
      %get3A_498 = vector.shape_cast %get3A_497 : vector<1x16xf32> to vector<16xf32>
      %add3A_499 = arith.addf %add3A_455, %get3A_498 : vector<16xf32>
      %swap3A_500 = arith.index_cast %add3A_474 : i32 to index
      %swap3A_501 = arith.constant 32 : index
      %swap3A_502 = tpu.vector_load %arg5[%swap3A_500, %swap3A_501] {strides = array<i32>} : memref<256x64xf32, #tpu.memory_space<vmem>>, vector<1x16xf32>,
      %swap3A_503 = vector.shape_cast %swap3A_502 : vector<1x16xf32> to vector<16xf32>
      %swap3A_504 = vector.shape_cast %add3A_499 : vector<16xf32> to vector<1x16xf32>
      tpu.vector_store %arg5[%swap3A_500, %swap3A_501], %swap3A_504 {strides = array<i32>} : memref<256x64xf32, #tpu.memory_space<vmem>>, vector<1x16xf32>,
      %get3A_505 = arith.index_cast %add3A_474 : i32 to index
      %get3A_506 = arith.constant 48 : index
      %get3A_507 = tpu.vector_load %arg5[%get3A_505, %get3A_506] {strides = array<i32>} : memref<256x64xf32, #tpu.memory_space<vmem>>, vector<1x16xf32>,
      %get3A_508 = vector.shape_cast %get3A_507 : vector<1x16xf32> to vector<16xf32>
      %add3A_509 = arith.addf %add3A_465, %get3A_508 : vector<16xf32>
      %swap3A_510 = arith.index_cast %add3A_474 : i32 to index
      %swap3A_511 = arith.constant 48 : index
      %swap3A_512 = tpu.vector_load %arg5[%swap3A_510, %swap3A_511] {strides = array<i32>} : memref<256x64xf32, #tpu.memory_space<vmem>>, vector<1x16xf32>,
      %swap3A_513 = vector.shape_cast %swap3A_512 : vector<1x16xf32> to vector<16xf32>
      %swap3A_514 = vector.shape_cast %add3A_509 : vector<16xf32> to vector<1x16xf32>
      tpu.vector_store %arg5[%swap3A_510, %swap3A_511], %swap3A_514 {strides = array<i32>} : memref<256x64xf32, #tpu.memory_space<vmem>>, vector<1x16xf32>,
      %mul3A_515 = arith.constant 8 : i32
      %mul3A_516 = arith.muli %scan3A_291, %mul3A_515 : i32
      %add3A_517 = arith.constant 5 : i32
      %add3A_518 = arith.addi %mul3A_516, %add3A_517 : i32
      %get3A_519 = arith.index_cast %add3A_518 : i32 to index
      %get3A_520 = arith.constant 0 : index
      %get3A_521 = tpu.vector_load %arg5[%get3A_519, %get3A_520] {strides = array<i32>} : memref<256x64xf32, #tpu.memory_space<vmem>>, vector<1x16xf32>,
      %get3A_522 = vector.shape_cast %get3A_521 : vector<1x16xf32> to vector<16xf32>
      %add3A_523 = arith.addf %add3A_479, %get3A_522 : vector<16xf32>
      %swap3A_524 = arith.index_cast %add3A_518 : i32 to index
      %swap3A_525 = arith.constant 0 : index
      %swap3A_526 = tpu.vector_load %arg5[%swap3A_524, %swap3A_525] {strides = array<i32>} : memref<256x64xf32, #tpu.memory_space<vmem>>, vector<1x16xf32>,
      %swap3A_527 = vector.shape_cast %swap3A_526 : vector<1x16xf32> to vector<16xf32>
      %swap3A_528 = vector.shape_cast %add3A_523 : vector<16xf32> to vector<1x16xf32>
      tpu.vector_store %arg5[%swap3A_524, %swap3A_525], %swap3A_528 {strides = array<i32>} : memref<256x64xf32, #tpu.memory_space<vmem>>, vector<1x16xf32>,
      %get3A_529 = arith.index_cast %add3A_518 : i32 to index
      %get3A_530 = arith.constant 16 : index
      %get3A_531 = tpu.vector_load %arg5[%get3A_529, %get3A_530] {strides = array<i32>} : memref<256x64xf32, #tpu.memory_space<vmem>>, vector<1x16xf32>,
      %get3A_532 = vector.shape_cast %get3A_531 : vector<1x16xf32> to vector<16xf32>
      %add3A_533 = arith.addf %add3A_489, %get3A_532 : vector<16xf32>
      %swap3A_534 = arith.index_cast %add3A_518 : i32 to index
      %swap3A_535 = arith.constant 16 : index
      %swap3A_536 = tpu.vector_load %arg5[%swap3A_534, %swap3A_535] {strides = array<i32>} : memref<256x64xf32, #tpu.memory_space<vmem>>, vector<1x16xf32>,
      %swap3A_537 = vector.shape_cast %swap3A_536 : vector<1x16xf32> to vector<16xf32>
      %swap3A_538 = vector.shape_cast %add3A_533 : vector<16xf32> to vector<1x16xf32>
      tpu.vector_store %arg5[%swap3A_534, %swap3A_535], %swap3A_538 {strides = array<i32>} : memref<256x64xf32, #tpu.memory_space<vmem>>, vector<1x16xf32>,
      %get3A_539 = arith.index_cast %add3A_518 : i32 to index
      %get3A_540 = arith.constant 32 : index
      %get3A_541 = tpu.vector_load %arg5[%get3A_539, %get3A_540] {strides = array<i32>} : memref<256x64xf32, #tpu.memory_space<vmem>>, vector<1x16xf32>,
      %get3A_542 = vector.shape_cast %get3A_541 : vector<1x16xf32> to vector<16xf32>
      %add3A_543 = arith.addf %add3A_499, %get3A_542 : vector<16xf32>
      %swap3A_544 = arith.index_cast %add3A_518 : i32 to index
      %swap3A_545 = arith.constant 32 : index
      %swap3A_546 = tpu.vector_load %arg5[%swap3A_544, %swap3A_545] {strides = array<i32>} : memref<256x64xf32, #tpu.memory_space<vmem>>, vector<1x16xf32>,
      %swap3A_547 = vector.shape_cast %swap3A_546 : vector<1x16xf32> to vector<16xf32>
      %swap3A_548 = vector.shape_cast %add3A_543 : vector<16xf32> to vector<1x16xf32>
      tpu.vector_store %arg5[%swap3A_544, %swap3A_545], %swap3A_548 {strides = array<i32>} : memref<256x64xf32, #tpu.memory_space<vmem>>, vector<1x16xf32>,
      %get3A_549 = arith.index_cast %add3A_518 : i32 to index
      %get3A_550 = arith.constant 48 : index
      %get3A_551 = tpu.vector_load %arg5[%get3A_549, %get3A_550] {strides = array<i32>} : memref<256x64xf32, #tpu.memory_space<vmem>>, vector<1x16xf32>,
      %get3A_552 = vector.shape_cast %get3A_551 : vector<1x16xf32> to vector<16xf32>
      %add3A_553 = arith.addf %add3A_509, %get3A_552 : vector<16xf32>
      %swap3A_554 = arith.index_cast %add3A_518 : i32 to index
      %swap3A_555 = arith.constant 48 : index
      %swap3A_556 = tpu.vector_load %arg5[%swap3A_554, %swap3A_555] {strides = array<i32>} : memref<256x64xf32, #tpu.memory_space<vmem>>, vector<1x16xf32>,
      %swap3A_557 = vector.shape_cast %swap3A_556 : vector<1x16xf32> to vector<16xf32>
      %swap3A_558 = vector.shape_cast %add3A_553 : vector<16xf32> to vector<1x16xf32>
      tpu.vector_store %arg5[%swap3A_554, %swap3A_555], %swap3A_558 {strides = array<i32>} : memref<256x64xf32, #tpu.memory_space<vmem>>, vector<1x16xf32>,
      %mul3A_559 = arith.constant 8 : i32
      %mul3A_560 = arith.muli %scan3A_291, %mul3A_559 : i32
      %add3A_561 = arith.constant 6 : i32
      %add3A_562 = arith.addi %mul3A_560, %add3A_561 : i32
      %get3A_563 = arith.index_cast %add3A_562 : i32 to index
      %get3A_564 = arith.constant 0 : index
      %get3A_565 = tpu.vector_load %arg5[%get3A_563, %get3A_564] {strides = array<i32>} : memref<256x64xf32, #tpu.memory_space<vmem>>, vector<1x16xf32>,
      %get3A_566 = vector.shape_cast %get3A_565 : vector<1x16xf32> to vector<16xf32>
      %add3A_567 = arith.addf %add3A_523, %get3A_566 : vector<16xf32>
      %swap3A_568 = arith.index_cast %add3A_562 : i32 to index
      %swap3A_569 = arith.constant 0 : index
      %swap3A_570 = tpu.vector_load %arg5[%swap3A_568, %swap3A_569] {strides = array<i32>} : memref<256x64xf32, #tpu.memory_space<vmem>>, vector<1x16xf32>,
      %swap3A_571 = vector.shape_cast %swap3A_570 : vector<1x16xf32> to vector<16xf32>
      %swap3A_572 = vector.shape_cast %add3A_567 : vector<16xf32> to vector<1x16xf32>
      tpu.vector_store %arg5[%swap3A_568, %swap3A_569], %swap3A_572 {strides = array<i32>} : memref<256x64xf32, #tpu.memory_space<vmem>>, vector<1x16xf32>,
      %get3A_573 = arith.index_cast %add3A_562 : i32 to index
      %get3A_574 = arith.constant 16 : index
      %get3A_575 = tpu.vector_load %arg5[%get3A_573, %get3A_574] {strides = array<i32>} : memref<256x64xf32, #tpu.memory_space<vmem>>, vector<1x16xf32>,
      %get3A_576 = vector.shape_cast %get3A_575 : vector<1x16xf32> to vector<16xf32>
      %add3A_577 = arith.addf %add3A_533, %get3A_576 : vector<16xf32>
      %swap3A_578 = arith.index_cast %add3A_562 : i32 to index
      %swap3A_579 = arith.constant 16 : index
      %swap3A_580 = tpu.vector_load %arg5[%swap3A_578, %swap3A_579] {strides = array<i32>} : memref<256x64xf32, #tpu.memory_space<vmem>>, vector<1x16xf32>,
      %swap3A_581 = vector.shape_cast %swap3A_580 : vector<1x16xf32> to vector<16xf32>
      %swap3A_582 = vector.shape_cast %add3A_577 : vector<16xf32> to vector<1x16xf32>
      tpu.vector_store %arg5[%swap3A_578, %swap3A_579], %swap3A_582 {strides = array<i32>} : memref<256x64xf32, #tpu.memory_space<vmem>>, vector<1x16xf32>,
      %get3A_583 = arith.index_cast %add3A_562 : i32 to index
      %get3A_584 = arith.constant 32 : index
      %get3A_585 = tpu.vector_load %arg5[%get3A_583, %get3A_584] {strides = array<i32>} : memref<256x64xf32, #tpu.memory_space<vmem>>, vector<1x16xf32>,
      %get3A_586 = vector.shape_cast %get3A_585 : vector<1x16xf32> to vector<16xf32>
      %add3A_587 = arith.addf %add3A_543, %get3A_586 : vector<16xf32>
      %swap3A_588 = arith.index_cast %add3A_562 : i32 to index
      %swap3A_589 = arith.constant 32 : index
      %swap3A_590 = tpu.vector_load %arg5[%swap3A_588, %swap3A_589] {strides = array<i32>} : memref<256x64xf32, #tpu.memory_space<vmem>>, vector<1x16xf32>,
      %swap3A_591 = vector.shape_cast %swap3A_590 : vector<1x16xf32> to vector<16xf32>
      %swap3A_592 = vector.shape_cast %add3A_587 : vector<16xf32> to vector<1x16xf32>
      tpu.vector_store %arg5[%swap3A_588, %swap3A_589], %swap3A_592 {strides = array<i32>} : memref<256x64xf32, #tpu.memory_space<vmem>>, vector<1x16xf32>,
      %get3A_593 = arith.index_cast %add3A_562 : i32 to index
      %get3A_594 = arith.constant 48 : index
      %get3A_595 = tpu.vector_load %arg5[%get3A_593, %get3A_594] {strides = array<i32>} : memref<256x64xf32, #tpu.memory_space<vmem>>, vector<1x16xf32>,
      %get3A_596 = vector.shape_cast %get3A_595 : vector<1x16xf32> to vector<16xf32>
      %add3A_597 = arith.addf %add3A_553, %get3A_596 : vector<16xf32>
      %swap3A_598 = arith.index_cast %add3A_562 : i32 to index
      %swap3A_599 = arith.constant 48 : index
      %swap3A_600 = tpu.vector_load %arg5[%swap3A_598, %swap3A_599] {strides = array<i32>} : memref<256x64xf32, #tpu.memory_space<vmem>>, vector<1x16xf32>,
      %swap3A_601 = vector.shape_cast %swap3A_600 : vector<1x16xf32> to vector<16xf32>
      %swap3A_602 = vector.shape_cast %add3A_597 : vector<16xf32> to vector<1x16xf32>
      tpu.vector_store %arg5[%swap3A_598, %swap3A_599], %swap3A_602 {strides = array<i32>} : memref<256x64xf32, #tpu.memory_space<vmem>>, vector<1x16xf32>,
      %mul3A_603 = arith.constant 8 : i32
      %mul3A_604 = arith.muli %scan3A_291, %mul3A_603 : i32
      %add3A_605 = arith.constant 7 : i32
      %add3A_606 = arith.addi %mul3A_604, %add3A_605 : i32
      %get3A_607 = arith.index_cast %add3A_606 : i32 to index
      %get3A_608 = arith.constant 0 : index
      %get3A_609 = tpu.vector_load %arg5[%get3A_607, %get3A_608] {strides = array<i32>} : memref<256x64xf32, #tpu.memory_space<vmem>>, vector<1x16xf32>,
      %get3A_610 = vector.shape_cast %get3A_609 : vector<1x16xf32> to vector<16xf32>
      %add3A_611 = arith.addf %add3A_567, %get3A_610 : vector<16xf32>
      %swap3A_612 = arith.index_cast %add3A_606 : i32 to index
      %swap3A_613 = arith.constant 0 : index
      %swap3A_614 = tpu.vector_load %arg5[%swap3A_612, %swap3A_613] {strides = array<i32>} : memref<256x64xf32, #tpu.memory_space<vmem>>, vector<1x16xf32>,
      %swap3A_615 = vector.shape_cast %swap3A_614 : vector<1x16xf32> to vector<16xf32>
      %swap3A_616 = vector.shape_cast %add3A_611 : vector<16xf32> to vector<1x16xf32>
      tpu.vector_store %arg5[%swap3A_612, %swap3A_613], %swap3A_616 {strides = array<i32>} : memref<256x64xf32, #tpu.memory_space<vmem>>, vector<1x16xf32>,
      %get3A_617 = arith.index_cast %add3A_606 : i32 to index
      %get3A_618 = arith.constant 16 : index
      %get3A_619 = tpu.vector_load %arg5[%get3A_617, %get3A_618] {strides = array<i32>} : memref<256x64xf32, #tpu.memory_space<vmem>>, vector<1x16xf32>,
      %get3A_620 = vector.shape_cast %get3A_619 : vector<1x16xf32> to vector<16xf32>
      %add3A_621 = arith.addf %add3A_577, %get3A_620 : vector<16xf32>
      %swap3A_622 = arith.index_cast %add3A_606 : i32 to index
      %swap3A_623 = arith.constant 16 : index
      %swap3A_624 = tpu.vector_load %arg5[%swap3A_622, %swap3A_623] {strides = array<i32>} : memref<256x64xf32, #tpu.memory_space<vmem>>, vector<1x16xf32>,
      %swap3A_625 = vector.shape_cast %swap3A_624 : vector<1x16xf32> to vector<16xf32>
      %swap3A_626 = vector.shape_cast %add3A_621 : vector<16xf32> to vector<1x16xf32>
      tpu.vector_store %arg5[%swap3A_622, %swap3A_623], %swap3A_626 {strides = array<i32>} : memref<256x64xf32, #tpu.memory_space<vmem>>, vector<1x16xf32>,
      %get3A_627 = arith.index_cast %add3A_606 : i32 to index
      %get3A_628 = arith.constant 32 : index
      %get3A_629 = tpu.vector_load %arg5[%get3A_627, %get3A_628] {strides = array<i32>} : memref<256x64xf32, #tpu.memory_space<vmem>>, vector<1x16xf32>,
      %get3A_630 = vector.shape_cast %get3A_629 : vector<1x16xf32> to vector<16xf32>
      %add3A_631 = arith.addf %add3A_587, %get3A_630 : vector<16xf32>
      %swap3A_632 = arith.index_cast %add3A_606 : i32 to index
      %swap3A_633 = arith.constant 32 : index
      %swap3A_634 = tpu.vector_load %arg5[%swap3A_632, %swap3A_633] {strides = array<i32>} : memref<256x64xf32, #tpu.memory_space<vmem>>, vector<1x16xf32>,
      %swap3A_635 = vector.shape_cast %swap3A_634 : vector<1x16xf32> to vector<16xf32>
      %swap3A_636 = vector.shape_cast %add3A_631 : vector<16xf32> to vector<1x16xf32>
      tpu.vector_store %arg5[%swap3A_632, %swap3A_633], %swap3A_636 {strides = array<i32>} : memref<256x64xf32, #tpu.memory_space<vmem>>, vector<1x16xf32>,
      %get3A_637 = arith.index_cast %add3A_606 : i32 to index
      %get3A_638 = arith.constant 48 : index
      %get3A_639 = tpu.vector_load %arg5[%get3A_637, %get3A_638] {strides = array<i32>} : memref<256x64xf32, #tpu.memory_space<vmem>>, vector<1x16xf32>,
      %get3A_640 = vector.shape_cast %get3A_639 : vector<1x16xf32> to vector<16xf32>
      %add3A_641 = arith.addf %add3A_597, %get3A_640 : vector<16xf32>
      %swap3A_642 = arith.index_cast %add3A_606 : i32 to index
      %swap3A_643 = arith.constant 48 : index
      %swap3A_644 = tpu.vector_load %arg5[%swap3A_642, %swap3A_643] {strides = array<i32>} : memref<256x64xf32, #tpu.memory_space<vmem>>, vector<1x16xf32>,
      %swap3A_645 = vector.shape_cast %swap3A_644 : vector<1x16xf32> to vector<16xf32>
      %swap3A_646 = vector.shape_cast %add3A_641 : vector<16xf32> to vector<1x16xf32>
      tpu.vector_store %arg5[%swap3A_642, %swap3A_643], %swap3A_646 {strides = array<i32>} : memref<256x64xf32, #tpu.memory_space<vmem>>, vector<1x16xf32>,
      scf.yield %add3A_611, %add3A_621, %add3A_631, %add3A_641 : vector<16xf32>, vector<16xf32>, vector<16xf32>, vector<16xf32>
    }
    %scan3A_232 = arith.constant 32 : i32
    %add3A_233 = arith.constant 256 : i32
    %add3A_234 = arith.addi %mul3A_2, %add3A_233 : i32
    %dma_start3A_235 = arith.constant 0 : i32
    %dma_start3A_236 = tpu.memref_slice %arg3[%add3A_234, %dma_start3A_235] : memref<32768x64xf32, #tpu.memory_space<hbm>> -> memref<256x64xf32, #tpu.memory_space<hbm>>
    %dma_start3A_237 = arith.constant 0 : i32
    %dma_start3A_238 = tpu.memref_slice %arg3[%add3A_234, %dma_start3A_237] : memref<32768x64xf32, #tpu.memory_space<hbm>> -> memref<256x64xf32, #tpu.memory_space<hbm>>
    tpu.enqueue_dma source(%arg5 : memref<256x64xf32, #tpu.memory_space<vmem>>) target(%dma_start3A_238 : memref<256x64xf32, #tpu.memory_space<hbm>>) target_semaphore(%arg14 : memref<!tpu.dma_semaphore, #tpu.memory_space<semaphore_mem>>)
    %dma_wait3A_239 = arith.constant 0 : i32
    %dma_wait3A_240 = tpu.memref_slice %arg2[%add3A_24, %dma_wait3A_239] : memref<32768x64xf32, #tpu.memory_space<hbm>> -> memref<256x64xf32, #tpu.memory_space<hbm>>
    %dma_wait3A_241 = arith.constant 0 : i32
    %dma_wait3A_242 = tpu.memref_slice %arg2[%add3A_24, %dma_wait3A_241] : memref<32768x64xf32, #tpu.memory_space<hbm>> -> memref<256x64xf32, #tpu.memory_space<hbm>>
    tpu.wait_dma2 semaphore(%arg12 : memref<!tpu.dma_semaphore, #tpu.memory_space<semaphore_mem>>) src(%dma_wait3A_242 : memref<256x64xf32, #tpu.memory_space<hbm>>) dst(%arg6 : memref<256x64xf32, #tpu.memory_space<vmem>>)
    %scan3A_243 = arith.constant 0 : i32
    %scan3A_244 = arith.constant 32 : i32
    %scan3A_245 = arith.addi %scan3A_243, %scan3A_244 : i32
    %scan3A_246 = arith.constant 1 : i32
    %scan3A_247:4 = scf.for %scan3A_291 = %scan3A_243 to %scan3A_245 step %scan3A_246 iter_args(%scan3A_292 = %scan3A_231#0, %scan3A_293 = %scan3A_231#1, %scan3A_294 = %scan3A_231#2, %scan3A_295 = %scan3A_231#3) -> (vector<16xf32>, vector<16xf32>, vector<16xf32>, vector<16xf32>)  : i32 {
      %mul3A_296 = arith.constant 8 : i32
      %mul3A_297 = arith.muli %scan3A_291, %mul3A_296 : i32
      %add3A_298 = arith.constant 0 : i32
      %add3A_299 = arith.addi %mul3A_297, %add3A_298 : i32
      %get3A = arith.index_cast %add3A_299 : i32 to index
      %get3A_300 = arith.constant 0 : index
      %get3A_301 = tpu.vector_load %arg6[%get3A, %get3A_300] {strides = array<i32>} : memref<256x64xf32, #tpu.memory_space<vmem>>, vector<1x16xf32>,
      %get3A_302 = vector.shape_cast %get3A_301 : vector<1x16xf32> to vector<16xf32>
      %add3A_303 = arith.addf %scan3A_292, %get3A_302 : vector<16xf32>
      %swap3A_304 = arith.index_cast %add3A_299 : i32 to index
      %swap3A_305 = arith.constant 0 : index
      %swap3A_306 = tpu.vector_load %arg6[%swap3A_304, %swap3A_305] {strides = array<i32>} : memref<256x64xf32, #tpu.memory_space<vmem>>, vector<1x16xf32>,
      %swap3A_307 = vector.shape_cast %swap3A_306 : vector<1x16xf32> to vector<16xf32>
      %swap3A_308 = vector.shape_cast %add3A_303 : vector<16xf32> to vector<1x16xf32>
      tpu.vector_store %arg6[%swap3A_304, %swap3A_305], %swap3A_308 {strides = array<i32>} : memref<256x64xf32, #tpu.memory_space<vmem>>, vector<1x16xf32>,
      %get3A_309 = arith.index_cast %add3A_299 : i32 to index
      %get3A_310 = arith.constant 16 : index
      %get3A_311 = tpu.vector_load %arg6[%get3A_309, %get3A_310] {strides = array<i32>} : memref<256x64xf32, #tpu.memory_space<vmem>>, vector<1x16xf32>,
      %get3A_312 = vector.shape_cast %get3A_311 : vector<1x16xf32> to vector<16xf32>
      %add3A_313 = arith.addf %scan3A_293, %get3A_312 : vector<16xf32>
      %swap3A_314 = arith.index_cast %add3A_299 : i32 to index
      %swap3A_315 = arith.constant 16 : index
      %swap3A_316 = tpu.vector_load %arg6[%swap3A_314, %swap3A_315] {strides = array<i32>} : memref<256x64xf32, #tpu.memory_space<vmem>>, vector<1x16xf32>,
      %swap3A_317 = vector.shape_cast %swap3A_316 : vector<1x16xf32> to vector<16xf32>
      %swap3A_318 = vector.shape_cast %add3A_313 : vector<16xf32> to vector<1x16xf32>
      tpu.vector_store %arg6[%swap3A_314, %swap3A_315], %swap3A_318 {strides = array<i32>} : memref<256x64xf32, #tpu.memory_space<vmem>>, vector<1x16xf32>,
      %get3A_319 = arith.index_cast %add3A_299 : i32 to index
      %get3A_320 = arith.constant 32 : index
      %get3A_321 = tpu.vector_load %arg6[%get3A_319, %get3A_320] {strides = array<i32>} : memref<256x64xf32, #tpu.memory_space<vmem>>, vector<1x16xf32>,
      %get3A_322 = vector.shape_cast %get3A_321 : vector<1x16xf32> to vector<16xf32>
      %add3A_323 = arith.addf %scan3A_294, %get3A_322 : vector<16xf32>
      %swap3A_324 = arith.index_cast %add3A_299 : i32 to index
      %swap3A_325 = arith.constant 32 : index
      %swap3A_326 = tpu.vector_load %arg6[%swap3A_324, %swap3A_325] {strides = array<i32>} : memref<256x64xf32, #tpu.memory_space<vmem>>, vector<1x16xf32>,
      %swap3A_327 = vector.shape_cast %swap3A_326 : vector<1x16xf32> to vector<16xf32>
      %swap3A_328 = vector.shape_cast %add3A_323 : vector<16xf32> to vector<1x16xf32>
      tpu.vector_store %arg6[%swap3A_324, %swap3A_325], %swap3A_328 {strides = array<i32>} : memref<256x64xf32, #tpu.memory_space<vmem>>, vector<1x16xf32>,
      %get3A_329 = arith.index_cast %add3A_299 : i32 to index
      %get3A_330 = arith.constant 48 : index
      %get3A_331 = tpu.vector_load %arg6[%get3A_329, %get3A_330] {strides = array<i32>} : memref<256x64xf32, #tpu.memory_space<vmem>>, vector<1x16xf32>,
      %get3A_332 = vector.shape_cast %get3A_331 : vector<1x16xf32> to vector<16xf32>
      %add3A_333 = arith.addf %scan3A_295, %get3A_332 : vector<16xf32>
      %swap3A_334 = arith.index_cast %add3A_299 : i32 to index
      %swap3A_335 = arith.constant 48 : index
      %swap3A_336 = tpu.vector_load %arg6[%swap3A_334, %swap3A_335] {strides = array<i32>} : memref<256x64xf32, #tpu.memory_space<vmem>>, vector<1x16xf32>,
      %swap3A_337 = vector.shape_cast %swap3A_336 : vector<1x16xf32> to vector<16xf32>
      %swap3A_338 = vector.shape_cast %add3A_333 : vector<16xf32> to vector<1x16xf32>
      tpu.vector_store %arg6[%swap3A_334, %swap3A_335], %swap3A_338 {strides = array<i32>} : memref<256x64xf32, #tpu.memory_space<vmem>>, vector<1x16xf32>,
      %mul3A_339 = arith.constant 8 : i32
      %mul3A_340 = arith.muli %scan3A_291, %mul3A_339 : i32
      %add3A_341 = arith.constant 1 : i32
      %add3A_342 = arith.addi %mul3A_340, %add3A_341 : i32
      %get3A_343 = arith.index_cast %add3A_342 : i32 to index
      %get3A_344 = arith.constant 0 : index
      %get3A_345 = tpu.vector_load %arg6[%get3A_343, %get3A_344] {strides = array<i32>} : memref<256x64xf32, #tpu.memory_space<vmem>>, vector<1x16xf32>,
      %get3A_346 = vector.shape_cast %get3A_345 : vector<1x16xf32> to vector<16xf32>
      %add3A_347 = arith.addf %add3A_303, %get3A_346 : vector<16xf32>
      %swap3A_348 = arith.index_cast %add3A_342 : i32 to index
      %swap3A_349 = arith.constant 0 : index
      %swap3A_350 = tpu.vector_load %arg6[%swap3A_348, %swap3A_349] {strides = array<i32>} : memref<256x64xf32, #tpu.memory_space<vmem>>, vector<1x16xf32>,
      %swap3A_351 = vector.shape_cast %swap3A_350 : vector<1x16xf32> to vector<16xf32>
      %swap3A_352 = vector.shape_cast %add3A_347 : vector<16xf32> to vector<1x16xf32>
      tpu.vector_store %arg6[%swap3A_348, %swap3A_349], %swap3A_352 {strides = array<i32>} : memref<256x64xf32, #tpu.memory_space<vmem>>, vector<1x16xf32>,
      %get3A_353 = arith.index_cast %add3A_342 : i32 to index
      %get3A_354 = arith.constant 16 : index
      %get3A_355 = tpu.vector_load %arg6[%get3A_353, %get3A_354] {strides = array<i32>} : memref<256x64xf32, #tpu.memory_space<vmem>>, vector<1x16xf32>,
      %get3A_356 = vector.shape_cast %get3A_355 : vector<1x16xf32> to vector<16xf32>
      %add3A_357 = arith.addf %add3A_313, %get3A_356 : vector<16xf32>
      %swap3A_358 = arith.index_cast %add3A_342 : i32 to index
      %swap3A_359 = arith.constant 16 : index
      %swap3A_360 = tpu.vector_load %arg6[%swap3A_358, %swap3A_359] {strides = array<i32>} : memref<256x64xf32, #tpu.memory_space<vmem>>, vector<1x16xf32>,
      %swap3A_361 = vector.shape_cast %swap3A_360 : vector<1x16xf32> to vector<16xf32>
      %swap3A_362 = vector.shape_cast %add3A_357 : vector<16xf32> to vector<1x16xf32>
      tpu.vector_store %arg6[%swap3A_358, %swap3A_359], %swap3A_362 {strides = array<i32>} : memref<256x64xf32, #tpu.memory_space<vmem>>, vector<1x16xf32>,
      %get3A_363 = arith.index_cast %add3A_342 : i32 to index
      %get3A_364 = arith.constant 32 : index
      %get3A_365 = tpu.vector_load %arg6[%get3A_363, %get3A_364] {strides = array<i32>} : memref<256x64xf32, #tpu.memory_space<vmem>>, vector<1x16xf32>,
      %get3A_366 = vector.shape_cast %get3A_365 : vector<1x16xf32> to vector<16xf32>
      %add3A_367 = arith.addf %add3A_323, %get3A_366 : vector<16xf32>
      %swap3A_368 = arith.index_cast %add3A_342 : i32 to index
      %swap3A_369 = arith.constant 32 : index
      %swap3A_370 = tpu.vector_load %arg6[%swap3A_368, %swap3A_369] {strides = array<i32>} : memref<256x64xf32, #tpu.memory_space<vmem>>, vector<1x16xf32>,
      %swap3A_371 = vector.shape_cast %swap3A_370 : vector<1x16xf32> to vector<16xf32>
      %swap3A_372 = vector.shape_cast %add3A_367 : vector<16xf32> to vector<1x16xf32>
      tpu.vector_store %arg6[%swap3A_368, %swap3A_369], %swap3A_372 {strides = array<i32>} : memref<256x64xf32, #tpu.memory_space<vmem>>, vector<1x16xf32>,
      %get3A_373 = arith.index_cast %add3A_342 : i32 to index
      %get3A_374 = arith.constant 48 : index
      %get3A_375 = tpu.vector_load %arg6[%get3A_373, %get3A_374] {strides = array<i32>} : memref<256x64xf32, #tpu.memory_space<vmem>>, vector<1x16xf32>,
      %get3A_376 = vector.shape_cast %get3A_375 : vector<1x16xf32> to vector<16xf32>
      %add3A_377 = arith.addf %add3A_333, %get3A_376 : vector<16xf32>
      %swap3A_378 = arith.index_cast %add3A_342 : i32 to index
      %swap3A_379 = arith.constant 48 : index
      %swap3A_380 = tpu.vector_load %arg6[%swap3A_378, %swap3A_379] {strides = array<i32>} : memref<256x64xf32, #tpu.memory_space<vmem>>, vector<1x16xf32>,
      %swap3A_381 = vector.shape_cast %swap3A_380 : vector<1x16xf32> to vector<16xf32>
      %swap3A_382 = vector.shape_cast %add3A_377 : vector<16xf32> to vector<1x16xf32>
      tpu.vector_store %arg6[%swap3A_378, %swap3A_379], %swap3A_382 {strides = array<i32>} : memref<256x64xf32, #tpu.memory_space<vmem>>, vector<1x16xf32>,
      %mul3A_383 = arith.constant 8 : i32
      %mul3A_384 = arith.muli %scan3A_291, %mul3A_383 : i32
      %add3A_385 = arith.constant 2 : i32
      %add3A_386 = arith.addi %mul3A_384, %add3A_385 : i32
      %get3A_387 = arith.index_cast %add3A_386 : i32 to index
      %get3A_388 = arith.constant 0 : index
      %get3A_389 = tpu.vector_load %arg6[%get3A_387, %get3A_388] {strides = array<i32>} : memref<256x64xf32, #tpu.memory_space<vmem>>, vector<1x16xf32>,
      %get3A_390 = vector.shape_cast %get3A_389 : vector<1x16xf32> to vector<16xf32>
      %add3A_391 = arith.addf %add3A_347, %get3A_390 : vector<16xf32>
      %swap3A_392 = arith.index_cast %add3A_386 : i32 to index
      %swap3A_393 = arith.constant 0 : index
      %swap3A_394 = tpu.vector_load %arg6[%swap3A_392, %swap3A_393] {strides = array<i32>} : memref<256x64xf32, #tpu.memory_space<vmem>>, vector<1x16xf32>,
      %swap3A_395 = vector.shape_cast %swap3A_394 : vector<1x16xf32> to vector<16xf32>
      %swap3A_396 = vector.shape_cast %add3A_391 : vector<16xf32> to vector<1x16xf32>
      tpu.vector_store %arg6[%swap3A_392, %swap3A_393], %swap3A_396 {strides = array<i32>} : memref<256x64xf32, #tpu.memory_space<vmem>>, vector<1x16xf32>,
      %get3A_397 = arith.index_cast %add3A_386 : i32 to index
      %get3A_398 = arith.constant 16 : index
      %get3A_399 = tpu.vector_load %arg6[%get3A_397, %get3A_398] {strides = array<i32>} : memref<256x64xf32, #tpu.memory_space<vmem>>, vector<1x16xf32>,
      %get3A_400 = vector.shape_cast %get3A_399 : vector<1x16xf32> to vector<16xf32>
      %add3A_401 = arith.addf %add3A_357, %get3A_400 : vector<16xf32>
      %swap3A_402 = arith.index_cast %add3A_386 : i32 to index
      %swap3A_403 = arith.constant 16 : index
      %swap3A_404 = tpu.vector_load %arg6[%swap3A_402, %swap3A_403] {strides = array<i32>} : memref<256x64xf32, #tpu.memory_space<vmem>>, vector<1x16xf32>,
      %swap3A_405 = vector.shape_cast %swap3A_404 : vector<1x16xf32> to vector<16xf32>
      %swap3A_406 = vector.shape_cast %add3A_401 : vector<16xf32> to vector<1x16xf32>
      tpu.vector_store %arg6[%swap3A_402, %swap3A_403], %swap3A_406 {strides = array<i32>} : memref<256x64xf32, #tpu.memory_space<vmem>>, vector<1x16xf32>,
      %get3A_407 = arith.index_cast %add3A_386 : i32 to index
      %get3A_408 = arith.constant 32 : index
      %get3A_409 = tpu.vector_load %arg6[%get3A_407, %get3A_408] {strides = array<i32>} : memref<256x64xf32, #tpu.memory_space<vmem>>, vector<1x16xf32>,
      %get3A_410 = vector.shape_cast %get3A_409 : vector<1x16xf32> to vector<16xf32>
      %add3A_411 = arith.addf %add3A_367, %get3A_410 : vector<16xf32>
      %swap3A_412 = arith.index_cast %add3A_386 : i32 to index
      %swap3A_413 = arith.constant 32 : index
      %swap3A_414 = tpu.vector_load %arg6[%swap3A_412, %swap3A_413] {strides = array<i32>} : memref<256x64xf32, #tpu.memory_space<vmem>>, vector<1x16xf32>,
      %swap3A_415 = vector.shape_cast %swap3A_414 : vector<1x16xf32> to vector<16xf32>
      %swap3A_416 = vector.shape_cast %add3A_411 : vector<16xf32> to vector<1x16xf32>
      tpu.vector_store %arg6[%swap3A_412, %swap3A_413], %swap3A_416 {strides = array<i32>} : memref<256x64xf32, #tpu.memory_space<vmem>>, vector<1x16xf32>,
      %get3A_417 = arith.index_cast %add3A_386 : i32 to index
      %get3A_418 = arith.constant 48 : index
      %get3A_419 = tpu.vector_load %arg6[%get3A_417, %get3A_418] {strides = array<i32>} : memref<256x64xf32, #tpu.memory_space<vmem>>, vector<1x16xf32>,
      %get3A_420 = vector.shape_cast %get3A_419 : vector<1x16xf32> to vector<16xf32>
      %add3A_421 = arith.addf %add3A_377, %get3A_420 : vector<16xf32>
      %swap3A_422 = arith.index_cast %add3A_386 : i32 to index
      %swap3A_423 = arith.constant 48 : index
      %swap3A_424 = tpu.vector_load %arg6[%swap3A_422, %swap3A_423] {strides = array<i32>} : memref<256x64xf32, #tpu.memory_space<vmem>>, vector<1x16xf32>,
      %swap3A_425 = vector.shape_cast %swap3A_424 : vector<1x16xf32> to vector<16xf32>
      %swap3A_426 = vector.shape_cast %add3A_421 : vector<16xf32> to vector<1x16xf32>
      tpu.vector_store %arg6[%swap3A_422, %swap3A_423], %swap3A_426 {strides = array<i32>} : memref<256x64xf32, #tpu.memory_space<vmem>>, vector<1x16xf32>,
      %mul3A_427 = arith.constant 8 : i32
      %mul3A_428 = arith.muli %scan3A_291, %mul3A_427 : i32
      %add3A_429 = arith.constant 3 : i32
      %add3A_430 = arith.addi %mul3A_428, %add3A_429 : i32
      %get3A_431 = arith.index_cast %add3A_430 : i32 to index
      %get3A_432 = arith.constant 0 : index
      %get3A_433 = tpu.vector_load %arg6[%get3A_431, %get3A_432] {strides = array<i32>} : memref<256x64xf32, #tpu.memory_space<vmem>>, vector<1x16xf32>,
      %get3A_434 = vector.shape_cast %get3A_433 : vector<1x16xf32> to vector<16xf32>
      %add3A_435 = arith.addf %add3A_391, %get3A_434 : vector<16xf32>
      %swap3A_436 = arith.index_cast %add3A_430 : i32 to index
      %swap3A_437 = arith.constant 0 : index
      %swap3A_438 = tpu.vector_load %arg6[%swap3A_436, %swap3A_437] {strides = array<i32>} : memref<256x64xf32, #tpu.memory_space<vmem>>, vector<1x16xf32>,
      %swap3A_439 = vector.shape_cast %swap3A_438 : vector<1x16xf32> to vector<16xf32>
      %swap3A_440 = vector.shape_cast %add3A_435 : vector<16xf32> to vector<1x16xf32>
      tpu.vector_store %arg6[%swap3A_436, %swap3A_437], %swap3A_440 {strides = array<i32>} : memref<256x64xf32, #tpu.memory_space<vmem>>, vector<1x16xf32>,
      %get3A_441 = arith.index_cast %add3A_430 : i32 to index
      %get3A_442 = arith.constant 16 : index
      %get3A_443 = tpu.vector_load %arg6[%get3A_441, %get3A_442] {strides = array<i32>} : memref<256x64xf32, #tpu.memory_space<vmem>>, vector<1x16xf32>,
      %get3A_444 = vector.shape_cast %get3A_443 : vector<1x16xf32> to vector<16xf32>
      %add3A_445 = arith.addf %add3A_401, %get3A_444 : vector<16xf32>
      %swap3A_446 = arith.index_cast %add3A_430 : i32 to index
      %swap3A_447 = arith.constant 16 : index
      %swap3A_448 = tpu.vector_load %arg6[%swap3A_446, %swap3A_447] {strides = array<i32>} : memref<256x64xf32, #tpu.memory_space<vmem>>, vector<1x16xf32>,
      %swap3A_449 = vector.shape_cast %swap3A_448 : vector<1x16xf32> to vector<16xf32>
      %swap3A_450 = vector.shape_cast %add3A_445 : vector<16xf32> to vector<1x16xf32>
      tpu.vector_store %arg6[%swap3A_446, %swap3A_447], %swap3A_450 {strides = array<i32>} : memref<256x64xf32, #tpu.memory_space<vmem>>, vector<1x16xf32>,
      %get3A_451 = arith.index_cast %add3A_430 : i32 to index
      %get3A_452 = arith.constant 32 : index
      %get3A_453 = tpu.vector_load %arg6[%get3A_451, %get3A_452] {strides = array<i32>} : memref<256x64xf32, #tpu.memory_space<vmem>>, vector<1x16xf32>,
      %get3A_454 = vector.shape_cast %get3A_453 : vector<1x16xf32> to vector<16xf32>
      %add3A_455 = arith.addf %add3A_411, %get3A_454 : vector<16xf32>
      %swap3A_456 = arith.index_cast %add3A_430 : i32 to index
      %swap3A_457 = arith.constant 32 : index
      %swap3A_458 = tpu.vector_load %arg6[%swap3A_456, %swap3A_457] {strides = array<i32>} : memref<256x64xf32, #tpu.memory_space<vmem>>, vector<1x16xf32>,
      %swap3A_459 = vector.shape_cast %swap3A_458 : vector<1x16xf32> to vector<16xf32>
      %swap3A_460 = vector.shape_cast %add3A_455 : vector<16xf32> to vector<1x16xf32>
      tpu.vector_store %arg6[%swap3A_456, %swap3A_457], %swap3A_460 {strides = array<i32>} : memref<256x64xf32, #tpu.memory_space<vmem>>, vector<1x16xf32>,
      %get3A_461 = arith.index_cast %add3A_430 : i32 to index
      %get3A_462 = arith.constant 48 : index
      %get3A_463 = tpu.vector_load %arg6[%get3A_461, %get3A_462] {strides = array<i32>} : memref<256x64xf32, #tpu.memory_space<vmem>>, vector<1x16xf32>,
      %get3A_464 = vector.shape_cast %get3A_463 : vector<1x16xf32> to vector<16xf32>
      %add3A_465 = arith.addf %add3A_421, %get3A_464 : vector<16xf32>
      %swap3A_466 = arith.index_cast %add3A_430 : i32 to index
      %swap3A_467 = arith.constant 48 : index
      %swap3A_468 = tpu.vector_load %arg6[%swap3A_466, %swap3A_467] {strides = array<i32>} : memref<256x64xf32, #tpu.memory_space<vmem>>, vector<1x16xf32>,
      %swap3A_469 = vector.shape_cast %swap3A_468 : vector<1x16xf32> to vector<16xf32>
      %swap3A_470 = vector.shape_cast %add3A_465 : vector<16xf32> to vector<1x16xf32>
      tpu.vector_store %arg6[%swap3A_466, %swap3A_467], %swap3A_470 {strides = array<i32>} : memref<256x64xf32, #tpu.memory_space<vmem>>, vector<1x16xf32>,
      %mul3A_471 = arith.constant 8 : i32
      %mul3A_472 = arith.muli %scan3A_291, %mul3A_471 : i32
      %add3A_473 = arith.constant 4 : i32
      %add3A_474 = arith.addi %mul3A_472, %add3A_473 : i32
      %get3A_475 = arith.index_cast %add3A_474 : i32 to index
      %get3A_476 = arith.constant 0 : index
      %get3A_477 = tpu.vector_load %arg6[%get3A_475, %get3A_476] {strides = array<i32>} : memref<256x64xf32, #tpu.memory_space<vmem>>, vector<1x16xf32>,
      %get3A_478 = vector.shape_cast %get3A_477 : vector<1x16xf32> to vector<16xf32>
      %add3A_479 = arith.addf %add3A_435, %get3A_478 : vector<16xf32>
      %swap3A_480 = arith.index_cast %add3A_474 : i32 to index
      %swap3A_481 = arith.constant 0 : index
      %swap3A_482 = tpu.vector_load %arg6[%swap3A_480, %swap3A_481] {strides = array<i32>} : memref<256x64xf32, #tpu.memory_space<vmem>>, vector<1x16xf32>,
      %swap3A_483 = vector.shape_cast %swap3A_482 : vector<1x16xf32> to vector<16xf32>
      %swap3A_484 = vector.shape_cast %add3A_479 : vector<16xf32> to vector<1x16xf32>
      tpu.vector_store %arg6[%swap3A_480, %swap3A_481], %swap3A_484 {strides = array<i32>} : memref<256x64xf32, #tpu.memory_space<vmem>>, vector<1x16xf32>,
      %get3A_485 = arith.index_cast %add3A_474 : i32 to index
      %get3A_486 = arith.constant 16 : index
      %get3A_487 = tpu.vector_load %arg6[%get3A_485, %get3A_486] {strides = array<i32>} : memref<256x64xf32, #tpu.memory_space<vmem>>, vector<1x16xf32>,
      %get3A_488 = vector.shape_cast %get3A_487 : vector<1x16xf32> to vector<16xf32>
      %add3A_489 = arith.addf %add3A_445, %get3A_488 : vector<16xf32>
      %swap3A_490 = arith.index_cast %add3A_474 : i32 to index
      %swap3A_491 = arith.constant 16 : index
      %swap3A_492 = tpu.vector_load %arg6[%swap3A_490, %swap3A_491] {strides = array<i32>} : memref<256x64xf32, #tpu.memory_space<vmem>>, vector<1x16xf32>,
      %swap3A_493 = vector.shape_cast %swap3A_492 : vector<1x16xf32> to vector<16xf32>
      %swap3A_494 = vector.shape_cast %add3A_489 : vector<16xf32> to vector<1x16xf32>
      tpu.vector_store %arg6[%swap3A_490, %swap3A_491], %swap3A_494 {strides = array<i32>} : memref<256x64xf32, #tpu.memory_space<vmem>>, vector<1x16xf32>,
      %get3A_495 = arith.index_cast %add3A_474 : i32 to index
      %get3A_496 = arith.constant 32 : index
      %get3A_497 = tpu.vector_load %arg6[%get3A_495, %get3A_496] {strides = array<i32>} : memref<256x64xf32, #tpu.memory_space<vmem>>, vector<1x16xf32>,
      %get3A_498 = vector.shape_cast %get3A_497 : vector<1x16xf32> to vector<16xf32>
      %add3A_499 = arith.addf %add3A_455, %get3A_498 : vector<16xf32>
      %swap3A_500 = arith.index_cast %add3A_474 : i32 to index
      %swap3A_501 = arith.constant 32 : index
      %swap3A_502 = tpu.vector_load %arg6[%swap3A_500, %swap3A_501] {strides = array<i32>} : memref<256x64xf32, #tpu.memory_space<vmem>>, vector<1x16xf32>,
      %swap3A_503 = vector.shape_cast %swap3A_502 : vector<1x16xf32> to vector<16xf32>
      %swap3A_504 = vector.shape_cast %add3A_499 : vector<16xf32> to vector<1x16xf32>
      tpu.vector_store %arg6[%swap3A_500, %swap3A_501], %swap3A_504 {strides = array<i32>} : memref<256x64xf32, #tpu.memory_space<vmem>>, vector<1x16xf32>,
      %get3A_505 = arith.index_cast %add3A_474 : i32 to index
      %get3A_506 = arith.constant 48 : index
      %get3A_507 = tpu.vector_load %arg6[%get3A_505, %get3A_506] {strides = array<i32>} : memref<256x64xf32, #tpu.memory_space<vmem>>, vector<1x16xf32>,
      %get3A_508 = vector.shape_cast %get3A_507 : vector<1x16xf32> to vector<16xf32>
      %add3A_509 = arith.addf %add3A_465, %get3A_508 : vector<16xf32>
      %swap3A_510 = arith.index_cast %add3A_474 : i32 to index
      %swap3A_511 = arith.constant 48 : index
      %swap3A_512 = tpu.vector_load %arg6[%swap3A_510, %swap3A_511] {strides = array<i32>} : memref<256x64xf32, #tpu.memory_space<vmem>>, vector<1x16xf32>,
      %swap3A_513 = vector.shape_cast %swap3A_512 : vector<1x16xf32> to vector<16xf32>
      %swap3A_514 = vector.shape_cast %add3A_509 : vector<16xf32> to vector<1x16xf32>
      tpu.vector_store %arg6[%swap3A_510, %swap3A_511], %swap3A_514 {strides = array<i32>} : memref<256x64xf32, #tpu.memory_space<vmem>>, vector<1x16xf32>,
      %mul3A_515 = arith.constant 8 : i32
      %mul3A_516 = arith.muli %scan3A_291, %mul3A_515 : i32
      %add3A_517 = arith.constant 5 : i32
      %add3A_518 = arith.addi %mul3A_516, %add3A_517 : i32
      %get3A_519 = arith.index_cast %add3A_518 : i32 to index
      %get3A_520 = arith.constant 0 : index
      %get3A_521 = tpu.vector_load %arg6[%get3A_519, %get3A_520] {strides = array<i32>} : memref<256x64xf32, #tpu.memory_space<vmem>>, vector<1x16xf32>,
      %get3A_522 = vector.shape_cast %get3A_521 : vector<1x16xf32> to vector<16xf32>
      %add3A_523 = arith.addf %add3A_479, %get3A_522 : vector<16xf32>
      %swap3A_524 = arith.index_cast %add3A_518 : i32 to index
      %swap3A_525 = arith.constant 0 : index
      %swap3A_526 = tpu.vector_load %arg6[%swap3A_524, %swap3A_525] {strides = array<i32>} : memref<256x64xf32, #tpu.memory_space<vmem>>, vector<1x16xf32>,
      %swap3A_527 = vector.shape_cast %swap3A_526 : vector<1x16xf32> to vector<16xf32>
      %swap3A_528 = vector.shape_cast %add3A_523 : vector<16xf32> to vector<1x16xf32>
      tpu.vector_store %arg6[%swap3A_524, %swap3A_525], %swap3A_528 {strides = array<i32>} : memref<256x64xf32, #tpu.memory_space<vmem>>, vector<1x16xf32>,
      %get3A_529 = arith.index_cast %add3A_518 : i32 to index
      %get3A_530 = arith.constant 16 : index
      %get3A_531 = tpu.vector_load %arg6[%get3A_529, %get3A_530] {strides = array<i32>} : memref<256x64xf32, #tpu.memory_space<vmem>>, vector<1x16xf32>,
      %get3A_532 = vector.shape_cast %get3A_531 : vector<1x16xf32> to vector<16xf32>
      %add3A_533 = arith.addf %add3A_489, %get3A_532 : vector<16xf32>
      %swap3A_534 = arith.index_cast %add3A_518 : i32 to index
      %swap3A_535 = arith.constant 16 : index
      %swap3A_536 = tpu.vector_load %arg6[%swap3A_534, %swap3A_535] {strides = array<i32>} : memref<256x64xf32, #tpu.memory_space<vmem>>, vector<1x16xf32>,
      %swap3A_537 = vector.shape_cast %swap3A_536 : vector<1x16xf32> to vector<16xf32>
      %swap3A_538 = vector.shape_cast %add3A_533 : vector<16xf32> to vector<1x16xf32>
      tpu.vector_store %arg6[%swap3A_534, %swap3A_535], %swap3A_538 {strides = array<i32>} : memref<256x64xf32, #tpu.memory_space<vmem>>, vector<1x16xf32>,
      %get3A_539 = arith.index_cast %add3A_518 : i32 to index
      %get3A_540 = arith.constant 32 : index
      %get3A_541 = tpu.vector_load %arg6[%get3A_539, %get3A_540] {strides = array<i32>} : memref<256x64xf32, #tpu.memory_space<vmem>>, vector<1x16xf32>,
      %get3A_542 = vector.shape_cast %get3A_541 : vector<1x16xf32> to vector<16xf32>
      %add3A_543 = arith.addf %add3A_499, %get3A_542 : vector<16xf32>
      %swap3A_544 = arith.index_cast %add3A_518 : i32 to index
      %swap3A_545 = arith.constant 32 : index
      %swap3A_546 = tpu.vector_load %arg6[%swap3A_544, %swap3A_545] {strides = array<i32>} : memref<256x64xf32, #tpu.memory_space<vmem>>, vector<1x16xf32>,
      %swap3A_547 = vector.shape_cast %swap3A_546 : vector<1x16xf32> to vector<16xf32>
      %swap3A_548 = vector.shape_cast %add3A_543 : vector<16xf32> to vector<1x16xf32>
      tpu.vector_store %arg6[%swap3A_544, %swap3A_545], %swap3A_548 {strides = array<i32>} : memref<256x64xf32, #tpu.memory_space<vmem>>, vector<1x16xf32>,
      %get3A_549 = arith.index_cast %add3A_518 : i32 to index
      %get3A_550 = arith.constant 48 : index
      %get3A_551 = tpu.vector_load %arg6[%get3A_549, %get3A_550] {strides = array<i32>} : memref<256x64xf32, #tpu.memory_space<vmem>>, vector<1x16xf32>,
      %get3A_552 = vector.shape_cast %get3A_551 : vector<1x16xf32> to vector<16xf32>
      %add3A_553 = arith.addf %add3A_509, %get3A_552 : vector<16xf32>
      %swap3A_554 = arith.index_cast %add3A_518 : i32 to index
      %swap3A_555 = arith.constant 48 : index
      %swap3A_556 = tpu.vector_load %arg6[%swap3A_554, %swap3A_555] {strides = array<i32>} : memref<256x64xf32, #tpu.memory_space<vmem>>, vector<1x16xf32>,
      %swap3A_557 = vector.shape_cast %swap3A_556 : vector<1x16xf32> to vector<16xf32>
      %swap3A_558 = vector.shape_cast %add3A_553 : vector<16xf32> to vector<1x16xf32>
      tpu.vector_store %arg6[%swap3A_554, %swap3A_555], %swap3A_558 {strides = array<i32>} : memref<256x64xf32, #tpu.memory_space<vmem>>, vector<1x16xf32>,
      %mul3A_559 = arith.constant 8 : i32
      %mul3A_560 = arith.muli %scan3A_291, %mul3A_559 : i32
      %add3A_561 = arith.constant 6 : i32
      %add3A_562 = arith.addi %mul3A_560, %add3A_561 : i32
      %get3A_563 = arith.index_cast %add3A_562 : i32 to index
      %get3A_564 = arith.constant 0 : index
      %get3A_565 = tpu.vector_load %arg6[%get3A_563, %get3A_564] {strides = array<i32>} : memref<256x64xf32, #tpu.memory_space<vmem>>, vector<1x16xf32>,
      %get3A_566 = vector.shape_cast %get3A_565 : vector<1x16xf32> to vector<16xf32>
      %add3A_567 = arith.addf %add3A_523, %get3A_566 : vector<16xf32>
      %swap3A_568 = arith.index_cast %add3A_562 : i32 to index
      %swap3A_569 = arith.constant 0 : index
      %swap3A_570 = tpu.vector_load %arg6[%swap3A_568, %swap3A_569] {strides = array<i32>} : memref<256x64xf32, #tpu.memory_space<vmem>>, vector<1x16xf32>,
      %swap3A_571 = vector.shape_cast %swap3A_570 : vector<1x16xf32> to vector<16xf32>
      %swap3A_572 = vector.shape_cast %add3A_567 : vector<16xf32> to vector<1x16xf32>
      tpu.vector_store %arg6[%swap3A_568, %swap3A_569], %swap3A_572 {strides = array<i32>} : memref<256x64xf32, #tpu.memory_space<vmem>>, vector<1x16xf32>,
      %get3A_573 = arith.index_cast %add3A_562 : i32 to index
      %get3A_574 = arith.constant 16 : index
      %get3A_575 = tpu.vector_load %arg6[%get3A_573, %get3A_574] {strides = array<i32>} : memref<256x64xf32, #tpu.memory_space<vmem>>, vector<1x16xf32>,
      %get3A_576 = vector.shape_cast %get3A_575 : vector<1x16xf32> to vector<16xf32>
      %add3A_577 = arith.addf %add3A_533, %get3A_576 : vector<16xf32>
      %swap3A_578 = arith.index_cast %add3A_562 : i32 to index
      %swap3A_579 = arith.constant 16 : index
      %swap3A_580 = tpu.vector_load %arg6[%swap3A_578, %swap3A_579] {strides = array<i32>} : memref<256x64xf32, #tpu.memory_space<vmem>>, vector<1x16xf32>,
      %swap3A_581 = vector.shape_cast %swap3A_580 : vector<1x16xf32> to vector<16xf32>
      %swap3A_582 = vector.shape_cast %add3A_577 : vector<16xf32> to vector<1x16xf32>
      tpu.vector_store %arg6[%swap3A_578, %swap3A_579], %swap3A_582 {strides = array<i32>} : memref<256x64xf32, #tpu.memory_space<vmem>>, vector<1x16xf32>,
      %get3A_583 = arith.index_cast %add3A_562 : i32 to index
      %get3A_584 = arith.constant 32 : index
      %get3A_585 = tpu.vector_load %arg6[%get3A_583, %get3A_584] {strides = array<i32>} : memref<256x64xf32, #tpu.memory_space<vmem>>, vector<1x16xf32>,
      %get3A_586 = vector.shape_cast %get3A_585 : vector<1x16xf32> to vector<16xf32>
      %add3A_587 = arith.addf %add3A_543, %get3A_586 : vector<16xf32>
      %swap3A_588 = arith.index_cast %add3A_562 : i32 to index
      %swap3A_589 = arith.constant 32 : index
      %swap3A_590 = tpu.vector_load %arg6[%swap3A_588, %swap3A_589] {strides = array<i32>} : memref<256x64xf32, #tpu.memory_space<vmem>>, vector<1x16xf32>,
      %swap3A_591 = vector.shape_cast %swap3A_590 : vector<1x16xf32> to vector<16xf32>
      %swap3A_592 = vector.shape_cast %add3A_587 : vector<16xf32> to vector<1x16xf32>
      tpu.vector_store %arg6[%swap3A_588, %swap3A_589], %swap3A_592 {strides = array<i32>} : memref<256x64xf32, #tpu.memory_space<vmem>>, vector<1x16xf32>,
      %get3A_593 = arith.index_cast %add3A_562 : i32 to index
      %get3A_594 = arith.constant 48 : index
      %get3A_595 = tpu.vector_load %arg6[%get3A_593, %get3A_594] {strides = array<i32>} : memref<256x64xf32, #tpu.memory_space<vmem>>, vector<1x16xf32>,
      %get3A_596 = vector.shape_cast %get3A_595 : vector<1x16xf32> to vector<16xf32>
      %add3A_597 = arith.addf %add3A_553, %get3A_596 : vector<16xf32>
      %swap3A_598 = arith.index_cast %add3A_562 : i32 to index
      %swap3A_599 = arith.constant 48 : index
      %swap3A_600 = tpu.vector_load %arg6[%swap3A_598, %swap3A_599] {strides = array<i32>} : memref<256x64xf32, #tpu.memory_space<vmem>>, vector<1x16xf32>,
      %swap3A_601 = vector.shape_cast %swap3A_600 : vector<1x16xf32> to vector<16xf32>
      %swap3A_602 = vector.shape_cast %add3A_597 : vector<16xf32> to vector<1x16xf32>
      tpu.vector_store %arg6[%swap3A_598, %swap3A_599], %swap3A_602 {strides = array<i32>} : memref<256x64xf32, #tpu.memory_space<vmem>>, vector<1x16xf32>,
      %mul3A_603 = arith.constant 8 : i32
      %mul3A_604 = arith.muli %scan3A_291, %mul3A_603 : i32
      %add3A_605 = arith.constant 7 : i32
      %add3A_606 = arith.addi %mul3A_604, %add3A_605 : i32
      %get3A_607 = arith.index_cast %add3A_606 : i32 to index
      %get3A_608 = arith.constant 0 : index
      %get3A_609 = tpu.vector_load %arg6[%get3A_607, %get3A_608] {strides = array<i32>} : memref<256x64xf32, #tpu.memory_space<vmem>>, vector<1x16xf32>,
      %get3A_610 = vector.shape_cast %get3A_609 : vector<1x16xf32> to vector<16xf32>
      %add3A_611 = arith.addf %add3A_567, %get3A_610 : vector<16xf32>
      %swap3A_612 = arith.index_cast %add3A_606 : i32 to index
      %swap3A_613 = arith.constant 0 : index
      %swap3A_614 = tpu.vector_load %arg6[%swap3A_612, %swap3A_613] {strides = array<i32>} : memref<256x64xf32, #tpu.memory_space<vmem>>, vector<1x16xf32>,
      %swap3A_615 = vector.shape_cast %swap3A_614 : vector<1x16xf32> to vector<16xf32>
      %swap3A_616 = vector.shape_cast %add3A_611 : vector<16xf32> to vector<1x16xf32>
      tpu.vector_store %arg6[%swap3A_612, %swap3A_613], %swap3A_616 {strides = array<i32>} : memref<256x64xf32, #tpu.memory_space<vmem>>, vector<1x16xf32>,
      %get3A_617 = arith.index_cast %add3A_606 : i32 to index
      %get3A_618 = arith.constant 16 : index
      %get3A_619 = tpu.vector_load %arg6[%get3A_617, %get3A_618] {strides = array<i32>} : memref<256x64xf32, #tpu.memory_space<vmem>>, vector<1x16xf32>,
      %get3A_620 = vector.shape_cast %get3A_619 : vector<1x16xf32> to vector<16xf32>
      %add3A_621 = arith.addf %add3A_577, %get3A_620 : vector<16xf32>
      %swap3A_622 = arith.index_cast %add3A_606 : i32 to index
      %swap3A_623 = arith.constant 16 : index
      %swap3A_624 = tpu.vector_load %arg6[%swap3A_622, %swap3A_623] {strides = array<i32>} : memref<256x64xf32, #tpu.memory_space<vmem>>, vector<1x16xf32>,
      %swap3A_625 = vector.shape_cast %swap3A_624 : vector<1x16xf32> to vector<16xf32>
      %swap3A_626 = vector.shape_cast %add3A_621 : vector<16xf32> to vector<1x16xf32>
      tpu.vector_store %arg6[%swap3A_622, %swap3A_623], %swap3A_626 {strides = array<i32>} : memref<256x64xf32, #tpu.memory_space<vmem>>, vector<1x16xf32>,
      %get3A_627 = arith.index_cast %add3A_606 : i32 to index
      %get3A_628 = arith.constant 32 : index
      %get3A_629 = tpu.vector_load %arg6[%get3A_627, %get3A_628] {strides = array<i32>} : memref<256x64xf32, #tpu.memory_space<vmem>>, vector<1x16xf32>,
      %get3A_630 = vector.shape_cast %get3A_629 : vector<1x16xf32> to vector<16xf32>
      %add3A_631 = arith.addf %add3A_587, %get3A_630 : vector<16xf32>
      %swap3A_632 = arith.index_cast %add3A_606 : i32 to index
      %swap3A_633 = arith.constant 32 : index
      %swap3A_634 = tpu.vector_load %arg6[%swap3A_632, %swap3A_633] {strides = array<i32>} : memref<256x64xf32, #tpu.memory_space<vmem>>, vector<1x16xf32>,
      %swap3A_635 = vector.shape_cast %swap3A_634 : vector<1x16xf32> to vector<16xf32>
      %swap3A_636 = vector.shape_cast %add3A_631 : vector<16xf32> to vector<1x16xf32>
      tpu.vector_store %arg6[%swap3A_632, %swap3A_633], %swap3A_636 {strides = array<i32>} : memref<256x64xf32, #tpu.memory_space<vmem>>, vector<1x16xf32>,
      %get3A_637 = arith.index_cast %add3A_606 : i32 to index
      %get3A_638 = arith.constant 48 : index
      %get3A_639 = tpu.vector_load %arg6[%get3A_637, %get3A_638] {strides = array<i32>} : memref<256x64xf32, #tpu.memory_space<vmem>>, vector<1x16xf32>,
      %get3A_640 = vector.shape_cast %get3A_639 : vector<1x16xf32> to vector<16xf32>
      %add3A_641 = arith.addf %add3A_597, %get3A_640 : vector<16xf32>
      %swap3A_642 = arith.index_cast %add3A_606 : i32 to index
      %swap3A_643 = arith.constant 48 : index
      %swap3A_644 = tpu.vector_load %arg6[%swap3A_642, %swap3A_643] {strides = array<i32>} : memref<256x64xf32, #tpu.memory_space<vmem>>, vector<1x16xf32>,
      %swap3A_645 = vector.shape_cast %swap3A_644 : vector<1x16xf32> to vector<16xf32>
      %swap3A_646 = vector.shape_cast %add3A_641 : vector<16xf32> to vector<1x16xf32>
      tpu.vector_store %arg6[%swap3A_642, %swap3A_643], %swap3A_646 {strides = array<i32>} : memref<256x64xf32, #tpu.memory_space<vmem>>, vector<1x16xf32>,
      scf.yield %add3A_611, %add3A_621, %add3A_631, %add3A_641 : vector<16xf32>, vector<16xf32>, vector<16xf32>, vector<16xf32>
    }
    %scan3A_248 = arith.constant 32 : i32
    %add3A_249 = arith.constant 512 : i32
    %add3A_250 = arith.addi %mul3A_2, %add3A_249 : i32
    %dma_start3A_251 = arith.constant 0 : i32
    %dma_start3A_252 = tpu.memref_slice %arg3[%add3A_250, %dma_start3A_251] : memref<32768x64xf32, #tpu.memory_space<hbm>> -> memref<256x64xf32, #tpu.memory_space<hbm>>
    %dma_start3A_253 = arith.constant 0 : i32
    %dma_start3A_254 = tpu.memref_slice %arg3[%add3A_250, %dma_start3A_253] : memref<32768x64xf32, #tpu.memory_space<hbm>> -> memref<256x64xf32, #tpu.memory_space<hbm>>
    tpu.enqueue_dma source(%arg6 : memref<256x64xf32, #tpu.memory_space<vmem>>) target(%dma_start3A_254 : memref<256x64xf32, #tpu.memory_space<hbm>>) target_semaphore(%arg15 : memref<!tpu.dma_semaphore, #tpu.memory_space<semaphore_mem>>)
    %dma_wait3A_255 = arith.constant 0 : i32
    %dma_wait3A_256 = tpu.memref_slice %arg3[%add3A_218, %dma_wait3A_255] : memref<32768x64xf32, #tpu.memory_space<hbm>> -> memref<256x64xf32, #tpu.memory_space<hbm>>
    %dma_wait3A_257 = arith.constant 0 : i32
    %dma_wait3A_258 = tpu.memref_slice %arg3[%add3A_218, %dma_wait3A_257] : memref<32768x64xf32, #tpu.memory_space<hbm>> -> memref<256x64xf32, #tpu.memory_space<hbm>>
    tpu.wait_dma2 semaphore(%arg16 : memref<!tpu.dma_semaphore, #tpu.memory_space<semaphore_mem>>) src(%arg7 : memref<256x64xf32, #tpu.memory_space<vmem>>) dst(%dma_wait3A_258 : memref<256x64xf32, #tpu.memory_space<hbm>>)
    %dma_start3A_259 = arith.constant 0 : i32
    %dma_start3A_260 = tpu.memref_slice %arg2[%add3A_26, %dma_start3A_259] : memref<32768x64xf32, #tpu.memory_space<hbm>> -> memref<256x64xf32, #tpu.memory_space<hbm>>
    %dma_start3A_261 = arith.constant 0 : i32
    %dma_start3A_262 = tpu.memref_slice %arg2[%add3A_26, %dma_start3A_261] : memref<32768x64xf32, #tpu.memory_space<hbm>> -> memref<256x64xf32, #tpu.memory_space<hbm>>
    tpu.enqueue_dma source(%dma_start3A_262 : memref<256x64xf32, #tpu.memory_space<hbm>>) target(%arg7 : memref<256x64xf32, #tpu.memory_space<vmem>>) target_semaphore(%arg13 : memref<!tpu.dma_semaphore, #tpu.memory_space<semaphore_mem>>)
    %dma_wait3A_263 = arith.constant 0 : i32
    %dma_wait3A_264 = tpu.memref_slice %arg2[%add3A_26, %dma_wait3A_263] : memref<32768x64xf32, #tpu.memory_space<hbm>> -> memref<256x64xf32, #tpu.memory_space<hbm>>
    %dma_wait3A_265 = arith.constant 0 : i32
    %dma_wait3A_266 = tpu.memref_slice %arg2[%add3A_26, %dma_wait3A_265] : memref<32768x64xf32, #tpu.memory_space<hbm>> -> memref<256x64xf32, #tpu.memory_space<hbm>>
    tpu.wait_dma2 semaphore(%arg13 : memref<!tpu.dma_semaphore, #tpu.memory_space<semaphore_mem>>) src(%dma_wait3A_266 : memref<256x64xf32, #tpu.memory_space<hbm>>) dst(%arg7 : memref<256x64xf32, #tpu.memory_space<vmem>>)
    %scan3A_267 = arith.constant 0 : i32
    %scan3A_268 = arith.constant 32 : i32
    %scan3A_269 = arith.addi %scan3A_267, %scan3A_268 : i32
    %scan3A_270 = arith.constant 1 : i32
    %scan3A_271:4 = scf.for %scan3A_291 = %scan3A_267 to %scan3A_269 step %scan3A_270 iter_args(%scan3A_292 = %scan3A_247#0, %scan3A_293 = %scan3A_247#1, %scan3A_294 = %scan3A_247#2, %scan3A_295 = %scan3A_247#3) -> (vector<16xf32>, vector<16xf32>, vector<16xf32>, vector<16xf32>)  : i32 {
      %mul3A_296 = arith.constant 8 : i32
      %mul3A_297 = arith.muli %scan3A_291, %mul3A_296 : i32
      %add3A_298 = arith.constant 0 : i32
      %add3A_299 = arith.addi %mul3A_297, %add3A_298 : i32
      %get3A = arith.index_cast %add3A_299 : i32 to index
      %get3A_300 = arith.constant 0 : index
      %get3A_301 = tpu.vector_load %arg7[%get3A, %get3A_300] {strides = array<i32>} : memref<256x64xf32, #tpu.memory_space<vmem>>, vector<1x16xf32>,
      %get3A_302 = vector.shape_cast %get3A_301 : vector<1x16xf32> to vector<16xf32>
      %add3A_303 = arith.addf %scan3A_292, %get3A_302 : vector<16xf32>
      %swap3A_304 = arith.index_cast %add3A_299 : i32 to index
      %swap3A_305 = arith.constant 0 : index
      %swap3A_306 = tpu.vector_load %arg7[%swap3A_304, %swap3A_305] {strides = array<i32>} : memref<256x64xf32, #tpu.memory_space<vmem>>, vector<1x16xf32>,
      %swap3A_307 = vector.shape_cast %swap3A_306 : vector<1x16xf32> to vector<16xf32>
      %swap3A_308 = vector.shape_cast %add3A_303 : vector<16xf32> to vector<1x16xf32>
      tpu.vector_store %arg7[%swap3A_304, %swap3A_305], %swap3A_308 {strides = array<i32>} : memref<256x64xf32, #tpu.memory_space<vmem>>, vector<1x16xf32>,
      %get3A_309 = arith.index_cast %add3A_299 : i32 to index
      %get3A_310 = arith.constant 16 : index
      %get3A_311 = tpu.vector_load %arg7[%get3A_309, %get3A_310] {strides = array<i32>} : memref<256x64xf32, #tpu.memory_space<vmem>>, vector<1x16xf32>,
      %get3A_312 = vector.shape_cast %get3A_311 : vector<1x16xf32> to vector<16xf32>
      %add3A_313 = arith.addf %scan3A_293, %get3A_312 : vector<16xf32>
      %swap3A_314 = arith.index_cast %add3A_299 : i32 to index
      %swap3A_315 = arith.constant 16 : index
      %swap3A_316 = tpu.vector_load %arg7[%swap3A_314, %swap3A_315] {strides = array<i32>} : memref<256x64xf32, #tpu.memory_space<vmem>>, vector<1x16xf32>,
      %swap3A_317 = vector.shape_cast %swap3A_316 : vector<1x16xf32> to vector<16xf32>
      %swap3A_318 = vector.shape_cast %add3A_313 : vector<16xf32> to vector<1x16xf32>
      tpu.vector_store %arg7[%swap3A_314, %swap3A_315], %swap3A_318 {strides = array<i32>} : memref<256x64xf32, #tpu.memory_space<vmem>>, vector<1x16xf32>,
      %get3A_319 = arith.index_cast %add3A_299 : i32 to index
      %get3A_320 = arith.constant 32 : index
      %get3A_321 = tpu.vector_load %arg7[%get3A_319, %get3A_320] {strides = array<i32>} : memref<256x64xf32, #tpu.memory_space<vmem>>, vector<1x16xf32>,
      %get3A_322 = vector.shape_cast %get3A_321 : vector<1x16xf32> to vector<16xf32>
      %add3A_323 = arith.addf %scan3A_294, %get3A_322 : vector<16xf32>
      %swap3A_324 = arith.index_cast %add3A_299 : i32 to index
      %swap3A_325 = arith.constant 32 : index
      %swap3A_326 = tpu.vector_load %arg7[%swap3A_324, %swap3A_325] {strides = array<i32>} : memref<256x64xf32, #tpu.memory_space<vmem>>, vector<1x16xf32>,
      %swap3A_327 = vector.shape_cast %swap3A_326 : vector<1x16xf32> to vector<16xf32>
      %swap3A_328 = vector.shape_cast %add3A_323 : vector<16xf32> to vector<1x16xf32>
      tpu.vector_store %arg7[%swap3A_324, %swap3A_325], %swap3A_328 {strides = array<i32>} : memref<256x64xf32, #tpu.memory_space<vmem>>, vector<1x16xf32>,
      %get3A_329 = arith.index_cast %add3A_299 : i32 to index
      %get3A_330 = arith.constant 48 : index
      %get3A_331 = tpu.vector_load %arg7[%get3A_329, %get3A_330] {strides = array<i32>} : memref<256x64xf32, #tpu.memory_space<vmem>>, vector<1x16xf32>,
      %get3A_332 = vector.shape_cast %get3A_331 : vector<1x16xf32> to vector<16xf32>
      %add3A_333 = arith.addf %scan3A_295, %get3A_332 : vector<16xf32>
      %swap3A_334 = arith.index_cast %add3A_299 : i32 to index
      %swap3A_335 = arith.constant 48 : index
      %swap3A_336 = tpu.vector_load %arg7[%swap3A_334, %swap3A_335] {strides = array<i32>} : memref<256x64xf32, #tpu.memory_space<vmem>>, vector<1x16xf32>,
      %swap3A_337 = vector.shape_cast %swap3A_336 : vector<1x16xf32> to vector<16xf32>
      %swap3A_338 = vector.shape_cast %add3A_333 : vector<16xf32> to vector<1x16xf32>
      tpu.vector_store %arg7[%swap3A_334, %swap3A_335], %swap3A_338 {strides = array<i32>} : memref<256x64xf32, #tpu.memory_space<vmem>>, vector<1x16xf32>,
      %mul3A_339 = arith.constant 8 : i32
      %mul3A_340 = arith.muli %scan3A_291, %mul3A_339 : i32
      %add3A_341 = arith.constant 1 : i32
      %add3A_342 = arith.addi %mul3A_340, %add3A_341 : i32
      %get3A_343 = arith.index_cast %add3A_342 : i32 to index
      %get3A_344 = arith.constant 0 : index
      %get3A_345 = tpu.vector_load %arg7[%get3A_343, %get3A_344] {strides = array<i32>} : memref<256x64xf32, #tpu.memory_space<vmem>>, vector<1x16xf32>,
      %get3A_346 = vector.shape_cast %get3A_345 : vector<1x16xf32> to vector<16xf32>
      %add3A_347 = arith.addf %add3A_303, %get3A_346 : vector<16xf32>
      %swap3A_348 = arith.index_cast %add3A_342 : i32 to index
      %swap3A_349 = arith.constant 0 : index
      %swap3A_350 = tpu.vector_load %arg7[%swap3A_348, %swap3A_349] {strides = array<i32>} : memref<256x64xf32, #tpu.memory_space<vmem>>, vector<1x16xf32>,
      %swap3A_351 = vector.shape_cast %swap3A_350 : vector<1x16xf32> to vector<16xf32>
      %swap3A_352 = vector.shape_cast %add3A_347 : vector<16xf32> to vector<1x16xf32>
      tpu.vector_store %arg7[%swap3A_348, %swap3A_349], %swap3A_352 {strides = array<i32>} : memref<256x64xf32, #tpu.memory_space<vmem>>, vector<1x16xf32>,
      %get3A_353 = arith.index_cast %add3A_342 : i32 to index
      %get3A_354 = arith.constant 16 : index
      %get3A_355 = tpu.vector_load %arg7[%get3A_353, %get3A_354] {strides = array<i32>} : memref<256x64xf32, #tpu.memory_space<vmem>>, vector<1x16xf32>,
      %get3A_356 = vector.shape_cast %get3A_355 : vector<1x16xf32> to vector<16xf32>
      %add3A_357 = arith.addf %add3A_313, %get3A_356 : vector<16xf32>
      %swap3A_358 = arith.index_cast %add3A_342 : i32 to index
      %swap3A_359 = arith.constant 16 : index
      %swap3A_360 = tpu.vector_load %arg7[%swap3A_358, %swap3A_359] {strides = array<i32>} : memref<256x64xf32, #tpu.memory_space<vmem>>, vector<1x16xf32>,
      %swap3A_361 = vector.shape_cast %swap3A_360 : vector<1x16xf32> to vector<16xf32>
      %swap3A_362 = vector.shape_cast %add3A_357 : vector<16xf32> to vector<1x16xf32>
      tpu.vector_store %arg7[%swap3A_358, %swap3A_359], %swap3A_362 {strides = array<i32>} : memref<256x64xf32, #tpu.memory_space<vmem>>, vector<1x16xf32>,
      %get3A_363 = arith.index_cast %add3A_342 : i32 to index
      %get3A_364 = arith.constant 32 : index
      %get3A_365 = tpu.vector_load %arg7[%get3A_363, %get3A_364] {strides = array<i32>} : memref<256x64xf32, #tpu.memory_space<vmem>>, vector<1x16xf32>,
      %get3A_366 = vector.shape_cast %get3A_365 : vector<1x16xf32> to vector<16xf32>
      %add3A_367 = arith.addf %add3A_323, %get3A_366 : vector<16xf32>
      %swap3A_368 = arith.index_cast %add3A_342 : i32 to index
      %swap3A_369 = arith.constant 32 : index
      %swap3A_370 = tpu.vector_load %arg7[%swap3A_368, %swap3A_369] {strides = array<i32>} : memref<256x64xf32, #tpu.memory_space<vmem>>, vector<1x16xf32>,
      %swap3A_371 = vector.shape_cast %swap3A_370 : vector<1x16xf32> to vector<16xf32>
      %swap3A_372 = vector.shape_cast %add3A_367 : vector<16xf32> to vector<1x16xf32>
      tpu.vector_store %arg7[%swap3A_368, %swap3A_369], %swap3A_372 {strides = array<i32>} : memref<256x64xf32, #tpu.memory_space<vmem>>, vector<1x16xf32>,
      %get3A_373 = arith.index_cast %add3A_342 : i32 to index
      %get3A_374 = arith.constant 48 : index
      %get3A_375 = tpu.vector_load %arg7[%get3A_373, %get3A_374] {strides = array<i32>} : memref<256x64xf32, #tpu.memory_space<vmem>>, vector<1x16xf32>,
      %get3A_376 = vector.shape_cast %get3A_375 : vector<1x16xf32> to vector<16xf32>
      %add3A_377 = arith.addf %add3A_333, %get3A_376 : vector<16xf32>
      %swap3A_378 = arith.index_cast %add3A_342 : i32 to index
      %swap3A_379 = arith.constant 48 : index
      %swap3A_380 = tpu.vector_load %arg7[%swap3A_378, %swap3A_379] {strides = array<i32>} : memref<256x64xf32, #tpu.memory_space<vmem>>, vector<1x16xf32>,
      %swap3A_381 = vector.shape_cast %swap3A_380 : vector<1x16xf32> to vector<16xf32>
      %swap3A_382 = vector.shape_cast %add3A_377 : vector<16xf32> to vector<1x16xf32>
      tpu.vector_store %arg7[%swap3A_378, %swap3A_379], %swap3A_382 {strides = array<i32>} : memref<256x64xf32, #tpu.memory_space<vmem>>, vector<1x16xf32>,
      %mul3A_383 = arith.constant 8 : i32
      %mul3A_384 = arith.muli %scan3A_291, %mul3A_383 : i32
      %add3A_385 = arith.constant 2 : i32
      %add3A_386 = arith.addi %mul3A_384, %add3A_385 : i32
      %get3A_387 = arith.index_cast %add3A_386 : i32 to index
      %get3A_388 = arith.constant 0 : index
      %get3A_389 = tpu.vector_load %arg7[%get3A_387, %get3A_388] {strides = array<i32>} : memref<256x64xf32, #tpu.memory_space<vmem>>, vector<1x16xf32>,
      %get3A_390 = vector.shape_cast %get3A_389 : vector<1x16xf32> to vector<16xf32>
      %add3A_391 = arith.addf %add3A_347, %get3A_390 : vector<16xf32>
      %swap3A_392 = arith.index_cast %add3A_386 : i32 to index
      %swap3A_393 = arith.constant 0 : index
      %swap3A_394 = tpu.vector_load %arg7[%swap3A_392, %swap3A_393] {strides = array<i32>} : memref<256x64xf32, #tpu.memory_space<vmem>>, vector<1x16xf32>,
      %swap3A_395 = vector.shape_cast %swap3A_394 : vector<1x16xf32> to vector<16xf32>
      %swap3A_396 = vector.shape_cast %add3A_391 : vector<16xf32> to vector<1x16xf32>
      tpu.vector_store %arg7[%swap3A_392, %swap3A_393], %swap3A_396 {strides = array<i32>} : memref<256x64xf32, #tpu.memory_space<vmem>>, vector<1x16xf32>,
      %get3A_397 = arith.index_cast %add3A_386 : i32 to index
      %get3A_398 = arith.constant 16 : index
      %get3A_399 = tpu.vector_load %arg7[%get3A_397, %get3A_398] {strides = array<i32>} : memref<256x64xf32, #tpu.memory_space<vmem>>, vector<1x16xf32>,
      %get3A_400 = vector.shape_cast %get3A_399 : vector<1x16xf32> to vector<16xf32>
      %add3A_401 = arith.addf %add3A_357, %get3A_400 : vector<16xf32>
      %swap3A_402 = arith.index_cast %add3A_386 : i32 to index
      %swap3A_403 = arith.constant 16 : index
      %swap3A_404 = tpu.vector_load %arg7[%swap3A_402, %swap3A_403] {strides = array<i32>} : memref<256x64xf32, #tpu.memory_space<vmem>>, vector<1x16xf32>,
      %swap3A_405 = vector.shape_cast %swap3A_404 : vector<1x16xf32> to vector<16xf32>
      %swap3A_406 = vector.shape_cast %add3A_401 : vector<16xf32> to vector<1x16xf32>
      tpu.vector_store %arg7[%swap3A_402, %swap3A_403], %swap3A_406 {strides = array<i32>} : memref<256x64xf32, #tpu.memory_space<vmem>>, vector<1x16xf32>,
      %get3A_407 = arith.index_cast %add3A_386 : i32 to index
      %get3A_408 = arith.constant 32 : index
      %get3A_409 = tpu.vector_load %arg7[%get3A_407, %get3A_408] {strides = array<i32>} : memref<256x64xf32, #tpu.memory_space<vmem>>, vector<1x16xf32>,
      %get3A_410 = vector.shape_cast %get3A_409 : vector<1x16xf32> to vector<16xf32>
      %add3A_411 = arith.addf %add3A_367, %get3A_410 : vector<16xf32>
      %swap3A_412 = arith.index_cast %add3A_386 : i32 to index
      %swap3A_413 = arith.constant 32 : index
      %swap3A_414 = tpu.vector_load %arg7[%swap3A_412, %swap3A_413] {strides = array<i32>} : memref<256x64xf32, #tpu.memory_space<vmem>>, vector<1x16xf32>,
      %swap3A_415 = vector.shape_cast %swap3A_414 : vector<1x16xf32> to vector<16xf32>
      %swap3A_416 = vector.shape_cast %add3A_411 : vector<16xf32> to vector<1x16xf32>
      tpu.vector_store %arg7[%swap3A_412, %swap3A_413], %swap3A_416 {strides = array<i32>} : memref<256x64xf32, #tpu.memory_space<vmem>>, vector<1x16xf32>,
      %get3A_417 = arith.index_cast %add3A_386 : i32 to index
      %get3A_418 = arith.constant 48 : index
      %get3A_419 = tpu.vector_load %arg7[%get3A_417, %get3A_418] {strides = array<i32>} : memref<256x64xf32, #tpu.memory_space<vmem>>, vector<1x16xf32>,
      %get3A_420 = vector.shape_cast %get3A_419 : vector<1x16xf32> to vector<16xf32>
      %add3A_421 = arith.addf %add3A_377, %get3A_420 : vector<16xf32>
      %swap3A_422 = arith.index_cast %add3A_386 : i32 to index
      %swap3A_423 = arith.constant 48 : index
      %swap3A_424 = tpu.vector_load %arg7[%swap3A_422, %swap3A_423] {strides = array<i32>} : memref<256x64xf32, #tpu.memory_space<vmem>>, vector<1x16xf32>,
      %swap3A_425 = vector.shape_cast %swap3A_424 : vector<1x16xf32> to vector<16xf32>
      %swap3A_426 = vector.shape_cast %add3A_421 : vector<16xf32> to vector<1x16xf32>
      tpu.vector_store %arg7[%swap3A_422, %swap3A_423], %swap3A_426 {strides = array<i32>} : memref<256x64xf32, #tpu.memory_space<vmem>>, vector<1x16xf32>,
      %mul3A_427 = arith.constant 8 : i32
      %mul3A_428 = arith.muli %scan3A_291, %mul3A_427 : i32
      %add3A_429 = arith.constant 3 : i32
      %add3A_430 = arith.addi %mul3A_428, %add3A_429 : i32
      %get3A_431 = arith.index_cast %add3A_430 : i32 to index
      %get3A_432 = arith.constant 0 : index
      %get3A_433 = tpu.vector_load %arg7[%get3A_431, %get3A_432] {strides = array<i32>} : memref<256x64xf32, #tpu.memory_space<vmem>>, vector<1x16xf32>,
      %get3A_434 = vector.shape_cast %get3A_433 : vector<1x16xf32> to vector<16xf32>
      %add3A_435 = arith.addf %add3A_391, %get3A_434 : vector<16xf32>
      %swap3A_436 = arith.index_cast %add3A_430 : i32 to index
      %swap3A_437 = arith.constant 0 : index
      %swap3A_438 = tpu.vector_load %arg7[%swap3A_436, %swap3A_437] {strides = array<i32>} : memref<256x64xf32, #tpu.memory_space<vmem>>, vector<1x16xf32>,
      %swap3A_439 = vector.shape_cast %swap3A_438 : vector<1x16xf32> to vector<16xf32>
      %swap3A_440 = vector.shape_cast %add3A_435 : vector<16xf32> to vector<1x16xf32>
      tpu.vector_store %arg7[%swap3A_436, %swap3A_437], %swap3A_440 {strides = array<i32>} : memref<256x64xf32, #tpu.memory_space<vmem>>, vector<1x16xf32>,
      %get3A_441 = arith.index_cast %add3A_430 : i32 to index
      %get3A_442 = arith.constant 16 : index
      %get3A_443 = tpu.vector_load %arg7[%get3A_441, %get3A_442] {strides = array<i32>} : memref<256x64xf32, #tpu.memory_space<vmem>>, vector<1x16xf32>,
      %get3A_444 = vector.shape_cast %get3A_443 : vector<1x16xf32> to vector<16xf32>
      %add3A_445 = arith.addf %add3A_401, %get3A_444 : vector<16xf32>
      %swap3A_446 = arith.index_cast %add3A_430 : i32 to index
      %swap3A_447 = arith.constant 16 : index
      %swap3A_448 = tpu.vector_load %arg7[%swap3A_446, %swap3A_447] {strides = array<i32>} : memref<256x64xf32, #tpu.memory_space<vmem>>, vector<1x16xf32>,
      %swap3A_449 = vector.shape_cast %swap3A_448 : vector<1x16xf32> to vector<16xf32>
      %swap3A_450 = vector.shape_cast %add3A_445 : vector<16xf32> to vector<1x16xf32>
      tpu.vector_store %arg7[%swap3A_446, %swap3A_447], %swap3A_450 {strides = array<i32>} : memref<256x64xf32, #tpu.memory_space<vmem>>, vector<1x16xf32>,
      %get3A_451 = arith.index_cast %add3A_430 : i32 to index
      %get3A_452 = arith.constant 32 : index
      %get3A_453 = tpu.vector_load %arg7[%get3A_451, %get3A_452] {strides = array<i32>} : memref<256x64xf32, #tpu.memory_space<vmem>>, vector<1x16xf32>,
      %get3A_454 = vector.shape_cast %get3A_453 : vector<1x16xf32> to vector<16xf32>
      %add3A_455 = arith.addf %add3A_411, %get3A_454 : vector<16xf32>
      %swap3A_456 = arith.index_cast %add3A_430 : i32 to index
      %swap3A_457 = arith.constant 32 : index
      %swap3A_458 = tpu.vector_load %arg7[%swap3A_456, %swap3A_457] {strides = array<i32>} : memref<256x64xf32, #tpu.memory_space<vmem>>, vector<1x16xf32>,
      %swap3A_459 = vector.shape_cast %swap3A_458 : vector<1x16xf32> to vector<16xf32>
      %swap3A_460 = vector.shape_cast %add3A_455 : vector<16xf32> to vector<1x16xf32>
      tpu.vector_store %arg7[%swap3A_456, %swap3A_457], %swap3A_460 {strides = array<i32>} : memref<256x64xf32, #tpu.memory_space<vmem>>, vector<1x16xf32>,
      %get3A_461 = arith.index_cast %add3A_430 : i32 to index
      %get3A_462 = arith.constant 48 : index
      %get3A_463 = tpu.vector_load %arg7[%get3A_461, %get3A_462] {strides = array<i32>} : memref<256x64xf32, #tpu.memory_space<vmem>>, vector<1x16xf32>,
      %get3A_464 = vector.shape_cast %get3A_463 : vector<1x16xf32> to vector<16xf32>
      %add3A_465 = arith.addf %add3A_421, %get3A_464 : vector<16xf32>
      %swap3A_466 = arith.index_cast %add3A_430 : i32 to index
      %swap3A_467 = arith.constant 48 : index
      %swap3A_468 = tpu.vector_load %arg7[%swap3A_466, %swap3A_467] {strides = array<i32>} : memref<256x64xf32, #tpu.memory_space<vmem>>, vector<1x16xf32>,
      %swap3A_469 = vector.shape_cast %swap3A_468 : vector<1x16xf32> to vector<16xf32>
      %swap3A_470 = vector.shape_cast %add3A_465 : vector<16xf32> to vector<1x16xf32>
      tpu.vector_store %arg7[%swap3A_466, %swap3A_467], %swap3A_470 {strides = array<i32>} : memref<256x64xf32, #tpu.memory_space<vmem>>, vector<1x16xf32>,
      %mul3A_471 = arith.constant 8 : i32
      %mul3A_472 = arith.muli %scan3A_291, %mul3A_471 : i32
      %add3A_473 = arith.constant 4 : i32
      %add3A_474 = arith.addi %mul3A_472, %add3A_473 : i32
      %get3A_475 = arith.index_cast %add3A_474 : i32 to index
      %get3A_476 = arith.constant 0 : index
      %get3A_477 = tpu.vector_load %arg7[%get3A_475, %get3A_476] {strides = array<i32>} : memref<256x64xf32, #tpu.memory_space<vmem>>, vector<1x16xf32>,
      %get3A_478 = vector.shape_cast %get3A_477 : vector<1x16xf32> to vector<16xf32>
      %add3A_479 = arith.addf %add3A_435, %get3A_478 : vector<16xf32>
      %swap3A_480 = arith.index_cast %add3A_474 : i32 to index
      %swap3A_481 = arith.constant 0 : index
      %swap3A_482 = tpu.vector_load %arg7[%swap3A_480, %swap3A_481] {strides = array<i32>} : memref<256x64xf32, #tpu.memory_space<vmem>>, vector<1x16xf32>,
      %swap3A_483 = vector.shape_cast %swap3A_482 : vector<1x16xf32> to vector<16xf32>
      %swap3A_484 = vector.shape_cast %add3A_479 : vector<16xf32> to vector<1x16xf32>
      tpu.vector_store %arg7[%swap3A_480, %swap3A_481], %swap3A_484 {strides = array<i32>} : memref<256x64xf32, #tpu.memory_space<vmem>>, vector<1x16xf32>,
      %get3A_485 = arith.index_cast %add3A_474 : i32 to index
      %get3A_486 = arith.constant 16 : index
      %get3A_487 = tpu.vector_load %arg7[%get3A_485, %get3A_486] {strides = array<i32>} : memref<256x64xf32, #tpu.memory_space<vmem>>, vector<1x16xf32>,
      %get3A_488 = vector.shape_cast %get3A_487 : vector<1x16xf32> to vector<16xf32>
      %add3A_489 = arith.addf %add3A_445, %get3A_488 : vector<16xf32>
      %swap3A_490 = arith.index_cast %add3A_474 : i32 to index
      %swap3A_491 = arith.constant 16 : index
      %swap3A_492 = tpu.vector_load %arg7[%swap3A_490, %swap3A_491] {strides = array<i32>} : memref<256x64xf32, #tpu.memory_space<vmem>>, vector<1x16xf32>,
      %swap3A_493 = vector.shape_cast %swap3A_492 : vector<1x16xf32> to vector<16xf32>
      %swap3A_494 = vector.shape_cast %add3A_489 : vector<16xf32> to vector<1x16xf32>
      tpu.vector_store %arg7[%swap3A_490, %swap3A_491], %swap3A_494 {strides = array<i32>} : memref<256x64xf32, #tpu.memory_space<vmem>>, vector<1x16xf32>,
      %get3A_495 = arith.index_cast %add3A_474 : i32 to index
      %get3A_496 = arith.constant 32 : index
      %get3A_497 = tpu.vector_load %arg7[%get3A_495, %get3A_496] {strides = array<i32>} : memref<256x64xf32, #tpu.memory_space<vmem>>, vector<1x16xf32>,
      %get3A_498 = vector.shape_cast %get3A_497 : vector<1x16xf32> to vector<16xf32>
      %add3A_499 = arith.addf %add3A_455, %get3A_498 : vector<16xf32>
      %swap3A_500 = arith.index_cast %add3A_474 : i32 to index
      %swap3A_501 = arith.constant 32 : index
      %swap3A_502 = tpu.vector_load %arg7[%swap3A_500, %swap3A_501] {strides = array<i32>} : memref<256x64xf32, #tpu.memory_space<vmem>>, vector<1x16xf32>,
      %swap3A_503 = vector.shape_cast %swap3A_502 : vector<1x16xf32> to vector<16xf32>
      %swap3A_504 = vector.shape_cast %add3A_499 : vector<16xf32> to vector<1x16xf32>
      tpu.vector_store %arg7[%swap3A_500, %swap3A_501], %swap3A_504 {strides = array<i32>} : memref<256x64xf32, #tpu.memory_space<vmem>>, vector<1x16xf32>,
      %get3A_505 = arith.index_cast %add3A_474 : i32 to index
      %get3A_506 = arith.constant 48 : index
      %get3A_507 = tpu.vector_load %arg7[%get3A_505, %get3A_506] {strides = array<i32>} : memref<256x64xf32, #tpu.memory_space<vmem>>, vector<1x16xf32>,
      %get3A_508 = vector.shape_cast %get3A_507 : vector<1x16xf32> to vector<16xf32>
      %add3A_509 = arith.addf %add3A_465, %get3A_508 : vector<16xf32>
      %swap3A_510 = arith.index_cast %add3A_474 : i32 to index
      %swap3A_511 = arith.constant 48 : index
      %swap3A_512 = tpu.vector_load %arg7[%swap3A_510, %swap3A_511] {strides = array<i32>} : memref<256x64xf32, #tpu.memory_space<vmem>>, vector<1x16xf32>,
      %swap3A_513 = vector.shape_cast %swap3A_512 : vector<1x16xf32> to vector<16xf32>
      %swap3A_514 = vector.shape_cast %add3A_509 : vector<16xf32> to vector<1x16xf32>
      tpu.vector_store %arg7[%swap3A_510, %swap3A_511], %swap3A_514 {strides = array<i32>} : memref<256x64xf32, #tpu.memory_space<vmem>>, vector<1x16xf32>,
      %mul3A_515 = arith.constant 8 : i32
      %mul3A_516 = arith.muli %scan3A_291, %mul3A_515 : i32
      %add3A_517 = arith.constant 5 : i32
      %add3A_518 = arith.addi %mul3A_516, %add3A_517 : i32
      %get3A_519 = arith.index_cast %add3A_518 : i32 to index
      %get3A_520 = arith.constant 0 : index
      %get3A_521 = tpu.vector_load %arg7[%get3A_519, %get3A_520] {strides = array<i32>} : memref<256x64xf32, #tpu.memory_space<vmem>>, vector<1x16xf32>,
      %get3A_522 = vector.shape_cast %get3A_521 : vector<1x16xf32> to vector<16xf32>
      %add3A_523 = arith.addf %add3A_479, %get3A_522 : vector<16xf32>
      %swap3A_524 = arith.index_cast %add3A_518 : i32 to index
      %swap3A_525 = arith.constant 0 : index
      %swap3A_526 = tpu.vector_load %arg7[%swap3A_524, %swap3A_525] {strides = array<i32>} : memref<256x64xf32, #tpu.memory_space<vmem>>, vector<1x16xf32>,
      %swap3A_527 = vector.shape_cast %swap3A_526 : vector<1x16xf32> to vector<16xf32>
      %swap3A_528 = vector.shape_cast %add3A_523 : vector<16xf32> to vector<1x16xf32>
      tpu.vector_store %arg7[%swap3A_524, %swap3A_525], %swap3A_528 {strides = array<i32>} : memref<256x64xf32, #tpu.memory_space<vmem>>, vector<1x16xf32>,
      %get3A_529 = arith.index_cast %add3A_518 : i32 to index
      %get3A_530 = arith.constant 16 : index
      %get3A_531 = tpu.vector_load %arg7[%get3A_529, %get3A_530] {strides = array<i32>} : memref<256x64xf32, #tpu.memory_space<vmem>>, vector<1x16xf32>,
      %get3A_532 = vector.shape_cast %get3A_531 : vector<1x16xf32> to vector<16xf32>
      %add3A_533 = arith.addf %add3A_489, %get3A_532 : vector<16xf32>
      %swap3A_534 = arith.index_cast %add3A_518 : i32 to index
      %swap3A_535 = arith.constant 16 : index
      %swap3A_536 = tpu.vector_load %arg7[%swap3A_534, %swap3A_535] {strides = array<i32>} : memref<256x64xf32, #tpu.memory_space<vmem>>, vector<1x16xf32>,
      %swap3A_537 = vector.shape_cast %swap3A_536 : vector<1x16xf32> to vector<16xf32>
      %swap3A_538 = vector.shape_cast %add3A_533 : vector<16xf32> to vector<1x16xf32>
      tpu.vector_store %arg7[%swap3A_534, %swap3A_535], %swap3A_538 {strides = array<i32>} : memref<256x64xf32, #tpu.memory_space<vmem>>, vector<1x16xf32>,
      %get3A_539 = arith.index_cast %add3A_518 : i32 to index
      %get3A_540 = arith.constant 32 : index
      %get3A_541 = tpu.vector_load %arg7[%get3A_539, %get3A_540] {strides = array<i32>} : memref<256x64xf32, #tpu.memory_space<vmem>>, vector<1x16xf32>,
      %get3A_542 = vector.shape_cast %get3A_541 : vector<1x16xf32> to vector<16xf32>
      %add3A_543 = arith.addf %add3A_499, %get3A_542 : vector<16xf32>
      %swap3A_544 = arith.index_cast %add3A_518 : i32 to index
      %swap3A_545 = arith.constant 32 : index
      %swap3A_546 = tpu.vector_load %arg7[%swap3A_544, %swap3A_545] {strides = array<i32>} : memref<256x64xf32, #tpu.memory_space<vmem>>, vector<1x16xf32>,
      %swap3A_547 = vector.shape_cast %swap3A_546 : vector<1x16xf32> to vector<16xf32>
      %swap3A_548 = vector.shape_cast %add3A_543 : vector<16xf32> to vector<1x16xf32>
      tpu.vector_store %arg7[%swap3A_544, %swap3A_545], %swap3A_548 {strides = array<i32>} : memref<256x64xf32, #tpu.memory_space<vmem>>, vector<1x16xf32>,
      %get3A_549 = arith.index_cast %add3A_518 : i32 to index
      %get3A_550 = arith.constant 48 : index
      %get3A_551 = tpu.vector_load %arg7[%get3A_549, %get3A_550] {strides = array<i32>} : memref<256x64xf32, #tpu.memory_space<vmem>>, vector<1x16xf32>,
      %get3A_552 = vector.shape_cast %get3A_551 : vector<1x16xf32> to vector<16xf32>
      %add3A_553 = arith.addf %add3A_509, %get3A_552 : vector<16xf32>
      %swap3A_554 = arith.index_cast %add3A_518 : i32 to index
      %swap3A_555 = arith.constant 48 : index
      %swap3A_556 = tpu.vector_load %arg7[%swap3A_554, %swap3A_555] {strides = array<i32>} : memref<256x64xf32, #tpu.memory_space<vmem>>, vector<1x16xf32>,
      %swap3A_557 = vector.shape_cast %swap3A_556 : vector<1x16xf32> to vector<16xf32>
      %swap3A_558 = vector.shape_cast %add3A_553 : vector<16xf32> to vector<1x16xf32>
      tpu.vector_store %arg7[%swap3A_554, %swap3A_555], %swap3A_558 {strides = array<i32>} : memref<256x64xf32, #tpu.memory_space<vmem>>, vector<1x16xf32>,
      %mul3A_559 = arith.constant 8 : i32
      %mul3A_560 = arith.muli %scan3A_291, %mul3A_559 : i32
      %add3A_561 = arith.constant 6 : i32
      %add3A_562 = arith.addi %mul3A_560, %add3A_561 : i32
      %get3A_563 = arith.index_cast %add3A_562 : i32 to index
      %get3A_564 = arith.constant 0 : index
      %get3A_565 = tpu.vector_load %arg7[%get3A_563, %get3A_564] {strides = array<i32>} : memref<256x64xf32, #tpu.memory_space<vmem>>, vector<1x16xf32>,
      %get3A_566 = vector.shape_cast %get3A_565 : vector<1x16xf32> to vector<16xf32>
      %add3A_567 = arith.addf %add3A_523, %get3A_566 : vector<16xf32>
      %swap3A_568 = arith.index_cast %add3A_562 : i32 to index
      %swap3A_569 = arith.constant 0 : index
      %swap3A_570 = tpu.vector_load %arg7[%swap3A_568, %swap3A_569] {strides = array<i32>} : memref<256x64xf32, #tpu.memory_space<vmem>>, vector<1x16xf32>,
      %swap3A_571 = vector.shape_cast %swap3A_570 : vector<1x16xf32> to vector<16xf32>
      %swap3A_572 = vector.shape_cast %add3A_567 : vector<16xf32> to vector<1x16xf32>
      tpu.vector_store %arg7[%swap3A_568, %swap3A_569], %swap3A_572 {strides = array<i32>} : memref<256x64xf32, #tpu.memory_space<vmem>>, vector<1x16xf32>,
      %get3A_573 = arith.index_cast %add3A_562 : i32 to index
      %get3A_574 = arith.constant 16 : index
      %get3A_575 = tpu.vector_load %arg7[%get3A_573, %get3A_574] {strides = array<i32>} : memref<256x64xf32, #tpu.memory_space<vmem>>, vector<1x16xf32>,
      %get3A_576 = vector.shape_cast %get3A_575 : vector<1x16xf32> to vector<16xf32>
      %add3A_577 = arith.addf %add3A_533, %get3A_576 : vector<16xf32>
      %swap3A_578 = arith.index_cast %add3A_562 : i32 to index
      %swap3A_579 = arith.constant 16 : index
      %swap3A_580 = tpu.vector_load %arg7[%swap3A_578, %swap3A_579] {strides = array<i32>} : memref<256x64xf32, #tpu.memory_space<vmem>>, vector<1x16xf32>,
      %swap3A_581 = vector.shape_cast %swap3A_580 : vector<1x16xf32> to vector<16xf32>
      %swap3A_582 = vector.shape_cast %add3A_577 : vector<16xf32> to vector<1x16xf32>
      tpu.vector_store %arg7[%swap3A_578, %swap3A_579], %swap3A_582 {strides = array<i32>} : memref<256x64xf32, #tpu.memory_space<vmem>>, vector<1x16xf32>,
      %get3A_583 = arith.index_cast %add3A_562 : i32 to index
      %get3A_584 = arith.constant 32 : index
      %get3A_585 = tpu.vector_load %arg7[%get3A_583, %get3A_584] {strides = array<i32>} : memref<256x64xf32, #tpu.memory_space<vmem>>, vector<1x16xf32>,
      %get3A_586 = vector.shape_cast %get3A_585 : vector<1x16xf32> to vector<16xf32>
      %add3A_587 = arith.addf %add3A_543, %get3A_586 : vector<16xf32>
      %swap3A_588 = arith.index_cast %add3A_562 : i32 to index
      %swap3A_589 = arith.constant 32 : index
      %swap3A_590 = tpu.vector_load %arg7[%swap3A_588, %swap3A_589] {strides = array<i32>} : memref<256x64xf32, #tpu.memory_space<vmem>>, vector<1x16xf32>,
      %swap3A_591 = vector.shape_cast %swap3A_590 : vector<1x16xf32> to vector<16xf32>
      %swap3A_592 = vector.shape_cast %add3A_587 : vector<16xf32> to vector<1x16xf32>
      tpu.vector_store %arg7[%swap3A_588, %swap3A_589], %swap3A_592 {strides = array<i32>} : memref<256x64xf32, #tpu.memory_space<vmem>>, vector<1x16xf32>,
      %get3A_593 = arith.index_cast %add3A_562 : i32 to index
      %get3A_594 = arith.constant 48 : index
      %get3A_595 = tpu.vector_load %arg7[%get3A_593, %get3A_594] {strides = array<i32>} : memref<256x64xf32, #tpu.memory_space<vmem>>, vector<1x16xf32>,
      %get3A_596 = vector.shape_cast %get3A_595 : vector<1x16xf32> to vector<16xf32>
      %add3A_597 = arith.addf %add3A_553, %get3A_596 : vector<16xf32>
      %swap3A_598 = arith.index_cast %add3A_562 : i32 to index
      %swap3A_599 = arith.constant 48 : index
      %swap3A_600 = tpu.vector_load %arg7[%swap3A_598, %swap3A_599] {strides = array<i32>} : memref<256x64xf32, #tpu.memory_space<vmem>>, vector<1x16xf32>,
      %swap3A_601 = vector.shape_cast %swap3A_600 : vector<1x16xf32> to vector<16xf32>
      %swap3A_602 = vector.shape_cast %add3A_597 : vector<16xf32> to vector<1x16xf32>
      tpu.vector_store %arg7[%swap3A_598, %swap3A_599], %swap3A_602 {strides = array<i32>} : memref<256x64xf32, #tpu.memory_space<vmem>>, vector<1x16xf32>,
      %mul3A_603 = arith.constant 8 : i32
      %mul3A_604 = arith.muli %scan3A_291, %mul3A_603 : i32
      %add3A_605 = arith.constant 7 : i32
      %add3A_606 = arith.addi %mul3A_604, %add3A_605 : i32
      %get3A_607 = arith.index_cast %add3A_606 : i32 to index
      %get3A_608 = arith.constant 0 : index
      %get3A_609 = tpu.vector_load %arg7[%get3A_607, %get3A_608] {strides = array<i32>} : memref<256x64xf32, #tpu.memory_space<vmem>>, vector<1x16xf32>,
      %get3A_610 = vector.shape_cast %get3A_609 : vector<1x16xf32> to vector<16xf32>
      %add3A_611 = arith.addf %add3A_567, %get3A_610 : vector<16xf32>
      %swap3A_612 = arith.index_cast %add3A_606 : i32 to index
      %swap3A_613 = arith.constant 0 : index
      %swap3A_614 = tpu.vector_load %arg7[%swap3A_612, %swap3A_613] {strides = array<i32>} : memref<256x64xf32, #tpu.memory_space<vmem>>, vector<1x16xf32>,
      %swap3A_615 = vector.shape_cast %swap3A_614 : vector<1x16xf32> to vector<16xf32>
      %swap3A_616 = vector.shape_cast %add3A_611 : vector<16xf32> to vector<1x16xf32>
      tpu.vector_store %arg7[%swap3A_612, %swap3A_613], %swap3A_616 {strides = array<i32>} : memref<256x64xf32, #tpu.memory_space<vmem>>, vector<1x16xf32>,
      %get3A_617 = arith.index_cast %add3A_606 : i32 to index
      %get3A_618 = arith.constant 16 : index
      %get3A_619 = tpu.vector_load %arg7[%get3A_617, %get3A_618] {strides = array<i32>} : memref<256x64xf32, #tpu.memory_space<vmem>>, vector<1x16xf32>,
      %get3A_620 = vector.shape_cast %get3A_619 : vector<1x16xf32> to vector<16xf32>
      %add3A_621 = arith.addf %add3A_577, %get3A_620 : vector<16xf32>
      %swap3A_622 = arith.index_cast %add3A_606 : i32 to index
      %swap3A_623 = arith.constant 16 : index
      %swap3A_624 = tpu.vector_load %arg7[%swap3A_622, %swap3A_623] {strides = array<i32>} : memref<256x64xf32, #tpu.memory_space<vmem>>, vector<1x16xf32>,
      %swap3A_625 = vector.shape_cast %swap3A_624 : vector<1x16xf32> to vector<16xf32>
      %swap3A_626 = vector.shape_cast %add3A_621 : vector<16xf32> to vector<1x16xf32>
      tpu.vector_store %arg7[%swap3A_622, %swap3A_623], %swap3A_626 {strides = array<i32>} : memref<256x64xf32, #tpu.memory_space<vmem>>, vector<1x16xf32>,
      %get3A_627 = arith.index_cast %add3A_606 : i32 to index
      %get3A_628 = arith.constant 32 : index
      %get3A_629 = tpu.vector_load %arg7[%get3A_627, %get3A_628] {strides = array<i32>} : memref<256x64xf32, #tpu.memory_space<vmem>>, vector<1x16xf32>,
      %get3A_630 = vector.shape_cast %get3A_629 : vector<1x16xf32> to vector<16xf32>
      %add3A_631 = arith.addf %add3A_587, %get3A_630 : vector<16xf32>
      %swap3A_632 = arith.index_cast %add3A_606 : i32 to index
      %swap3A_633 = arith.constant 32 : index
      %swap3A_634 = tpu.vector_load %arg7[%swap3A_632, %swap3A_633] {strides = array<i32>} : memref<256x64xf32, #tpu.memory_space<vmem>>, vector<1x16xf32>,
      %swap3A_635 = vector.shape_cast %swap3A_634 : vector<1x16xf32> to vector<16xf32>
      %swap3A_636 = vector.shape_cast %add3A_631 : vector<16xf32> to vector<1x16xf32>
      tpu.vector_store %arg7[%swap3A_632, %swap3A_633], %swap3A_636 {strides = array<i32>} : memref<256x64xf32, #tpu.memory_space<vmem>>, vector<1x16xf32>,
      %get3A_637 = arith.index_cast %add3A_606 : i32 to index
      %get3A_638 = arith.constant 48 : index
      %get3A_639 = tpu.vector_load %arg7[%get3A_637, %get3A_638] {strides = array<i32>} : memref<256x64xf32, #tpu.memory_space<vmem>>, vector<1x16xf32>,
      %get3A_640 = vector.shape_cast %get3A_639 : vector<1x16xf32> to vector<16xf32>
      %add3A_641 = arith.addf %add3A_597, %get3A_640 : vector<16xf32>
      %swap3A_642 = arith.index_cast %add3A_606 : i32 to index
      %swap3A_643 = arith.constant 48 : index
      %swap3A_644 = tpu.vector_load %arg7[%swap3A_642, %swap3A_643] {strides = array<i32>} : memref<256x64xf32, #tpu.memory_space<vmem>>, vector<1x16xf32>,
      %swap3A_645 = vector.shape_cast %swap3A_644 : vector<1x16xf32> to vector<16xf32>
      %swap3A_646 = vector.shape_cast %add3A_641 : vector<16xf32> to vector<1x16xf32>
      tpu.vector_store %arg7[%swap3A_642, %swap3A_643], %swap3A_646 {strides = array<i32>} : memref<256x64xf32, #tpu.memory_space<vmem>>, vector<1x16xf32>,
      scf.yield %add3A_611, %add3A_621, %add3A_631, %add3A_641 : vector<16xf32>, vector<16xf32>, vector<16xf32>, vector<16xf32>
    }
    %scan3A_272 = arith.constant 32 : i32
    %add3A_273 = arith.constant 768 : i32
    %add3A_274 = arith.addi %mul3A_2, %add3A_273 : i32
    %dma_start3A_275 = arith.constant 0 : i32
    %dma_start3A_276 = tpu.memref_slice %arg3[%add3A_274, %dma_start3A_275] : memref<32768x64xf32, #tpu.memory_space<hbm>> -> memref<256x64xf32, #tpu.memory_space<hbm>>
    %dma_start3A_277 = arith.constant 0 : i32
    %dma_start3A_278 = tpu.memref_slice %arg3[%add3A_274, %dma_start3A_277] : memref<32768x64xf32, #tpu.memory_space<hbm>> -> memref<256x64xf32, #tpu.memory_space<hbm>>
    tpu.enqueue_dma source(%arg7 : memref<256x64xf32, #tpu.memory_space<vmem>>) target(%dma_start3A_278 : memref<256x64xf32, #tpu.memory_space<hbm>>) target_semaphore(%arg16 : memref<!tpu.dma_semaphore, #tpu.memory_space<semaphore_mem>>)
    %dma_wait3A_279 = arith.constant 0 : i32
    %dma_wait3A_280 = tpu.memref_slice %arg3[%add3A_234, %dma_wait3A_279] : memref<32768x64xf32, #tpu.memory_space<hbm>> -> memref<256x64xf32, #tpu.memory_space<hbm>>
    %dma_wait3A_281 = arith.constant 0 : i32
    %dma_wait3A_282 = tpu.memref_slice %arg3[%add3A_234, %dma_wait3A_281] : memref<32768x64xf32, #tpu.memory_space<hbm>> -> memref<256x64xf32, #tpu.memory_space<hbm>>
    tpu.wait_dma2 semaphore(%arg14 : memref<!tpu.dma_semaphore, #tpu.memory_space<semaphore_mem>>) src(%arg5 : memref<256x64xf32, #tpu.memory_space<vmem>>) dst(%dma_wait3A_282 : memref<256x64xf32, #tpu.memory_space<hbm>>)
    %dma_wait3A_283 = arith.constant 0 : i32
    %dma_wait3A_284 = tpu.memref_slice %arg3[%add3A_250, %dma_wait3A_283] : memref<32768x64xf32, #tpu.memory_space<hbm>> -> memref<256x64xf32, #tpu.memory_space<hbm>>
    %dma_wait3A_285 = arith.constant 0 : i32
    %dma_wait3A_286 = tpu.memref_slice %arg3[%add3A_250, %dma_wait3A_285] : memref<32768x64xf32, #tpu.memory_space<hbm>> -> memref<256x64xf32, #tpu.memory_space<hbm>>
    tpu.wait_dma2 semaphore(%arg15 : memref<!tpu.dma_semaphore, #tpu.memory_space<semaphore_mem>>) src(%arg6 : memref<256x64xf32, #tpu.memory_space<vmem>>) dst(%dma_wait3A_286 : memref<256x64xf32, #tpu.memory_space<hbm>>)
    %dma_wait3A_287 = arith.constant 0 : i32
    %dma_wait3A_288 = tpu.memref_slice %arg3[%add3A_274, %dma_wait3A_287] : memref<32768x64xf32, #tpu.memory_space<hbm>> -> memref<256x64xf32, #tpu.memory_space<hbm>>
    %dma_wait3A_289 = arith.constant 0 : i32
    %dma_wait3A_290 = tpu.memref_slice %arg3[%add3A_274, %dma_wait3A_289] : memref<32768x64xf32, #tpu.memory_space<hbm>> -> memref<256x64xf32, #tpu.memory_space<hbm>>
    tpu.wait_dma2 semaphore(%arg16 : memref<!tpu.dma_semaphore, #tpu.memory_space<semaphore_mem>>) src(%arg7 : memref<256x64xf32, #tpu.memory_space<vmem>>) dst(%dma_wait3A_290 : memref<256x64xf32, #tpu.memory_space<hbm>>)
    "tpu.trace_stop"() : () -> ()
    return
  }
}

</mosaic_0001>

<sc_bundles>
// kernel: kernel.3.cloned.1.call-start
scs
__scs_entry_jumppad:
0x0: {  	(pc) =	sbr.rel $0x88, $3  }
0x1: {  	(tag) =	ssettag $0x0;
	lr =	simm.s32 $0x1  }
0x2: {  	[smem:$0x3FA0] =	sst lr;
	_ =	strace $0xD0000000  }
0x3: {  	_ = 	snop  }
0x4: {  	_ = 	snop  }
0x5: {  	_ = 	snop  }
0x6: {  	_ = 	snop  }
0x7: {  	_ = 	snop  }
__scs_overlays_trampoline_lowered:
0x8: {  	[smem:$0x3FAF] =	sst s0  }
0x9: {  	[smem:$0x3FB0] =	sst s1  }
0xa: {  	[smem:$0x3FB1] =	sst s2  }
0xb: {  	[smem:$0x3FB2] =	sst s3  }
0xc: {  	[smem:$0x3FB3] =	sst s4  }
0xd: {  	[smem:$0x3FB4] =	sst s5  }
0xe: {  	[smem:$0x3FB5] =	sst s6  }
0xf: {  	[smem:$0x3FB6] =	sst s7  }
0x10: {  	[smem:$0x3FB7] =	sst s8  }
0x11: {  	[smem:$0x3FB8] =	sst s9;
	s0 =	simm.s32 @!p0 $0x0  }
0x12: {  	s1 =	sld [smem:$0x3F9E];
	s0 =	simm.s32 @p0 $0x1  }
0x13: {  	[smem:$0x3FB9] =	sst s0;
	s0 =	simm.s32 @!p1 $0x0  }
0x14: {  	s2 =	sld [smem:$0x3F9D];
	s0 =	simm.s32 @p1 $0x1  }
0x15: {  	[smem:$0x3FBA] =	sst s0;
	s0 =	simm.s32 @!p2 $0x0  }
0x16: {  	s3 =	sld [smem:$0x3FDB];
	s0 =	simm.s32 @p2 $0x1  }
0x17: {  	s4 =	simm.s32 $0x1BF5;
	[smem:$0x3FBC] =	sst s0  }
0x18: {  	s0 =	sld [smem:$0x3F9F];
	_ =	swait.ge [sflag:s4], $0x0  }
0x19: {  	s7 =	sld [smem:$0x3FA0]  }
0x1a: {  	s8 =	sadd.s32 $0xFFFFE003, lr  }
0x1b: {  	s9 =	sadd.s32 $0xFFFFFEF7, lr;
	s5 =	simm.s32 $0xFFFFFFFF;
	p2 =	slt.u32 s8, $0xFFFFF086  }
0x1c: {  	p1 =	slt.u32 s9, $0xF7A;
	s5 =	simm.s32 @!p2 $0x0  }
0x1d: {  	s5 =	simm.s32 @p1 $0x1;
	p0 =	seq.s32 s7, s2  }
0x1e: {  	s7 =	smul.u32 @!p0 $0xF7A, s2;
	p2 =	seq.s32 @!p0 s5, $0x0  }
0x1f: {  	s9 =	smul.u32 $0xF7A, s1;
	s8 =	simm.s32 @!p0 $0x1BF5;
	p2 =	por !p2, p0  }
0x20: {  	[sflag:s8] =	ssyncset.s32 @!p0 $0xFFFFF086;
	s6 =	sadd.s32 @!p0 s3, s7;
	s7 =	simm.s32 @!p0 $0x108  }
0x21: {  	s3 =	sadd.s32 s3, s9;
	s6 =	sadd.s32 @!p0 $0x88, s6;
	s7 =	simm.s32 @p2 $0x1082  }
0x22: {  	[simem:s7], [sflag:s8] =	dma.local @!p0 [hbm:s6], $0xF7A  }
0x23: {  	s9 =	sor.u32 $0xD0000000, s2;
	s6 =	simm.s32 $0x108;
	_ =	swait.ge @!p0 [sflag:s8], $0x0  }
0x24: {  	s3 =	sadd.s32 $0x88, s3;
	s6 =	simm.s32 @!p1 $0x1082;
	[sflag:s4] =	ssyncset.s32 $0xFFFFF086  }
0x25: {  	[simem:s6], [sflag:s4] =	dma.local [hbm:s3], $0xF7A  }
0x26: {  	[smem:$0x3FA0] =	sst s1;
	(tag) =	ssettag s2;
	_ =	strace s9  }
0x27: {  	s1 =	sld [smem:$0x3FB0]  }
0x28: {  	s2 =	sld [smem:$0x3FB1]  }
0x29: {  	s4 =	sld [smem:$0x3FB3]  }
0x2a: {  	p0 =	seq.s32 s5, $0x0;
	s5 =	sld [smem:$0x3FB4]  }
0x2b: {  	s6 =	sld [smem:$0x3FB5]  }
0x2c: {  	s7 =	sld [smem:$0x3FB6]  }
0x2d: {  	s3 =	simm.s32 $0x108;
	s8 =	sld [smem:$0x3FB7]  }
0x2e: {  	s3 =	simm.s32 @!p0 $0x1082;
	s9 =	sld [smem:$0x3FB8]  }
0x2f: {  	lr =	sadd.s32 s0, s3;
	s0 =	sld [smem:$0x3FAF]  }
0x30: {  	s3 =	sld [smem:$0x3FB2]  }
0x31: {  	[smem:$0x3FBB] =	sst s10  }
0x32: {  	s10 =	sld [smem:$0x3FB9];
	_ =	sdelay $0x3  }
0x33: {  	p0 =	seq.s32 s10, $0x1;
	s10 =	sld [smem:$0x3FBB];
	_ =	sdelay $0x3  }
0x34: {  	[smem:$0x3FBB] =	sst s10  }
0x35: {  	s10 =	sld [smem:$0x3FBA];
	_ =	sdelay $0x3  }
0x36: {  	p1 =	seq.s32 s10, $0x1;
	s10 =	sld [smem:$0x3FBB];
	_ =	sdelay $0x3  }
0x37: {  	[smem:$0x3FBB] =	sst s10  }
0x38: {  	s10 =	sld [smem:$0x3FBC]  }
0x39: {  	_ = 	snop;
	(pc) =	sbr.ind lr, $3  }
0x3a: {  	_ = 	snop  }
0x3b: {  	_ = 	snop  }
0x3c: {  	p2 =	seq.s32 s10, $0x1;
	s10 =	sld [smem:$0x3FBB]  }
0x3d: {  	_ =	shalt  }
0x3e: {  	_ =	shalt  }
0x3f: {  	_ =	shalt  }
0x40: {  	_ =	shalt  }
0x41: {  	_ =	shalt  }
0x42: {  	_ =	shalt  }
0x43: {  	_ =	shalt  }
0x44: {  	_ =	shalt  }
0x45: {  	_ =	shalt  }
0x46: {  	_ =	shalt  }
0x47: {  	_ =	shalt  }
0x48: {  	_ =	shalt  }
0x49: {  	_ =	shalt  }
0x4a: {  	_ =	shalt  }
0x4b: {  	_ =	shalt  }
0x4c: {  	_ =	shalt  }
0x4d: {  	_ =	shalt  }
0x4e: {  	_ =	shalt  }
0x4f: {  	_ =	shalt  }
0x50: {  	_ =	shalt  }
0x51: {  	_ =	shalt  }
0x52: {  	_ =	shalt  }
0x53: {  	_ =	shalt  }
0x54: {  	_ =	shalt  }
0x55: {  	_ =	shalt  }
0x56: {  	_ =	shalt  }
0x57: {  	_ =	shalt  }
0x58: {  	_ =	shalt  }
0x59: {  	_ =	shalt  }
0x5a: {  	_ =	shalt  }
0x5b: {  	_ =	shalt  }
0x5c: {  	_ =	shalt  }
0x5d: {  	_ =	shalt  }
0x5e: {  	_ =	shalt  }
0x5f: {  	_ =	shalt  }
0x60: {  	_ =	shalt  }
0x61: {  	_ =	shalt  }
0x62: {  	_ =	shalt  }
0x63: {  	_ =	shalt  }
0x64: {  	_ =	shalt  }
0x65: {  	_ =	shalt  }
0x66: {  	_ =	shalt  }
0x67: {  	_ =	shalt  }
0x68: {  	_ =	shalt  }
0x69: {  	_ =	shalt  }
0x6a: {  	_ =	shalt  }
0x6b: {  	_ =	shalt  }
0x6c: {  	_ =	shalt  }
0x6d: {  	_ =	shalt  }
0x6e: {  	_ =	shalt  }
0x6f: {  	_ =	shalt  }
0x70: {  	_ =	shalt  }
0x71: {  	_ =	shalt  }
0x72: {  	_ =	shalt  }
0x73: {  	_ =	shalt  }
0x74: {  	_ =	shalt  }
0x75: {  	_ =	shalt  }
0x76: {  	_ =	shalt  }
0x77: {  	_ =	shalt  }
0x78: {  	_ =	shalt  }
0x79: {  	_ =	shalt  }
0x7a: {  	_ =	shalt  }
0x7b: {  	_ =	shalt  }
0x7c: {  	_ =	shalt  }
0x7d: {  	_ =	shalt  }
0x7e: {  	_ =	shalt  }
0x7f: {  	_ =	shalt  }
0x80: {  	_ =	shalt  }
0x81: {  	_ =	shalt  }
0x82: {  	_ =	shalt  }
0x83: {  	_ =	shalt  }
0x84: {  	_ =	shalt  }
0x85: {  	_ =	shalt  }
0x86: {  	_ =	shalt  }
0x87: {  	_ =	shalt  }
.Lfunc_end0:
.L_simem_size_0:
called_computation_lowered:
.L_overlay_start_0:
0x88: {  	s2 =	sld [smem:$0x3FD9]  }
0x89: {  	s3 =	sld [smem:$0x3FFE];
	_ =	sdelay $0x1  }
0x8a: {  	s1 =	srdreg.scid  }
0x8b: {  	s0 =	sand.u32 $0x1, s1  }
0x8c: {  	s17 =	sshll.u32 s0, $0xA;
	s2 =	sadd.s32 s3, s2  }
0x8d: {  	s2 =	sadd.s32 s2, s17  }
0x8e: {  	[smem:$0x3FC7] =	sst s2  }
0x8f: {  	_ = 	snop  }
0x90: {  	s2 =	sld [smem:$0x3FD0];
	(tm) =	ssettm $0x1  }
0x91: {  	s18 =	sld [smem:$0x3FFB];
	_ =	sdelay $0x3  }
0x92: {  	_ =	strace s18  }
0x93: {  	s3 =	sld [smem:$0x3FFC];
	_ =	sdelay $0x3  }
0x94: {  	_ =	strace s3  }
0x95: {  	s3 =	sld [smem:$0x3FFD];
	_ =	sdelay $0x3  }
0x96: {  	_ =	strace s3  }
0x97: {  	_ =	strace $0x8FFFFFFF  }
0x98: {  	s19 =	sld [smem:$0x3FDB];
	_ =	sdelay $0x1  }
0x99: {  	s4 =	simm.s32 $_scs_section_size  }
0x9a: {  	s5 =	simm.s32 $_size__tile_overlayer_lowered;
	s6 =	simm.s32 $_tile_overlayer_lowered  }
0x9b: {  	s22 =	simm.s32 $0x1BFF;
	s21 =	sshll.u32 s6, $0x1;
	s3 =	sadd.s32 s4, s19  }
0x9c: {  	s7 =	simm.s32 $0x0;
	s20 =	sshll.u32 s5, $0x1;
	s5 =	sadd.s32 s21, s3  }
0x9d: {  	[timem:s7], [sflag:s22] =	dma.local [hbm:s5], s20  }
0x9e: {  	_ =	swait.ge [sflag:s22], s20  }
0x9f: {  	s4 =	ssub.s32 $0x0, s20;
	[sflag:s22] =	ssyncset.done $0x0  }
0xa0: {  	[sflag:s22] =	ssyncadd.s32 s4;
	_ =	sdelay $0x1  }
0xa1: {  	s23 =	simm.s32 $0x1B8B  }
0xa2: {  	_ =	swait.ge [sflag:s23], $0x1  }
0xa3: {  	[sflag:s23] =	ssyncset.done $0x0  }
0xa4: {  	s25 =	simm.s32 $0x1B8E;
	s24 =	sld [smem:$0x3FFE];
	[sflag:s23] =	ssyncadd.s32 $0xFFFFFFFF  }
0xa5: {  	s26 =	simm.s32 $execute0_lowered;
	[smem:$0x3FD2] =	sst s25  }
0xa6: {  	s5 =	sshll.u32 s26, $0x1;
	_ =	strace $0x80000046;
	[dreg:$0x1] =	wrdreg $0xFFFFFFFF  }
0xa7: {  	s28 =	simm.s32 $_size_execute0_lowered;
	s3 =	sadd.s32 s3, s5;
	[dreg:$0x0] =	wrdreg $0x0  }
0xa8: {  	s5 =	sshll.u32 s28, $0x1;
	[dreg:$0x2] =	wrdreg s3  }
0xa9: {  	[dreg:$0x3] =	wrdreg s5  }
0xaa: {  	[dreg:$0x4] =	wrdreg $0xC0  }
0xab: {  	_ =	task [dreg:s7], $0x5FFFF  }
0xac: {  	[dreg:$0x1] =	wrdreg $0xFFFFFFFF  }
0xad: {  	[dreg:$0x0] =	wrdreg $0x60  }
0xae: {  	[dreg:$0x2] =	wrdreg s24  }
0xaf: {  	[dreg:$0x3] =	wrdreg s2  }
0xb0: {  	[dreg:$0x4] =	wrdreg $0x9  }
0xb1: {  	_ =	task.clear_ibuf [dreg:s7], $0x5FFFF;
	_ =	strace $0x90000046  }
0xb2: {  	s29 =	simm.s32 $0x9;
	_ =	strace $0x8000004C  }
0xb3: {  	_ =	swait.ge [sflag:s29], $0x1  }
0xb4: {  	[sflag:s29] =	ssyncadd.s32 $0xFFFFFFFF  }
0xb5: {  	_ =	strace $0x9000004C  }
0xb6: {  	_ =	sfence  }
0xb7: {  	s30 =	sld [smem:$0x0];
	_ =	sdelay $0x2  }
0xb8: {  	s31 =	sshll.u32 s1, $0xD;
	s1 =	sshrl.u32 s1, $0x2  }
0xb9: {  	s3 =	sand.u32 $0x4000, s31;
	s1 =	sadd.s32 s1, s30  }
0xba: {  	s0 =	sor.u32 s3, s0;
	s1 =	sshll.u32 s1, $0x11  }
0xbb: {  	s0 =	sor.u32 s1, s0  }
0xbc: {  	s0 =	sadd.s32 $0x8F2B, s0  }
0xbd: {  	[sflag:s0] =	ssyncadd.remote.s32 $0x1  }
0xbe: {  	_ =	sfence.sel $0xFFFF  }
0xbf: {  	[dreg:$0x0] =	wrdreg $0xFFFFFFFF;
	(pc) =	sbr.abs _section_cstart, $3  }
0xc0: {  	[dreg:$0x1] =	wrdreg $0xFFFFFFFF  }
0xc1: {  	_ =	task.clear_ibuf [dreg:s7], $0x2FFFF;
	_ =	strace $0x9FFFFFFF  }
0xc2: {  	(tm) =	ssettm $0x7FFFFFFF  }
0xc3: {  	_ =	shalt  }
tec
execute0_lowered:
.L_overlay_start_1:
0x0: {  	(tag) =	ssettag $0x1  }
0x1: {  	s0 =	rddreg [dreg:$0x0]  }
0x2: {  	s21 =	rddreg [dreg:$0x1];
	s2 =	simm.s32 $0x0  }
0x3: {  	s4 =	srdreg.scid;
	s3 =	stileid.u32;
	s22 =	simm.s32 $0x2  }
0x4: {  	s23 =	simm.s32 $0x3;
	s28 =	simm.s32 $0x6;
	s29 =	simm.s32 $0x4  }
0x5: {  	s30 =	simm.s32 $0x5;
	s31 =	simm.s32 $0x0;
	[smem:$0x7FF] =	sst s2  }
0x6: {  	s1 =	sadd.s32 $0x800, s0;
	s0 =	sadd.s32 $0x80800, s0;
	s19 =	sand.u32 $0x1, s4  }
0x7: {  	s6 =	sshll.u32 s3, $0xE;
	s12 =	sshll.u32 s3, $0x4;
	_ =	strace $0x80000047  }
0x8: {  	s5 =	ssub.s32 $0x2, s19;
	s4 =	sshll.u32 s19, $0x4;
	s13 =	sand.u32 $0x70, s12  }
0x9: {  	s12 =	sadd.s32 s12, s21;
	p0 =	seq.s32 s19, $0x1;
	s26 =	sshll.u32 s19, $0xD  }
0xa: {  	s19 =	simm.s32 $0x8000;
	s7 =	sshrl.u32 s5, $0x1;
	s11 =	sor.u32 s3, s4  }
0xb: {  	s4 =	sadd.s32 s1, s6;
	s13 =	sadd.s32 s21, s13;
	s21 =	simm.s32 $0x1  }
0xc: {  	s18 =	ssub.s32 s5, s7;
	s24 =	sadd.s32 $0x1000, s4;
	s14 =	sshll.u32 s11, $0xE  }
0xd: {  	s6 =	sadd.s32 $0x2000, s4;
	s7 =	sadd.s32 $0x3000, s4;
	s20 =	sshll.u32 s11, $0x4  }
0xe: {  	s11 =	sadd.s32 $0x200, s12;
	[dreg:$0x3] =	wrdreg s24;
	s8 =	sadd.s32 s1, s14  }
0xf: {  	s15 =	sor.u32 $0x1000, s14;
	s16 =	sor.u32 $0x2000, s14;
	s17 =	sor.u32 $0x3000, s14  }
0x10: {  	s25 =	sand.u32 $0x180, s20;
	s24 =	simm.s32 $0x3F800000;
	s14 =	sadd.s32 s0, s14  }
0x11: {  	s18 =	smax.u32 s18, $0x1;
	s9 =	sadd.s32 s1, s15;
	s10 =	sadd.s32 s1, s16  }
0x12: {  	s12 =	sadd.s32 s1, s17;
	s24 =	simm.s32 @!p0 $0x0;
	s15 =	sadd.s32 s0, s15  }
0x13: {  	s16 =	sadd.s32 s0, s16;
	s17 =	sadd.s32 s0, s17;
	s0 =	sshrl.u32 s26, $0x2  }
0x14: {  	s20 =	simm.s32 $0x10000;
	s13 =	sadd.s32 s25, s13;
	s25 =	simm.s32 $0x7;
	v0 =	vmov s24;
	v1 =	vmov s0  }
.LBB2_1:
0x15: {  	[tilespmem:s2], [sflag:$0x1] =	stream.linear.gather [hbm4b:s4+s2], $0x8000, $0x38;
	[tilespmem:$0x19900] =	vst v63  }
0x16: {  	s0 =	rddreg [dreg:$0x3]  }
0x17: {  	[tilespmem:s19], [sflag:$0x2] =	stream.linear.gather [hbm4b:s0+s2], $0x8000, $0x38;
	[tilespmem:$0x19900] =	vst v63  }
0x18: {  	_ = 	snop  }
0x19: {  	[tilespmem:s20], [sflag:$0x3] =	stream.linear.gather [hbm4b:s6+s2], $0x8000, $0x38;
	[tilespmem:$0x19900] =	vst v63  }
0x1a: {  	_ =	strace $0x80000048  }
0x1b: {  	_ =	swait.ge [sflag:s21], $0x8000  }
0x1c: {  	[sflag:s21] =	ssyncset.done $0x0  }
0x1d: {  	s0 =	simm.s32 $0x0;
	[sflag:s21] =	ssyncadd.s32 $0xFFFF8000  }
0x1e: {  	v3 =	vld [tilespmem:s0+$0x380]  }
0x1f: {  	v5 =	vld [tilespmem:s0+$0x390]  }
0x20: {  	v7 =	vld [tilespmem:s0+$0x300]  }
0x21: {  	v9 =	vld [tilespmem:s0+$0x310]  }
0x22: {  	v11 =	vld [tilespmem:s0+$0x280]  }
0x23: {  	v13 =	vld [tilespmem:s0+$0x290]  }
0x24: {  	v15 =	vld [tilespmem:s0+$0x200]  }
0x25: {  	v17 =	vld [tilespmem:s0+$0x210]  }
0x26: {  	v16 =	vld [tilespmem:s0+$0x180]  }
0x27: {  	v18 =	vld [tilespmem:s0+$0x190]  }
0x28: {  	v12 =	vld [tilespmem:s0+$0x100]  }
0x29: {  	v14 =	vld [tilespmem:s0+$0x110]  }
0x2a: {  	v19 =	vld [tilespmem:s0+$0x80]  }
0x2b: {  	v20 =	vld [tilespmem:s0+$0x90]  }
0x2c: {  	v21 =	vld [tilespmem:s0+$0x0]  }
0x2d: {  	v4 =	vimm.f32 $0.0e+00;
	v23 =	vld [tilespmem:s0+$0x10]  }
0x2e: {  	s24 =	simm.s32 $0x1000;
	v10 =	vimm.f32 $0.0e+00;
	v6 =	vimm.f32 $0.0e+00;
	v8 =	vimm.f32 $0.0e+00;
	v22 =	vld [tilespmem:s0+$0x20]  }
.LBB2_2:
0x2f: {  	p0 =	sne.s32 s24, $0x1F000;
	v2 =	vld [tilespmem:s0+$0x30]  }
0x30: {  	v24 =	vld [tilespmem:s0+$0xA0]  }
0x31: {  	v25 =	vld [tilespmem:s0+$0xB0]  }
0x32: {  	v26 =	vld [tilespmem:s0+$0x120]  }
0x33: {  	v4 =	vadd.f32 v21, v4;
	v10 =	vadd.f32 v23, v10;
	v21 =	vld [tilespmem:s0+$0x130]  }
0x34: {  	v6 =	vadd.f32 v22, v6;
	v2 =	vadd.f32 v2, v8;
	v8 =	vld [tilespmem:s0+$0x1A0]  }
0x35: {  	v4 =	vadd.f32 v19, v4;
	v10 =	vadd.f32 v20, v10;
	v19 =	vld [tilespmem:s0+$0x1B0]  }
0x36: {  	v6 =	vadd.f32 v24, v6;
	v2 =	vadd.f32 v25, v2;
	v20 =	vld [tilespmem:s0+$0x220]  }
0x37: {  	v4 =	vadd.f32 v12, v4;
	v10 =	vadd.f32 v14, v10;
	v12 =	vld [tilespmem:s0+$0x230]  }
0x38: {  	v6 =	vadd.f32 v26, v6;
	v2 =	vadd.f32 v21, v2;
	v14 =	vld [tilespmem:s0+$0x2A0]  }
0x39: {  	v4 =	vadd.f32 v16, v4;
	v10 =	vadd.f32 v18, v10;
	v16 =	vld [tilespmem:s0+$0x2B0]  }
0x3a: {  	v6 =	vadd.f32 v8, v6;
	v2 =	vadd.f32 v19, v2;
	v8 =	vld [tilespmem:s0+$0x320]  }
0x3b: {  	v4 =	vadd.f32 v15, v4;
	v10 =	vadd.f32 v17, v10;
	v15 =	vld [tilespmem:s0+$0x330]  }
0x3c: {  	v6 =	vadd.f32 v20, v6;
	v2 =	vadd.f32 v12, v2;
	v12 =	vld [tilespmem:s0+$0x3A0]  }
0x3d: {  	v4 =	vadd.f32 v11, v4;
	v10 =	vadd.f32 v13, v10;
	v13 =	vld [tilespmem:s0+$0x3B0];
	s0 =	sshra.s32 s24, $0x2  }
0x3e: {  	v6 =	vadd.f32 v14, v6;
	v17 =	vld [tilespmem:s0+$0x380];
	v2 =	vadd.f32 v16, v2  }
0x3f: {  	v4 =	vadd.f32 v7, v4;
	v10 =	vadd.f32 v9, v10;
	v14 =	vld [tilespmem:s0+$0x390]  }
0x40: {  	v6 =	vadd.f32 v8, v6;
	v7 =	vld [tilespmem:s0+$0x300];
	v2 =	vadd.f32 v15, v2  }
0x41: {  	v4 =	vadd.f32 v3, v4;
	v10 =	vadd.f32 v5, v10;
	v9 =	vld [tilespmem:s0+$0x310]  }
0x42: {  	v6 =	vadd.f32 v12, v6;
	v11 =	vld [tilespmem:s0+$0x280];
	v8 =	vadd.f32 v13, v2  }
0x43: {  	v13 =	vld [tilespmem:s0+$0x290];
	v3 =	vmov v17  }
0x44: {  	v15 =	vld [tilespmem:s0+$0x200];
	v5 =	vmov v14  }
0x45: {  	v17 =	vld [tilespmem:s0+$0x210]  }
0x46: {  	v16 =	vld [tilespmem:s0+$0x180]  }
0x47: {  	v18 =	vld [tilespmem:s0+$0x190]  }
0x48: {  	v12 =	vld [tilespmem:s0+$0x100]  }
0x49: {  	v14 =	vld [tilespmem:s0+$0x110]  }
.Ltmp0:
0x4a: {  	v19 =	vld [tilespmem:s0+$0x80];
	(pc) =	sbr.rel @p0 .LBB2_2-.Ltmp0, $4  }
0x4b: {  	v20 =	vld [tilespmem:s0+$0x90]  }
0x4c: {  	v21 =	vld [tilespmem:s0+$0x0]  }
0x4d: {  	v23 =	vld [tilespmem:s0+$0x10]  }
0x4e: {  	s24 =	sadd.s32 $0x1000, s24;
	v22 =	vld [tilespmem:s0+$0x20]  }
0x4f: {  	v24 =	vld [tilespmem:s0+$0x30]  }
0x50: {  	v25 =	vld [tilespmem:s0+$0xA0]  }
0x51: {  	v26 =	vld [tilespmem:s0+$0xB0]  }
0x52: {  	v27 =	vld [tilespmem:s0+$0x120]  }
0x53: {  	v28 =	vld [tilespmem:s0+$0x130]  }
0x54: {  	v29 =	vld [tilespmem:s0+$0x1A0]  }
0x55: {  	v30 =	vld [tilespmem:s0+$0x1B0]  }
0x56: {  	v31 =	vld [tilespmem:s0+$0x220]  }
0x57: {  	v32 =	vld [tilespmem:s0+$0x230]  }
0x58: {  	v33 =	vld [tilespmem:s0+$0x2A0]  }
0x59: {  	v34 =	vld [tilespmem:s0+$0x2B0]  }
0x5a: {  	v35 =	vld [tilespmem:s0+$0x320]  }
0x5b: {  	v36 =	vld [tilespmem:s0+$0x330]  }
0x5c: {  	v37 =	vld [tilespmem:s0+$0x3A0];
	s26 =	simm.s32 $0x0  }
0x5d: {  	v38 =	vld [tilespmem:s0+$0x3B0];
	[tilespmem:s26], [sflag:$0x1] =	stream.linear.gather [hbm4b:s7+s26], $0x8000, $0x200038  }
0x5e: {  	_ =	swait.ge [sflag:s22], $0x8000  }
0x5f: {  	[sflag:s22] =	ssyncset.done $0x0  }
0x60: {  	s0 =	simm.s32 $0x0;
	[sflag:s22] =	ssyncadd.s32 $0xFFFF8000  }
0x61: {  	v2 =	vld [tilespmem:s0+$0x8380]  }
0x62: {  	v21 =	vadd.f32 v21, v4;
	v10 =	vadd.f32 v23, v10;
	v4 =	vld [tilespmem:s0+$0x8390]  }
0x63: {  	v22 =	vadd.f32 v22, v6;
	v23 =	vadd.f32 v24, v8;
	v6 =	vld [tilespmem:s0+$0x8300]  }
0x64: {  	v19 =	vadd.f32 v19, v21;
	v20 =	vadd.f32 v20, v10;
	v8 =	vld [tilespmem:s0+$0x8310]  }
0x65: {  	v10 =	vld [tilespmem:s0+$0x8280];
	v21 =	vadd.f32 v25, v22;
	v22 =	vadd.f32 v26, v23  }
0x66: {  	v19 =	vadd.f32 v12, v19;
	v12 =	vld [tilespmem:s0+$0x8290];
	v20 =	vadd.f32 v14, v20  }
0x67: {  	v14 =	vld [tilespmem:s0+$0x8200];
	v21 =	vadd.f32 v27, v21;
	v22 =	vadd.f32 v28, v22  }
0x68: {  	v19 =	vadd.f32 v16, v19;
	v16 =	vld [tilespmem:s0+$0x8210];
	v20 =	vadd.f32 v18, v20  }
0x69: {  	v18 =	vld [tilespmem:s0+$0x8180];
	v21 =	vadd.f32 v29, v21;
	v22 =	vadd.f32 v30, v22  }
0x6a: {  	v19 =	vadd.f32 v15, v19;
	v15 =	vld [tilespmem:s0+$0x8100];
	v20 =	vadd.f32 v17, v20  }
0x6b: {  	v17 =	vld [tilespmem:s0+$0x8190];
	v21 =	vadd.f32 v31, v21;
	v22 =	vadd.f32 v32, v22  }
0x6c: {  	v11 =	vadd.f32 v11, v19;
	v19 =	vld [tilespmem:s0+$0x8080];
	v20 =	vadd.f32 v13, v20  }
0x6d: {  	v13 =	vld [tilespmem:s0+$0x8110];
	v21 =	vadd.f32 v33, v21;
	v22 =	vadd.f32 v34, v22  }
0x6e: {  	v7 =	vadd.f32 v7, v11;
	v9 =	vadd.f32 v9, v20;
	v20 =	vld [tilespmem:s0+$0x8090]  }
0x6f: {  	v11 =	vadd.f32 v35, v21;
	v21 =	vld [tilespmem:s0+$0x8000];
	v23 =	vadd.f32 v36, v22  }
0x70: {  	v7 =	vadd.f32 v3, v7;
	v5 =	vadd.f32 v5, v9;
	v22 =	vld [tilespmem:s0+$0x8010]  }
0x71: {  	s24 =	simm.s32 $0x1000;
	v9 =	vadd.f32 v37, v11;
	v11 =	vadd.f32 v38, v23;
	v23 =	vld [tilespmem:s0+$0x8020]  }
.LBB2_4:
0x72: {  	p0 =	sne.s32 s24, $0x1F000;
	v3 =	vld [tilespmem:s0+$0x8030]  }
0x73: {  	v24 =	vld [tilespmem:s0+$0x80A0]  }
0x74: {  	v25 =	vld [tilespmem:s0+$0x80B0]  }
0x75: {  	v26 =	vld [tilespmem:s0+$0x8120]  }
0x76: {  	v7 =	vadd.f32 v21, v7;
	v5 =	vadd.f32 v22, v5;
	v21 =	vld [tilespmem:s0+$0x8130]  }
0x77: {  	v9 =	vadd.f32 v23, v9;
	v3 =	vadd.f32 v3, v11;
	v11 =	vld [tilespmem:s0+$0x81A0]  }
0x78: {  	v7 =	vadd.f32 v19, v7;
	v5 =	vadd.f32 v20, v5;
	v19 =	vld [tilespmem:s0+$0x81B0]  }
0x79: {  	v9 =	vadd.f32 v24, v9;
	v3 =	vadd.f32 v25, v3;
	v20 =	vld [tilespmem:s0+$0x8220]  }
0x7a: {  	v7 =	vadd.f32 v15, v7;
	v5 =	vadd.f32 v13, v5;
	v13 =	vld [tilespmem:s0+$0x8230]  }
0x7b: {  	v9 =	vadd.f32 v26, v9;
	v3 =	vadd.f32 v21, v3;
	v15 =	vld [tilespmem:s0+$0x82A0]  }
0x7c: {  	v7 =	vadd.f32 v18, v7;
	v5 =	vadd.f32 v17, v5;
	v17 =	vld [tilespmem:s0+$0x82B0]  }
0x7d: {  	v9 =	vadd.f32 v11, v9;
	v3 =	vadd.f32 v19, v3;
	v11 =	vld [tilespmem:s0+$0x8320]  }
0x7e: {  	v7 =	vadd.f32 v14, v7;
	v5 =	vadd.f32 v16, v5;
	v14 =	vld [tilespmem:s0+$0x8330]  }
0x7f: {  	v9 =	vadd.f32 v20, v9;
	v3 =	vadd.f32 v13, v3;
	v13 =	vld [tilespmem:s0+$0x83A0]  }
0x80: {  	v7 =	vadd.f32 v10, v7;
	v5 =	vadd.f32 v12, v5;
	v12 =	vld [tilespmem:s0+$0x83B0];
	s0 =	sshra.s32 s24, $0x2  }
0x81: {  	v9 =	vadd.f32 v15, v9;
	v16 =	vld [tilespmem:s0+$0x8380];
	v3 =	vadd.f32 v17, v3  }
0x82: {  	v7 =	vadd.f32 v6, v7;
	v5 =	vadd.f32 v8, v5;
	v15 =	vld [tilespmem:s0+$0x8390]  }
0x83: {  	v9 =	vadd.f32 v11, v9;
	v6 =	vld [tilespmem:s0+$0x8300];
	v3 =	vadd.f32 v14, v3  }
0x84: {  	v7 =	vadd.f32 v2, v7;
	v5 =	vadd.f32 v4, v5;
	v8 =	vld [tilespmem:s0+$0x8310]  }
0x85: {  	v9 =	vadd.f32 v13, v9;
	v10 =	vld [tilespmem:s0+$0x8280];
	v11 =	vadd.f32 v12, v3  }
0x86: {  	v12 =	vld [tilespmem:s0+$0x8290];
	v2 =	vmov v16  }
0x87: {  	v14 =	vld [tilespmem:s0+$0x8200];
	v4 =	vmov v15  }
0x88: {  	v16 =	vld [tilespmem:s0+$0x8210]  }
0x89: {  	v18 =	vld [tilespmem:s0+$0x8180]  }
0x8a: {  	v17 =	vld [tilespmem:s0+$0x8190]  }
0x8b: {  	v15 =	vld [tilespmem:s0+$0x8100]  }
0x8c: {  	v13 =	vld [tilespmem:s0+$0x8110]  }
.Ltmp1:
0x8d: {  	v19 =	vld [tilespmem:s0+$0x8080];
	(pc) =	sbr.rel @p0 .LBB2_4-.Ltmp1, $4  }
0x8e: {  	v20 =	vld [tilespmem:s0+$0x8090]  }
0x8f: {  	v21 =	vld [tilespmem:s0+$0x8000]  }
0x90: {  	v22 =	vld [tilespmem:s0+$0x8010]  }
0x91: {  	s24 =	sadd.s32 $0x1000, s24;
	v23 =	vld [tilespmem:s0+$0x8020]  }
0x92: {  	v24 =	vld [tilespmem:s0+$0x8030]  }
0x93: {  	v25 =	vld [tilespmem:s0+$0x80A0]  }
0x94: {  	v26 =	vld [tilespmem:s0+$0x80B0]  }
0x95: {  	v27 =	vld [tilespmem:s0+$0x8120]  }
0x96: {  	v28 =	vld [tilespmem:s0+$0x8130]  }
0x97: {  	v29 =	vld [tilespmem:s0+$0x81A0]  }
0x98: {  	v30 =	vld [tilespmem:s0+$0x81B0]  }
0x99: {  	v31 =	vld [tilespmem:s0+$0x8220]  }
0x9a: {  	v32 =	vld [tilespmem:s0+$0x8230]  }
0x9b: {  	v33 =	vld [tilespmem:s0+$0x82A0]  }
0x9c: {  	v34 =	vld [tilespmem:s0+$0x82B0]  }
0x9d: {  	v35 =	vld [tilespmem:s0+$0x8320]  }
0x9e: {  	v36 =	vld [tilespmem:s0+$0x8330]  }
0x9f: {  	v37 =	vld [tilespmem:s0+$0x83A0];
	s26 =	simm.s32 $0x0  }
0xa0: {  	v38 =	vld [tilespmem:s0+$0x83B0];
	[tilespmem:s19], [sflag:$0x2] =	stream.linear.gather [hbm4b:s8+s26], $0x8000, $0x200038  }
0xa1: {  	_ =	swait.ge [sflag:s23], $0x8000  }
0xa2: {  	[sflag:s23] =	ssyncset.done $0x0  }
0xa3: {  	s0 =	simm.s32 $0x0;
	[sflag:s23] =	ssyncadd.s32 $0xFFFF8000  }
0xa4: {  	v21 =	vadd.f32 v21, v7;
	v3 =	vld [tilespmem:s0+$0x10380]  }
0xa5: {  	v22 =	vadd.f32 v22, v5;
	v23 =	vadd.f32 v23, v9;
	v5 =	vld [tilespmem:s0+$0x10390]  }
0xa6: {  	v19 =	vadd.f32 v19, v21;
	v11 =	vadd.f32 v24, v11;
	v7 =	vld [tilespmem:s0+$0x10300]  }
0xa7: {  	v20 =	vadd.f32 v20, v22;
	v9 =	vld [tilespmem:s0+$0x10310];
	v21 =	vadd.f32 v25, v23  }
0xa8: {  	v19 =	vadd.f32 v15, v19;
	v15 =	vld [tilespmem:s0+$0x10200];
	v22 =	vadd.f32 v26, v11  }
0xa9: {  	v11 =	vld [tilespmem:s0+$0x10280];
	v20 =	vadd.f32 v13, v20  }
0xaa: {  	v13 =	vld [tilespmem:s0+$0x10290];
	v21 =	vadd.f32 v27, v21;
	v22 =	vadd.f32 v28, v22  }
0xab: {  	v19 =	vadd.f32 v18, v19;
	v18 =	vld [tilespmem:s0+$0x10180];
	v20 =	vadd.f32 v17, v20  }
0xac: {  	v17 =	vld [tilespmem:s0+$0x10210];
	v21 =	vadd.f32 v29, v21;
	v22 =	vadd.f32 v30, v22  }
0xad: {  	v19 =	vadd.f32 v14, v19;
	v14 =	vld [tilespmem:s0+$0x10100];
	v20 =	vadd.f32 v16, v20  }
0xae: {  	v16 =	vld [tilespmem:s0+$0x10190];
	v21 =	vadd.f32 v31, v21;
	v22 =	vadd.f32 v32, v22  }
0xaf: {  	v10 =	vadd.f32 v10, v19;
	v19 =	vld [tilespmem:s0+$0x10080];
	v20 =	vadd.f32 v12, v20  }
0xb0: {  	v12 =	vld [tilespmem:s0+$0x10110];
	v21 =	vadd.f32 v33, v21;
	v22 =	vadd.f32 v34, v22  }
0xb1: {  	v6 =	vadd.f32 v6, v10;
	v8 =	vadd.f32 v8, v20;
	v20 =	vld [tilespmem:s0+$0x10090]  }
0xb2: {  	v10 =	vadd.f32 v35, v21;
	v21 =	vld [tilespmem:s0+$0x10000];
	v23 =	vadd.f32 v36, v22  }
0xb3: {  	v6 =	vadd.f32 v2, v6;
	v4 =	vadd.f32 v4, v8;
	v22 =	vld [tilespmem:s0+$0x10010]  }
0xb4: {  	s24 =	simm.s32 $0x1000;
	v8 =	vadd.f32 v37, v10;
	v10 =	vadd.f32 v38, v23;
	v23 =	vld [tilespmem:s0+$0x10020]  }
.LBB2_6:
0xb5: {  	p0 =	sne.s32 s24, $0x1F000;
	v2 =	vld [tilespmem:s0+$0x10030]  }
0xb6: {  	v24 =	vld [tilespmem:s0+$0x100A0]  }
0xb7: {  	v25 =	vld [tilespmem:s0+$0x100B0]  }
0xb8: {  	v26 =	vld [tilespmem:s0+$0x10120]  }
0xb9: {  	v6 =	vadd.f32 v21, v6;
	v4 =	vadd.f32 v22, v4;
	v21 =	vld [tilespmem:s0+$0x10130]  }
0xba: {  	v8 =	vadd.f32 v23, v8;
	v2 =	vadd.f32 v2, v10;
	v10 =	vld [tilespmem:s0+$0x101A0]  }
0xbb: {  	v6 =	vadd.f32 v19, v6;
	v4 =	vadd.f32 v20, v4;
	v19 =	vld [tilespmem:s0+$0x101B0]  }
0xbc: {  	v8 =	vadd.f32 v24, v8;
	v2 =	vadd.f32 v25, v2;
	v20 =	vld [tilespmem:s0+$0x10220]  }
0xbd: {  	v6 =	vadd.f32 v14, v6;
	v4 =	vadd.f32 v12, v4;
	v12 =	vld [tilespmem:s0+$0x10230]  }
0xbe: {  	v8 =	vadd.f32 v26, v8;
	v2 =	vadd.f32 v21, v2;
	v14 =	vld [tilespmem:s0+$0x102A0]  }
0xbf: {  	v6 =	vadd.f32 v18, v6;
	v4 =	vadd.f32 v16, v4;
	v16 =	vld [tilespmem:s0+$0x102B0]  }
0xc0: {  	v8 =	vadd.f32 v10, v8;
	v2 =	vadd.f32 v19, v2;
	v10 =	vld [tilespmem:s0+$0x10320]  }
0xc1: {  	v6 =	vadd.f32 v15, v6;
	v4 =	vadd.f32 v17, v4;
	v15 =	vld [tilespmem:s0+$0x10330]  }
0xc2: {  	v8 =	vadd.f32 v20, v8;
	v2 =	vadd.f32 v12, v2;
	v12 =	vld [tilespmem:s0+$0x103A0]  }
0xc3: {  	v6 =	vadd.f32 v11, v6;
	v4 =	vadd.f32 v13, v4;
	v13 =	vld [tilespmem:s0+$0x103B0];
	s0 =	sshra.s32 s24, $0x2  }
0xc4: {  	v8 =	vadd.f32 v14, v8;
	v17 =	vld [tilespmem:s0+$0x10380];
	v2 =	vadd.f32 v16, v2  }
0xc5: {  	v6 =	vadd.f32 v7, v6;
	v4 =	vadd.f32 v9, v4;
	v14 =	vld [tilespmem:s0+$0x10390]  }
0xc6: {  	v8 =	vadd.f32 v10, v8;
	v7 =	vld [tilespmem:s0+$0x10300];
	v2 =	vadd.f32 v15, v2  }
0xc7: {  	v6 =	vadd.f32 v3, v6;
	v4 =	vadd.f32 v5, v4;
	v9 =	vld [tilespmem:s0+$0x10310]  }
0xc8: {  	v8 =	vadd.f32 v12, v8;
	v11 =	vld [tilespmem:s0+$0x10280];
	v10 =	vadd.f32 v13, v2  }
0xc9: {  	v13 =	vld [tilespmem:s0+$0x10290];
	v3 =	vmov v17  }
0xca: {  	v15 =	vld [tilespmem:s0+$0x10200];
	v5 =	vmov v14  }
0xcb: {  	v17 =	vld [tilespmem:s0+$0x10210]  }
0xcc: {  	v18 =	vld [tilespmem:s0+$0x10180]  }
0xcd: {  	v16 =	vld [tilespmem:s0+$0x10190]  }
0xce: {  	v14 =	vld [tilespmem:s0+$0x10100]  }
0xcf: {  	v12 =	vld [tilespmem:s0+$0x10110]  }
.Ltmp2:
0xd0: {  	v19 =	vld [tilespmem:s0+$0x10080];
	(pc) =	sbr.rel @p0 .LBB2_6-.Ltmp2, $4  }
0xd1: {  	v20 =	vld [tilespmem:s0+$0x10090]  }
0xd2: {  	v21 =	vld [tilespmem:s0+$0x10000]  }
0xd3: {  	v22 =	vld [tilespmem:s0+$0x10010]  }
0xd4: {  	s24 =	sadd.s32 $0x1000, s24;
	v23 =	vld [tilespmem:s0+$0x10020]  }
0xd5: {  	v24 =	vld [tilespmem:s0+$0x10030]  }
0xd6: {  	v25 =	vld [tilespmem:s0+$0x100A0]  }
0xd7: {  	v26 =	vld [tilespmem:s0+$0x100B0]  }
0xd8: {  	v27 =	vld [tilespmem:s0+$0x10120]  }
0xd9: {  	v28 =	vld [tilespmem:s0+$0x10130]  }
0xda: {  	v29 =	vld [tilespmem:s0+$0x101A0]  }
0xdb: {  	v30 =	vld [tilespmem:s0+$0x101B0]  }
0xdc: {  	v31 =	vld [tilespmem:s0+$0x10220]  }
0xdd: {  	v32 =	vld [tilespmem:s0+$0x10230]  }
0xde: {  	v33 =	vld [tilespmem:s0+$0x102A0]  }
0xdf: {  	v34 =	vld [tilespmem:s0+$0x102B0]  }
0xe0: {  	v35 =	vld [tilespmem:s0+$0x10320]  }
0xe1: {  	v36 =	vld [tilespmem:s0+$0x10330]  }
0xe2: {  	v37 =	vld [tilespmem:s0+$0x103A0];
	s26 =	simm.s32 $0x0  }
0xe3: {  	v38 =	vld [tilespmem:s0+$0x103B0];
	[tilespmem:s20], [sflag:$0x3] =	stream.linear.gather [hbm4b:s9+s26], $0x8000, $0x200038  }
0xe4: {  	_ =	swait.ge [sflag:s21], $0x8000  }
0xe5: {  	[sflag:s21] =	ssyncset.done $0x0  }
0xe6: {  	s0 =	simm.s32 $0x0;
	[sflag:s21] =	ssyncadd.s32 $0xFFFF8000  }
0xe7: {  	v21 =	vadd.f32 v21, v6;
	v2 =	vld [tilespmem:s0+$0x380]  }
0xe8: {  	v22 =	vadd.f32 v22, v4;
	v23 =	vadd.f32 v23, v8;
	v4 =	vld [tilespmem:s0+$0x390]  }
0xe9: {  	v19 =	vadd.f32 v19, v21;
	v10 =	vadd.f32 v24, v10;
	v6 =	vld [tilespmem:s0+$0x300]  }
0xea: {  	v20 =	vadd.f32 v20, v22;
	v8 =	vld [tilespmem:s0+$0x310];
	v21 =	vadd.f32 v25, v23  }
0xeb: {  	v19 =	vadd.f32 v14, v19;
	v14 =	vld [tilespmem:s0+$0x200];
	v22 =	vadd.f32 v26, v10  }
0xec: {  	v10 =	vld [tilespmem:s0+$0x280];
	v20 =	vadd.f32 v12, v20  }
0xed: {  	v12 =	vld [tilespmem:s0+$0x290];
	v21 =	vadd.f32 v27, v21;
	v22 =	vadd.f32 v28, v22  }
0xee: {  	v19 =	vadd.f32 v18, v19;
	v18 =	vld [tilespmem:s0+$0x180];
	v20 =	vadd.f32 v16, v20  }
0xef: {  	v16 =	vld [tilespmem:s0+$0x210];
	v21 =	vadd.f32 v29, v21;
	v22 =	vadd.f32 v30, v22  }
0xf0: {  	v19 =	vadd.f32 v15, v19;
	v15 =	vld [tilespmem:s0+$0x190];
	v20 =	vadd.f32 v17, v20  }
0xf1: {  	v17 =	vld [tilespmem:s0+$0x100];
	v21 =	vadd.f32 v31, v21;
	v22 =	vadd.f32 v32, v22  }
0xf2: {  	v19 =	vadd.f32 v11, v19;
	v11 =	vld [tilespmem:s0+$0x110];
	v20 =	vadd.f32 v13, v20  }
0xf3: {  	v13 =	vld [tilespmem:s0+$0x80];
	v21 =	vadd.f32 v33, v21;
	v22 =	vadd.f32 v34, v22  }
0xf4: {  	v7 =	vadd.f32 v7, v19;
	v19 =	vld [tilespmem:s0+$0x90];
	v23 =	vadd.f32 v9, v20  }
0xf5: {  	v20 =	vld [tilespmem:s0+$0x0];
	v63 =	vadd.f32 v35, v21;
	v22 =	vadd.f32 v36, v22  }
0xf6: {  	v9 =	vadd.f32 v3, v7;
	v21 =	vld [tilespmem:s0+$0x10];
	v5 =	vadd.f32 v5, v23  }
0xf7: {  	s24 =	simm.s32 $0x1000;
	v7 =	vadd.f32 v37, v63;
	v3 =	vadd.f32 v38, v22;
	v22 =	vld [tilespmem:s0+$0x20]  }
.LBB2_8:
0xf8: {  	p0 =	sne.s32 s24, $0x1F000;
	v23 =	vld [tilespmem:s0+$0x30]  }
0xf9: {  	v24 =	vld [tilespmem:s0+$0xA0]  }
0xfa: {  	v25 =	vld [tilespmem:s0+$0xB0]  }
0xfb: {  	v26 =	vld [tilespmem:s0+$0x120]  }
0xfc: {  	v9 =	vadd.f32 v20, v9;
	v5 =	vadd.f32 v21, v5;
	v20 =	vld [tilespmem:s0+$0x130]  }
0xfd: {  	v7 =	vadd.f32 v22, v7;
	v3 =	vadd.f32 v23, v3;
	v21 =	vld [tilespmem:s0+$0x1A0]  }
0xfe: {  	v9 =	vadd.f32 v13, v9;
	v5 =	vadd.f32 v19, v5;
	v13 =	vld [tilespmem:s0+$0x1B0]  }
0xff: {  	v7 =	vadd.f32 v24, v7;
	v3 =	vadd.f32 v25, v3;
	v19 =	vld [tilespmem:s0+$0x220]  }
0x100: {  	v9 =	vadd.f32 v17, v9;
	v5 =	vadd.f32 v11, v5;
	v11 =	vld [tilespmem:s0+$0x230]  }
0x101: {  	v7 =	vadd.f32 v26, v7;
	v3 =	vadd.f32 v20, v3;
	v17 =	vld [tilespmem:s0+$0x2A0]  }
0x102: {  	v9 =	vadd.f32 v18, v9;
	v5 =	vadd.f32 v15, v5;
	v15 =	vld [tilespmem:s0+$0x2B0]  }
0x103: {  	v7 =	vadd.f32 v21, v7;
	v3 =	vadd.f32 v13, v3;
	v13 =	vld [tilespmem:s0+$0x320]  }
0x104: {  	v9 =	vadd.f32 v14, v9;
	v5 =	vadd.f32 v16, v5;
	v14 =	vld [tilespmem:s0+$0x330]  }
0x105: {  	v7 =	vadd.f32 v19, v7;
	v3 =	vadd.f32 v11, v3;
	v11 =	vld [tilespmem:s0+$0x3A0]  }
0x106: {  	v9 =	vadd.f32 v10, v9;
	v5 =	vadd.f32 v12, v5;
	v12 =	vld [tilespmem:s0+$0x3B0];
	s0 =	sshra.s32 s24, $0x2  }
0x107: {  	v7 =	vadd.f32 v17, v7;
	v16 =	vld [tilespmem:s0+$0x380];
	v3 =	vadd.f32 v15, v3  }
0x108: {  	v9 =	vadd.f32 v6, v9;
	v5 =	vadd.f32 v8, v5;
	v15 =	vld [tilespmem:s0+$0x390]  }
0x109: {  	v7 =	vadd.f32 v13, v7;
	v6 =	vld [tilespmem:s0+$0x300];
	v3 =	vadd.f32 v14, v3  }
0x10a: {  	v9 =	vadd.f32 v2, v9;
	v5 =	vadd.f32 v4, v5;
	v8 =	vld [tilespmem:s0+$0x310]  }
0x10b: {  	v7 =	vadd.f32 v11, v7;
	v10 =	vld [tilespmem:s0+$0x280];
	v3 =	vadd.f32 v12, v3  }
0x10c: {  	v12 =	vld [tilespmem:s0+$0x290];
	v2 =	vmov v16  }
0x10d: {  	v14 =	vld [tilespmem:s0+$0x200];
	v4 =	vmov v15  }
0x10e: {  	v16 =	vld [tilespmem:s0+$0x210]  }
0x10f: {  	v18 =	vld [tilespmem:s0+$0x180]  }
0x110: {  	v15 =	vld [tilespmem:s0+$0x190]  }
0x111: {  	v17 =	vld [tilespmem:s0+$0x100]  }
0x112: {  	v11 =	vld [tilespmem:s0+$0x110]  }
.Ltmp3:
0x113: {  	v13 =	vld [tilespmem:s0+$0x80];
	(pc) =	sbr.rel @p0 .LBB2_8-.Ltmp3, $4  }
0x114: {  	v19 =	vld [tilespmem:s0+$0x90]  }
0x115: {  	v20 =	vld [tilespmem:s0+$0x0]  }
0x116: {  	v21 =	vld [tilespmem:s0+$0x10]  }
0x117: {  	s24 =	sadd.s32 $0x1000, s24;
	v22 =	vld [tilespmem:s0+$0x20]  }
0x118: {  	v23 =	vld [tilespmem:s0+$0x30]  }
0x119: {  	v24 =	vld [tilespmem:s0+$0xA0]  }
0x11a: {  	v25 =	vld [tilespmem:s0+$0xB0];
	v9 =	vadd.f32 v20, v9  }
0x11b: {  	v20 =	vld [tilespmem:s0+$0x120];
	v5 =	vadd.f32 v21, v5  }
0x11c: {  	v21 =	vld [tilespmem:s0+$0x130];
	v7 =	vadd.f32 v22, v7;
	v9 =	vadd.f32 v13, v9  }
0x11d: {  	v13 =	vld [tilespmem:s0+$0x1A0];
	v3 =	vadd.f32 v23, v3;
	v5 =	vadd.f32 v19, v5  }
0x11e: {  	v19 =	vld [tilespmem:s0+$0x1B0];
	v7 =	vadd.f32 v24, v7;
	v9 =	vadd.f32 v17, v9  }
0x11f: {  	v17 =	vld [tilespmem:s0+$0x220];
	v3 =	vadd.f32 v25, v3;
	v5 =	vadd.f32 v11, v5  }
0x120: {  	v11 =	vld [tilespmem:s0+$0x230];
	v7 =	vadd.f32 v20, v7;
	v9 =	vadd.f32 v18, v9  }
0x121: {  	v18 =	vld [tilespmem:s0+$0x2A0];
	v3 =	vadd.f32 v21, v3;
	v5 =	vadd.f32 v15, v5  }
0x122: {  	v15 =	vld [tilespmem:s0+$0x2B0];
	v7 =	vadd.f32 v13, v7;
	v9 =	vadd.f32 v14, v9  }
0x123: {  	v13 =	vld [tilespmem:s0+$0x320];
	v3 =	vadd.f32 v19, v3;
	v5 =	vadd.f32 v16, v5  }
0x124: {  	v14 =	vld [tilespmem:s0+$0x330];
	v7 =	vadd.f32 v17, v7;
	v9 =	vadd.f32 v10, v9  }
0x125: {  	v10 =	vld [tilespmem:s0+$0x3A0];
	v3 =	vadd.f32 v11, v3;
	v5 =	vadd.f32 v12, v5  }
0x126: {  	v11 =	vld [tilespmem:s0+$0x3B0];
	v7 =	vadd.f32 v18, v7;
	v6 =	vadd.f32 v6, v9  }
0x127: {  	v3 =	vadd.f32 v15, v3;
	v5 =	vadd.f32 v8, v5  }
0x128: {  	s26 =	simm.s32 $0x0;
	v7 =	vadd.f32 v13, v7;
	v2 =	vadd.f32 v2, v6  }
0x129: {  	[tilespmem:s26], [sflag:$0x1] =	stream.linear.gather [hbm4b:s10+s26], $0x8000, $0x200038;
	v3 =	vadd.f32 v14, v3;
	v4 =	vadd.f32 v4, v5;
	[tilespmem:$0x19900] =	vst v63  }
0x12a: {  	v5 =	vadd.f32 v10, v7;
	[tilespmem:$0x18080] =	vst v2  }
0x12b: {  	v2 =	vadd.f32 v11, v3;
	[tilespmem:$0x18090] =	vst v4  }
0x12c: {  	[tilespmem:$0x180A0] =	vst v5  }
0x12d: {  	s1 =	simm.s32 $0x18080;
	[tilespmem:$0x180B0] =	vst v2  }
0x12e: {  	[hbm4b:s11+s26] =	stream.linear.scatter [tilespmem:s1], [sflag:$0x7], $0x80, $0x200038;
	[tilespmem:$0x19900] =	vst v63  }
0x12f: {  	_ =	swait.ge [sflag:s25], $0x80  }
0x130: {  	[sflag:s25] =	ssyncset.done $0x0  }
0x131: {  	[sflag:s25] =	ssyncadd.s32 $0xFFFFFF80  }
0x132: {  	_ =	strace $0x90000048  }
0x133: {  	_ =	strace $0x80000049  }
0x134: {  	_ =	swait.ge [sflag:s22], $0x8000  }
0x135: {  	[sflag:s22] =	ssyncset.done $0x0  }
0x136: {  	s0 =	simm.s32 $0x0;
	[sflag:s22] =	ssyncadd.s32 $0xFFFF8000  }
0x137: {  	v3 =	vld [tilespmem:s0+$0x8380]  }
0x138: {  	v5 =	vld [tilespmem:s0+$0x8390]  }
0x139: {  	v7 =	vld [tilespmem:s0+$0x8300]  }
0x13a: {  	v9 =	vld [tilespmem:s0+$0x8310]  }
0x13b: {  	v11 =	vld [tilespmem:s0+$0x8280]  }
0x13c: {  	v13 =	vld [tilespmem:s0+$0x8290]  }
0x13d: {  	v15 =	vld [tilespmem:s0+$0x8200]  }
0x13e: {  	v17 =	vld [tilespmem:s0+$0x8210]  }
0x13f: {  	v16 =	vld [tilespmem:s0+$0x8180]  }
0x140: {  	v18 =	vld [tilespmem:s0+$0x8190]  }
0x141: {  	v12 =	vld [tilespmem:s0+$0x8100]  }
0x142: {  	v14 =	vld [tilespmem:s0+$0x8110]  }
0x143: {  	v19 =	vld [tilespmem:s0+$0x8080]  }
0x144: {  	v20 =	vld [tilespmem:s0+$0x8090]  }
0x145: {  	v21 =	vld [tilespmem:s0+$0x8000]  }
0x146: {  	v8 =	vimm.f32 $0.0e+00;
	v23 =	vld [tilespmem:s0+$0x8010]  }
0x147: {  	s24 =	simm.s32 $0x1000;
	v6 =	vimm.f32 $0.0e+00;
	v10 =	vimm.f32 $0.0e+00;
	v4 =	vimm.f32 $0.0e+00;
	v22 =	vld [tilespmem:s0+$0x8020]  }
.LBB2_10:
0x148: {  	p0 =	sne.s32 s24, $0x1F000;
	v2 =	vld [tilespmem:s0+$0x8030]  }
0x149: {  	v24 =	vld [tilespmem:s0+$0x80A0]  }
0x14a: {  	v25 =	vld [tilespmem:s0+$0x80B0]  }
0x14b: {  	v26 =	vld [tilespmem:s0+$0x8120]  }
0x14c: {  	v4 =	vadd.f32 v21, v4;
	v10 =	vadd.f32 v23, v10;
	v21 =	vld [tilespmem:s0+$0x8130]  }
0x14d: {  	v6 =	vadd.f32 v22, v6;
	v2 =	vadd.f32 v2, v8;
	v8 =	vld [tilespmem:s0+$0x81A0]  }
0x14e: {  	v4 =	vadd.f32 v19, v4;
	v10 =	vadd.f32 v20, v10;
	v19 =	vld [tilespmem:s0+$0x81B0]  }
0x14f: {  	v6 =	vadd.f32 v24, v6;
	v2 =	vadd.f32 v25, v2;
	v20 =	vld [tilespmem:s0+$0x8220]  }
0x150: {  	v4 =	vadd.f32 v12, v4;
	v10 =	vadd.f32 v14, v10;
	v12 =	vld [tilespmem:s0+$0x8230]  }
0x151: {  	v6 =	vadd.f32 v26, v6;
	v2 =	vadd.f32 v21, v2;
	v14 =	vld [tilespmem:s0+$0x82A0]  }
0x152: {  	v4 =	vadd.f32 v16, v4;
	v10 =	vadd.f32 v18, v10;
	v16 =	vld [tilespmem:s0+$0x82B0]  }
0x153: {  	v6 =	vadd.f32 v8, v6;
	v2 =	vadd.f32 v19, v2;
	v8 =	vld [tilespmem:s0+$0x8320]  }
0x154: {  	v4 =	vadd.f32 v15, v4;
	v10 =	vadd.f32 v17, v10;
	v15 =	vld [tilespmem:s0+$0x8330]  }
0x155: {  	v6 =	vadd.f32 v20, v6;
	v2 =	vadd.f32 v12, v2;
	v12 =	vld [tilespmem:s0+$0x83A0]  }
0x156: {  	v4 =	vadd.f32 v11, v4;
	v10 =	vadd.f32 v13, v10;
	v13 =	vld [tilespmem:s0+$0x83B0];
	s0 =	sshra.s32 s24, $0x2  }
0x157: {  	v6 =	vadd.f32 v14, v6;
	v17 =	vld [tilespmem:s0+$0x8380];
	v2 =	vadd.f32 v16, v2  }
0x158: {  	v4 =	vadd.f32 v7, v4;
	v10 =	vadd.f32 v9, v10;
	v14 =	vld [tilespmem:s0+$0x8390]  }
0x159: {  	v6 =	vadd.f32 v8, v6;
	v7 =	vld [tilespmem:s0+$0x8300];
	v2 =	vadd.f32 v15, v2  }
0x15a: {  	v4 =	vadd.f32 v3, v4;
	v10 =	vadd.f32 v5, v10;
	v9 =	vld [tilespmem:s0+$0x8310]  }
0x15b: {  	v6 =	vadd.f32 v12, v6;
	v11 =	vld [tilespmem:s0+$0x8280];
	v8 =	vadd.f32 v13, v2  }
0x15c: {  	v13 =	vld [tilespmem:s0+$0x8290];
	v3 =	vmov v17  }
0x15d: {  	v15 =	vld [tilespmem:s0+$0x8200];
	v5 =	vmov v14  }
0x15e: {  	v17 =	vld [tilespmem:s0+$0x8210]  }
0x15f: {  	v16 =	vld [tilespmem:s0+$0x8180]  }
0x160: {  	v18 =	vld [tilespmem:s0+$0x8190]  }
0x161: {  	v12 =	vld [tilespmem:s0+$0x8100]  }
0x162: {  	v14 =	vld [tilespmem:s0+$0x8110]  }
.Ltmp4:
0x163: {  	v19 =	vld [tilespmem:s0+$0x8080];
	(pc) =	sbr.rel @p0 .LBB2_10-.Ltmp4, $4  }
0x164: {  	v20 =	vld [tilespmem:s0+$0x8090]  }
0x165: {  	v21 =	vld [tilespmem:s0+$0x8000]  }
0x166: {  	v23 =	vld [tilespmem:s0+$0x8010]  }
0x167: {  	s24 =	sadd.s32 $0x1000, s24;
	v22 =	vld [tilespmem:s0+$0x8020]  }
0x168: {  	v24 =	vld [tilespmem:s0+$0x8030]  }
0x169: {  	v25 =	vld [tilespmem:s0+$0x80A0]  }
0x16a: {  	v26 =	vld [tilespmem:s0+$0x80B0]  }
0x16b: {  	v27 =	vld [tilespmem:s0+$0x8120]  }
0x16c: {  	v28 =	vld [tilespmem:s0+$0x8130]  }
0x16d: {  	v29 =	vld [tilespmem:s0+$0x81A0]  }
0x16e: {  	v30 =	vld [tilespmem:s0+$0x81B0]  }
0x16f: {  	v31 =	vld [tilespmem:s0+$0x8220]  }
0x170: {  	v32 =	vld [tilespmem:s0+$0x8230]  }
0x171: {  	v33 =	vld [tilespmem:s0+$0x82A0]  }
0x172: {  	v34 =	vld [tilespmem:s0+$0x82B0]  }
0x173: {  	v35 =	vld [tilespmem:s0+$0x8320]  }
0x174: {  	v36 =	vld [tilespmem:s0+$0x8330]  }
0x175: {  	v37 =	vld [tilespmem:s0+$0x83A0];
	s26 =	simm.s32 $0x0  }
0x176: {  	v38 =	vld [tilespmem:s0+$0x83B0];
	[tilespmem:s19], [sflag:$0x2] =	stream.linear.gather [hbm4b:s12+s26], $0x8000, $0x200038  }
0x177: {  	_ =	swait.ge [sflag:s23], $0x8000  }
0x178: {  	[sflag:s23] =	ssyncset.done $0x0  }
0x179: {  	s0 =	simm.s32 $0x0;
	[sflag:s23] =	ssyncadd.s32 $0xFFFF8000  }
0x17a: {  	v2 =	vld [tilespmem:s0+$0x10380]  }
0x17b: {  	v21 =	vadd.f32 v21, v4;
	v10 =	vadd.f32 v23, v10;
	v4 =	vld [tilespmem:s0+$0x10390]  }
0x17c: {  	v22 =	vadd.f32 v22, v6;
	v23 =	vadd.f32 v24, v8;
	v6 =	vld [tilespmem:s0+$0x10300]  }
0x17d: {  	v19 =	vadd.f32 v19, v21;
	v20 =	vadd.f32 v20, v10;
	v8 =	vld [tilespmem:s0+$0x10310]  }
0x17e: {  	v10 =	vld [tilespmem:s0+$0x10280];
	v21 =	vadd.f32 v25, v22;
	v22 =	vadd.f32 v26, v23  }
0x17f: {  	v19 =	vadd.f32 v12, v19;
	v12 =	vld [tilespmem:s0+$0x10290];
	v20 =	vadd.f32 v14, v20  }
0x180: {  	v14 =	vld [tilespmem:s0+$0x10200];
	v21 =	vadd.f32 v27, v21;
	v22 =	vadd.f32 v28, v22  }
0x181: {  	v19 =	vadd.f32 v16, v19;
	v16 =	vld [tilespmem:s0+$0x10210];
	v20 =	vadd.f32 v18, v20  }
0x182: {  	v18 =	vld [tilespmem:s0+$0x10180];
	v21 =	vadd.f32 v29, v21;
	v22 =	vadd.f32 v30, v22  }
0x183: {  	v19 =	vadd.f32 v15, v19;
	v15 =	vld [tilespmem:s0+$0x10100];
	v20 =	vadd.f32 v17, v20  }
0x184: {  	v17 =	vld [tilespmem:s0+$0x10190];
	v21 =	vadd.f32 v31, v21;
	v22 =	vadd.f32 v32, v22  }
0x185: {  	v11 =	vadd.f32 v11, v19;
	v19 =	vld [tilespmem:s0+$0x10080];
	v20 =	vadd.f32 v13, v20  }
0x186: {  	v13 =	vld [tilespmem:s0+$0x10110];
	v21 =	vadd.f32 v33, v21;
	v22 =	vadd.f32 v34, v22  }
0x187: {  	v7 =	vadd.f32 v7, v11;
	v9 =	vadd.f32 v9, v20;
	v20 =	vld [tilespmem:s0+$0x10090]  }
0x188: {  	v11 =	vadd.f32 v35, v21;
	v21 =	vld [tilespmem:s0+$0x10000];
	v23 =	vadd.f32 v36, v22  }
0x189: {  	v7 =	vadd.f32 v3, v7;
	v5 =	vadd.f32 v5, v9;
	v22 =	vld [tilespmem:s0+$0x10010]  }
0x18a: {  	s24 =	simm.s32 $0x1000;
	v9 =	vadd.f32 v37, v11;
	v11 =	vadd.f32 v38, v23;
	v23 =	vld [tilespmem:s0+$0x10020]  }
.LBB2_12:
0x18b: {  	p0 =	sne.s32 s24, $0x1F000;
	v3 =	vld [tilespmem:s0+$0x10030]  }
0x18c: {  	v24 =	vld [tilespmem:s0+$0x100A0]  }
0x18d: {  	v25 =	vld [tilespmem:s0+$0x100B0]  }
0x18e: {  	v26 =	vld [tilespmem:s0+$0x10120]  }
0x18f: {  	v7 =	vadd.f32 v21, v7;
	v5 =	vadd.f32 v22, v5;
	v21 =	vld [tilespmem:s0+$0x10130]  }
0x190: {  	v9 =	vadd.f32 v23, v9;
	v3 =	vadd.f32 v3, v11;
	v11 =	vld [tilespmem:s0+$0x101A0]  }
0x191: {  	v7 =	vadd.f32 v19, v7;
	v5 =	vadd.f32 v20, v5;
	v19 =	vld [tilespmem:s0+$0x101B0]  }
0x192: {  	v9 =	vadd.f32 v24, v9;
	v3 =	vadd.f32 v25, v3;
	v20 =	vld [tilespmem:s0+$0x10220]  }
0x193: {  	v7 =	vadd.f32 v15, v7;
	v5 =	vadd.f32 v13, v5;
	v13 =	vld [tilespmem:s0+$0x10230]  }
0x194: {  	v9 =	vadd.f32 v26, v9;
	v3 =	vadd.f32 v21, v3;
	v15 =	vld [tilespmem:s0+$0x102A0]  }
0x195: {  	v7 =	vadd.f32 v18, v7;
	v5 =	vadd.f32 v17, v5;
	v17 =	vld [tilespmem:s0+$0x102B0]  }
0x196: {  	v9 =	vadd.f32 v11, v9;
	v3 =	vadd.f32 v19, v3;
	v11 =	vld [tilespmem:s0+$0x10320]  }
0x197: {  	v7 =	vadd.f32 v14, v7;
	v5 =	vadd.f32 v16, v5;
	v14 =	vld [tilespmem:s0+$0x10330]  }
0x198: {  	v9 =	vadd.f32 v20, v9;
	v3 =	vadd.f32 v13, v3;
	v13 =	vld [tilespmem:s0+$0x103A0]  }
0x199: {  	v7 =	vadd.f32 v10, v7;
	v5 =	vadd.f32 v12, v5;
	v12 =	vld [tilespmem:s0+$0x103B0];
	s0 =	sshra.s32 s24, $0x2  }
0x19a: {  	v9 =	vadd.f32 v15, v9;
	v16 =	vld [tilespmem:s0+$0x10380];
	v3 =	vadd.f32 v17, v3  }
0x19b: {  	v7 =	vadd.f32 v6, v7;
	v5 =	vadd.f32 v8, v5;
	v15 =	vld [tilespmem:s0+$0x10390]  }
0x19c: {  	v9 =	vadd.f32 v11, v9;
	v6 =	vld [tilespmem:s0+$0x10300];
	v3 =	vadd.f32 v14, v3  }
0x19d: {  	v7 =	vadd.f32 v2, v7;
	v5 =	vadd.f32 v4, v5;
	v8 =	vld [tilespmem:s0+$0x10310]  }
0x19e: {  	v9 =	vadd.f32 v13, v9;
	v10 =	vld [tilespmem:s0+$0x10280];
	v11 =	vadd.f32 v12, v3  }
0x19f: {  	v12 =	vld [tilespmem:s0+$0x10290];
	v2 =	vmov v16  }
0x1a0: {  	v14 =	vld [tilespmem:s0+$0x10200];
	v4 =	vmov v15  }
0x1a1: {  	v16 =	vld [tilespmem:s0+$0x10210]  }
0x1a2: {  	v18 =	vld [tilespmem:s0+$0x10180]  }
0x1a3: {  	v17 =	vld [tilespmem:s0+$0x10190]  }
0x1a4: {  	v15 =	vld [tilespmem:s0+$0x10100]  }
0x1a5: {  	v13 =	vld [tilespmem:s0+$0x10110]  }
.Ltmp5:
0x1a6: {  	v19 =	vld [tilespmem:s0+$0x10080];
	(pc) =	sbr.rel @p0 .LBB2_12-.Ltmp5, $4  }
0x1a7: {  	v20 =	vld [tilespmem:s0+$0x10090]  }
0x1a8: {  	v21 =	vld [tilespmem:s0+$0x10000]  }
0x1a9: {  	v22 =	vld [tilespmem:s0+$0x10010]  }
0x1aa: {  	s24 =	sadd.s32 $0x1000, s24;
	v23 =	vld [tilespmem:s0+$0x10020]  }
0x1ab: {  	v24 =	vld [tilespmem:s0+$0x10030]  }
0x1ac: {  	v25 =	vld [tilespmem:s0+$0x100A0]  }
0x1ad: {  	v26 =	vld [tilespmem:s0+$0x100B0]  }
0x1ae: {  	v27 =	vld [tilespmem:s0+$0x10120]  }
0x1af: {  	v28 =	vld [tilespmem:s0+$0x10130]  }
0x1b0: {  	v29 =	vld [tilespmem:s0+$0x101A0]  }
0x1b1: {  	v30 =	vld [tilespmem:s0+$0x101B0]  }
0x1b2: {  	v31 =	vld [tilespmem:s0+$0x10220]  }
0x1b3: {  	v32 =	vld [tilespmem:s0+$0x10230]  }
0x1b4: {  	v33 =	vld [tilespmem:s0+$0x102A0]  }
0x1b5: {  	v34 =	vld [tilespmem:s0+$0x102B0]  }
0x1b6: {  	v35 =	vld [tilespmem:s0+$0x10320]  }
0x1b7: {  	v36 =	vld [tilespmem:s0+$0x10330]  }
0x1b8: {  	v37 =	vld [tilespmem:s0+$0x103A0];
	s26 =	simm.s32 $0x0  }
0x1b9: {  	v38 =	vld [tilespmem:s0+$0x103B0];
	[tilespmem:s20], [sflag:$0x3] =	stream.linear.gather [hbm4b:s8+s26], $0x8000, $0x200038  }
0x1ba: {  	_ =	swait.ge [sflag:s21], $0x8000  }
0x1bb: {  	[sflag:s21] =	ssyncset.done $0x0  }
0x1bc: {  	s0 =	simm.s32 $0x0;
	[sflag:s21] =	ssyncadd.s32 $0xFFFF8000  }
0x1bd: {  	v21 =	vadd.f32 v21, v7;
	v3 =	vld [tilespmem:s0+$0x380]  }
0x1be: {  	v22 =	vadd.f32 v22, v5;
	v23 =	vadd.f32 v23, v9;
	v5 =	vld [tilespmem:s0+$0x390]  }
0x1bf: {  	v19 =	vadd.f32 v19, v21;
	v11 =	vadd.f32 v24, v11;
	v7 =	vld [tilespmem:s0+$0x300]  }
0x1c0: {  	v20 =	vadd.f32 v20, v22;
	v9 =	vld [tilespmem:s0+$0x310];
	v21 =	vadd.f32 v25, v23  }
0x1c1: {  	v19 =	vadd.f32 v15, v19;
	v15 =	vld [tilespmem:s0+$0x200];
	v22 =	vadd.f32 v26, v11  }
0x1c2: {  	v11 =	vld [tilespmem:s0+$0x280];
	v20 =	vadd.f32 v13, v20  }
0x1c3: {  	v13 =	vld [tilespmem:s0+$0x290];
	v21 =	vadd.f32 v27, v21;
	v22 =	vadd.f32 v28, v22  }
0x1c4: {  	v19 =	vadd.f32 v18, v19;
	v18 =	vld [tilespmem:s0+$0x180];
	v20 =	vadd.f32 v17, v20  }
0x1c5: {  	v17 =	vld [tilespmem:s0+$0x210];
	v21 =	vadd.f32 v29, v21;
	v22 =	vadd.f32 v30, v22  }
0x1c6: {  	v19 =	vadd.f32 v14, v19;
	v14 =	vld [tilespmem:s0+$0x100];
	v20 =	vadd.f32 v16, v20  }
0x1c7: {  	v16 =	vld [tilespmem:s0+$0x190];
	v21 =	vadd.f32 v31, v21;
	v22 =	vadd.f32 v32, v22  }
0x1c8: {  	v10 =	vadd.f32 v10, v19;
	v19 =	vld [tilespmem:s0+$0x80];
	v20 =	vadd.f32 v12, v20  }
0x1c9: {  	v12 =	vld [tilespmem:s0+$0x110];
	v21 =	vadd.f32 v33, v21;
	v22 =	vadd.f32 v34, v22  }
0x1ca: {  	v6 =	vadd.f32 v6, v10;
	v8 =	vadd.f32 v8, v20;
	v20 =	vld [tilespmem:s0+$0x90]  }
0x1cb: {  	v10 =	vadd.f32 v35, v21;
	v21 =	vld [tilespmem:s0+$0x0];
	v23 =	vadd.f32 v36, v22  }
0x1cc: {  	v6 =	vadd.f32 v2, v6;
	v4 =	vadd.f32 v4, v8;
	v22 =	vld [tilespmem:s0+$0x10]  }
0x1cd: {  	s24 =	simm.s32 $0x1000;
	v8 =	vadd.f32 v37, v10;
	v10 =	vadd.f32 v38, v23;
	v23 =	vld [tilespmem:s0+$0x20]  }
.LBB2_14:
0x1ce: {  	p0 =	sne.s32 s24, $0x1F000;
	v2 =	vld [tilespmem:s0+$0x30]  }
0x1cf: {  	v24 =	vld [tilespmem:s0+$0xA0]  }
0x1d0: {  	v25 =	vld [tilespmem:s0+$0xB0]  }
0x1d1: {  	v26 =	vld [tilespmem:s0+$0x120]  }
0x1d2: {  	v6 =	vadd.f32 v21, v6;
	v4 =	vadd.f32 v22, v4;
	v21 =	vld [tilespmem:s0+$0x130]  }
0x1d3: {  	v8 =	vadd.f32 v23, v8;
	v2 =	vadd.f32 v2, v10;
	v10 =	vld [tilespmem:s0+$0x1A0]  }
0x1d4: {  	v6 =	vadd.f32 v19, v6;
	v4 =	vadd.f32 v20, v4;
	v19 =	vld [tilespmem:s0+$0x1B0]  }
0x1d5: {  	v8 =	vadd.f32 v24, v8;
	v2 =	vadd.f32 v25, v2;
	v20 =	vld [tilespmem:s0+$0x220]  }
0x1d6: {  	v6 =	vadd.f32 v14, v6;
	v4 =	vadd.f32 v12, v4;
	v12 =	vld [tilespmem:s0+$0x230]  }
0x1d7: {  	v8 =	vadd.f32 v26, v8;
	v2 =	vadd.f32 v21, v2;
	v14 =	vld [tilespmem:s0+$0x2A0]  }
0x1d8: {  	v6 =	vadd.f32 v18, v6;
	v4 =	vadd.f32 v16, v4;
	v16 =	vld [tilespmem:s0+$0x2B0]  }
0x1d9: {  	v8 =	vadd.f32 v10, v8;
	v2 =	vadd.f32 v19, v2;
	v10 =	vld [tilespmem:s0+$0x320]  }
0x1da: {  	v6 =	vadd.f32 v15, v6;
	v4 =	vadd.f32 v17, v4;
	v15 =	vld [tilespmem:s0+$0x330]  }
0x1db: {  	v8 =	vadd.f32 v20, v8;
	v2 =	vadd.f32 v12, v2;
	v12 =	vld [tilespmem:s0+$0x3A0]  }
0x1dc: {  	v6 =	vadd.f32 v11, v6;
	v4 =	vadd.f32 v13, v4;
	v13 =	vld [tilespmem:s0+$0x3B0];
	s0 =	sshra.s32 s24, $0x2  }
0x1dd: {  	v8 =	vadd.f32 v14, v8;
	v17 =	vld [tilespmem:s0+$0x380];
	v2 =	vadd.f32 v16, v2  }
0x1de: {  	v6 =	vadd.f32 v7, v6;
	v4 =	vadd.f32 v9, v4;
	v14 =	vld [tilespmem:s0+$0x390]  }
0x1df: {  	v8 =	vadd.f32 v10, v8;
	v7 =	vld [tilespmem:s0+$0x300];
	v2 =	vadd.f32 v15, v2  }
0x1e0: {  	v6 =	vadd.f32 v3, v6;
	v4 =	vadd.f32 v5, v4;
	v9 =	vld [tilespmem:s0+$0x310]  }
0x1e1: {  	v8 =	vadd.f32 v12, v8;
	v11 =	vld [tilespmem:s0+$0x280];
	v10 =	vadd.f32 v13, v2  }
0x1e2: {  	v13 =	vld [tilespmem:s0+$0x290];
	v3 =	vmov v17  }
0x1e3: {  	v15 =	vld [tilespmem:s0+$0x200];
	v5 =	vmov v14  }
0x1e4: {  	v17 =	vld [tilespmem:s0+$0x210]  }
0x1e5: {  	v18 =	vld [tilespmem:s0+$0x180]  }
0x1e6: {  	v16 =	vld [tilespmem:s0+$0x190]  }
0x1e7: {  	v14 =	vld [tilespmem:s0+$0x100]  }
0x1e8: {  	v12 =	vld [tilespmem:s0+$0x110]  }
.Ltmp6:
0x1e9: {  	v19 =	vld [tilespmem:s0+$0x80];
	(pc) =	sbr.rel @p0 .LBB2_14-.Ltmp6, $4  }
0x1ea: {  	v20 =	vld [tilespmem:s0+$0x90]  }
0x1eb: {  	v21 =	vld [tilespmem:s0+$0x0]  }
0x1ec: {  	v22 =	vld [tilespmem:s0+$0x10]  }
0x1ed: {  	s24 =	sadd.s32 $0x1000, s24;
	v23 =	vld [tilespmem:s0+$0x20]  }
0x1ee: {  	v24 =	vld [tilespmem:s0+$0x30]  }
0x1ef: {  	v25 =	vld [tilespmem:s0+$0xA0]  }
0x1f0: {  	v26 =	vld [tilespmem:s0+$0xB0]  }
0x1f1: {  	v27 =	vld [tilespmem:s0+$0x120]  }
0x1f2: {  	v28 =	vld [tilespmem:s0+$0x130]  }
0x1f3: {  	v29 =	vld [tilespmem:s0+$0x1A0]  }
0x1f4: {  	v30 =	vld [tilespmem:s0+$0x1B0]  }
0x1f5: {  	v31 =	vld [tilespmem:s0+$0x220]  }
0x1f6: {  	v32 =	vld [tilespmem:s0+$0x230]  }
0x1f7: {  	v33 =	vld [tilespmem:s0+$0x2A0]  }
0x1f8: {  	v34 =	vld [tilespmem:s0+$0x2B0]  }
0x1f9: {  	v35 =	vld [tilespmem:s0+$0x320]  }
0x1fa: {  	v36 =	vld [tilespmem:s0+$0x330]  }
0x1fb: {  	v37 =	vld [tilespmem:s0+$0x3A0];
	s26 =	simm.s32 $0x0  }
0x1fc: {  	v38 =	vld [tilespmem:s0+$0x3B0];
	[tilespmem:s26], [sflag:$0x1] =	stream.linear.gather [hbm4b:s9+s26], $0x8000, $0x200038  }
0x1fd: {  	_ =	swait.ge [sflag:s22], $0x8000  }
0x1fe: {  	[sflag:s22] =	ssyncset.done $0x0  }
0x1ff: {  	s0 =	simm.s32 $0x0;
	[sflag:s22] =	ssyncadd.s32 $0xFFFF8000  }
0x200: {  	v21 =	vadd.f32 v21, v6;
	v2 =	vld [tilespmem:s0+$0x8380]  }
0x201: {  	v22 =	vadd.f32 v22, v4;
	v23 =	vadd.f32 v23, v8;
	v4 =	vld [tilespmem:s0+$0x8390]  }
0x202: {  	v19 =	vadd.f32 v19, v21;
	v10 =	vadd.f32 v24, v10;
	v6 =	vld [tilespmem:s0+$0x8300]  }
0x203: {  	v20 =	vadd.f32 v20, v22;
	v8 =	vld [tilespmem:s0+$0x8310];
	v21 =	vadd.f32 v25, v23  }
0x204: {  	v19 =	vadd.f32 v14, v19;
	v14 =	vld [tilespmem:s0+$0x8200];
	v22 =	vadd.f32 v26, v10  }
0x205: {  	v10 =	vld [tilespmem:s0+$0x8280];
	v20 =	vadd.f32 v12, v20  }
0x206: {  	v12 =	vld [tilespmem:s0+$0x8290];
	v21 =	vadd.f32 v27, v21;
	v22 =	vadd.f32 v28, v22  }
0x207: {  	v19 =	vadd.f32 v18, v19;
	v18 =	vld [tilespmem:s0+$0x8180];
	v20 =	vadd.f32 v16, v20  }
0x208: {  	v16 =	vld [tilespmem:s0+$0x8210];
	v21 =	vadd.f32 v29, v21;
	v22 =	vadd.f32 v30, v22  }
0x209: {  	v19 =	vadd.f32 v15, v19;
	v15 =	vld [tilespmem:s0+$0x8190];
	v20 =	vadd.f32 v17, v20  }
0x20a: {  	v17 =	vld [tilespmem:s0+$0x8100];
	v21 =	vadd.f32 v31, v21;
	v22 =	vadd.f32 v32, v22  }
0x20b: {  	v19 =	vadd.f32 v11, v19;
	v11 =	vld [tilespmem:s0+$0x8110];
	v20 =	vadd.f32 v13, v20  }
0x20c: {  	v13 =	vld [tilespmem:s0+$0x8080];
	v21 =	vadd.f32 v33, v21;
	v22 =	vadd.f32 v34, v22  }
0x20d: {  	v7 =	vadd.f32 v7, v19;
	v19 =	vld [tilespmem:s0+$0x8090];
	v23 =	vadd.f32 v9, v20  }
0x20e: {  	v20 =	vld [tilespmem:s0+$0x8000];
	v63 =	vadd.f32 v35, v21;
	v22 =	vadd.f32 v36, v22  }
0x20f: {  	v9 =	vadd.f32 v3, v7;
	v21 =	vld [tilespmem:s0+$0x8010];
	v5 =	vadd.f32 v5, v23  }
0x210: {  	s24 =	simm.s32 $0x1000;
	v7 =	vadd.f32 v37, v63;
	v3 =	vadd.f32 v38, v22;
	v22 =	vld [tilespmem:s0+$0x8020]  }
.LBB2_16:
0x211: {  	p0 =	sne.s32 s24, $0x1F000;
	v23 =	vld [tilespmem:s0+$0x8030]  }
0x212: {  	v24 =	vld [tilespmem:s0+$0x80A0]  }
0x213: {  	v25 =	vld [tilespmem:s0+$0x80B0]  }
0x214: {  	v26 =	vld [tilespmem:s0+$0x8120]  }
0x215: {  	v9 =	vadd.f32 v20, v9;
	v5 =	vadd.f32 v21, v5;
	v20 =	vld [tilespmem:s0+$0x8130]  }
0x216: {  	v7 =	vadd.f32 v22, v7;
	v3 =	vadd.f32 v23, v3;
	v21 =	vld [tilespmem:s0+$0x81A0]  }
0x217: {  	v9 =	vadd.f32 v13, v9;
	v5 =	vadd.f32 v19, v5;
	v13 =	vld [tilespmem:s0+$0x81B0]  }
0x218: {  	v7 =	vadd.f32 v24, v7;
	v3 =	vadd.f32 v25, v3;
	v19 =	vld [tilespmem:s0+$0x8220]  }
0x219: {  	v9 =	vadd.f32 v17, v9;
	v5 =	vadd.f32 v11, v5;
	v11 =	vld [tilespmem:s0+$0x8230]  }
0x21a: {  	v7 =	vadd.f32 v26, v7;
	v3 =	vadd.f32 v20, v3;
	v17 =	vld [tilespmem:s0+$0x82A0]  }
0x21b: {  	v9 =	vadd.f32 v18, v9;
	v5 =	vadd.f32 v15, v5;
	v15 =	vld [tilespmem:s0+$0x82B0]  }
0x21c: {  	v7 =	vadd.f32 v21, v7;
	v3 =	vadd.f32 v13, v3;
	v13 =	vld [tilespmem:s0+$0x8320]  }
0x21d: {  	v9 =	vadd.f32 v14, v9;
	v5 =	vadd.f32 v16, v5;
	v14 =	vld [tilespmem:s0+$0x8330]  }
0x21e: {  	v7 =	vadd.f32 v19, v7;
	v3 =	vadd.f32 v11, v3;
	v11 =	vld [tilespmem:s0+$0x83A0]  }
0x21f: {  	v9 =	vadd.f32 v10, v9;
	v5 =	vadd.f32 v12, v5;
	v12 =	vld [tilespmem:s0+$0x83B0];
	s0 =	sshra.s32 s24, $0x2  }
0x220: {  	v7 =	vadd.f32 v17, v7;
	v16 =	vld [tilespmem:s0+$0x8380];
	v3 =	vadd.f32 v15, v3  }
0x221: {  	v9 =	vadd.f32 v6, v9;
	v5 =	vadd.f32 v8, v5;
	v15 =	vld [tilespmem:s0+$0x8390]  }
0x222: {  	v7 =	vadd.f32 v13, v7;
	v6 =	vld [tilespmem:s0+$0x8300];
	v3 =	vadd.f32 v14, v3  }
0x223: {  	v9 =	vadd.f32 v2, v9;
	v5 =	vadd.f32 v4, v5;
	v8 =	vld [tilespmem:s0+$0x8310]  }
0x224: {  	v7 =	vadd.f32 v11, v7;
	v10 =	vld [tilespmem:s0+$0x8280];
	v3 =	vadd.f32 v12, v3  }
0x225: {  	v12 =	vld [tilespmem:s0+$0x8290];
	v2 =	vmov v16  }
0x226: {  	v14 =	vld [tilespmem:s0+$0x8200];
	v4 =	vmov v15  }
0x227: {  	v16 =	vld [tilespmem:s0+$0x8210]  }
0x228: {  	v18 =	vld [tilespmem:s0+$0x8180]  }
0x229: {  	v15 =	vld [tilespmem:s0+$0x8190]  }
0x22a: {  	v17 =	vld [tilespmem:s0+$0x8100]  }
0x22b: {  	v11 =	vld [tilespmem:s0+$0x8110]  }
.Ltmp7:
0x22c: {  	v13 =	vld [tilespmem:s0+$0x8080];
	(pc) =	sbr.rel @p0 .LBB2_16-.Ltmp7, $4  }
0x22d: {  	v19 =	vld [tilespmem:s0+$0x8090]  }
0x22e: {  	v20 =	vld [tilespmem:s0+$0x8000]  }
0x22f: {  	v21 =	vld [tilespmem:s0+$0x8010]  }
0x230: {  	s24 =	sadd.s32 $0x1000, s24;
	v22 =	vld [tilespmem:s0+$0x8020]  }
0x231: {  	v23 =	vld [tilespmem:s0+$0x8030]  }
0x232: {  	v24 =	vld [tilespmem:s0+$0x80A0]  }
0x233: {  	v25 =	vld [tilespmem:s0+$0x80B0];
	v9 =	vadd.f32 v20, v9  }
0x234: {  	v20 =	vld [tilespmem:s0+$0x8120];
	v5 =	vadd.f32 v21, v5  }
0x235: {  	v63 =	vld [tilespmem:s0+$0x8130];
	v7 =	vadd.f32 v22, v7;
	v9 =	vadd.f32 v13, v9  }
0x236: {  	v13 =	vld [tilespmem:s0+$0x81A0];
	v3 =	vadd.f32 v23, v3;
	v5 =	vadd.f32 v19, v5  }
0x237: {  	v19 =	vld [tilespmem:s0+$0x81B0];
	v7 =	vadd.f32 v24, v7;
	v9 =	vadd.f32 v17, v9  }
0x238: {  	v17 =	vld [tilespmem:s0+$0x8220];
	v3 =	vadd.f32 v25, v3;
	v5 =	vadd.f32 v11, v5  }
0x239: {  	v11 =	vld [tilespmem:s0+$0x8230];
	v7 =	vadd.f32 v20, v7;
	v9 =	vadd.f32 v18, v9  }
0x23a: {  	v18 =	vld [tilespmem:s0+$0x82A0];
	v3 =	vadd.f32 v63, v3;
	v5 =	vadd.f32 v15, v5  }
0x23b: {  	v15 =	vld [tilespmem:s0+$0x82B0];
	v7 =	vadd.f32 v13, v7;
	v9 =	vadd.f32 v14, v9  }
0x23c: {  	v13 =	vld [tilespmem:s0+$0x8320];
	v3 =	vadd.f32 v19, v3;
	v5 =	vadd.f32 v16, v5  }
0x23d: {  	v14 =	vld [tilespmem:s0+$0x8330];
	v7 =	vadd.f32 v17, v7;
	v9 =	vadd.f32 v10, v9  }
0x23e: {  	v10 =	vld [tilespmem:s0+$0x83A0];
	v3 =	vadd.f32 v11, v3;
	v5 =	vadd.f32 v12, v5  }
0x23f: {  	v11 =	vld [tilespmem:s0+$0x83B0];
	v7 =	vadd.f32 v18, v7;
	v6 =	vadd.f32 v6, v9  }
0x240: {  	v3 =	vadd.f32 v15, v3;
	v5 =	vadd.f32 v8, v5  }
0x241: {  	s24 =	simm.s32 $0x0;
	v7 =	vadd.f32 v13, v7;
	v2 =	vadd.f32 v2, v6  }
0x242: {  	[tilespmem:s19], [sflag:$0x2] =	stream.linear.gather [hbm4b:s10+s24], $0x8000, $0x200038;
	v3 =	vadd.f32 v14, v3;
	v4 =	vadd.f32 v4, v5;
	[tilespmem:$0x19900] =	vst v63  }
0x243: {  	v5 =	vadd.f32 v10, v7;
	[tilespmem:$0x18000] =	vst v2  }
0x244: {  	v2 =	vadd.f32 v11, v3;
	[tilespmem:$0x18010] =	vst v4  }
0x245: {  	[tilespmem:$0x18020] =	vst v5  }
0x246: {  	s1 =	simm.s32 $0x18000;
	[tilespmem:$0x18030] =	vst v2  }
0x247: {  	[hbm4b:s13+s24] =	stream.linear.scatter [tilespmem:s1], [sflag:$0x7], $0x80, $0x200038;
	[tilespmem:$0x19900] =	vst v63  }
0x248: {  	_ =	swait.ge [sflag:s25], $0x80  }
0x249: {  	[sflag:s25] =	ssyncset.done $0x0  }
0x24a: {  	[sflag:s25] =	ssyncadd.s32 $0xFFFFFF80  }
0x24b: {  	_ =	strace $0x90000049  }
0x24c: {  	_ =	strace $0x8000004A  }
0x24d: {  	[bflag:$0x0] =	sbarrier.arrive $0xFFFF  }
0x24e: {  	s26 =	simm.s32 $0x18100;
	s5 =	rddreg [dreg:$0x1]  }
0x24f: {  	[tilespmem:s26], [sflag:$0x7] =	stream.linear.gather [hbm4b:s5+s24], $0x1800, $0x200038;
	[tilespmem:$0x19900] =	vst v63  }
0x250: {  	_ =	swait.ge [sflag:s25], $0x1800  }
0x251: {  	[sflag:s25] =	ssyncset.done $0x0  }
0x252: {  	[sflag:s25] =	ssyncadd.s32 $0xFFFFE800  }
0x253: {  	_ =	strace $0x9000004A  }
0x254: {  	v2 =	vld [tilespmem:s26+$0x1000]  }
0x255: {  	v3 =	vld [tilespmem:s26+$0x1010]  }
0x256: {  	v4 =	vld.idx.msk [tilespmem:v1+s26+$0x0 ss:$0x1], $0xffff  }
0x257: {  	v5 =	vld.idx.msk [tilespmem:v1+s26+$0x10 ss:$0x1], $0xffff  }
0x258: {  	v9 =	vld.idx.msk [tilespmem:v1+s26+$0x20 ss:$0x1], $0xffff  }
0x259: {  	s0 =	simm.s32 $0x18180;
	v12 =	vld.idx.msk [tilespmem:v1+s26+$0x30 ss:$0x1], $0xffff  }
0x25a: {  	v8 =	vld [tilespmem:s0+$0x1000]  }
0x25b: {  	v13 =	vld [tilespmem:s26+$0x1020]  }
0x25c: {  	p0 =	sgt.u32 s3, $0x0;
	s1 =	simm.f32 $1.000000000e+00;
	v18 =	vld [tilespmem:s26+$0x1030]  }
0x25d: {  	s1 =	simm.s32 @!p0 $0x0;
	v7 =	vld [tilespmem:s0+$0x1010];
	v11 =	vmul.f32 v2, v0;
	v15 =	vmul.f32 v3, v0  }
0x25e: {  	v10 =	vld.idx.msk [tilespmem:v1+s0+$0x0 ss:$0x1], $0xffff;
	v2 =	vmul.f32 s1, v4;
	v3 =	vmul.f32 s1, v5  }
0x25f: {  	v6 =	vld.idx.msk [tilespmem:v1+s0+$0x10 ss:$0x1], $0xffff;
	v4 =	vimm.f32 $-1.000000000e+00;
	v5 =	vmul.f32 s1, v9;
	v17 =	vmul.f32 s1, v12  }
0x260: {  	v9 =	vld.idx.msk [tilespmem:v1+s0+$0x20 ss:$0x1], $0xffff;
	v14 =	vmul.f32 v13, v0;
	v12 =	vadd.f32 v2, v4;
	v19 =	vadd.f32 v3, v4  }
0x261: {  	s24 =	simm.s32 $0x1;
	s26 =	simm.s32 $0x18200;
	v13 =	vld.idx.msk [tilespmem:v1+s0+$0x30 ss:$0x1], $0xffff;
	s1 =	simm.s32 $0x2;
	v18 =	vmul.f32 v18, v0;
	v16 =	vadd.f32 v5, v4;
	v17 =	vadd.f32 v17, v4  }
.LBB2_18:
0x262: {  	v2 =	vld [tilespmem:s26+$0x1000];
	p0 =	sne.s32 s1, $0xF;
	v3 =	vadd.f32 v11, v12;
	v4 =	vadd.f32 v15, v19  }
0x263: {  	p1 =	slt.u32 s24, s3;
	v5 =	vld [tilespmem:s0+$0x1020];
	v16 =	vadd.f32 v14, v16;
	v17 =	vadd.f32 v18, v17  }
0x264: {  	s24 =	smov.u32 s1;
	s5 =	simm.f32 $1.000000000e+00;
	v18 =	vld [tilespmem:s0+$0x1030];
	s0 =	smov.u32 s26  }
.Ltmp8:
0x265: {  	v11 =	vmul.f32 v8, v0;
	v15 =	vmul.f32 v7, v0;
	s5 =	simm.s32 @!p1 $0x0;
	v7 =	vld [tilespmem:s26+$0x1010];
	(pc) =	sbr.rel @p0 .LBB2_18-.Ltmp8, $4  }
0x266: {  	v12 =	vmul.f32 s5, v10;
	v14 =	vmul.f32 s5, v6;
	v10 =	vld.idx.msk [tilespmem:v1+s26+$0x0 ss:$0x1], $0xffff  }
0x267: {  	v20 =	vmul.f32 s5, v9;
	v21 =	vmul.f32 s5, v13;
	v6 =	vld.idx.msk [tilespmem:v1+s26+$0x10 ss:$0x1], $0xffff;
	v8 =	vmov v2  }
0x268: {  	v12 =	vadd.f32 v12, v3;
	v19 =	vadd.f32 v14, v4;
	v9 =	vld.idx.msk [tilespmem:v1+s26+$0x20 ss:$0x1], $0xffff;
	v14 =	vmul.f32 v5, v0  }
0x269: {  	s1 =	sadd.s32 $0x1, s1;
	v16 =	vadd.f32 v20, v16;
	s26 =	sadd.s32 $0x80, s26;
	v17 =	vadd.f32 v21, v17;
	v13 =	vld.idx.msk [tilespmem:v1+s0+$0x30 ss:$0x1], $0xffff;
	v18 =	vmul.f32 v18, v0  }
0x26a: {  	v20 =	vld [tilespmem:s0+$0x1020]  }
0x26b: {  	v21 =	vld [tilespmem:s0+$0x1030];
	_ =	strace $0x8000004B  }
0x26c: {  	_ =	swait.ge [sflag:s23], $0x8000  }
0x26d: {  	[sflag:s23] =	ssyncset.done $0x0  }
0x26e: {  	s0 =	simm.s32 $0x0;
	[sflag:s23] =	ssyncadd.s32 $0xFFFF8000  }
0x26f: {  	v22 =	vld [tilespmem:s0+$0x10190]  }
0x270: {  	v23 =	vld [tilespmem:s0+$0x10110]  }
0x271: {  	v24 =	vld [tilespmem:s0+$0x10010]  }
0x272: {  	v25 =	vld [tilespmem:s0+$0x10090]  }
0x273: {  	v26 =	vld [tilespmem:s0+$0x100A0]  }
0x274: {  	p0 =	slt.u32 s24, s3;
	s1 =	simm.f32 $1.000000000e+00;
	v3 =	vld [tilespmem:s0+$0x10180]  }
0x275: {  	s1 =	simm.s32 @!p0 $0x0;
	v4 =	vld [tilespmem:s0+$0x10230]  }
0x276: {  	v15 =	vadd.f32 v15, v19;
	v19 =	vmul.f32 s1, v6;
	v27 =	vld [tilespmem:s0+$0x10210]  }
0x277: {  	v2 =	vld [tilespmem:s0+$0x10220]  }
0x278: {  	v29 =	vmul.f32 v7, v0;
	v5 =	vld [tilespmem:s0+$0x10200];
	v15 =	vadd.f32 v19, v15  }
0x279: {  	v6 =	vld [tilespmem:s0+$0x101A0]  }
0x27a: {  	v28 =	vld [tilespmem:s0+$0x10120];
	v15 =	vadd.f32 v29, v15  }
0x27b: {  	v19 =	vld [tilespmem:s0+$0x101B0]  }
0x27c: {  	v7 =	vld [tilespmem:s0+$0x102B0];
	v15 =	vadd.f32 v24, v15  }
0x27d: {  	v62 =	vld [tilespmem:s0+$0x10100]  }
0x27e: {  	v30 =	vld [tilespmem:s0+$0x10130];
	v25 =	vadd.f32 v25, v15  }
0x27f: {  	v63 =	vld [tilespmem:s0+$0x10080]  }
0x280: {  	v17 =	vadd.f32 v18, v17;
	v31 =	vld [tilespmem:s0+$0x100B0];
	v13 =	vmul.f32 s1, v13;
	v23 =	vadd.f32 v23, v25  }
0x281: {  	v14 =	vadd.f32 v14, v16;
	v9 =	vmul.f32 s1, v9;
	v32 =	vld [tilespmem:s0+$0x10030]  }
0x282: {  	v33 =	vld [tilespmem:s0+$0x10290];
	v13 =	vadd.f32 v13, v17;
	v17 =	vmul.f32 v21, v0;
	v18 =	vadd.f32 v22, v23  }
0x283: {  	v11 =	vadd.f32 v11, v12;
	v10 =	vmul.f32 s1, v10;
	v34 =	vld [tilespmem:s0+$0x10020];
	v14 =	vadd.f32 v9, v14  }
0x284: {  	v35 =	vld [tilespmem:s0+$0x10000];
	v13 =	vadd.f32 v17, v13;
	[tilespmem:s0+$0x10190] =	vst v18;
	v17 =	vadd.f32 v27, v18;
	v18 =	vmul.f32 v20, v0  }
0x285: {  	v8 =	vmul.f32 v8, v0;
	v16 =	vld [tilespmem:s0+$0x10310];
	v10 =	vadd.f32 v10, v11;
	[tilespmem:s0+$0x10010] =	vst v15  }
0x286: {  	v12 =	vld [tilespmem:s0+$0x103A0];
	[tilespmem:s0+$0x10090] =	vst v25;
	v14 =	vadd.f32 v18, v14  }
0x287: {  	v8 =	vadd.f32 v8, v10;
	[tilespmem:s0+$0x10110] =	vst v23;
	v20 =	vld [tilespmem:s0+$0x10390];
	v18 =	vadd.f32 v32, v13  }
0x288: {  	v9 =	vld [tilespmem:s0+$0x10320];
	[tilespmem:s0+$0x10210] =	vst v17;
	v10 =	vadd.f32 v33, v17;
	v14 =	vadd.f32 v34, v14  }
0x289: {  	v15 =	vld [tilespmem:s0+$0x10280];
	[tilespmem:s0+$0x10030] =	vst v18;
	v21 =	vadd.f32 v31, v18;
	v18 =	vadd.f32 v35, v8  }
0x28a: {  	v13 =	vld [tilespmem:s0+$0x10300];
	v11 =	vadd.f32 v16, v10;
	[tilespmem:s0+$0x10020] =	vst v14;
	v22 =	vadd.f32 v26, v14  }
0x28b: {  	v17 =	vld [tilespmem:s0+$0x10330];
	[tilespmem:s0+$0x100B0] =	vst v21;
	v23 =	vadd.f32 v30, v21;
	v21 =	vadd.f32 v63, v18  }
0x28c: {  	v14 =	vld [tilespmem:s0+$0x10380];
	v8 =	vadd.f32 v20, v11;
	[tilespmem:s0+$0x100A0] =	vst v22;
	v16 =	vadd.f32 v28, v22  }
0x28d: {  	s24 =	simm.s32 $0x1000;
	[tilespmem:s0+$0x10130] =	vst v23;
	v22 =	vadd.f32 v62, v21;
	v20 =	vadd.f32 v19, v23;
	v19 =	vld [tilespmem:s0+$0x102A0]  }
.LBB2_20:
0x28e: {  	s26 =	sshra.s32 s24, $0x2;
	p0 =	sne.s32 s24, $0x1F000;
	s24 =	sadd.s32 $0x1000, s24;
	[tilespmem:s0+$0x10080] =	vst v21;
	v21 =	vld [tilespmem:s0+$0x103B0]  }
0x28f: {  	v23 =	vld [tilespmem:s26+$0x10190];
	[tilespmem:s0+$0x10100] =	vst v22;
	v3 =	vadd.f32 v3, v22;
	v4 =	vadd.f32 v4, v20  }
0x290: {  	v6 =	vadd.f32 v6, v16;
	v22 =	vld [tilespmem:s26+$0x10110];
	[tilespmem:s0+$0x10000] =	vst v18  }
0x291: {  	v18 =	vld [tilespmem:s26+$0x10010];
	v5 =	vadd.f32 v5, v3;
	[tilespmem:s0+$0x10230] =	vst v4;
	v4 =	vadd.f32 v7, v4  }
0x292: {  	v2 =	vadd.f32 v2, v6;
	v24 =	vld [tilespmem:s26+$0x10090];
	[tilespmem:s0+$0x101B0] =	vst v20  }
0x293: {  	v20 =	vld [tilespmem:s26+$0x100A0];
	[tilespmem:s0+$0x10180] =	vst v3;
	v7 =	vadd.f32 v15, v5;
	v15 =	vadd.f32 v17, v4  }
0x294: {  	v17 =	vadd.f32 v19, v2;
	v3 =	vld [tilespmem:s26+$0x10180];
	[tilespmem:s0+$0x102B0] =	vst v4  }
0x295: {  	v4 =	vld [tilespmem:s26+$0x10230];
	[tilespmem:s0+$0x10220] =	vst v2;
	v13 =	vadd.f32 v13, v7;
	v19 =	vadd.f32 v21, v15  }
0x296: {  	v9 =	vadd.f32 v9, v17;
	v21 =	vld [tilespmem:s26+$0x10210];
	[tilespmem:s0+$0x10200] =	vst v5  }
0x297: {  	v2 =	vld [tilespmem:s26+$0x10220];
	[tilespmem:s0+$0x101A0] =	vst v6;
	v14 =	vadd.f32 v14, v13  }
0x298: {  	v12 =	vadd.f32 v12, v9;
	v5 =	vld [tilespmem:s26+$0x10200];
	[tilespmem:s0+$0x10120] =	vst v16  }
0x299: {  	v6 =	vld [tilespmem:s26+$0x101A0];
	[tilespmem:s0+$0x102A0] =	vst v17  }
0x29a: {  	v16 =	vld [tilespmem:s26+$0x10120];
	[tilespmem:s0+$0x10330] =	vst v15  }
0x29b: {  	v25 =	vld [tilespmem:s26+$0x101B0];
	[tilespmem:s0+$0x10280] =	vst v7  }
0x29c: {  	v7 =	vld [tilespmem:s26+$0x102B0];
	[tilespmem:s0+$0x103B0] =	vst v19  }
0x29d: {  	v26 =	vld [tilespmem:s26+$0x10100];
	[tilespmem:s0+$0x10300] =	vst v13  }
0x29e: {  	v13 =	vadd.f32 v18, v8;
	v17 =	vld [tilespmem:s26+$0x10130];
	[tilespmem:s0+$0x10290] =	vst v10  }
0x29f: {  	v27 =	vld [tilespmem:s26+$0x10080];
	[tilespmem:s0+$0x10380] =	vst v14  }
0x2a0: {  	v10 =	vadd.f32 v24, v13;
	v15 =	vld [tilespmem:s26+$0x100B0];
	[tilespmem:s0+$0x10310] =	vst v11  }
0x2a1: {  	v11 =	vld [tilespmem:s26+$0x10030];
	[tilespmem:s0+$0x10390] =	vst v8  }
0x2a2: {  	v8 =	vadd.f32 v22, v10;
	v18 =	vld [tilespmem:s26+$0x10290];
	[tilespmem:s0+$0x10320] =	vst v9  }
0x2a3: {  	v22 =	vld [tilespmem:s26+$0x10020];
	[tilespmem:s0+$0x103A0] =	vst v12;
	s0 =	smov.u32 s26  }
0x2a4: {  	v24 =	vld [tilespmem:s0+$0x10000];
	[tilespmem:s0+$0x10110] =	vst v8;
	v8 =	vadd.f32 v23, v8  }
0x2a5: {  	[tilespmem:s0+$0x10090] =	vst v10;
	v23 =	vld [tilespmem:s0+$0x10310]  }
0x2a6: {  	v11 =	vadd.f32 v11, v19;
	[tilespmem:s0+$0x10190] =	vst v8;
	v8 =	vadd.f32 v21, v8;
	v9 =	vld [tilespmem:s0+$0x10320]  }
0x2a7: {  	[tilespmem:s0+$0x10010] =	vst v13;
	v19 =	vld [tilespmem:s0+$0x10390]  }
0x2a8: {  	v12 =	vadd.f32 v22, v12;
	[tilespmem:s0+$0x10210] =	vst v8;
	v10 =	vadd.f32 v18, v8;
	v13 =	vld [tilespmem:s0+$0x10300]  }
.Ltmp9:
0x2a9: {  	v8 =	vadd.f32 v15, v11;
	v18 =	vadd.f32 v24, v14;
	[tilespmem:s0+$0x10030] =	vst v11;
	v15 =	vld [tilespmem:s0+$0x10280];
	(pc) =	sbr.rel @p0 .LBB2_20-.Ltmp9, $4  }
0x2aa: {  	[tilespmem:s0+$0x10020] =	vst v12;
	v20 =	vadd.f32 v20, v12;
	v11 =	vadd.f32 v23, v10;
	v12 =	vld [tilespmem:s0+$0x103A0]  }
0x2ab: {  	v23 =	vadd.f32 v17, v8;
	v21 =	vadd.f32 v27, v18;
	[tilespmem:s0+$0x100B0] =	vst v8;
	v14 =	vld [tilespmem:s0+$0x10380]  }
0x2ac: {  	[tilespmem:s0+$0x100A0] =	vst v20;
	v16 =	vadd.f32 v16, v20;
	v17 =	vld [tilespmem:s0+$0x10330];
	v8 =	vadd.f32 v19, v11  }
0x2ad: {  	v20 =	vadd.f32 v25, v23;
	v22 =	vadd.f32 v26, v21;
	[tilespmem:s0+$0x10130] =	vst v23;
	v19 =	vld [tilespmem:s0+$0x102A0]  }
0x2ae: {  	[tilespmem:s0+$0x10080] =	vst v21  }
0x2af: {  	[tilespmem:s0+$0x10000] =	vst v18  }
0x2b0: {  	[tilespmem:s0+$0x10120] =	vst v16  }
0x2b1: {  	[tilespmem:s0+$0x10290] =	vst v10  }
0x2b2: {  	[tilespmem:s0+$0x10310] =	vst v11  }
0x2b3: {  	[tilespmem:s0+$0x10390] =	vst v8  }
0x2b4: {  	v6 =	vadd.f32 v6, v16;
	[tilespmem:s0+$0x10100] =	vst v22  }
0x2b5: {  	v4 =	vadd.f32 v4, v20;
	[tilespmem:s0+$0x101B0] =	vst v20  }
0x2b6: {  	v3 =	vadd.f32 v3, v22;
	[tilespmem:s0+$0x101A0] =	vst v6  }
0x2b7: {  	v2 =	vadd.f32 v2, v6;
	[tilespmem:s0+$0x10230] =	vst v4  }
0x2b8: {  	v4 =	vadd.f32 v7, v4;
	[tilespmem:s0+$0x10180] =	vst v3  }
0x2b9: {  	v21 =	vld [tilespmem:s0+$0x103B0];
	v3 =	vadd.f32 v5, v3;
	[tilespmem:s0+$0x10220] =	vst v2  }
0x2ba: {  	v2 =	vadd.f32 v19, v2;
	[tilespmem:s0+$0x102B0] =	vst v4  }
0x2bb: {  	[tilespmem:s0+$0x10200] =	vst v3;
	v4 =	vadd.f32 v17, v4  }
0x2bc: {  	v3 =	vadd.f32 v15, v3;
	[tilespmem:s0+$0x102A0] =	vst v2  }
0x2bd: {  	v2 =	vadd.f32 v9, v2;
	[tilespmem:s0+$0x10330] =	vst v4  }
0x2be: {  	v15 =	vadd.f32 v21, v4;
	[tilespmem:s0+$0x10280] =	vst v3  }
0x2bf: {  	v4 =	vadd.f32 v13, v3;
	[tilespmem:s0+$0x10320] =	vst v2  }
0x2c0: {  	v9 =	vadd.f32 v12, v2;
	[tilespmem:s0+$0x103B0] =	vst v15  }
0x2c1: {  	v14 =	vadd.f32 v14, v4;
	[tilespmem:s0+$0x10300] =	vst v4  }
0x2c2: {  	[tilespmem:s0+$0x103A0] =	vst v9  }
0x2c3: {  	s26 =	simm.s32 $0x0;
	[tilespmem:s0+$0x10380] =	vst v14  }
0x2c4: {  	[hbm4b:s14+s26] =	stream.linear.scatter [tilespmem:s20], [sflag:$0x6], $0x8000, $0x200038;
	[tilespmem:$0x19900] =	vst v63  }
0x2c5: {  	_ =	swait.ge [sflag:s21], $0x8000  }
0x2c6: {  	[sflag:s21] =	ssyncset.done $0x0  }
0x2c7: {  	s0 =	simm.s32 $0x0;
	[sflag:s21] =	ssyncadd.s32 $0xFFFF8000  }
0x2c8: {  	v10 =	vld [tilespmem:s0+$0x190]  }
0x2c9: {  	v11 =	vld [tilespmem:s0+$0x110]  }
0x2ca: {  	v12 =	vld [tilespmem:s0+$0x10]  }
0x2cb: {  	v13 =	vld [tilespmem:s0+$0x90]  }
0x2cc: {  	v16 =	vld [tilespmem:s0+$0xA0]  }
0x2cd: {  	v3 =	vld [tilespmem:s0+$0x180]  }
0x2ce: {  	v4 =	vld [tilespmem:s0+$0x230]  }
0x2cf: {  	v17 =	vld [tilespmem:s0+$0x210]  }
0x2d0: {  	v2 =	vld [tilespmem:s0+$0x220]  }
0x2d1: {  	v5 =	vld [tilespmem:s0+$0x200]  }
0x2d2: {  	v6 =	vld [tilespmem:s0+$0x1A0]  }
0x2d3: {  	v19 =	vld [tilespmem:s0+$0x120]  }
0x2d4: {  	v20 =	vld [tilespmem:s0+$0x1B0]  }
0x2d5: {  	v7 =	vld [tilespmem:s0+$0x2B0]  }
0x2d6: {  	v22 =	vld [tilespmem:s0+$0x100]  }
0x2d7: {  	v21 =	vld [tilespmem:s0+$0x130];
	v8 =	vadd.f32 v12, v8  }
0x2d8: {  	v23 =	vld [tilespmem:s0+$0x80]  }
0x2d9: {  	v18 =	vld [tilespmem:s0+$0x30];
	v13 =	vadd.f32 v13, v8  }
0x2da: {  	v24 =	vld [tilespmem:s0+$0x290]  }
0x2db: {  	v25 =	vld [tilespmem:s0+$0x20];
	v11 =	vadd.f32 v11, v13  }
0x2dc: {  	v12 =	vld [tilespmem:s0+$0xB0]  }
0x2dd: {  	v26 =	vld [tilespmem:s0+$0x0];
	[tilespmem:s0+$0x10] =	vst v8;
	v10 =	vadd.f32 v10, v11  }
0x2de: {  	v27 =	vld [tilespmem:s0+$0x310];
	[tilespmem:s0+$0x90] =	vst v13  }
0x2df: {  	v8 =	vld [tilespmem:s0+$0x390];
	[tilespmem:s0+$0x190] =	vst v10;
	v10 =	vadd.f32 v17, v10;
	v17 =	vadd.f32 v18, v15  }
0x2e0: {  	v13 =	vld [tilespmem:s0+$0x300];
	[tilespmem:s0+$0x110] =	vst v11;
	v18 =	vadd.f32 v25, v9  }
0x2e1: {  	v11 =	vld [tilespmem:s0+$0x320];
	[tilespmem:s0+$0x30] =	vst v17;
	v17 =	vadd.f32 v12, v17;
	v9 =	vadd.f32 v24, v10  }
0x2e2: {  	v15 =	vld [tilespmem:s0+$0x280];
	[tilespmem:s0+$0x20] =	vst v18;
	v16 =	vadd.f32 v16, v18;
	v18 =	vadd.f32 v26, v14  }
0x2e3: {  	[tilespmem:s0+$0x210] =	vst v10;
	v12 =	vld [tilespmem:s0+$0x3A0];
	v10 =	vadd.f32 v27, v9  }
0x2e4: {  	v14 =	vld [tilespmem:s0+$0x380];
	[tilespmem:s0+$0xB0] =	vst v17;
	v63 =	vadd.f32 v21, v17;
	v21 =	vadd.f32 v23, v18  }
0x2e5: {  	[tilespmem:s0+$0xA0] =	vst v16;
	v17 =	vld [tilespmem:s0+$0x330];
	v16 =	vadd.f32 v19, v16;
	v8 =	vadd.f32 v8, v10  }
0x2e6: {  	s24 =	simm.s32 $0x1000;
	v19 =	vld [tilespmem:s0+$0x2A0];
	[tilespmem:s0+$0x130] =	vst v63;
	v22 =	vadd.f32 v22, v21;
	v20 =	vadd.f32 v20, v63  }
.LBB2_22:
0x2e7: {  	s26 =	sshra.s32 s24, $0x2;
	p0 =	sne.s32 s24, $0x1F000;
	s24 =	sadd.s32 $0x1000, s24;
	[tilespmem:s0+$0x80] =	vst v21;
	v21 =	vld [tilespmem:s0+$0x3B0]  }
0x2e8: {  	v23 =	vld [tilespmem:s26+$0x190];
	[tilespmem:s0+$0x100] =	vst v22;
	v3 =	vadd.f32 v3, v22;
	v4 =	vadd.f32 v4, v20  }
0x2e9: {  	v6 =	vadd.f32 v6, v16;
	v22 =	vld [tilespmem:s26+$0x110];
	[tilespmem:s0+$0x0] =	vst v18  }
0x2ea: {  	v18 =	vld [tilespmem:s26+$0x10];
	v5 =	vadd.f32 v5, v3;
	[tilespmem:s0+$0x230] =	vst v4;
	v4 =	vadd.f32 v7, v4  }
0x2eb: {  	v2 =	vadd.f32 v2, v6;
	v24 =	vld [tilespmem:s26+$0x90];
	[tilespmem:s0+$0x1B0] =	vst v20  }
0x2ec: {  	v20 =	vld [tilespmem:s26+$0xA0];
	[tilespmem:s0+$0x180] =	vst v3;
	v7 =	vadd.f32 v15, v5;
	v15 =	vadd.f32 v17, v4  }
0x2ed: {  	v17 =	vadd.f32 v19, v2;
	v3 =	vld [tilespmem:s26+$0x180];
	[tilespmem:s0+$0x2B0] =	vst v4  }
0x2ee: {  	v4 =	vld [tilespmem:s26+$0x230];
	[tilespmem:s0+$0x220] =	vst v2;
	v13 =	vadd.f32 v13, v7;
	v19 =	vadd.f32 v21, v15  }
0x2ef: {  	v11 =	vadd.f32 v11, v17;
	v21 =	vld [tilespmem:s26+$0x210];
	[tilespmem:s0+$0x200] =	vst v5  }
0x2f0: {  	v2 =	vld [tilespmem:s26+$0x220];
	[tilespmem:s0+$0x1A0] =	vst v6;
	v14 =	vadd.f32 v14, v13  }
0x2f1: {  	v12 =	vadd.f32 v12, v11;
	v5 =	vld [tilespmem:s26+$0x200];
	[tilespmem:s0+$0x120] =	vst v16  }
0x2f2: {  	v6 =	vld [tilespmem:s26+$0x1A0];
	[tilespmem:s0+$0x2A0] =	vst v17  }
0x2f3: {  	v16 =	vld [tilespmem:s26+$0x120];
	[tilespmem:s0+$0x330] =	vst v15  }
0x2f4: {  	v25 =	vld [tilespmem:s26+$0x1B0];
	[tilespmem:s0+$0x280] =	vst v7  }
0x2f5: {  	v7 =	vld [tilespmem:s26+$0x2B0];
	[tilespmem:s0+$0x3B0] =	vst v19  }
0x2f6: {  	v26 =	vld [tilespmem:s26+$0x100];
	[tilespmem:s0+$0x300] =	vst v13  }
0x2f7: {  	v13 =	vadd.f32 v18, v8;
	v17 =	vld [tilespmem:s26+$0x130];
	[tilespmem:s0+$0x290] =	vst v9  }
0x2f8: {  	v27 =	vld [tilespmem:s26+$0x80];
	[tilespmem:s0+$0x380] =	vst v14  }
0x2f9: {  	v9 =	vadd.f32 v24, v13;
	v15 =	vld [tilespmem:s26+$0xB0];
	[tilespmem:s0+$0x310] =	vst v10  }
0x2fa: {  	v10 =	vld [tilespmem:s26+$0x30];
	[tilespmem:s0+$0x390] =	vst v8  }
0x2fb: {  	v8 =	vadd.f32 v22, v9;
	v18 =	vld [tilespmem:s26+$0x290];
	[tilespmem:s0+$0x320] =	vst v11  }
0x2fc: {  	v22 =	vld [tilespmem:s26+$0x20];
	[tilespmem:s0+$0x3A0] =	vst v12;
	s0 =	smov.u32 s26  }
0x2fd: {  	v24 =	vld [tilespmem:s0+$0x0];
	[tilespmem:s0+$0x110] =	vst v8;
	v8 =	vadd.f32 v23, v8  }
0x2fe: {  	[tilespmem:s0+$0x90] =	vst v9;
	v23 =	vld [tilespmem:s0+$0x310]  }
0x2ff: {  	v10 =	vadd.f32 v10, v19;
	[tilespmem:s0+$0x190] =	vst v8;
	v8 =	vadd.f32 v21, v8;
	v11 =	vld [tilespmem:s0+$0x320]  }
0x300: {  	[tilespmem:s0+$0x10] =	vst v13;
	v19 =	vld [tilespmem:s0+$0x390]  }
0x301: {  	v12 =	vadd.f32 v22, v12;
	[tilespmem:s0+$0x210] =	vst v8;
	v9 =	vadd.f32 v18, v8;
	v13 =	vld [tilespmem:s0+$0x300]  }
.Ltmp10:
0x302: {  	v8 =	vadd.f32 v15, v10;
	v18 =	vadd.f32 v24, v14;
	[tilespmem:s0+$0x30] =	vst v10;
	v15 =	vld [tilespmem:s0+$0x280];
	(pc) =	sbr.rel @p0 .LBB2_22-.Ltmp10, $4  }
0x303: {  	[tilespmem:s0+$0x20] =	vst v12;
	v20 =	vadd.f32 v20, v12;
	v10 =	vadd.f32 v23, v9;
	v12 =	vld [tilespmem:s0+$0x3A0]  }
0x304: {  	v23 =	vadd.f32 v17, v8;
	v21 =	vadd.f32 v27, v18;
	[tilespmem:s0+$0xB0] =	vst v8;
	v14 =	vld [tilespmem:s0+$0x380]  }
0x305: {  	[tilespmem:s0+$0xA0] =	vst v20;
	v16 =	vadd.f32 v16, v20;
	v17 =	vld [tilespmem:s0+$0x330];
	v8 =	vadd.f32 v19, v10  }
0x306: {  	v20 =	vadd.f32 v25, v23;
	v22 =	vadd.f32 v26, v21;
	[tilespmem:s0+$0x130] =	vst v23;
	v19 =	vld [tilespmem:s0+$0x2A0]  }
0x307: {  	[tilespmem:s0+$0x80] =	vst v21  }
0x308: {  	[tilespmem:s0+$0x0] =	vst v18  }
0x309: {  	[tilespmem:s0+$0x120] =	vst v16  }
0x30a: {  	[tilespmem:s0+$0x290] =	vst v9  }
0x30b: {  	[tilespmem:s0+$0x310] =	vst v10  }
0x30c: {  	[tilespmem:s0+$0x390] =	vst v8  }
0x30d: {  	v6 =	vadd.f32 v6, v16;
	[tilespmem:s0+$0x100] =	vst v22  }
0x30e: {  	v4 =	vadd.f32 v4, v20;
	[tilespmem:s0+$0x1B0] =	vst v20  }
0x30f: {  	v3 =	vadd.f32 v3, v22;
	[tilespmem:s0+$0x1A0] =	vst v6  }
0x310: {  	v2 =	vadd.f32 v2, v6;
	[tilespmem:s0+$0x230] =	vst v4  }
0x311: {  	v4 =	vadd.f32 v7, v4;
	[tilespmem:s0+$0x180] =	vst v3  }
0x312: {  	v21 =	vld [tilespmem:s0+$0x3B0];
	v3 =	vadd.f32 v5, v3;
	[tilespmem:s0+$0x220] =	vst v2  }
0x313: {  	v2 =	vadd.f32 v19, v2;
	[tilespmem:s0+$0x2B0] =	vst v4  }
0x314: {  	[tilespmem:s0+$0x200] =	vst v3;
	v4 =	vadd.f32 v17, v4  }
0x315: {  	v3 =	vadd.f32 v15, v3;
	[tilespmem:s0+$0x2A0] =	vst v2  }
0x316: {  	v2 =	vadd.f32 v11, v2;
	[tilespmem:s0+$0x330] =	vst v4  }
0x317: {  	v6 =	vadd.f32 v21, v4;
	[tilespmem:s0+$0x280] =	vst v3  }
0x318: {  	v4 =	vadd.f32 v13, v3;
	[tilespmem:s0+$0x320] =	vst v2  }
0x319: {  	v10 =	vadd.f32 v12, v2;
	[tilespmem:s0+$0x3B0] =	vst v6  }
0x31a: {  	v14 =	vadd.f32 v14, v4;
	[tilespmem:s0+$0x300] =	vst v4  }
0x31b: {  	[tilespmem:s0+$0x3A0] =	vst v10  }
0x31c: {  	s26 =	simm.s32 $0x0;
	[tilespmem:s0+$0x380] =	vst v14  }
0x31d: {  	[hbm4b:s15+s26] =	stream.linear.scatter [tilespmem:s26], [sflag:$0x4], $0x8000, $0x200038;
	[tilespmem:$0x19900] =	vst v63  }
0x31e: {  	_ =	swait.ge [sflag:s22], $0x8000  }
0x31f: {  	[sflag:s22] =	ssyncset.done $0x0  }
0x320: {  	s0 =	simm.s32 $0x0;
	[sflag:s22] =	ssyncadd.s32 $0xFFFF8000  }
0x321: {  	v11 =	vld [tilespmem:s0+$0x8190]  }
0x322: {  	v12 =	vld [tilespmem:s0+$0x8110]  }
0x323: {  	v13 =	vld [tilespmem:s0+$0x8010]  }
0x324: {  	v15 =	vld [tilespmem:s0+$0x8090]  }
0x325: {  	v16 =	vld [tilespmem:s0+$0x80A0]  }
0x326: {  	v3 =	vld [tilespmem:s0+$0x8180]  }
0x327: {  	v4 =	vld [tilespmem:s0+$0x8230]  }
0x328: {  	v17 =	vld [tilespmem:s0+$0x8210]  }
0x329: {  	v2 =	vld [tilespmem:s0+$0x8220]  }
0x32a: {  	v5 =	vld [tilespmem:s0+$0x8200]  }
0x32b: {  	v7 =	vld [tilespmem:s0+$0x81A0]  }
0x32c: {  	v19 =	vld [tilespmem:s0+$0x8120]  }
0x32d: {  	v20 =	vld [tilespmem:s0+$0x81B0]  }
0x32e: {  	v9 =	vld [tilespmem:s0+$0x82B0]  }
0x32f: {  	v22 =	vld [tilespmem:s0+$0x8100]  }
0x330: {  	v25 =	vld [tilespmem:s0+$0x8020]  }
0x331: {  	v21 =	vld [tilespmem:s0+$0x8130];
	v8 =	vadd.f32 v13, v8  }
0x332: {  	v23 =	vld [tilespmem:s0+$0x8080]  }
0x333: {  	v13 =	vadd.f32 v15, v8;
	v15 =	vld [tilespmem:s0+$0x8030]  }
0x334: {  	v18 =	vld [tilespmem:s0+$0x80B0]  }
0x335: {  	v26 =	vld [tilespmem:s0+$0x8000];
	v10 =	vadd.f32 v25, v10;
	v12 =	vadd.f32 v12, v13  }
0x336: {  	v24 =	vld [tilespmem:s0+$0x8290];
	[tilespmem:s0+$0x8010] =	vst v8  }
0x337: {  	v27 =	vld [tilespmem:s0+$0x8310];
	v16 =	vadd.f32 v16, v10;
	[tilespmem:s0+$0x8110] =	vst v12;
	v12 =	vadd.f32 v11, v12  }
0x338: {  	v28 =	vld [tilespmem:s0+$0x8390];
	[tilespmem:s0+$0x8090] =	vst v13;
	v6 =	vadd.f32 v15, v6  }
0x339: {  	v13 =	vld [tilespmem:s0+$0x8300];
	[tilespmem:s0+$0x80A0] =	vst v16;
	v16 =	vadd.f32 v19, v16;
	v17 =	vadd.f32 v17, v12  }
0x33a: {  	v19 =	vld [tilespmem:s0+$0x82A0];
	[tilespmem:s0+$0x8030] =	vst v6;
	v6 =	vadd.f32 v18, v6;
	v18 =	vadd.f32 v26, v14  }
0x33b: {  	[tilespmem:s0+$0x8020] =	vst v10;
	v11 =	vld [tilespmem:s0+$0x8320];
	v8 =	vadd.f32 v24, v17  }
0x33c: {  	v15 =	vld [tilespmem:s0+$0x8280];
	[tilespmem:s0+$0x8190] =	vst v12;
	v63 =	vadd.f32 v21, v6;
	v21 =	vadd.f32 v23, v18  }
0x33d: {  	v12 =	vld [tilespmem:s0+$0x83A0];
	[tilespmem:s0+$0x8210] =	vst v17;
	v10 =	vadd.f32 v27, v8  }
0x33e: {  	v14 =	vld [tilespmem:s0+$0x8380];
	[tilespmem:s0+$0x80B0] =	vst v6;
	v22 =	vadd.f32 v22, v21  }
0x33f: {  	s24 =	simm.s32 $0x1000;
	v17 =	vld [tilespmem:s0+$0x8330];
	[tilespmem:s0+$0x8130] =	vst v63;
	v20 =	vadd.f32 v20, v63;
	v6 =	vadd.f32 v28, v10  }
.LBB2_24:
0x340: {  	s26 =	sshra.s32 s24, $0x2;
	p0 =	sne.s32 s24, $0x1F000;
	s24 =	sadd.s32 $0x1000, s24;
	[tilespmem:s0+$0x8080] =	vst v21;
	v21 =	vld [tilespmem:s0+$0x83B0]  }
0x341: {  	v23 =	vld [tilespmem:s26+$0x8190];
	[tilespmem:s0+$0x8100] =	vst v22;
	v3 =	vadd.f32 v3, v22;
	v4 =	vadd.f32 v4, v20  }
0x342: {  	v7 =	vadd.f32 v7, v16;
	v22 =	vld [tilespmem:s26+$0x8110];
	[tilespmem:s0+$0x8000] =	vst v18  }
0x343: {  	v18 =	vld [tilespmem:s26+$0x8010];
	v5 =	vadd.f32 v5, v3;
	[tilespmem:s0+$0x8230] =	vst v4;
	v4 =	vadd.f32 v9, v4  }
0x344: {  	v2 =	vadd.f32 v2, v7;
	v24 =	vld [tilespmem:s26+$0x8090];
	[tilespmem:s0+$0x81B0] =	vst v20  }
0x345: {  	v20 =	vld [tilespmem:s26+$0x80A0];
	[tilespmem:s0+$0x8180] =	vst v3;
	v9 =	vadd.f32 v15, v5;
	v15 =	vadd.f32 v17, v4  }
0x346: {  	v17 =	vadd.f32 v19, v2;
	v3 =	vld [tilespmem:s26+$0x8180];
	[tilespmem:s0+$0x82B0] =	vst v4  }
0x347: {  	v4 =	vld [tilespmem:s26+$0x8230];
	[tilespmem:s0+$0x8220] =	vst v2;
	v13 =	vadd.f32 v13, v9;
	v19 =	vadd.f32 v21, v15  }
0x348: {  	v11 =	vadd.f32 v11, v17;
	v21 =	vld [tilespmem:s26+$0x8210];
	[tilespmem:s0+$0x8200] =	vst v5  }
0x349: {  	v2 =	vld [tilespmem:s26+$0x8220];
	[tilespmem:s0+$0x81A0] =	vst v7;
	v14 =	vadd.f32 v14, v13  }
0x34a: {  	v12 =	vadd.f32 v12, v11;
	v5 =	vld [tilespmem:s26+$0x8200];
	[tilespmem:s0+$0x8120] =	vst v16  }
0x34b: {  	v7 =	vld [tilespmem:s26+$0x81A0];
	[tilespmem:s0+$0x82A0] =	vst v17  }
0x34c: {  	v16 =	vld [tilespmem:s26+$0x8120];
	[tilespmem:s0+$0x8330] =	vst v15  }
0x34d: {  	v25 =	vld [tilespmem:s26+$0x81B0];
	[tilespmem:s0+$0x8280] =	vst v9  }
0x34e: {  	v9 =	vld [tilespmem:s26+$0x82B0];
	[tilespmem:s0+$0x83B0] =	vst v19  }
0x34f: {  	v26 =	vld [tilespmem:s26+$0x8100];
	[tilespmem:s0+$0x8300] =	vst v13  }
0x350: {  	v13 =	vadd.f32 v18, v6;
	v17 =	vld [tilespmem:s26+$0x8130];
	[tilespmem:s0+$0x8290] =	vst v8  }
0x351: {  	v27 =	vld [tilespmem:s26+$0x8080];
	[tilespmem:s0+$0x8380] =	vst v14  }
0x352: {  	v8 =	vadd.f32 v24, v13;
	v15 =	vld [tilespmem:s26+$0x80B0];
	[tilespmem:s0+$0x8310] =	vst v10  }
0x353: {  	v10 =	vld [tilespmem:s26+$0x8030];
	[tilespmem:s0+$0x8390] =	vst v6  }
0x354: {  	v6 =	vadd.f32 v22, v8;
	v18 =	vld [tilespmem:s26+$0x8290];
	[tilespmem:s0+$0x8320] =	vst v11  }
0x355: {  	v22 =	vld [tilespmem:s26+$0x8020];
	[tilespmem:s0+$0x83A0] =	vst v12;
	s0 =	smov.u32 s26  }
0x356: {  	v24 =	vld [tilespmem:s0+$0x8000];
	[tilespmem:s0+$0x8110] =	vst v6;
	v6 =	vadd.f32 v23, v6  }
0x357: {  	[tilespmem:s0+$0x8090] =	vst v8;
	v23 =	vld [tilespmem:s0+$0x8310]  }
0x358: {  	v10 =	vadd.f32 v10, v19;
	[tilespmem:s0+$0x8190] =	vst v6;
	v6 =	vadd.f32 v21, v6;
	v11 =	vld [tilespmem:s0+$0x8320]  }
0x359: {  	[tilespmem:s0+$0x8010] =	vst v13;
	v19 =	vld [tilespmem:s0+$0x8390]  }
0x35a: {  	v12 =	vadd.f32 v22, v12;
	[tilespmem:s0+$0x8210] =	vst v6;
	v8 =	vadd.f32 v18, v6;
	v13 =	vld [tilespmem:s0+$0x8300]  }
.Ltmp11:
0x35b: {  	v6 =	vadd.f32 v15, v10;
	v18 =	vadd.f32 v24, v14;
	[tilespmem:s0+$0x8030] =	vst v10;
	v15 =	vld [tilespmem:s0+$0x8280];
	(pc) =	sbr.rel @p0 .LBB2_24-.Ltmp11, $4  }
0x35c: {  	[tilespmem:s0+$0x8020] =	vst v12;
	v20 =	vadd.f32 v20, v12;
	v10 =	vadd.f32 v23, v8;
	v12 =	vld [tilespmem:s0+$0x83A0]  }
0x35d: {  	v23 =	vadd.f32 v17, v6;
	v21 =	vadd.f32 v27, v18;
	[tilespmem:s0+$0x80B0] =	vst v6;
	v14 =	vld [tilespmem:s0+$0x8380]  }
0x35e: {  	[tilespmem:s0+$0x80A0] =	vst v20;
	v16 =	vadd.f32 v16, v20;
	v17 =	vld [tilespmem:s0+$0x8330];
	v6 =	vadd.f32 v19, v10  }
0x35f: {  	v20 =	vadd.f32 v25, v23;
	v22 =	vadd.f32 v26, v21;
	[tilespmem:s0+$0x8130] =	vst v23;
	v19 =	vld [tilespmem:s0+$0x82A0]  }
0x360: {  	[tilespmem:s0+$0x8080] =	vst v21  }
0x361: {  	[tilespmem:s0+$0x8000] =	vst v18  }
0x362: {  	[tilespmem:s0+$0x8120] =	vst v16  }
0x363: {  	[tilespmem:s0+$0x8290] =	vst v8  }
0x364: {  	[tilespmem:s0+$0x8310] =	vst v10  }
0x365: {  	[tilespmem:s0+$0x8390] =	vst v6  }
0x366: {  	v7 =	vadd.f32 v7, v16;
	[tilespmem:s0+$0x8100] =	vst v22  }
0x367: {  	v4 =	vadd.f32 v4, v20;
	[tilespmem:s0+$0x81B0] =	vst v20  }
0x368: {  	v3 =	vadd.f32 v3, v22;
	[tilespmem:s0+$0x81A0] =	vst v7  }
0x369: {  	v2 =	vadd.f32 v2, v7;
	[tilespmem:s0+$0x8230] =	vst v4  }
0x36a: {  	v4 =	vadd.f32 v9, v4;
	[tilespmem:s0+$0x8180] =	vst v3  }
0x36b: {  	v21 =	vld [tilespmem:s0+$0x83B0];
	v3 =	vadd.f32 v5, v3;
	[tilespmem:s0+$0x8220] =	vst v2  }
0x36c: {  	v2 =	vadd.f32 v19, v2;
	[tilespmem:s0+$0x82B0] =	vst v4  }
0x36d: {  	[tilespmem:s0+$0x8200] =	vst v3;
	v4 =	vadd.f32 v17, v4  }
0x36e: {  	v3 =	vadd.f32 v15, v3;
	[tilespmem:s0+$0x82A0] =	vst v2  }
0x36f: {  	v2 =	vadd.f32 v11, v2;
	[tilespmem:s0+$0x8330] =	vst v4  }
0x370: {  	v9 =	vadd.f32 v21, v4;
	[tilespmem:s0+$0x8280] =	vst v3  }
0x371: {  	v4 =	vadd.f32 v13, v3;
	[tilespmem:s0+$0x8320] =	vst v2  }
0x372: {  	v11 =	vadd.f32 v12, v2;
	[tilespmem:s0+$0x83B0] =	vst v9  }
0x373: {  	v14 =	vadd.f32 v14, v4;
	[tilespmem:s0+$0x8300] =	vst v4  }
0x374: {  	[tilespmem:s0+$0x83A0] =	vst v11  }
0x375: {  	s26 =	simm.s32 $0x0;
	[tilespmem:s0+$0x8380] =	vst v14  }
0x376: {  	[hbm4b:s16+s26] =	stream.linear.scatter [tilespmem:s19], [sflag:$0x5], $0x8000, $0x200038;
	[tilespmem:$0x19900] =	vst v63  }
0x377: {  	_ =	swait.ge [sflag:s28], $0x8000  }
0x378: {  	[sflag:s28] =	ssyncset.done $0x0  }
0x379: {  	[sflag:s28] =	ssyncadd.s32 $0xFFFF8000  }
0x37a: {  	[tilespmem:s20], [sflag:$0x3] =	stream.linear.gather [hbm4b:s12+s26], $0x8000, $0x200038;
	[tilespmem:$0x19900] =	vst v63  }
0x37b: {  	_ =	swait.ge [sflag:s23], $0x8000  }
0x37c: {  	[sflag:s23] =	ssyncset.done $0x0  }
0x37d: {  	s0 =	simm.s32 $0x0;
	[sflag:s23] =	ssyncadd.s32 $0xFFFF8000  }
0x37e: {  	v10 =	vld [tilespmem:s0+$0x10190]  }
0x37f: {  	v12 =	vld [tilespmem:s0+$0x10110]  }
0x380: {  	v13 =	vld [tilespmem:s0+$0x10010]  }
0x381: {  	v15 =	vld [tilespmem:s0+$0x10090]  }
0x382: {  	v16 =	vld [tilespmem:s0+$0x100A0]  }
0x383: {  	v3 =	vld [tilespmem:s0+$0x10180]  }
0x384: {  	v4 =	vld [tilespmem:s0+$0x10230]  }
0x385: {  	v17 =	vld [tilespmem:s0+$0x10210]  }
0x386: {  	v2 =	vld [tilespmem:s0+$0x10220]  }
0x387: {  	v5 =	vld [tilespmem:s0+$0x10200]  }
0x388: {  	v7 =	vld [tilespmem:s0+$0x101A0]  }
0x389: {  	v19 =	vld [tilespmem:s0+$0x10120]  }
0x38a: {  	v20 =	vld [tilespmem:s0+$0x101B0]  }
0x38b: {  	v8 =	vld [tilespmem:s0+$0x102B0]  }
0x38c: {  	v22 =	vld [tilespmem:s0+$0x10100]  }
0x38d: {  	v21 =	vld [tilespmem:s0+$0x10130]  }
0x38e: {  	v23 =	vld [tilespmem:s0+$0x10080];
	v6 =	vadd.f32 v13, v6  }
0x38f: {  	v18 =	vld [tilespmem:s0+$0x100B0]  }
0x390: {  	v13 =	vadd.f32 v15, v6;
	v15 =	vld [tilespmem:s0+$0x10030]  }
0x391: {  	v25 =	vld [tilespmem:s0+$0x10020]  }
0x392: {  	v26 =	vld [tilespmem:s0+$0x10000];
	v12 =	vadd.f32 v12, v13  }
0x393: {  	v24 =	vld [tilespmem:s0+$0x10290];
	[tilespmem:s0+$0x10010] =	vst v6  }
0x394: {  	v27 =	vld [tilespmem:s0+$0x10310];
	[tilespmem:s0+$0x10110] =	vst v12;
	v12 =	vadd.f32 v10, v12  }
0x395: {  	v28 =	vld [tilespmem:s0+$0x10390];
	[tilespmem:s0+$0x10090] =	vst v13;
	v6 =	vadd.f32 v15, v9  }
0x396: {  	v13 =	vld [tilespmem:s0+$0x10300];
	v9 =	vadd.f32 v25, v11;
	[tilespmem:s0+$0x10190] =	vst v12;
	v17 =	vadd.f32 v17, v12  }
0x397: {  	v10 =	vld [tilespmem:s0+$0x10320];
	[tilespmem:s0+$0x10030] =	vst v6;
	v11 =	vadd.f32 v18, v6;
	v18 =	vadd.f32 v26, v14  }
0x398: {  	v15 =	vld [tilespmem:s0+$0x10280];
	[tilespmem:s0+$0x10020] =	vst v9;
	v16 =	vadd.f32 v16, v9;
	v6 =	vadd.f32 v24, v17  }
0x399: {  	v12 =	vld [tilespmem:s0+$0x103A0];
	[tilespmem:s0+$0x10210] =	vst v17;
	v63 =	vadd.f32 v21, v11;
	v21 =	vadd.f32 v23, v18  }
0x39a: {  	v14 =	vld [tilespmem:s0+$0x10380];
	[tilespmem:s0+$0x100B0] =	vst v11;
	v9 =	vadd.f32 v27, v6  }
0x39b: {  	v17 =	vld [tilespmem:s0+$0x10330];
	[tilespmem:s0+$0x100A0] =	vst v16;
	v16 =	vadd.f32 v19, v16;
	v22 =	vadd.f32 v22, v21  }
0x39c: {  	s24 =	simm.s32 $0x1000;
	v19 =	vld [tilespmem:s0+$0x102A0];
	[tilespmem:s0+$0x10130] =	vst v63;
	v20 =	vadd.f32 v20, v63;
	v11 =	vadd.f32 v28, v9  }
.LBB2_26:
0x39d: {  	s26 =	sshra.s32 s24, $0x2;
	p0 =	sne.s32 s24, $0x1F000;
	s24 =	sadd.s32 $0x1000, s24;
	[tilespmem:s0+$0x10080] =	vst v21;
	v21 =	vld [tilespmem:s0+$0x103B0]  }
0x39e: {  	v23 =	vld [tilespmem:s26+$0x10190];
	[tilespmem:s0+$0x10100] =	vst v22;
	v3 =	vadd.f32 v3, v22;
	v4 =	vadd.f32 v4, v20  }
0x39f: {  	v7 =	vadd.f32 v7, v16;
	v22 =	vld [tilespmem:s26+$0x10110];
	[tilespmem:s0+$0x10000] =	vst v18  }
0x3a0: {  	v18 =	vld [tilespmem:s26+$0x10010];
	v5 =	vadd.f32 v5, v3;
	[tilespmem:s0+$0x10230] =	vst v4;
	v4 =	vadd.f32 v8, v4  }
0x3a1: {  	v2 =	vadd.f32 v2, v7;
	v24 =	vld [tilespmem:s26+$0x10090];
	[tilespmem:s0+$0x101B0] =	vst v20  }
0x3a2: {  	v20 =	vld [tilespmem:s26+$0x100A0];
	[tilespmem:s0+$0x10180] =	vst v3;
	v8 =	vadd.f32 v15, v5;
	v15 =	vadd.f32 v17, v4  }
0x3a3: {  	v17 =	vadd.f32 v19, v2;
	v3 =	vld [tilespmem:s26+$0x10180];
	[tilespmem:s0+$0x102B0] =	vst v4  }
0x3a4: {  	v4 =	vld [tilespmem:s26+$0x10230];
	[tilespmem:s0+$0x10220] =	vst v2;
	v13 =	vadd.f32 v13, v8;
	v19 =	vadd.f32 v21, v15  }
0x3a5: {  	v10 =	vadd.f32 v10, v17;
	v21 =	vld [tilespmem:s26+$0x10210];
	[tilespmem:s0+$0x10200] =	vst v5  }
0x3a6: {  	v2 =	vld [tilespmem:s26+$0x10220];
	[tilespmem:s0+$0x101A0] =	vst v7;
	v14 =	vadd.f32 v14, v13  }
0x3a7: {  	v12 =	vadd.f32 v12, v10;
	v5 =	vld [tilespmem:s26+$0x10200];
	[tilespmem:s0+$0x10120] =	vst v16  }
0x3a8: {  	v7 =	vld [tilespmem:s26+$0x101A0];
	[tilespmem:s0+$0x102A0] =	vst v17  }
0x3a9: {  	v16 =	vld [tilespmem:s26+$0x10120];
	[tilespmem:s0+$0x10330] =	vst v15  }
0x3aa: {  	v25 =	vld [tilespmem:s26+$0x101B0];
	[tilespmem:s0+$0x10280] =	vst v8  }
0x3ab: {  	v8 =	vld [tilespmem:s26+$0x102B0];
	[tilespmem:s0+$0x103B0] =	vst v19  }
0x3ac: {  	v26 =	vld [tilespmem:s26+$0x10100];
	[tilespmem:s0+$0x10300] =	vst v13  }
0x3ad: {  	v13 =	vadd.f32 v18, v11;
	v17 =	vld [tilespmem:s26+$0x10130];
	[tilespmem:s0+$0x10290] =	vst v6  }
0x3ae: {  	v27 =	vld [tilespmem:s26+$0x10080];
	[tilespmem:s0+$0x10380] =	vst v14  }
0x3af: {  	v6 =	vadd.f32 v24, v13;
	v15 =	vld [tilespmem:s26+$0x100B0];
	[tilespmem:s0+$0x10310] =	vst v9  }
0x3b0: {  	v9 =	vld [tilespmem:s26+$0x10030];
	[tilespmem:s0+$0x10390] =	vst v11  }
0x3b1: {  	v11 =	vadd.f32 v22, v6;
	v18 =	vld [tilespmem:s26+$0x10290];
	[tilespmem:s0+$0x10320] =	vst v10  }
0x3b2: {  	v22 =	vld [tilespmem:s26+$0x10020];
	[tilespmem:s0+$0x103A0] =	vst v12;
	s0 =	smov.u32 s26  }
0x3b3: {  	v10 =	vadd.f32 v23, v11;
	v24 =	vld [tilespmem:s0+$0x10000];
	[tilespmem:s0+$0x10110] =	vst v11  }
0x3b4: {  	[tilespmem:s0+$0x10090] =	vst v6;
	v11 =	vld [tilespmem:s0+$0x10310]  }
0x3b5: {  	v6 =	vadd.f32 v21, v10;
	v9 =	vadd.f32 v9, v19;
	[tilespmem:s0+$0x10190] =	vst v10;
	v10 =	vld [tilespmem:s0+$0x10320]  }
0x3b6: {  	[tilespmem:s0+$0x10010] =	vst v13;
	v19 =	vld [tilespmem:s0+$0x10390]  }
0x3b7: {  	v12 =	vadd.f32 v22, v12;
	[tilespmem:s0+$0x10210] =	vst v6;
	v6 =	vadd.f32 v18, v6;
	v13 =	vld [tilespmem:s0+$0x10300]  }
.Ltmp12:
0x3b8: {  	v18 =	vadd.f32 v24, v14;
	[tilespmem:s0+$0x10030] =	vst v9;
	v14 =	vadd.f32 v15, v9;
	v15 =	vld [tilespmem:s0+$0x10280];
	(pc) =	sbr.rel @p0 .LBB2_26-.Ltmp12, $4  }
0x3b9: {  	[tilespmem:s0+$0x10020] =	vst v12;
	v20 =	vadd.f32 v20, v12;
	v9 =	vadd.f32 v11, v6;
	v12 =	vld [tilespmem:s0+$0x103A0]  }
0x3ba: {  	v21 =	vadd.f32 v27, v18;
	[tilespmem:s0+$0x100B0] =	vst v14;
	v23 =	vadd.f32 v17, v14;
	v14 =	vld [tilespmem:s0+$0x10380]  }
0x3bb: {  	[tilespmem:s0+$0x100A0] =	vst v20;
	v16 =	vadd.f32 v16, v20;
	v17 =	vld [tilespmem:s0+$0x10330];
	v11 =	vadd.f32 v19, v9  }
0x3bc: {  	v22 =	vadd.f32 v26, v21;
	[tilespmem:s0+$0x10130] =	vst v23;
	v20 =	vadd.f32 v25, v23;
	v19 =	vld [tilespmem:s0+$0x102A0]  }
0x3bd: {  	[tilespmem:s0+$0x10080] =	vst v21  }
0x3be: {  	[tilespmem:s0+$0x10000] =	vst v18  }
0x3bf: {  	[tilespmem:s0+$0x10120] =	vst v16  }
0x3c0: {  	[tilespmem:s0+$0x10290] =	vst v6  }
0x3c1: {  	[tilespmem:s0+$0x10310] =	vst v9  }
0x3c2: {  	[tilespmem:s0+$0x10390] =	vst v11  }
0x3c3: {  	v7 =	vadd.f32 v7, v16;
	[tilespmem:s0+$0x10100] =	vst v22  }
0x3c4: {  	v4 =	vadd.f32 v4, v20;
	[tilespmem:s0+$0x101B0] =	vst v20  }
0x3c5: {  	v3 =	vadd.f32 v3, v22;
	[tilespmem:s0+$0x101A0] =	vst v7  }
0x3c6: {  	v2 =	vadd.f32 v2, v7;
	[tilespmem:s0+$0x10230] =	vst v4  }
0x3c7: {  	v4 =	vadd.f32 v8, v4;
	[tilespmem:s0+$0x10180] =	vst v3  }
0x3c8: {  	v61 =	vld [tilespmem:s0+$0x103B0];
	v3 =	vadd.f32 v5, v3;
	[tilespmem:s0+$0x10220] =	vst v2  }
0x3c9: {  	v2 =	vadd.f32 v19, v2;
	[tilespmem:s0+$0x102B0] =	vst v4  }
0x3ca: {  	[tilespmem:s0+$0x10200] =	vst v3;
	v4 =	vadd.f32 v17, v4;
	v3 =	vadd.f32 v15, v3  }
0x3cb: {  	[tilespmem:s0+$0x102A0] =	vst v2  }
0x3cc: {  	v2 =	vadd.f32 v10, v2;
	[tilespmem:s0+$0x10330] =	vst v4;
	v63 =	vadd.f32 v13, v3  }
0x3cd: {  	v62 =	vadd.f32 v61, v4;
	[tilespmem:s0+$0x10280] =	vst v3  }
0x3ce: {  	[tilespmem:s0+$0x10320] =	vst v2;
	v3 =	vadd.f32 v14, v63  }
0x3cf: {  	[tilespmem:s0+$0x103B0] =	vst v62  }
0x3d0: {  	[tilespmem:s0+$0x10380] =	vst v3;
	v3 =	vadd.f32 v12, v2  }
0x3d1: {  	[tilespmem:s0+$0x10300] =	vst v63  }
0x3d2: {  	[tilespmem:s0+$0x103A0] =	vst v3  }
0x3d3: {  	[hbm4b:s17+s2] =	stream.linear.scatter [tilespmem:s20], [sflag:$0x6], $0x8000, $0x200038;
	[tilespmem:$0x19900] =	vst v63  }
0x3d4: {  	_ =	swait.ge [sflag:s29], $0x8000  }
0x3d5: {  	[sflag:s29] =	ssyncset.done $0x0  }
0x3d6: {  	[sflag:s29] =	ssyncadd.s32 $0xFFFF8000  }
0x3d7: {  	s31 =	sadd.s32 $0x1, s31;
	_ =	swait.ge [sflag:s30], $0x8000  }
0x3d8: {  	p0 =	sne.s32 s31, s18;
	[sflag:s30] =	ssyncset.done $0x0  }
.Ltmp13:
0x3d9: {  	[sflag:s30] =	ssyncadd.s32 $0xFFFF8000;
	(pc) =	sbr.rel @p0 .LBB2_1-.Ltmp13, $4  }
0x3da: {  	_ =	swait.ge [sflag:s28], $0x8000  }
0x3db: {  	[sflag:s28] =	ssyncset.done $0x0  }
0x3dc: {  	[sflag:s28] =	ssyncadd.s32 $0xFFFF8000  }
0x3dd: {  	_ =	strace $0x9000004B  }
0x3de: {  	_ =	sfence.sel $0x180000  }
0x3df: {  	[bflag:$0x0] =	sbarrier.arrive $0xFFFF  }
0x3e0: {  	_ =	strace $0x90000047  }
0x3e1: {  	[bflag:$0x2] =	sbarrier.arrive $0xFFFF  }
0x3e2: {  	p0 =	sne.s32 s3, $0x0;
	s0 =	rddreg [dreg:$0x2]  }
0x3e3: {  	s0 =	sadd.s32 @!p0 $0x100000, s0  }
0x3e4: {  	[sflag:s0] =	ssyncadd.tile.s32 @!p0 $0x1;
	_ =	shalt  }
.Lfunc_end2:
_tile_overlayer_lowered:
.L_overlay_start_2:
0x3e5: {  	(tag) =	ssettag $0x2  }
0x3e6: {  	s0 =	rddreg [dreg:$0x0];
	s2 =	stileid.u32  }
0x3e7: {  	s1 =	rddreg [dreg:$0x1];
	p0 =	sne.s32 s2, $0x0  }
0x3e8: {  	s3 =	rddreg [dreg:$0x2];
	[bflag:$0x3] =	sbarrier.arrive $0xFFFF;
	s2 =	simm.s32 @!p0 $0x1C07  }
0x3e9: {  	[timem:s3], [sflag:s2] =	dma.local @!p0 [hbm:s0], s1  }
0x3ea: {  	s0 =	simm.s32 @!p0 $0x7  }
0x3eb: {  	_ =	swait.ge @!p0 [sflag:s0], s1  }
0x3ec: {  	s1 =	ssub.s32 @!p0 $0x0, s1;
	[sflag:s0] =	ssyncset.done @!p0 $0x0  }
0x3ed: {  	[sflag:s0] =	ssyncadd.s32 @!p0 s1  }
0x3ee: {  	[bflag:$0x3] =	sbarrier.arrive $0xFFFF  }
0x3ef: {  	_ =	shalt  }

</sc_bundles>
